<compile_context>
chip_gen: v7x
topology: tpu7x:2x2x1
jax: 0.10.2.dev20260603
libtpu: 0.0.44.dev20260713+nightly
codegen_flags: <defaults>
</compile_context>

<pallas_src>
import functools

import jax
import jax.numpy as jnp
from jax import lax
from jax.experimental import pallas as pl
from jax.experimental.pallas import tpu as pltpu
from jax.experimental.pallas import tpu_sc as plsc

F32 = jnp.float32
NC = 2
NS = 16
NW = NC * NS
NACC = 5120


def _mesh():
    return plsc.VectorSubcoreMesh(core_axis_name="c", subcore_axis_name="s")


def _col_groups(ch):
    offs = list(range(0, ch - 15, 16))
    if ch % 16:
        offs.append(ch - 16)
    return offs



def _sc_degree(dst2, n_pad):
    rt, ch = dst2.shape
    rows_per_tile = rt // NW
    seg = n_pad // NS

    @functools.partial(
        pl.kernel,
        out_type=jax.ShapeDtypeStruct((NC * n_pad,), F32),
        mesh=_mesh(),
        scratch_types=[
            pltpu.VMEM((rows_per_tile, ch), jnp.int32),
            pltpu.VMEM((ch,), F32),
            pltpu.VMEM((seg,), F32),
            pltpu.VMEM_SHARED((n_pad,), F32),
        ],
    )
    def deg_kernel(dst_hbm, out_hbm, idx_v, ones_v, zbuf_v, acc_sh):
        cid = lax.axis_index("c")
        sid = lax.axis_index("s")
        wid = sid * NC + cid

        def fill_zero(i, carry):
            zbuf_v[pl.ds(i * 16, 16)] = jnp.zeros((16,), F32)
            return carry

        lax.fori_loop(0, seg // 16, fill_zero, 0)
        for k in _col_groups(ch):
            ones_v[pl.ds(k, 16)] = jnp.ones((16,), F32)

        pltpu.sync_copy(zbuf_v, acc_sh.at[pl.ds(sid * seg, seg)])
        plsc.subcore_barrier()

        pltpu.sync_copy(dst_hbm.at[pl.ds(wid * rows_per_tile, rows_per_tile)],
                        idx_v)

        def body(j, carry):
            pltpu.sync_copy(ones_v, acc_sh.at[idx_v.at[j]], add=True)
            return carry

        lax.fori_loop(0, rows_per_tile, body, 0)

        plsc.subcore_barrier()
        pltpu.sync_copy(acc_sh.at[pl.ds(sid * seg, seg)],
                        out_hbm.at[pl.ds(cid * n_pad + sid * seg, seg)])

    return deg_kernel(dst2)


def _sc_agg(table2, src1, dst1, ch):
    nrows = table2.shape[0] // 2
    e = src1.shape[0]
    ept = e // NW
    nchunk = ept // ch
    seg = NACC // NS
    cpy = 64

    @functools.partial(
        pl.kernel,
        out_type=jax.ShapeDtypeStruct((NC, NACC, 128), F32),
        mesh=_mesh(),
        scratch_types=[
            pltpu.VMEM((ept,), jnp.int32),
            pltpu.VMEM((ept,), jnp.int32),
            pltpu.VMEM((nchunk, ch), jnp.int32),
            pltpu.VMEM((ch, 128), F32),
            pltpu.VMEM((ch, 128), F32),
            pltpu.VMEM((cpy, 128), F32),
            pltpu.VMEM_SHARED((NACC, 128), F32),
            pltpu.SemaphoreType.DMA,
            pltpu.SemaphoreType.DMA,
        ],
    )
    def agg_kernel(t2_hbm, src_hbm, dst_hbm, out_hbm,
                   si_v, di_v, ai_v, rows0_v, rows1_v, zbuf_v, acc_sh,
                   sem0, sem1):
        cid = lax.axis_index("c")
        sid = lax.axis_index("s")
        wid = sid * NC + cid

        def zero_row(i, carry):
            for k in range(8):
                zbuf_v[i, pl.ds(k * 16, 16)] = jnp.zeros((16,), F32)
            return carry

        lax.fori_loop(0, cpy, zero_row, 0)
        for k in range(seg // cpy):
            pltpu.sync_copy(zbuf_v,
                            acc_sh.at[pl.ds(sid * seg + k * cpy, cpy)])
        plsc.subcore_barrier()

        pltpu.sync_copy(src_hbm.at[pl.ds(wid * ept, ept)], si_v)
        pltpu.sync_copy(dst_hbm.at[pl.ds(wid * ept, ept)], di_v)

        def xform_g(i, carry):
            s = si_v[pl.ds(i * 16, 16)]
            d = di_v[pl.ds(i * 16, 16)]
            si_v[pl.ds(i * 16, 16)] = s + (d & 1) * nrows
            return carry

        lax.fori_loop(0, ept // 16, xform_g, 0)

        groups = _col_groups(ch)

        def xform_a(r, carry):
            for co in groups:
                d = di_v[pl.ds(r * ch + co, 16)]
                ai_v[r, pl.ds(co, 16)] = d >> 1
            return carry

        lax.fori_loop(0, nchunk, xform_a, 0)

        def gstart(j, buf, sem):
            return pltpu.async_copy(
                t2_hbm.at[si_v.at[pl.ds(j * ch, ch)]], buf, sem)

        def gwait(j, buf, sem):
            pltpu.make_async_copy(
                t2_hbm.at[si_v.at[pl.ds(j * ch, ch)]], buf, sem).wait()

        gstart(0, rows0_v, sem0)

        def body2(jj, carry):
            j0 = jj * 2
            gstart(j0 + 1, rows1_v, sem1)
            gwait(j0, rows0_v, sem0)
            pltpu.sync_copy(rows0_v, acc_sh.at[ai_v.at[j0]], add=True)

            @pl.when(jj + 1 < nchunk // 2)
            def _():
                gstart(j0 + 2, rows0_v, sem0)

            gwait(j0 + 1, rows1_v, sem1)
            pltpu.sync_copy(rows1_v, acc_sh.at[ai_v.at[j0 + 1]], add=True)
            return carry

        lax.fori_loop(0, nchunk // 2, body2, 0)

        plsc.subcore_barrier()
        for k in range(seg // cpy):
            pltpu.sync_copy(acc_sh.at[pl.ds(sid * seg + k * cpy, cpy)],
                            out_hbm.at[cid, pl.ds(sid * seg + k * cpy, cpy)])

    return agg_kernel(table2, src1, dst1)


def _sc_edge_hadamard(zpad, ei2, ej2, f_out):
    n, f = zpad.shape
    rt, ch = ei2.shape
    rows_per_tile = rt // NW
    bsz = rt * ch

    @functools.partial(
        pl.kernel,
        out_type=jax.ShapeDtypeStruct((bsz, f_out), F32),
        mesh=_mesh(),
        scratch_types=[
            pltpu.VMEM((rows_per_tile, ch), jnp.int32),
            pltpu.VMEM((rows_per_tile, ch), jnp.int32),
            pltpu.VMEM((ch, f), F32),
            pltpu.VMEM((ch, f), F32),
            pltpu.VMEM((ch, f), F32),
            pltpu.VMEM((ch, f), F32),
            pltpu.VMEM((ch, f_out), F32),
            pltpu.VMEM((ch, f_out), F32),
            pltpu.SemaphoreType.DMA,
            pltpu.SemaphoreType.DMA,
        ],
    )
    def gat_kernel(z_hbm, ei_hbm, ej_hbm, prod_hbm,
                   ii_v, jj_v, bi0_v, bj0_v, bi1_v, bj1_v, pb0_v, pb1_v,
                   semA, semB):
        cid = lax.axis_index("c")
        sid = lax.axis_index("s")
        wid = sid * NC + cid
        base = wid * rows_per_tile * ch

        pltpu.sync_copy(ei_hbm.at[pl.ds(wid * rows_per_tile, rows_per_tile)],
                        ii_v)
        pltpu.sync_copy(ej_hbm.at[pl.ds(wid * rows_per_tile, rows_per_tile)],
                        jj_v)

        def gstart(j, bi, bj, sem):
            pltpu.async_copy(z_hbm.at[ii_v.at[j]], bi, sem)
            pltpu.async_copy(z_hbm.at[jj_v.at[j]], bj, sem)

        def gwait(j, bi, bj, sem):
            pltpu.make_async_copy(z_hbm.at[ii_v.at[j]], bi, sem).wait()
            pltpu.make_async_copy(z_hbm.at[jj_v.at[j]], bj, sem).wait()

        def consume(j, bi, bj, pb):
            def had(rr, c):
                for u in range(4):
                    r = rr * 4 + u
                    for k in range(f_out // 16):
                        a = bi[r, pl.ds(k * 16, 16)]
                        b = bj[r, pl.ds(k * 16, 16)]
                        pb[r, pl.ds(k * 16, 16)] = a * b
                return c

            lax.fori_loop(0, ch // 4, had, 0)
            pltpu.sync_copy(pb, prod_hbm.at[pl.ds(base + j * ch, ch)])

        gstart(0, bi0_v, bj0_v, semA)

        def body2(jj, carry):
            j0 = jj * 2
            gstart(j0 + 1, bi1_v, bj1_v, semB)
            gwait(j0, bi0_v, bj0_v, semA)
            consume(j0, bi0_v, bj0_v, pb0_v)

            @pl.when(jj + 1 < rows_per_tile // 2)
            def _():
                gstart(j0 + 2, bi0_v, bj0_v, semA)

            gwait(j0 + 1, bi1_v, bj1_v, semB)
            consume(j0 + 1, bi1_v, bj1_v, pb1_v)
            return carry

        lax.fori_loop(0, rows_per_tile // 2, body2, 0)

    return gat_kernel(zpad, ei2, ej2)



def _pack_pairs(hh, n, h):
    zpad = jnp.zeros((n, 128 - h), F32)
    row0 = jnp.concatenate([hh, zpad], axis=1)
    row1 = jnp.concatenate([zpad, hh], axis=1)
    return jnp.stack([row0, row1], axis=0)


def _tc_prep(features, w1, degpart3):
    n, d = features.shape
    h = w1.shape[1]
    npad = degpart3.shape[1]

    def mm_body(x_ref, w_ref, h_ref):
        h_ref[...] = jnp.dot(x_ref[...], w_ref[...],
                             preferred_element_type=F32)

    h1 = pl.pallas_call(
        mm_body,
        out_shape=jax.ShapeDtypeStruct((n, h), F32),
        compiler_params=pltpu.CompilerParams(vmem_limit_bytes=100 * 2**20),
    )(features, w1)

    def body(h_ref, deg_ref, dinv_ref, t3_ref):
        deg = deg_ref[...]
        degsum = deg[0] + deg[1] + 1.0
        dinv = lax.rsqrt(degsum[:n])
        dinv_ref[...] = dinv
        hh = h_ref[...] * dinv
        t3_ref[...] = _pack_pairs(hh, n, h)

    return pl.pallas_call(
        body,
        out_shape=[jax.ShapeDtypeStruct((n, 1), F32),
                   jax.ShapeDtypeStruct((2, n, 128), F32)],
        compiler_params=pltpu.CompilerParams(vmem_limit_bytes=100 * 2**20),
    )(h1, degpart3)


def _tc_combine(aggr, t3, dinv, b, g, be, w_next):
    n = t3.shape[1]
    f = b.shape[1]
    h2 = w_next.shape[1]

    def body(agg_ref, t3_ref, dinv_ref, b_ref, g_ref, be_ref, wn_ref,
             out_ref, t3n_ref):
        agg = agg_ref[...]
        dinv = dinv_ref[...]
        hh = t3_ref[0, :, :f]
        pre = (agg[0, :n] + agg[1, :n] + hh) * dinv + b_ref[...]
        m = jnp.mean(pre, axis=0, keepdims=True)
        xc = pre - m
        v = jnp.mean(xc * xc, axis=0, keepdims=True)
        xn = xc * lax.rsqrt(v + 1e-5) * g_ref[...] + be_ref[...]
        out = jnp.where(xn > 0, xn, jnp.exp(xn) - 1.0)
        out_ref[...] = out
        hhn = jnp.dot(out, wn_ref[...], preferred_element_type=F32) * dinv
        t3n_ref[...] = _pack_pairs(hhn, n, h2)

    return pl.pallas_call(
        body,
        out_shape=[jax.ShapeDtypeStruct((n, f), F32),
                   jax.ShapeDtypeStruct((2, n, 128), F32)],
        compiler_params=pltpu.CompilerParams(vmem_limit_bytes=100 * 2**20),
    )(aggr, t3, dinv, b, g, be, w_next)


def _tc_final(aggr, t3, dinv, b, g, be, out1, out2, jk3):
    n = t3.shape[1]
    f = b.shape[1]

    def body(agg_ref, t3_ref, dinv_ref, b_ref, g_ref, be_ref,
             o1_ref, o2_ref, jk_ref, z_ref, zp_ref):
        agg = agg_ref[...]
        hh = t3_ref[0, :, :f]
        pre = (agg[0, :n] + agg[1, :n] + hh) * dinv_ref[...] + b_ref[...]
        m = jnp.mean(pre, axis=0, keepdims=True)
        xc = pre - m
        v = jnp.mean(xc * xc, axis=0, keepdims=True)
        xn = xc * lax.rsqrt(v + 1e-5) * g_ref[...] + be_ref[...]
        out3 = jnp.where(xn > 0, xn, jnp.exp(xn) - 1.0)
        e = jnp.exp(jk_ref[...])
        s = jnp.sum(e, axis=1, keepdims=True)
        z = (o1_ref[...] * e[:, 0:1] + o2_ref[...] * e[:, 1:2]
             + out3 * e[:, 2:3]) / s
        z_ref[...] = z
        zp_ref[...] = jnp.concatenate(
            [z, jnp.zeros((n, 128 - f), F32)], axis=1)

    return pl.pallas_call(
        body,
        out_shape=[jax.ShapeDtypeStruct((n, f), F32),
                   jax.ShapeDtypeStruct((n, 128), F32)],
        compiler_params=pltpu.CompilerParams(vmem_limit_bytes=100 * 2**20),
    )(aggr, t3, dinv, b, g, be, out1, out2, jk3)


def _tc_decoder(prod, tf2, tcf2, dw1, db1, dw2):
    bsz, f = prod.shape
    blk = 1024
    grid = (bsz // blk,)

    def body(p_ref, tf_ref, tcf_ref, w1_ref, b1_ref, w2_ref,
             lf_ref, lcf_ref):
        prod = p_ref[...]
        w1 = w1_ref[...]
        base = jnp.dot(prod, w1[:f, :], preferred_element_type=F32) + b1_ref[...]
        trow = w1[f:f + 1, :]
        w2 = w2_ref[...]
        hf = base + tf_ref[...] * trow
        hf = jnp.where(hf > 0, hf, jnp.exp(hf) - 1.0)
        lf_ref[...] = jnp.dot(hf, w2, preferred_element_type=F32)
        hc = base + tcf_ref[...] * trow
        hc = jnp.where(hc > 0, hc, jnp.exp(hc) - 1.0)
        lcf_ref[...] = jnp.dot(hc, w2, preferred_element_type=F32)

    h = dw1.shape[1]
    return pl.pallas_call(
        body,
        grid=grid,
        in_specs=[
            pl.BlockSpec((blk, f), lambda i: (i, 0)),
            pl.BlockSpec((blk, 1), lambda i: (i, 0)),
            pl.BlockSpec((blk, 1), lambda i: (i, 0)),
            pl.BlockSpec((f + 1, h), lambda i: (0, 0)),
            pl.BlockSpec((1, h), lambda i: (0, 0)),
            pl.BlockSpec((h, 1), lambda i: (0, 0)),
        ],
        out_specs=[
            pl.BlockSpec((blk, 1), lambda i: (i, 0)),
            pl.BlockSpec((blk, 1), lambda i: (i, 0)),
        ],
        out_shape=[jax.ShapeDtypeStruct((bsz, 1), F32),
                   jax.ShapeDtypeStruct((bsz, 1), F32)],
    )(prod, tf2, tcf2, dw1, db1, dw2)



def kernel(features, adj, edges, T_f_batch, T_cf_batch,
           W1, b1, W2, b2, W3, b3,
           g1, be1, g2, be2, g3, be3,
           jk_w, dW1, db1, dW2):
    n, d = features.shape
    e = adj.shape[1]
    bsz = edges.shape[0]

    adj = adj.astype(jnp.int32)
    edges = edges.astype(jnp.int32)

    ch = 128
    ch = 128
    ept = ((e // NW + 2 * ch - 1) // (2 * ch)) * (2 * ch)
    ppt = ept - e // NW
    spare = NACC - (n + 1) // 2
    pad_s = (jnp.arange(ppt, dtype=jnp.int32) * 37) % n
    pad_d = 2 * ((n + 1) // 2 + jnp.arange(ppt, dtype=jnp.int32) % spare)
    pad_s = jnp.broadcast_to(pad_s[None, :], (NW, ppt))
    pad_d = jnp.broadcast_to(pad_d[None, :], (NW, ppt))
    src1 = jnp.concatenate(
        [adj[0].reshape(NW, e // NW), pad_s], axis=1).reshape(-1)
    dst1 = jnp.concatenate(
        [adj[1].reshape(NW, e // NW), pad_d], axis=1).reshape(-1)
    dst2 = adj[1].reshape(e // 50, 50)
    npad = 10240

    degpart = _sc_degree(dst2, npad)
    degpart3 = degpart.reshape(NC, npad, 1)

    dinv, t3 = _tc_prep(features, W1, degpart3)

    b1r, g1r, be1r = b1.reshape(1, -1), g1.reshape(1, -1), be1.reshape(1, -1)
    b2r, g2r, be2r = b2.reshape(1, -1), g2.reshape(1, -1), be2.reshape(1, -1)
    b3r, g3r, be3r = b3.reshape(1, -1), g3.reshape(1, -1), be3.reshape(1, -1)

    agg1 = _sc_agg(t3.reshape(2 * n, 128), src1, dst1, ch)
    out1, t3 = _tc_combine(agg1.reshape(NC, 2 * NACC, 64), t3, dinv,
                           b1r, g1r, be1r, W2)
    agg2 = _sc_agg(t3.reshape(2 * n, 128), src1, dst1, ch)
    out2, t3 = _tc_combine(agg2.reshape(NC, 2 * NACC, 64), t3, dinv,
                           b2r, g2r, be2r, W3)
    agg3 = _sc_agg(t3.reshape(2 * n, 128), src1, dst1, ch)
    z, zpad = _tc_final(agg3.reshape(NC, 2 * NACC, 64), t3, dinv,
                        b3r, g3r, be3r, out1, out2, jk_w.reshape(1, 3))

    ech = 128
    ei2 = edges[:, 0].reshape(bsz // ech, ech)
    ej2 = edges[:, 1].reshape(bsz // ech, ech)
    prod = _sc_edge_hadamard(zpad, ei2, ej2, W3.shape[1])

    lf, lcf = _tc_decoder(prod,
                          T_f_batch.reshape(bsz, 1),
                          T_cf_batch.reshape(bsz, 1),
                          dW1, db1.reshape(1, -1), dW2)
    return (z, lf.reshape(bsz), lcf.reshape(bsz))

# --- scband reference (transcript-rebuilt; emitter-appended) ---
"""Pipeline reference for scband-cflp-48404281426501 (READ-ONLY COPY).

The authoritative reference and input builder live on the scoring server;
editing this copy changes nothing except your own understanding.
"""

import jax, jax.numpy as jnp
import numpy as np

N = 10000
E = 320000
D = 128
H = 64
Z = 64
B = 65536


def setup_inputs(seed: int = 0) -> dict:
    key = jax.random.key(seed)
    ks = jax.random.split(key, 32)
    inp = {}
    inp['features'] = jax.random.normal(ks[0], (N, D), dtype=jnp.float32)
    inp['adj'] = jax.random.randint(ks[1], (2, E), 0, N)
    inp['edges'] = jax.random.randint(ks[2], (B, 2), 0, N)
    inp['T_f_batch'] = jax.random.uniform(ks[3], (B,), dtype=jnp.float32)
    inp['T_cf_batch'] = jax.random.uniform(ks[4], (B,), dtype=jnp.float32)
    # GCN layer params (3 layers: D->H, H->H, H->Z)
    inp['W1'] = jax.random.normal(ks[5], (D, H), dtype=jnp.float32) * 0.05
    inp['b1'] = jnp.zeros((H,), dtype=jnp.float32)
    inp['W2'] = jax.random.normal(ks[6], (H, H), dtype=jnp.float32) * 0.05
    inp['b2'] = jnp.zeros((H,), dtype=jnp.float32)
    inp['W3'] = jax.random.normal(ks[7], (H, Z), dtype=jnp.float32) * 0.05
    inp['b3'] = jnp.zeros((Z,), dtype=jnp.float32)
    # BatchNorm params
    inp['g1'] = jnp.ones((H,), dtype=jnp.float32)
    inp['be1'] = jnp.zeros((H,), dtype=jnp.float32)
    inp['g2'] = jnp.ones((H,), dtype=jnp.float32)
    inp['be2'] = jnp.zeros((H,), dtype=jnp.float32)
    inp['g3'] = jnp.ones((Z,), dtype=jnp.float32)
    inp['be3'] = jnp.zeros((Z,), dtype=jnp.float32)
    # JK mean weights
    inp['jk_w'] = jax.random.normal(ks[8], (3,), dtype=jnp.float32)
    # Decoder (hadamard): dim_in = Z + 1 -> H -> 1
    inp['dW1'] = jax.random.normal(ks[9], (Z + 1, H), dtype=jnp.float32) * 0.05
    inp['db1'] = jnp.zeros((H,), dtype=jnp.float32)
    inp['dW2'] = jax.random.normal(ks[10], (H, 1), dtype=jnp.float32) * 0.05
    return inp


def _gcn_conv(x, src, dst, W, b):
    h = x @ W
    loop = jnp.arange(N)
    s = jnp.concatenate([src, loop])
    d = jnp.concatenate([dst, loop])
    deg = jax.ops.segment_sum(jnp.ones_like(s, dtype=h.dtype), d, num_segments=N)
    dinv = jnp.where(deg > 0, 1.0 / jnp.sqrt(deg), 0.0)
    norm = dinv[s] * dinv[d]
    out = jax.ops.segment_sum(h[s] * norm[:, None], d, num_segments=N)
    return out + b


def _bn(x, g, b):
    m = x.mean(axis=0)
    v = x.var(axis=0)
    return (x - m) / jnp.sqrt(v + 1e-5) * g + b


def _decoder(z_i, z_j, T, dW1, db1, dW2):
    z = z_i * z_j  # hadamard
    h = jnp.concatenate([z, T.reshape(-1, 1)], axis=1)
    h = jax.nn.elu(h @ dW1 + db1)
    # dropout is identity in eval
    h = (h @ dW2).squeeze(-1)
    return h


def reference(features, adj, edges, T_f_batch, T_cf_batch,
              W1, b1, W2, b2, W3, b3,
              g1, be1, g2, be2, g3, be3,
              jk_w, dW1, db1, dW2):
    src = adj[0]
    dst = adj[1]
    out = features
    out_list = []
    convs = [(W1, b1, g1, be1), (W2, b2, g2, be2), (W3, b3, g3, be3)]
    for (W, b, g, be) in convs:
        out = _gcn_conv(out, src, dst, W, b)
        out = _bn(out, g, be)
        out = jax.nn.elu(out)
        # dropout identity in eval
        out_list.append(out)
    sftmax = jax.nn.softmax(jk_w)
    z = sum(out_list[i] * sftmax[i] for i in range(3))
    z_i = z[edges[:, 0]]
    z_j = z[edges[:, 1]]
    logits_f = _decoder(z_i, z_j, T_f_batch, dW1, db1, dW2)
    logits_cf = _decoder(z_i, z_j, T_cf_batch, dW1, db1, dW2)
    return (z, logits_f, logits_cf)

if __name__ == "__main__":
    import jax
    _d = setup_inputs()
    print(jax.jit(kernel)(*tuple(_d.values())))

</pallas_src>

<mosaic_0001>
#map = affine_map<(d0, d1) -> (0, 0)>
#map1 = affine_map<(d0, d1) -> (0)>
module attributes {stable_mosaic.version = 14 : i64} {
  func.func @deg_kernel(%arg0: i32, %arg1: i32, %arg2: memref<6400x50xi32, #tpu.memory_space<hbm>>, %arg3: memref<20480xf32, #tpu.memory_space<hbm>>, %arg4: memref<200x50xi32, #tpu.memory_space<vmem>>, %arg5: memref<50xf32, #tpu.memory_space<vmem>>, %arg6: memref<640xf32, #tpu.memory_space<vmem>>, %arg7: memref<10240xf32, #tpu.memory_space<vmem_shared>>) attributes {dimension_semantics = [#tpu.dimension_semantics<core_parallel>, #tpu.dimension_semantics<subcore_parallel>], iteration_bounds = array<i64: 2, 16>, scalar_prefetch = 0 : i64, scratch_operands = 4 : i64, tpu.core_type = #tpu.core_type<sc_vector_subcore>, window_params = [{transform_indices = #map}, {transform_indices = #map1}]} {
    %mul3A = arith.constant 2 : i32
    %mul3A_0 = arith.muli %arg1, %mul3A : i32
    %add3A = arith.addi %mul3A_0, %arg0 : i32
    %scan3A = arith.constant 0 : i32
    %scan3A_1 = arith.constant 0 : i32
    %scan3A_2 = arith.constant 40 : i32
    %scan3A_3 = arith.addi %scan3A_1, %scan3A_2 : i32
    %scan3A_4 = arith.constant 1 : i32
    scf.for %scan3A_46 = %scan3A_1 to %scan3A_3 step %scan3A_4  : i32 {
      %broadcast_in_dim3A_47 = arith.constant 0.000000e+00 : f32
      %broadcast_in_dim3A_48 = vector.broadcast %broadcast_in_dim3A_47 : f32 to vector<16xf32>
      %mul3A_49 = arith.constant 16 : i32
      %mul3A_50 = arith.muli %scan3A_46, %mul3A_49 : i32
      %swap3A_51 = arith.index_cast %mul3A_50 : i32 to index
      %swap3A_52 = tpu.vector_load %arg6[%swap3A_51] {strides = array<i32>} : memref<640xf32, #tpu.memory_space<vmem>>, vector<16xf32>,
      %swap3A_53 = vector.shape_cast %swap3A_52 : vector<16xf32> to vector<16xf32>
      %swap3A_54 = vector.shape_cast %broadcast_in_dim3A_48 : vector<16xf32> to vector<16xf32>
      tpu.vector_store %arg6[%swap3A_51], %swap3A_54 {strides = array<i32>} : memref<640xf32, #tpu.memory_space<vmem>>, vector<16xf32>,
    }
    %scan3A_5 = arith.constant 40 : i32
    %broadcast_in_dim3A = arith.constant 1.000000e+00 : f32
    %broadcast_in_dim3A_6 = vector.broadcast %broadcast_in_dim3A : f32 to vector<16xf32>
    %swap3A = arith.constant 0 : index
    %swap3A_7 = tpu.vector_load %arg5[%swap3A] {strides = array<i32>} : memref<50xf32, #tpu.memory_space<vmem>>, vector<16xf32>,
    %swap3A_8 = vector.shape_cast %swap3A_7 : vector<16xf32> to vector<16xf32>
    %swap3A_9 = vector.shape_cast %broadcast_in_dim3A_6 : vector<16xf32> to vector<16xf32>
    tpu.vector_store %arg5[%swap3A], %swap3A_9 {strides = array<i32>} : memref<50xf32, #tpu.memory_space<vmem>>, vector<16xf32>,
    %broadcast_in_dim3A_10 = arith.constant 1.000000e+00 : f32
    %broadcast_in_dim3A_11 = vector.broadcast %broadcast_in_dim3A_10 : f32 to vector<16xf32>
    %swap3A_12 = arith.constant 16 : index
    %swap3A_13 = tpu.vector_load %arg5[%swap3A_12] {strides = array<i32>} : memref<50xf32, #tpu.memory_space<vmem>>, vector<16xf32>,
    %swap3A_14 = vector.shape_cast %swap3A_13 : vector<16xf32> to vector<16xf32>
    %swap3A_15 = vector.shape_cast %broadcast_in_dim3A_11 : vector<16xf32> to vector<16xf32>
    tpu.vector_store %arg5[%swap3A_12], %swap3A_15 {strides = array<i32>} : memref<50xf32, #tpu.memory_space<vmem>>, vector<16xf32>,
    %broadcast_in_dim3A_16 = arith.constant 1.000000e+00 : f32
    %broadcast_in_dim3A_17 = vector.broadcast %broadcast_in_dim3A_16 : f32 to vector<16xf32>
    %swap3A_18 = arith.constant 32 : index
    %swap3A_19 = tpu.vector_load %arg5[%swap3A_18] {strides = array<i32>} : memref<50xf32, #tpu.memory_space<vmem>>, vector<16xf32>,
    %swap3A_20 = vector.shape_cast %swap3A_19 : vector<16xf32> to vector<16xf32>
    %swap3A_21 = vector.shape_cast %broadcast_in_dim3A_17 : vector<16xf32> to vector<16xf32>
    tpu.vector_store %arg5[%swap3A_18], %swap3A_21 {strides = array<i32>} : memref<50xf32, #tpu.memory_space<vmem>>, vector<16xf32>,
    %broadcast_in_dim3A_22 = arith.constant 1.000000e+00 : f32
    %broadcast_in_dim3A_23 = vector.broadcast %broadcast_in_dim3A_22 : f32 to vector<16xf32>
    %swap3A_24 = arith.constant 34 : index
    %swap3A_25 = tpu.vector_load %arg5[%swap3A_24] {strides = array<i32>} : memref<50xf32, #tpu.memory_space<vmem>>, vector<16xf32>,
    %swap3A_26 = vector.shape_cast %swap3A_25 : vector<16xf32> to vector<16xf32>
    %swap3A_27 = vector.shape_cast %broadcast_in_dim3A_23 : vector<16xf32> to vector<16xf32>
    tpu.vector_store %arg5[%swap3A_24], %swap3A_27 {strides = array<i32>} : memref<50xf32, #tpu.memory_space<vmem>>, vector<16xf32>,
    %mul3A_28 = arith.constant 640 : i32
    %mul3A_29 = arith.muli %arg1, %mul3A_28 : i32
    "tpu.region"() ({
      %run_scoped3A = tpu.sem_alloc : memref<!tpu.dma_semaphore, #tpu.memory_space<semaphore_mem>>
      %dma_start3A = tpu.memref_slice %arg7[%mul3A_29] : memref<10240xf32, #tpu.memory_space<vmem_shared>> -> memref<640xf32, #tpu.memory_space<vmem_shared>>
      %dma_start3A_46 = tpu.memref_slice %arg7[%mul3A_29] : memref<10240xf32, #tpu.memory_space<vmem_shared>> -> memref<640xf32, #tpu.memory_space<vmem_shared>>
      tpu.enqueue_dma source(%arg6 : memref<640xf32, #tpu.memory_space<vmem>>) target(%dma_start3A_46 : memref<640xf32, #tpu.memory_space<vmem_shared>>) target_semaphore(%run_scoped3A : memref<!tpu.dma_semaphore, #tpu.memory_space<semaphore_mem>>)
      %dma_wait3A = tpu.memref_slice %arg7[%mul3A_29] : memref<10240xf32, #tpu.memory_space<vmem_shared>> -> memref<640xf32, #tpu.memory_space<vmem_shared>>
      %dma_wait3A_47 = tpu.memref_slice %arg7[%mul3A_29] : memref<10240xf32, #tpu.memory_space<vmem_shared>> -> memref<640xf32, #tpu.memory_space<vmem_shared>>
      tpu.wait_dma2 semaphore(%run_scoped3A : memref<!tpu.dma_semaphore, #tpu.memory_space<semaphore_mem>>) src(%arg6 : memref<640xf32, #tpu.memory_space<vmem>>) dst(%dma_wait3A_47 : memref<640xf32, #tpu.memory_space<vmem_shared>>)
      tpu.yield
    }) : () -> ()
    %barrier3A = arith.constant 0 : index
    tpu.barrier barrier_id(%barrier3A)
    %mul3A_30 = arith.constant 200 : i32
    %mul3A_31 = arith.muli %add3A, %mul3A_30 : i32
    "tpu.region"() ({
      %run_scoped3A = tpu.sem_alloc : memref<!tpu.dma_semaphore, #tpu.memory_space<semaphore_mem>>
      %dma_start3A = arith.constant 0 : i32
      %dma_start3A_46 = tpu.memref_slice %arg2[%mul3A_31, %dma_start3A] : memref<6400x50xi32, #tpu.memory_space<hbm>> -> memref<200x50xi32, #tpu.memory_space<hbm>>
      %dma_start3A_47 = arith.constant 0 : i32
      %dma_start3A_48 = tpu.memref_slice %arg2[%mul3A_31, %dma_start3A_47] : memref<6400x50xi32, #tpu.memory_space<hbm>> -> memref<200x50xi32, #tpu.memory_space<hbm>>
      tpu.enqueue_dma source(%dma_start3A_48 : memref<200x50xi32, #tpu.memory_space<hbm>>) target(%arg4 : memref<200x50xi32, #tpu.memory_space<vmem>>) target_semaphore(%run_scoped3A : memref<!tpu.dma_semaphore, #tpu.memory_space<semaphore_mem>>)
      %dma_wait3A = arith.constant 0 : i32
      %dma_wait3A_49 = tpu.memref_slice %arg2[%mul3A_31, %dma_wait3A] : memref<6400x50xi32, #tpu.memory_space<hbm>> -> memref<200x50xi32, #tpu.memory_space<hbm>>
      %dma_wait3A_50 = arith.constant 0 : i32
      %dma_wait3A_51 = tpu.memref_slice %arg2[%mul3A_31, %dma_wait3A_50] : memref<6400x50xi32, #tpu.memory_space<hbm>> -> memref<200x50xi32, #tpu.memory_space<hbm>>
      tpu.wait_dma2 semaphore(%run_scoped3A : memref<!tpu.dma_semaphore, #tpu.memory_space<semaphore_mem>>) src(%dma_wait3A_51 : memref<200x50xi32, #tpu.memory_space<hbm>>) dst(%arg4 : memref<200x50xi32, #tpu.memory_space<vmem>>)
      tpu.yield
    }) : () -> ()
    %scan3A_32 = arith.constant 0 : i32
    %scan3A_33 = arith.constant 0 : i32
    %scan3A_34 = arith.constant 200 : i32
    %scan3A_35 = arith.addi %scan3A_33, %scan3A_34 : i32
    %scan3A_36 = arith.constant 1 : i32
    scf.for %scan3A_46 = %scan3A_33 to %scan3A_35 step %scan3A_36  : i32 {
      "tpu.region"() ({
        %run_scoped3A = tpu.sem_alloc : memref<!tpu.dma_semaphore, #tpu.memory_space<semaphore_mem>>
        %dma_start3A = arith.constant 0 : i32
        %dma_start3A_47 = tpu.memref_slice %arg4[%scan3A_46, %dma_start3A] : memref<200x50xi32, #tpu.memory_space<vmem>> -> memref<1x50xi32, #tpu.memory_space<vmem>>
        %dma_start3A_48 = tpu.memref_squeeze %dma_start3A_47 : memref<1x50xi32, #tpu.memory_space<vmem>> -> memref<50xi32, #tpu.memory_space<vmem>>
        %dma_start3A_49 = arith.constant 0 : i32
        %dma_start3A_50 = tpu.memref_slice %arg7[%dma_start3A_49] : memref<10240xf32, #tpu.memory_space<vmem_shared>> -> memref<10240xf32, #tpu.memory_space<vmem_shared>>
        tpu.enqueue_indirect_dma source(%arg5 : memref<50xf32, #tpu.memory_space<vmem>>) target(%dma_start3A_50 : memref<10240xf32, #tpu.memory_space<vmem_shared>>) offsets(%dma_start3A_48 : memref<50xi32, #tpu.memory_space<vmem>>) semaphore(%run_scoped3A : memref<!tpu.dma_semaphore, #tpu.memory_space<semaphore_mem>>) {add = true}
        %dma_wait3A = arith.constant 0 : i32
        %dma_wait3A_51 = tpu.memref_slice %arg4[%scan3A_46, %dma_wait3A] : memref<200x50xi32, #tpu.memory_space<vmem>> -> memref<1x50xi32, #tpu.memory_space<vmem>>
        %dma_wait3A_52 = tpu.memref_squeeze %dma_wait3A_51 : memref<1x50xi32, #tpu.memory_space<vmem>> -> memref<50xi32, #tpu.memory_space<vmem>>
        %dma_wait3A_53 = arith.constant 0 : i32
        %dma_wait3A_54 = tpu.memref_slice %arg7[%dma_wait3A_53] : memref<10240xf32, #tpu.memory_space<vmem_shared>> -> memref<10240xf32, #tpu.memory_space<vmem_shared>>
        tpu.wait_indirect_dma semaphore(%run_scoped3A : memref<!tpu.dma_semaphore, #tpu.memory_space<semaphore_mem>>) src(%arg5 : memref<50xf32, #tpu.memory_space<vmem>>) dst(%dma_wait3A_54 : memref<10240xf32, #tpu.memory_space<vmem_shared>>)
        tpu.yield
      }) : () -> ()
    }
    %scan3A_37 = arith.constant 200 : i32
    %barrier3A_38 = arith.constant 0 : index
    tpu.barrier barrier_id(%barrier3A_38)
    %mul3A_39 = arith.constant 640 : i32
    %mul3A_40 = arith.muli %arg1, %mul3A_39 : i32
    %mul3A_41 = arith.constant 10240 : i32
    %mul3A_42 = arith.muli %arg0, %mul3A_41 : i32
    %mul3A_43 = arith.constant 640 : i32
    %mul3A_44 = arith.muli %arg1, %mul3A_43 : i32
    %add3A_45 = arith.addi %mul3A_42, %mul3A_44 : i32
    "tpu.region"() ({
      %run_scoped3A = tpu.sem_alloc : memref<!tpu.dma_semaphore, #tpu.memory_space<semaphore_mem>>
      %dma_start3A = tpu.memref_slice %arg3[%add3A_45] : memref<20480xf32, #tpu.memory_space<hbm>> -> memref<640xf32, #tpu.memory_space<hbm>>
      %dma_start3A_46 = tpu.memref_slice %arg7[%mul3A_40] : memref<10240xf32, #tpu.memory_space<vmem_shared>> -> memref<640xf32, #tpu.memory_space<vmem_shared>>
      tpu.enqueue_dma source(%dma_start3A_46 : memref<640xf32, #tpu.memory_space<vmem_shared>>) target(%dma_start3A : memref<640xf32, #tpu.memory_space<hbm>>) target_semaphore(%run_scoped3A : memref<!tpu.dma_semaphore, #tpu.memory_space<semaphore_mem>>)
      %dma_wait3A = tpu.memref_slice %arg3[%add3A_45] : memref<20480xf32, #tpu.memory_space<hbm>> -> memref<640xf32, #tpu.memory_space<hbm>>
      %dma_wait3A_47 = tpu.memref_slice %arg7[%mul3A_40] : memref<10240xf32, #tpu.memory_space<vmem_shared>> -> memref<640xf32, #tpu.memory_space<vmem_shared>>
      tpu.wait_dma2 semaphore(%run_scoped3A : memref<!tpu.dma_semaphore, #tpu.memory_space<semaphore_mem>>) src(%dma_wait3A_47 : memref<640xf32, #tpu.memory_space<vmem_shared>>) dst(%dma_wait3A : memref<640xf32, #tpu.memory_space<hbm>>)
      tpu.yield
    }) : () -> ()
    return
  }
}

#map = affine_map<(d0, d1) -> (0, 0)>
#map1 = affine_map<(d0, d1) -> (0)>
#map2 = affine_map<(d0, d1) -> (0, 0, 0)>
module attributes {stable_mosaic.version = 14 : i64} {
  func.func @agg_kernel(%arg0: i32, %arg1: i32, %arg2: memref<20000x128xf32, #tpu.memory_space<hbm>>, %arg3: memref<327680xi32, #tpu.memory_space<hbm>>, %arg4: memref<327680xi32, #tpu.memory_space<hbm>>, %arg5: memref<2x5120x128xf32, #tpu.memory_space<hbm>>, %arg6: memref<10240xi32, #tpu.memory_space<vmem>>, %arg7: memref<10240xi32, #tpu.memory_space<vmem>>, %arg8: memref<80x128xi32, #tpu.memory_space<vmem>>, %arg9: memref<128x128xf32, #tpu.memory_space<vmem>>, %arg10: memref<128x128xf32, #tpu.memory_space<vmem>>, %arg11: memref<64x128xf32, #tpu.memory_space<vmem>>, %arg12: memref<5120x128xf32, #tpu.memory_space<vmem_shared>>, %arg13: memref<!tpu.dma_semaphore, #tpu.memory_space<semaphore_mem>>, %arg14: memref<!tpu.dma_semaphore, #tpu.memory_space<semaphore_mem>>) attributes {dimension_semantics = [#tpu.dimension_semantics<core_parallel>, #tpu.dimension_semantics<subcore_parallel>], iteration_bounds = array<i64: 2, 16>, scalar_prefetch = 0 : i64, scratch_operands = 9 : i64, tpu.core_type = #tpu.core_type<sc_vector_subcore>, window_params = [{transform_indices = #map}, {transform_indices = #map1}, {transform_indices = #map1}, {transform_indices = #map2}]} {
    %mul3A = arith.constant 2 : i32
    %mul3A_0 = arith.muli %arg1, %mul3A : i32
    %add3A = arith.addi %mul3A_0, %arg0 : i32
    %scan3A = arith.constant 0 : i32
    %scan3A_1 = arith.constant 0 : i32
    %scan3A_2 = arith.constant 64 : i32
    %scan3A_3 = arith.addi %scan3A_1, %scan3A_2 : i32
    %scan3A_4 = arith.constant 1 : i32
    scf.for %scan3A_93 = %scan3A_1 to %scan3A_3 step %scan3A_4  : i32 {
      %broadcast_in_dim3A = arith.constant 0.000000e+00 : f32
      %broadcast_in_dim3A_94 = vector.broadcast %broadcast_in_dim3A : f32 to vector<16xf32>
      %swap3A = arith.index_cast %scan3A_93 : i32 to index
      %swap3A_95 = arith.constant 0 : index
      %swap3A_96 = tpu.vector_load %arg11[%swap3A, %swap3A_95] {strides = array<i32>} : memref<64x128xf32, #tpu.memory_space<vmem>>, vector<1x16xf32>,
      %swap3A_97 = vector.shape_cast %swap3A_96 : vector<1x16xf32> to vector<16xf32>
      %swap3A_98 = vector.shape_cast %broadcast_in_dim3A_94 : vector<16xf32> to vector<1x16xf32>
      tpu.vector_store %arg11[%swap3A, %swap3A_95], %swap3A_98 {strides = array<i32>} : memref<64x128xf32, #tpu.memory_space<vmem>>, vector<1x16xf32>,
      %broadcast_in_dim3A_99 = arith.constant 0.000000e+00 : f32
      %broadcast_in_dim3A_100 = vector.broadcast %broadcast_in_dim3A_99 : f32 to vector<16xf32>
      %swap3A_101 = arith.index_cast %scan3A_93 : i32 to index
      %swap3A_102 = arith.constant 16 : index
      %swap3A_103 = tpu.vector_load %arg11[%swap3A_101, %swap3A_102] {strides = array<i32>} : memref<64x128xf32, #tpu.memory_space<vmem>>, vector<1x16xf32>,
      %swap3A_104 = vector.shape_cast %swap3A_103 : vector<1x16xf32> to vector<16xf32>
      %swap3A_105 = vector.shape_cast %broadcast_in_dim3A_100 : vector<16xf32> to vector<1x16xf32>
      tpu.vector_store %arg11[%swap3A_101, %swap3A_102], %swap3A_105 {strides = array<i32>} : memref<64x128xf32, #tpu.memory_space<vmem>>, vector<1x16xf32>,
      %broadcast_in_dim3A_106 = arith.constant 0.000000e+00 : f32
      %broadcast_in_dim3A_107 = vector.broadcast %broadcast_in_dim3A_106 : f32 to vector<16xf32>
      %swap3A_108 = arith.index_cast %scan3A_93 : i32 to index
      %swap3A_109 = arith.constant 32 : index
      %swap3A_110 = tpu.vector_load %arg11[%swap3A_108, %swap3A_109] {strides = array<i32>} : memref<64x128xf32, #tpu.memory_space<vmem>>, vector<1x16xf32>,
      %swap3A_111 = vector.shape_cast %swap3A_110 : vector<1x16xf32> to vector<16xf32>
      %swap3A_112 = vector.shape_cast %broadcast_in_dim3A_107 : vector<16xf32> to vector<1x16xf32>
      tpu.vector_store %arg11[%swap3A_108, %swap3A_109], %swap3A_112 {strides = array<i32>} : memref<64x128xf32, #tpu.memory_space<vmem>>, vector<1x16xf32>,
      %broadcast_in_dim3A_113 = arith.constant 0.000000e+00 : f32
      %broadcast_in_dim3A_114 = vector.broadcast %broadcast_in_dim3A_113 : f32 to vector<16xf32>
      %swap3A_115 = arith.index_cast %scan3A_93 : i32 to index
      %swap3A_116 = arith.constant 48 : index
      %swap3A_117 = tpu.vector_load %arg11[%swap3A_115, %swap3A_116] {strides = array<i32>} : memref<64x128xf32, #tpu.memory_space<vmem>>, vector<1x16xf32>,
      %swap3A_118 = vector.shape_cast %swap3A_117 : vector<1x16xf32> to vector<16xf32>
      %swap3A_119 = vector.shape_cast %broadcast_in_dim3A_114 : vector<16xf32> to vector<1x16xf32>
      tpu.vector_store %arg11[%swap3A_115, %swap3A_116], %swap3A_119 {strides = array<i32>} : memref<64x128xf32, #tpu.memory_space<vmem>>, vector<1x16xf32>,
      %broadcast_in_dim3A_120 = arith.constant 0.000000e+00 : f32
      %broadcast_in_dim3A_121 = vector.broadcast %broadcast_in_dim3A_120 : f32 to vector<16xf32>
      %swap3A_122 = arith.index_cast %scan3A_93 : i32 to index
      %swap3A_123 = arith.constant 64 : index
      %swap3A_124 = tpu.vector_load %arg11[%swap3A_122, %swap3A_123] {strides = array<i32>} : memref<64x128xf32, #tpu.memory_space<vmem>>, vector<1x16xf32>,
      %swap3A_125 = vector.shape_cast %swap3A_124 : vector<1x16xf32> to vector<16xf32>
      %swap3A_126 = vector.shape_cast %broadcast_in_dim3A_121 : vector<16xf32> to vector<1x16xf32>
      tpu.vector_store %arg11[%swap3A_122, %swap3A_123], %swap3A_126 {strides = array<i32>} : memref<64x128xf32, #tpu.memory_space<vmem>>, vector<1x16xf32>,
      %broadcast_in_dim3A_127 = arith.constant 0.000000e+00 : f32
      %broadcast_in_dim3A_128 = vector.broadcast %broadcast_in_dim3A_127 : f32 to vector<16xf32>
      %swap3A_129 = arith.index_cast %scan3A_93 : i32 to index
      %swap3A_130 = arith.constant 80 : index
      %swap3A_131 = tpu.vector_load %arg11[%swap3A_129, %swap3A_130] {strides = array<i32>} : memref<64x128xf32, #tpu.memory_space<vmem>>, vector<1x16xf32>,
      %swap3A_132 = vector.shape_cast %swap3A_131 : vector<1x16xf32> to vector<16xf32>
      %swap3A_133 = vector.shape_cast %broadcast_in_dim3A_128 : vector<16xf32> to vector<1x16xf32>
      tpu.vector_store %arg11[%swap3A_129, %swap3A_130], %swap3A_133 {strides = array<i32>} : memref<64x128xf32, #tpu.memory_space<vmem>>, vector<1x16xf32>,
      %broadcast_in_dim3A_134 = arith.constant 0.000000e+00 : f32
      %broadcast_in_dim3A_135 = vector.broadcast %broadcast_in_dim3A_134 : f32 to vector<16xf32>
      %swap3A_136 = arith.index_cast %scan3A_93 : i32 to index
      %swap3A_137 = arith.constant 96 : index
      %swap3A_138 = tpu.vector_load %arg11[%swap3A_136, %swap3A_137] {strides = array<i32>} : memref<64x128xf32, #tpu.memory_space<vmem>>, vector<1x16xf32>,
      %swap3A_139 = vector.shape_cast %swap3A_138 : vector<1x16xf32> to vector<16xf32>
      %swap3A_140 = vector.shape_cast %broadcast_in_dim3A_135 : vector<16xf32> to vector<1x16xf32>
      tpu.vector_store %arg11[%swap3A_136, %swap3A_137], %swap3A_140 {strides = array<i32>} : memref<64x128xf32, #tpu.memory_space<vmem>>, vector<1x16xf32>,
      %broadcast_in_dim3A_141 = arith.constant 0.000000e+00 : f32
      %broadcast_in_dim3A_142 = vector.broadcast %broadcast_in_dim3A_141 : f32 to vector<16xf32>
      %swap3A_143 = arith.index_cast %scan3A_93 : i32 to index
      %swap3A_144 = arith.constant 112 : index
      %swap3A_145 = tpu.vector_load %arg11[%swap3A_143, %swap3A_144] {strides = array<i32>} : memref<64x128xf32, #tpu.memory_space<vmem>>, vector<1x16xf32>,
      %swap3A_146 = vector.shape_cast %swap3A_145 : vector<1x16xf32> to vector<16xf32>
      %swap3A_147 = vector.shape_cast %broadcast_in_dim3A_142 : vector<16xf32> to vector<1x16xf32>
      tpu.vector_store %arg11[%swap3A_143, %swap3A_144], %swap3A_147 {strides = array<i32>} : memref<64x128xf32, #tpu.memory_space<vmem>>, vector<1x16xf32>,
    }
    %scan3A_5 = arith.constant 64 : i32
    %mul3A_6 = arith.constant 320 : i32
    %mul3A_7 = arith.muli %arg1, %mul3A_6 : i32
    %add3A_8 = arith.constant 0 : i32
    %add3A_9 = arith.addi %mul3A_7, %add3A_8 : i32
    "tpu.region"() ({
      %run_scoped3A = tpu.sem_alloc : memref<!tpu.dma_semaphore, #tpu.memory_space<semaphore_mem>>
      %dma_start3A_93 = arith.constant 0 : i32
      %dma_start3A_94 = tpu.memref_slice %arg12[%add3A_9, %dma_start3A_93] : memref<5120x128xf32, #tpu.memory_space<vmem_shared>> -> memref<64x128xf32, #tpu.memory_space<vmem_shared>>
      %dma_start3A_95 = arith.constant 0 : i32
      %dma_start3A_96 = tpu.memref_slice %arg12[%add3A_9, %dma_start3A_95] : memref<5120x128xf32, #tpu.memory_space<vmem_shared>> -> memref<64x128xf32, #tpu.memory_space<vmem_shared>>
      tpu.enqueue_dma source(%arg11 : memref<64x128xf32, #tpu.memory_space<vmem>>) target(%dma_start3A_96 : memref<64x128xf32, #tpu.memory_space<vmem_shared>>) target_semaphore(%run_scoped3A : memref<!tpu.dma_semaphore, #tpu.memory_space<semaphore_mem>>)
      %dma_wait3A = arith.constant 0 : i32
      %dma_wait3A_97 = tpu.memref_slice %arg12[%add3A_9, %dma_wait3A] : memref<5120x128xf32, #tpu.memory_space<vmem_shared>> -> memref<64x128xf32, #tpu.memory_space<vmem_shared>>
      %dma_wait3A_98 = arith.constant 0 : i32
      %dma_wait3A_99 = tpu.memref_slice %arg12[%add3A_9, %dma_wait3A_98] : memref<5120x128xf32, #tpu.memory_space<vmem_shared>> -> memref<64x128xf32, #tpu.memory_space<vmem_shared>>
      tpu.wait_dma2 semaphore(%run_scoped3A : memref<!tpu.dma_semaphore, #tpu.memory_space<semaphore_mem>>) src(%arg11 : memref<64x128xf32, #tpu.memory_space<vmem>>) dst(%dma_wait3A_99 : memref<64x128xf32, #tpu.memory_space<vmem_shared>>)
      tpu.yield
    }) : () -> ()
    %mul3A_10 = arith.constant 320 : i32
    %mul3A_11 = arith.muli %arg1, %mul3A_10 : i32
    %add3A_12 = arith.constant 64 : i32
    %add3A_13 = arith.addi %mul3A_11, %add3A_12 : i32
    "tpu.region"() ({
      %run_scoped3A = tpu.sem_alloc : memref<!tpu.dma_semaphore, #tpu.memory_space<semaphore_mem>>
      %dma_start3A_93 = arith.constant 0 : i32
      %dma_start3A_94 = tpu.memref_slice %arg12[%add3A_13, %dma_start3A_93] : memref<5120x128xf32, #tpu.memory_space<vmem_shared>> -> memref<64x128xf32, #tpu.memory_space<vmem_shared>>
      %dma_start3A_95 = arith.constant 0 : i32
      %dma_start3A_96 = tpu.memref_slice %arg12[%add3A_13, %dma_start3A_95] : memref<5120x128xf32, #tpu.memory_space<vmem_shared>> -> memref<64x128xf32, #tpu.memory_space<vmem_shared>>
      tpu.enqueue_dma source(%arg11 : memref<64x128xf32, #tpu.memory_space<vmem>>) target(%dma_start3A_96 : memref<64x128xf32, #tpu.memory_space<vmem_shared>>) target_semaphore(%run_scoped3A : memref<!tpu.dma_semaphore, #tpu.memory_space<semaphore_mem>>)
      %dma_wait3A = arith.constant 0 : i32
      %dma_wait3A_97 = tpu.memref_slice %arg12[%add3A_13, %dma_wait3A] : memref<5120x128xf32, #tpu.memory_space<vmem_shared>> -> memref<64x128xf32, #tpu.memory_space<vmem_shared>>
      %dma_wait3A_98 = arith.constant 0 : i32
      %dma_wait3A_99 = tpu.memref_slice %arg12[%add3A_13, %dma_wait3A_98] : memref<5120x128xf32, #tpu.memory_space<vmem_shared>> -> memref<64x128xf32, #tpu.memory_space<vmem_shared>>
      tpu.wait_dma2 semaphore(%run_scoped3A : memref<!tpu.dma_semaphore, #tpu.memory_space<semaphore_mem>>) src(%arg11 : memref<64x128xf32, #tpu.memory_space<vmem>>) dst(%dma_wait3A_99 : memref<64x128xf32, #tpu.memory_space<vmem_shared>>)
      tpu.yield
    }) : () -> ()
    %mul3A_14 = arith.constant 320 : i32
    %mul3A_15 = arith.muli %arg1, %mul3A_14 : i32
    %add3A_16 = arith.constant 128 : i32
    %add3A_17 = arith.addi %mul3A_15, %add3A_16 : i32
    "tpu.region"() ({
      %run_scoped3A = tpu.sem_alloc : memref<!tpu.dma_semaphore, #tpu.memory_space<semaphore_mem>>
      %dma_start3A_93 = arith.constant 0 : i32
      %dma_start3A_94 = tpu.memref_slice %arg12[%add3A_17, %dma_start3A_93] : memref<5120x128xf32, #tpu.memory_space<vmem_shared>> -> memref<64x128xf32, #tpu.memory_space<vmem_shared>>
      %dma_start3A_95 = arith.constant 0 : i32
      %dma_start3A_96 = tpu.memref_slice %arg12[%add3A_17, %dma_start3A_95] : memref<5120x128xf32, #tpu.memory_space<vmem_shared>> -> memref<64x128xf32, #tpu.memory_space<vmem_shared>>
      tpu.enqueue_dma source(%arg11 : memref<64x128xf32, #tpu.memory_space<vmem>>) target(%dma_start3A_96 : memref<64x128xf32, #tpu.memory_space<vmem_shared>>) target_semaphore(%run_scoped3A : memref<!tpu.dma_semaphore, #tpu.memory_space<semaphore_mem>>)
      %dma_wait3A = arith.constant 0 : i32
      %dma_wait3A_97 = tpu.memref_slice %arg12[%add3A_17, %dma_wait3A] : memref<5120x128xf32, #tpu.memory_space<vmem_shared>> -> memref<64x128xf32, #tpu.memory_space<vmem_shared>>
      %dma_wait3A_98 = arith.constant 0 : i32
      %dma_wait3A_99 = tpu.memref_slice %arg12[%add3A_17, %dma_wait3A_98] : memref<5120x128xf32, #tpu.memory_space<vmem_shared>> -> memref<64x128xf32, #tpu.memory_space<vmem_shared>>
      tpu.wait_dma2 semaphore(%run_scoped3A : memref<!tpu.dma_semaphore, #tpu.memory_space<semaphore_mem>>) src(%arg11 : memref<64x128xf32, #tpu.memory_space<vmem>>) dst(%dma_wait3A_99 : memref<64x128xf32, #tpu.memory_space<vmem_shared>>)
      tpu.yield
    }) : () -> ()
    %mul3A_18 = arith.constant 320 : i32
    %mul3A_19 = arith.muli %arg1, %mul3A_18 : i32
    %add3A_20 = arith.constant 192 : i32
    %add3A_21 = arith.addi %mul3A_19, %add3A_20 : i32
    "tpu.region"() ({
      %run_scoped3A = tpu.sem_alloc : memref<!tpu.dma_semaphore, #tpu.memory_space<semaphore_mem>>
      %dma_start3A_93 = arith.constant 0 : i32
      %dma_start3A_94 = tpu.memref_slice %arg12[%add3A_21, %dma_start3A_93] : memref<5120x128xf32, #tpu.memory_space<vmem_shared>> -> memref<64x128xf32, #tpu.memory_space<vmem_shared>>
      %dma_start3A_95 = arith.constant 0 : i32
      %dma_start3A_96 = tpu.memref_slice %arg12[%add3A_21, %dma_start3A_95] : memref<5120x128xf32, #tpu.memory_space<vmem_shared>> -> memref<64x128xf32, #tpu.memory_space<vmem_shared>>
      tpu.enqueue_dma source(%arg11 : memref<64x128xf32, #tpu.memory_space<vmem>>) target(%dma_start3A_96 : memref<64x128xf32, #tpu.memory_space<vmem_shared>>) target_semaphore(%run_scoped3A : memref<!tpu.dma_semaphore, #tpu.memory_space<semaphore_mem>>)
      %dma_wait3A = arith.constant 0 : i32
      %dma_wait3A_97 = tpu.memref_slice %arg12[%add3A_21, %dma_wait3A] : memref<5120x128xf32, #tpu.memory_space<vmem_shared>> -> memref<64x128xf32, #tpu.memory_space<vmem_shared>>
      %dma_wait3A_98 = arith.constant 0 : i32
      %dma_wait3A_99 = tpu.memref_slice %arg12[%add3A_21, %dma_wait3A_98] : memref<5120x128xf32, #tpu.memory_space<vmem_shared>> -> memref<64x128xf32, #tpu.memory_space<vmem_shared>>
      tpu.wait_dma2 semaphore(%run_scoped3A : memref<!tpu.dma_semaphore, #tpu.memory_space<semaphore_mem>>) src(%arg11 : memref<64x128xf32, #tpu.memory_space<vmem>>) dst(%dma_wait3A_99 : memref<64x128xf32, #tpu.memory_space<vmem_shared>>)
      tpu.yield
    }) : () -> ()
    %mul3A_22 = arith.constant 320 : i32
    %mul3A_23 = arith.muli %arg1, %mul3A_22 : i32
    %add3A_24 = arith.constant 256 : i32
    %add3A_25 = arith.addi %mul3A_23, %add3A_24 : i32
    "tpu.region"() ({
      %run_scoped3A = tpu.sem_alloc : memref<!tpu.dma_semaphore, #tpu.memory_space<semaphore_mem>>
      %dma_start3A_93 = arith.constant 0 : i32
      %dma_start3A_94 = tpu.memref_slice %arg12[%add3A_25, %dma_start3A_93] : memref<5120x128xf32, #tpu.memory_space<vmem_shared>> -> memref<64x128xf32, #tpu.memory_space<vmem_shared>>
      %dma_start3A_95 = arith.constant 0 : i32
      %dma_start3A_96 = tpu.memref_slice %arg12[%add3A_25, %dma_start3A_95] : memref<5120x128xf32, #tpu.memory_space<vmem_shared>> -> memref<64x128xf32, #tpu.memory_space<vmem_shared>>
      tpu.enqueue_dma source(%arg11 : memref<64x128xf32, #tpu.memory_space<vmem>>) target(%dma_start3A_96 : memref<64x128xf32, #tpu.memory_space<vmem_shared>>) target_semaphore(%run_scoped3A : memref<!tpu.dma_semaphore, #tpu.memory_space<semaphore_mem>>)
      %dma_wait3A = arith.constant 0 : i32
      %dma_wait3A_97 = tpu.memref_slice %arg12[%add3A_25, %dma_wait3A] : memref<5120x128xf32, #tpu.memory_space<vmem_shared>> -> memref<64x128xf32, #tpu.memory_space<vmem_shared>>
      %dma_wait3A_98 = arith.constant 0 : i32
      %dma_wait3A_99 = tpu.memref_slice %arg12[%add3A_25, %dma_wait3A_98] : memref<5120x128xf32, #tpu.memory_space<vmem_shared>> -> memref<64x128xf32, #tpu.memory_space<vmem_shared>>
      tpu.wait_dma2 semaphore(%run_scoped3A : memref<!tpu.dma_semaphore, #tpu.memory_space<semaphore_mem>>) src(%arg11 : memref<64x128xf32, #tpu.memory_space<vmem>>) dst(%dma_wait3A_99 : memref<64x128xf32, #tpu.memory_space<vmem_shared>>)
      tpu.yield
    }) : () -> ()
    %barrier3A = arith.constant 0 : index
    tpu.barrier barrier_id(%barrier3A)
    %mul3A_26 = arith.constant 10240 : i32
    %mul3A_27 = arith.muli %add3A, %mul3A_26 : i32
    "tpu.region"() ({
      %run_scoped3A = tpu.sem_alloc : memref<!tpu.dma_semaphore, #tpu.memory_space<semaphore_mem>>
      %dma_start3A_93 = tpu.memref_slice %arg3[%mul3A_27] : memref<327680xi32, #tpu.memory_space<hbm>> -> memref<10240xi32, #tpu.memory_space<hbm>>
      %dma_start3A_94 = tpu.memref_slice %arg3[%mul3A_27] : memref<327680xi32, #tpu.memory_space<hbm>> -> memref<10240xi32, #tpu.memory_space<hbm>>
      tpu.enqueue_dma source(%dma_start3A_94 : memref<10240xi32, #tpu.memory_space<hbm>>) target(%arg6 : memref<10240xi32, #tpu.memory_space<vmem>>) target_semaphore(%run_scoped3A : memref<!tpu.dma_semaphore, #tpu.memory_space<semaphore_mem>>)
      %dma_wait3A = tpu.memref_slice %arg3[%mul3A_27] : memref<327680xi32, #tpu.memory_space<hbm>> -> memref<10240xi32, #tpu.memory_space<hbm>>
      %dma_wait3A_95 = tpu.memref_slice %arg3[%mul3A_27] : memref<327680xi32, #tpu.memory_space<hbm>> -> memref<10240xi32, #tpu.memory_space<hbm>>
      tpu.wait_dma2 semaphore(%run_scoped3A : memref<!tpu.dma_semaphore, #tpu.memory_space<semaphore_mem>>) src(%dma_wait3A_95 : memref<10240xi32, #tpu.memory_space<hbm>>) dst(%arg6 : memref<10240xi32, #tpu.memory_space<vmem>>)
      tpu.yield
    }) : () -> ()
    %mul3A_28 = arith.constant 10240 : i32
    %mul3A_29 = arith.muli %add3A, %mul3A_28 : i32
    "tpu.region"() ({
      %run_scoped3A = tpu.sem_alloc : memref<!tpu.dma_semaphore, #tpu.memory_space<semaphore_mem>>
      %dma_start3A_93 = tpu.memref_slice %arg4[%mul3A_29] : memref<327680xi32, #tpu.memory_space<hbm>> -> memref<10240xi32, #tpu.memory_space<hbm>>
      %dma_start3A_94 = tpu.memref_slice %arg4[%mul3A_29] : memref<327680xi32, #tpu.memory_space<hbm>> -> memref<10240xi32, #tpu.memory_space<hbm>>
      tpu.enqueue_dma source(%dma_start3A_94 : memref<10240xi32, #tpu.memory_space<hbm>>) target(%arg7 : memref<10240xi32, #tpu.memory_space<vmem>>) target_semaphore(%run_scoped3A : memref<!tpu.dma_semaphore, #tpu.memory_space<semaphore_mem>>)
      %dma_wait3A = tpu.memref_slice %arg4[%mul3A_29] : memref<327680xi32, #tpu.memory_space<hbm>> -> memref<10240xi32, #tpu.memory_space<hbm>>
      %dma_wait3A_95 = tpu.memref_slice %arg4[%mul3A_29] : memref<327680xi32, #tpu.memory_space<hbm>> -> memref<10240xi32, #tpu.memory_space<hbm>>
      tpu.wait_dma2 semaphore(%run_scoped3A : memref<!tpu.dma_semaphore, #tpu.memory_space<semaphore_mem>>) src(%dma_wait3A_95 : memref<10240xi32, #tpu.memory_space<hbm>>) dst(%arg7 : memref<10240xi32, #tpu.memory_space<vmem>>)
      tpu.yield
    }) : () -> ()
    %scan3A_30 = arith.constant 0 : i32
    %scan3A_31 = arith.constant 0 : i32
    %scan3A_32 = arith.constant 640 : i32
    %scan3A_33 = arith.addi %scan3A_31, %scan3A_32 : i32
    %scan3A_34 = arith.constant 1 : i32
    scf.for %scan3A_93 = %scan3A_31 to %scan3A_33 step %scan3A_34  : i32 {
      %mul3A_94 = arith.constant 16 : i32
      %mul3A_95 = arith.muli %scan3A_93, %mul3A_94 : i32
      %get3A = arith.index_cast %mul3A_95 : i32 to index
      %get3A_96 = tpu.vector_load %arg6[%get3A] {strides = array<i32>} : memref<10240xi32, #tpu.memory_space<vmem>>, vector<16xi32>,
      %get3A_97 = vector.shape_cast %get3A_96 : vector<16xi32> to vector<16xi32>
      %mul3A_98 = arith.constant 16 : i32
      %mul3A_99 = arith.muli %scan3A_93, %mul3A_98 : i32
      %get3A_100 = arith.index_cast %mul3A_99 : i32 to index
      %get3A_101 = tpu.vector_load %arg7[%get3A_100] {strides = array<i32>} : memref<10240xi32, #tpu.memory_space<vmem>>, vector<16xi32>,
      %get3A_102 = vector.shape_cast %get3A_101 : vector<16xi32> to vector<16xi32>
      %and3A = arith.constant 1 : i32
      %and3A_103 = vector.broadcast %and3A : i32 to vector<16xi32>
      %and3A_104 = arith.andi %get3A_102, %and3A_103 : vector<16xi32>
      %mul3A_105 = arith.constant 10000 : i32
      %mul3A_106 = vector.broadcast %mul3A_105 : i32 to vector<16xi32>
      %mul3A_107 = arith.muli %and3A_104, %mul3A_106 : vector<16xi32>
      %add3A_108 = arith.addi %get3A_97, %mul3A_107 : vector<16xi32>
      %mul3A_109 = arith.constant 16 : i32
      %mul3A_110 = arith.muli %scan3A_93, %mul3A_109 : i32
      %swap3A = arith.index_cast %mul3A_110 : i32 to index
      %swap3A_111 = tpu.vector_load %arg6[%swap3A] {strides = array<i32>} : memref<10240xi32, #tpu.memory_space<vmem>>, vector<16xi32>,
      %swap3A_112 = vector.shape_cast %swap3A_111 : vector<16xi32> to vector<16xi32>
      %swap3A_113 = vector.shape_cast %add3A_108 : vector<16xi32> to vector<16xi32>
      tpu.vector_store %arg6[%swap3A], %swap3A_113 {strides = array<i32>} : memref<10240xi32, #tpu.memory_space<vmem>>, vector<16xi32>,
    }
    %scan3A_35 = arith.constant 640 : i32
    %scan3A_36 = arith.constant 0 : i32
    %scan3A_37 = arith.constant 0 : i32
    %scan3A_38 = arith.constant 80 : i32
    %scan3A_39 = arith.addi %scan3A_37, %scan3A_38 : i32
    %scan3A_40 = arith.constant 1 : i32
    scf.for %scan3A_93 = %scan3A_37 to %scan3A_39 step %scan3A_40  : i32 {
      %mul3A_94 = arith.constant 128 : i32
      %mul3A_95 = arith.muli %scan3A_93, %mul3A_94 : i32
      %add3A_96 = arith.constant 0 : i32
      %add3A_97 = arith.addi %mul3A_95, %add3A_96 : i32
      %get3A = arith.index_cast %add3A_97 : i32 to index
      %get3A_98 = tpu.vector_load %arg7[%get3A] {strides = array<i32>} : memref<10240xi32, #tpu.memory_space<vmem>>, vector<16xi32>,
      %get3A_99 = vector.shape_cast %get3A_98 : vector<16xi32> to vector<16xi32>
      %shift_right_arithmetic3A = arith.constant 1 : i32
      %shift_right_arithmetic3A_100 = vector.broadcast %shift_right_arithmetic3A : i32 to vector<16xi32>
      %shift_right_arithmetic3A_101 = arith.shrsi %get3A_99, %shift_right_arithmetic3A_100 : vector<16xi32>
      %swap3A = arith.index_cast %scan3A_93 : i32 to index
      %swap3A_102 = arith.constant 0 : index
      %swap3A_103 = tpu.vector_load %arg8[%swap3A, %swap3A_102] {strides = array<i32>} : memref<80x128xi32, #tpu.memory_space<vmem>>, vector<1x16xi32>,
      %swap3A_104 = vector.shape_cast %swap3A_103 : vector<1x16xi32> to vector<16xi32>
      %swap3A_105 = vector.shape_cast %shift_right_arithmetic3A_101 : vector<16xi32> to vector<1x16xi32>
      tpu.vector_store %arg8[%swap3A, %swap3A_102], %swap3A_105 {strides = array<i32>} : memref<80x128xi32, #tpu.memory_space<vmem>>, vector<1x16xi32>,
      %mul3A_106 = arith.constant 128 : i32
      %mul3A_107 = arith.muli %scan3A_93, %mul3A_106 : i32
      %add3A_108 = arith.constant 16 : i32
      %add3A_109 = arith.addi %mul3A_107, %add3A_108 : i32
      %get3A_110 = arith.index_cast %add3A_109 : i32 to index
      %get3A_111 = tpu.vector_load %arg7[%get3A_110] {strides = array<i32>} : memref<10240xi32, #tpu.memory_space<vmem>>, vector<16xi32>,
      %get3A_112 = vector.shape_cast %get3A_111 : vector<16xi32> to vector<16xi32>
      %shift_right_arithmetic3A_113 = arith.constant 1 : i32
      %shift_right_arithmetic3A_114 = vector.broadcast %shift_right_arithmetic3A_113 : i32 to vector<16xi32>
      %shift_right_arithmetic3A_115 = arith.shrsi %get3A_112, %shift_right_arithmetic3A_114 : vector<16xi32>
      %swap3A_116 = arith.index_cast %scan3A_93 : i32 to index
      %swap3A_117 = arith.constant 16 : index
      %swap3A_118 = tpu.vector_load %arg8[%swap3A_116, %swap3A_117] {strides = array<i32>} : memref<80x128xi32, #tpu.memory_space<vmem>>, vector<1x16xi32>,
      %swap3A_119 = vector.shape_cast %swap3A_118 : vector<1x16xi32> to vector<16xi32>
      %swap3A_120 = vector.shape_cast %shift_right_arithmetic3A_115 : vector<16xi32> to vector<1x16xi32>
      tpu.vector_store %arg8[%swap3A_116, %swap3A_117], %swap3A_120 {strides = array<i32>} : memref<80x128xi32, #tpu.memory_space<vmem>>, vector<1x16xi32>,
      %mul3A_121 = arith.constant 128 : i32
      %mul3A_122 = arith.muli %scan3A_93, %mul3A_121 : i32
      %add3A_123 = arith.constant 32 : i32
      %add3A_124 = arith.addi %mul3A_122, %add3A_123 : i32
      %get3A_125 = arith.index_cast %add3A_124 : i32 to index
      %get3A_126 = tpu.vector_load %arg7[%get3A_125] {strides = array<i32>} : memref<10240xi32, #tpu.memory_space<vmem>>, vector<16xi32>,
      %get3A_127 = vector.shape_cast %get3A_126 : vector<16xi32> to vector<16xi32>
      %shift_right_arithmetic3A_128 = arith.constant 1 : i32
      %shift_right_arithmetic3A_129 = vector.broadcast %shift_right_arithmetic3A_128 : i32 to vector<16xi32>
      %shift_right_arithmetic3A_130 = arith.shrsi %get3A_127, %shift_right_arithmetic3A_129 : vector<16xi32>
      %swap3A_131 = arith.index_cast %scan3A_93 : i32 to index
      %swap3A_132 = arith.constant 32 : index
      %swap3A_133 = tpu.vector_load %arg8[%swap3A_131, %swap3A_132] {strides = array<i32>} : memref<80x128xi32, #tpu.memory_space<vmem>>, vector<1x16xi32>,
      %swap3A_134 = vector.shape_cast %swap3A_133 : vector<1x16xi32> to vector<16xi32>
      %swap3A_135 = vector.shape_cast %shift_right_arithmetic3A_130 : vector<16xi32> to vector<1x16xi32>
      tpu.vector_store %arg8[%swap3A_131, %swap3A_132], %swap3A_135 {strides = array<i32>} : memref<80x128xi32, #tpu.memory_space<vmem>>, vector<1x16xi32>,
      %mul3A_136 = arith.constant 128 : i32
      %mul3A_137 = arith.muli %scan3A_93, %mul3A_136 : i32
      %add3A_138 = arith.constant 48 : i32
      %add3A_139 = arith.addi %mul3A_137, %add3A_138 : i32
      %get3A_140 = arith.index_cast %add3A_139 : i32 to index
      %get3A_141 = tpu.vector_load %arg7[%get3A_140] {strides = array<i32>} : memref<10240xi32, #tpu.memory_space<vmem>>, vector<16xi32>,
      %get3A_142 = vector.shape_cast %get3A_141 : vector<16xi32> to vector<16xi32>
      %shift_right_arithmetic3A_143 = arith.constant 1 : i32
      %shift_right_arithmetic3A_144 = vector.broadcast %shift_right_arithmetic3A_143 : i32 to vector<16xi32>
      %shift_right_arithmetic3A_145 = arith.shrsi %get3A_142, %shift_right_arithmetic3A_144 : vector<16xi32>
      %swap3A_146 = arith.index_cast %scan3A_93 : i32 to index
      %swap3A_147 = arith.constant 48 : index
      %swap3A_148 = tpu.vector_load %arg8[%swap3A_146, %swap3A_147] {strides = array<i32>} : memref<80x128xi32, #tpu.memory_space<vmem>>, vector<1x16xi32>,
      %swap3A_149 = vector.shape_cast %swap3A_148 : vector<1x16xi32> to vector<16xi32>
      %swap3A_150 = vector.shape_cast %shift_right_arithmetic3A_145 : vector<16xi32> to vector<1x16xi32>
      tpu.vector_store %arg8[%swap3A_146, %swap3A_147], %swap3A_150 {strides = array<i32>} : memref<80x128xi32, #tpu.memory_space<vmem>>, vector<1x16xi32>,
      %mul3A_151 = arith.constant 128 : i32
      %mul3A_152 = arith.muli %scan3A_93, %mul3A_151 : i32
      %add3A_153 = arith.constant 64 : i32
      %add3A_154 = arith.addi %mul3A_152, %add3A_153 : i32
      %get3A_155 = arith.index_cast %add3A_154 : i32 to index
      %get3A_156 = tpu.vector_load %arg7[%get3A_155] {strides = array<i32>} : memref<10240xi32, #tpu.memory_space<vmem>>, vector<16xi32>,
      %get3A_157 = vector.shape_cast %get3A_156 : vector<16xi32> to vector<16xi32>
      %shift_right_arithmetic3A_158 = arith.constant 1 : i32
      %shift_right_arithmetic3A_159 = vector.broadcast %shift_right_arithmetic3A_158 : i32 to vector<16xi32>
      %shift_right_arithmetic3A_160 = arith.shrsi %get3A_157, %shift_right_arithmetic3A_159 : vector<16xi32>
      %swap3A_161 = arith.index_cast %scan3A_93 : i32 to index
      %swap3A_162 = arith.constant 64 : index
      %swap3A_163 = tpu.vector_load %arg8[%swap3A_161, %swap3A_162] {strides = array<i32>} : memref<80x128xi32, #tpu.memory_space<vmem>>, vector<1x16xi32>,
      %swap3A_164 = vector.shape_cast %swap3A_163 : vector<1x16xi32> to vector<16xi32>
      %swap3A_165 = vector.shape_cast %shift_right_arithmetic3A_160 : vector<16xi32> to vector<1x16xi32>
      tpu.vector_store %arg8[%swap3A_161, %swap3A_162], %swap3A_165 {strides = array<i32>} : memref<80x128xi32, #tpu.memory_space<vmem>>, vector<1x16xi32>,
      %mul3A_166 = arith.constant 128 : i32
      %mul3A_167 = arith.muli %scan3A_93, %mul3A_166 : i32
      %add3A_168 = arith.constant 80 : i32
      %add3A_169 = arith.addi %mul3A_167, %add3A_168 : i32
      %get3A_170 = arith.index_cast %add3A_169 : i32 to index
      %get3A_171 = tpu.vector_load %arg7[%get3A_170] {strides = array<i32>} : memref<10240xi32, #tpu.memory_space<vmem>>, vector<16xi32>,
      %get3A_172 = vector.shape_cast %get3A_171 : vector<16xi32> to vector<16xi32>
      %shift_right_arithmetic3A_173 = arith.constant 1 : i32
      %shift_right_arithmetic3A_174 = vector.broadcast %shift_right_arithmetic3A_173 : i32 to vector<16xi32>
      %shift_right_arithmetic3A_175 = arith.shrsi %get3A_172, %shift_right_arithmetic3A_174 : vector<16xi32>
      %swap3A_176 = arith.index_cast %scan3A_93 : i32 to index
      %swap3A_177 = arith.constant 80 : index
      %swap3A_178 = tpu.vector_load %arg8[%swap3A_176, %swap3A_177] {strides = array<i32>} : memref<80x128xi32, #tpu.memory_space<vmem>>, vector<1x16xi32>,
      %swap3A_179 = vector.shape_cast %swap3A_178 : vector<1x16xi32> to vector<16xi32>
      %swap3A_180 = vector.shape_cast %shift_right_arithmetic3A_175 : vector<16xi32> to vector<1x16xi32>
      tpu.vector_store %arg8[%swap3A_176, %swap3A_177], %swap3A_180 {strides = array<i32>} : memref<80x128xi32, #tpu.memory_space<vmem>>, vector<1x16xi32>,
      %mul3A_181 = arith.constant 128 : i32
      %mul3A_182 = arith.muli %scan3A_93, %mul3A_181 : i32
      %add3A_183 = arith.constant 96 : i32
      %add3A_184 = arith.addi %mul3A_182, %add3A_183 : i32
      %get3A_185 = arith.index_cast %add3A_184 : i32 to index
      %get3A_186 = tpu.vector_load %arg7[%get3A_185] {strides = array<i32>} : memref<10240xi32, #tpu.memory_space<vmem>>, vector<16xi32>,
      %get3A_187 = vector.shape_cast %get3A_186 : vector<16xi32> to vector<16xi32>
      %shift_right_arithmetic3A_188 = arith.constant 1 : i32
      %shift_right_arithmetic3A_189 = vector.broadcast %shift_right_arithmetic3A_188 : i32 to vector<16xi32>
      %shift_right_arithmetic3A_190 = arith.shrsi %get3A_187, %shift_right_arithmetic3A_189 : vector<16xi32>
      %swap3A_191 = arith.index_cast %scan3A_93 : i32 to index
      %swap3A_192 = arith.constant 96 : index
      %swap3A_193 = tpu.vector_load %arg8[%swap3A_191, %swap3A_192] {strides = array<i32>} : memref<80x128xi32, #tpu.memory_space<vmem>>, vector<1x16xi32>,
      %swap3A_194 = vector.shape_cast %swap3A_193 : vector<1x16xi32> to vector<16xi32>
      %swap3A_195 = vector.shape_cast %shift_right_arithmetic3A_190 : vector<16xi32> to vector<1x16xi32>
      tpu.vector_store %arg8[%swap3A_191, %swap3A_192], %swap3A_195 {strides = array<i32>} : memref<80x128xi32, #tpu.memory_space<vmem>>, vector<1x16xi32>,
      %mul3A_196 = arith.constant 128 : i32
      %mul3A_197 = arith.muli %scan3A_93, %mul3A_196 : i32
      %add3A_198 = arith.constant 112 : i32
      %add3A_199 = arith.addi %mul3A_197, %add3A_198 : i32
      %get3A_200 = arith.index_cast %add3A_199 : i32 to index
      %get3A_201 = tpu.vector_load %arg7[%get3A_200] {strides = array<i32>} : memref<10240xi32, #tpu.memory_space<vmem>>, vector<16xi32>,
      %get3A_202 = vector.shape_cast %get3A_201 : vector<16xi32> to vector<16xi32>
      %shift_right_arithmetic3A_203 = arith.constant 1 : i32
      %shift_right_arithmetic3A_204 = vector.broadcast %shift_right_arithmetic3A_203 : i32 to vector<16xi32>
      %shift_right_arithmetic3A_205 = arith.shrsi %get3A_202, %shift_right_arithmetic3A_204 : vector<16xi32>
      %swap3A_206 = arith.index_cast %scan3A_93 : i32 to index
      %swap3A_207 = arith.constant 112 : index
      %swap3A_208 = tpu.vector_load %arg8[%swap3A_206, %swap3A_207] {strides = array<i32>} : memref<80x128xi32, #tpu.memory_space<vmem>>, vector<1x16xi32>,
      %swap3A_209 = vector.shape_cast %swap3A_208 : vector<1x16xi32> to vector<16xi32>
      %swap3A_210 = vector.shape_cast %shift_right_arithmetic3A_205 : vector<16xi32> to vector<1x16xi32>
      tpu.vector_store %arg8[%swap3A_206, %swap3A_207], %swap3A_210 {strides = array<i32>} : memref<80x128xi32, #tpu.memory_space<vmem>>, vector<1x16xi32>,
    }
    %scan3A_41 = arith.constant 80 : i32
    %dma_start3A = arith.constant 0 : i32
    %dma_start3A_42 = tpu.memref_slice %arg6[%dma_start3A] : memref<10240xi32, #tpu.memory_space<vmem>> -> memref<128xi32, #tpu.memory_space<vmem>>
    %dma_start3A_43 = arith.constant 0 : i32
    %dma_start3A_44 = arith.constant 0 : i32
    %dma_start3A_45 = tpu.memref_slice %arg2[%dma_start3A_43, %dma_start3A_44] : memref<20000x128xf32, #tpu.memory_space<hbm>> -> memref<20000x128xf32, #tpu.memory_space<hbm>>
    tpu.enqueue_indirect_dma source(%dma_start3A_45 : memref<20000x128xf32, #tpu.memory_space<hbm>>) target(%arg9 : memref<128x128xf32, #tpu.memory_space<vmem>>) offsets(%dma_start3A_42 : memref<128xi32, #tpu.memory_space<vmem>>) semaphore(%arg13 : memref<!tpu.dma_semaphore, #tpu.memory_space<semaphore_mem>>)
    %scan3A_46 = arith.constant 0 : i32
    %scan3A_47 = arith.constant 0 : i32
    %scan3A_48 = arith.constant 40 : i32
    %scan3A_49 = arith.addi %scan3A_47, %scan3A_48 : i32
    %scan3A_50 = arith.constant 1 : i32
    scf.for %scan3A_93 = %scan3A_47 to %scan3A_49 step %scan3A_50  : i32 {
      %mul3A_94 = arith.constant 2 : i32
      %mul3A_95 = arith.muli %scan3A_93, %mul3A_94 : i32
      %add3A_96 = arith.constant 1 : i32
      %add3A_97 = arith.addi %mul3A_95, %add3A_96 : i32
      %mul3A_98 = arith.constant 128 : i32
      %mul3A_99 = arith.muli %add3A_97, %mul3A_98 : i32
      %dma_start3A_100 = tpu.memref_slice %arg6[%mul3A_99] : memref<10240xi32, #tpu.memory_space<vmem>> -> memref<128xi32, #tpu.memory_space<vmem>>
      %dma_start3A_101 = arith.constant 0 : i32
      %dma_start3A_102 = arith.constant 0 : i32
      %dma_start3A_103 = tpu.memref_slice %arg2[%dma_start3A_101, %dma_start3A_102] : memref<20000x128xf32, #tpu.memory_space<hbm>> -> memref<20000x128xf32, #tpu.memory_space<hbm>>
      tpu.enqueue_indirect_dma source(%dma_start3A_103 : memref<20000x128xf32, #tpu.memory_space<hbm>>) target(%arg10 : memref<128x128xf32, #tpu.memory_space<vmem>>) offsets(%dma_start3A_100 : memref<128xi32, #tpu.memory_space<vmem>>) semaphore(%arg14 : memref<!tpu.dma_semaphore, #tpu.memory_space<semaphore_mem>>)
      %mul3A_104 = arith.constant 128 : i32
      %mul3A_105 = arith.muli %mul3A_95, %mul3A_104 : i32
      %dma_wait3A = tpu.memref_slice %arg6[%mul3A_105] : memref<10240xi32, #tpu.memory_space<vmem>> -> memref<128xi32, #tpu.memory_space<vmem>>
      %dma_wait3A_106 = arith.constant 0 : i32
      %dma_wait3A_107 = arith.constant 0 : i32
      %dma_wait3A_108 = tpu.memref_slice %arg2[%dma_wait3A_106, %dma_wait3A_107] : memref<20000x128xf32, #tpu.memory_space<hbm>> -> memref<20000x128xf32, #tpu.memory_space<hbm>>
      tpu.wait_indirect_dma semaphore(%arg13 : memref<!tpu.dma_semaphore, #tpu.memory_space<semaphore_mem>>) src(%dma_wait3A_108 : memref<20000x128xf32, #tpu.memory_space<hbm>>) dst(%arg9 : memref<128x128xf32, #tpu.memory_space<vmem>>)
      "tpu.region"() ({
        %run_scoped3A = tpu.sem_alloc : memref<!tpu.dma_semaphore, #tpu.memory_space<semaphore_mem>>
        %dma_start3A_123 = arith.constant 0 : i32
        %dma_start3A_124 = tpu.memref_slice %arg8[%mul3A_95, %dma_start3A_123] : memref<80x128xi32, #tpu.memory_space<vmem>> -> memref<1x128xi32, #tpu.memory_space<vmem>>
        %dma_start3A_125 = tpu.memref_squeeze %dma_start3A_124 : memref<1x128xi32, #tpu.memory_space<vmem>> -> memref<128xi32, #tpu.memory_space<vmem>>
        %dma_start3A_126 = arith.constant 0 : i32
        %dma_start3A_127 = arith.constant 0 : i32
        %dma_start3A_128 = tpu.memref_slice %arg12[%dma_start3A_126, %dma_start3A_127] : memref<5120x128xf32, #tpu.memory_space<vmem_shared>> -> memref<5120x128xf32, #tpu.memory_space<vmem_shared>>
        tpu.enqueue_indirect_dma source(%arg9 : memref<128x128xf32, #tpu.memory_space<vmem>>) target(%dma_start3A_128 : memref<5120x128xf32, #tpu.memory_space<vmem_shared>>) offsets(%dma_start3A_125 : memref<128xi32, #tpu.memory_space<vmem>>) semaphore(%run_scoped3A : memref<!tpu.dma_semaphore, #tpu.memory_space<semaphore_mem>>) {add = true}
        %dma_wait3A_129 = arith.constant 0 : i32
        %dma_wait3A_130 = tpu.memref_slice %arg8[%mul3A_95, %dma_wait3A_129] : memref<80x128xi32, #tpu.memory_space<vmem>> -> memref<1x128xi32, #tpu.memory_space<vmem>>
        %dma_wait3A_131 = tpu.memref_squeeze %dma_wait3A_130 : memref<1x128xi32, #tpu.memory_space<vmem>> -> memref<128xi32, #tpu.memory_space<vmem>>
        %dma_wait3A_132 = arith.constant 0 : i32
        %dma_wait3A_133 = arith.constant 0 : i32
        %dma_wait3A_134 = tpu.memref_slice %arg12[%dma_wait3A_132, %dma_wait3A_133] : memref<5120x128xf32, #tpu.memory_space<vmem_shared>> -> memref<5120x128xf32, #tpu.memory_space<vmem_shared>>
        tpu.wait_indirect_dma semaphore(%run_scoped3A : memref<!tpu.dma_semaphore, #tpu.memory_space<semaphore_mem>>) src(%arg9 : memref<128x128xf32, #tpu.memory_space<vmem>>) dst(%dma_wait3A_134 : memref<5120x128xf32, #tpu.memory_space<vmem_shared>>)
        tpu.yield
      }) : () -> ()
      %add3A_109 = arith.constant 1 : i32
      %add3A_110 = arith.addi %scan3A_93, %add3A_109 : i32
      %lt3A = arith.constant 40 : i32
      %lt3A_111 = arith.cmpi slt, %add3A_110, %lt3A : i32
      %convert_element_type3A = arith.extui %lt3A_111 : i1 to i32
      %cond3A = arith.constant 0 : i32
      %cond3A_112 = arith.cmpi ne, %convert_element_type3A, %cond3A : i32
      scf.if %cond3A_112 {
        %add3A_123 = arith.constant 2 : i32
        %add3A_124 = arith.addi %mul3A_95, %add3A_123 : i32
        %mul3A_125 = arith.constant 128 : i32
        %mul3A_126 = arith.muli %add3A_124, %mul3A_125 : i32
        %dma_start3A_127 = tpu.memref_slice %arg6[%mul3A_126] : memref<10240xi32, #tpu.memory_space<vmem>> -> memref<128xi32, #tpu.memory_space<vmem>>
        %dma_start3A_128 = arith.constant 0 : i32
        %dma_start3A_129 = arith.constant 0 : i32
        %dma_start3A_130 = tpu.memref_slice %arg2[%dma_start3A_128, %dma_start3A_129] : memref<20000x128xf32, #tpu.memory_space<hbm>> -> memref<20000x128xf32, #tpu.memory_space<hbm>>
        tpu.enqueue_indirect_dma source(%dma_start3A_130 : memref<20000x128xf32, #tpu.memory_space<hbm>>) target(%arg9 : memref<128x128xf32, #tpu.memory_space<vmem>>) offsets(%dma_start3A_127 : memref<128xi32, #tpu.memory_space<vmem>>) semaphore(%arg13 : memref<!tpu.dma_semaphore, #tpu.memory_space<semaphore_mem>>)
      } else {
      }
      %add3A_113 = arith.constant 1 : i32
      %add3A_114 = arith.addi %mul3A_95, %add3A_113 : i32
      %mul3A_115 = arith.constant 128 : i32
      %mul3A_116 = arith.muli %add3A_114, %mul3A_115 : i32
      %dma_wait3A_117 = tpu.memref_slice %arg6[%mul3A_116] : memref<10240xi32, #tpu.memory_space<vmem>> -> memref<128xi32, #tpu.memory_space<vmem>>
      %dma_wait3A_118 = arith.constant 0 : i32
      %dma_wait3A_119 = arith.constant 0 : i32
      %dma_wait3A_120 = tpu.memref_slice %arg2[%dma_wait3A_118, %dma_wait3A_119] : memref<20000x128xf32, #tpu.memory_space<hbm>> -> memref<20000x128xf32, #tpu.memory_space<hbm>>
      tpu.wait_indirect_dma semaphore(%arg14 : memref<!tpu.dma_semaphore, #tpu.memory_space<semaphore_mem>>) src(%dma_wait3A_120 : memref<20000x128xf32, #tpu.memory_space<hbm>>) dst(%arg10 : memref<128x128xf32, #tpu.memory_space<vmem>>)
      %add3A_121 = arith.constant 1 : i32
      %add3A_122 = arith.addi %mul3A_95, %add3A_121 : i32
      "tpu.region"() ({
        %run_scoped3A = tpu.sem_alloc : memref<!tpu.dma_semaphore, #tpu.memory_space<semaphore_mem>>
        %dma_start3A_123 = arith.constant 0 : i32
        %dma_start3A_124 = tpu.memref_slice %arg8[%add3A_122, %dma_start3A_123] : memref<80x128xi32, #tpu.memory_space<vmem>> -> memref<1x128xi32, #tpu.memory_space<vmem>>
        %dma_start3A_125 = tpu.memref_squeeze %dma_start3A_124 : memref<1x128xi32, #tpu.memory_space<vmem>> -> memref<128xi32, #tpu.memory_space<vmem>>
        %dma_start3A_126 = arith.constant 0 : i32
        %dma_start3A_127 = arith.constant 0 : i32
        %dma_start3A_128 = tpu.memref_slice %arg12[%dma_start3A_126, %dma_start3A_127] : memref<5120x128xf32, #tpu.memory_space<vmem_shared>> -> memref<5120x128xf32, #tpu.memory_space<vmem_shared>>
        tpu.enqueue_indirect_dma source(%arg10 : memref<128x128xf32, #tpu.memory_space<vmem>>) target(%dma_start3A_128 : memref<5120x128xf32, #tpu.memory_space<vmem_shared>>) offsets(%dma_start3A_125 : memref<128xi32, #tpu.memory_space<vmem>>) semaphore(%run_scoped3A : memref<!tpu.dma_semaphore, #tpu.memory_space<semaphore_mem>>) {add = true}
        %dma_wait3A_129 = arith.constant 0 : i32
        %dma_wait3A_130 = tpu.memref_slice %arg8[%add3A_122, %dma_wait3A_129] : memref<80x128xi32, #tpu.memory_space<vmem>> -> memref<1x128xi32, #tpu.memory_space<vmem>>
        %dma_wait3A_131 = tpu.memref_squeeze %dma_wait3A_130 : memref<1x128xi32, #tpu.memory_space<vmem>> -> memref<128xi32, #tpu.memory_space<vmem>>
        %dma_wait3A_132 = arith.constant 0 : i32
        %dma_wait3A_133 = arith.constant 0 : i32
        %dma_wait3A_134 = tpu.memref_slice %arg12[%dma_wait3A_132, %dma_wait3A_133] : memref<5120x128xf32, #tpu.memory_space<vmem_shared>> -> memref<5120x128xf32, #tpu.memory_space<vmem_shared>>
        tpu.wait_indirect_dma semaphore(%run_scoped3A : memref<!tpu.dma_semaphore, #tpu.memory_space<semaphore_mem>>) src(%arg10 : memref<128x128xf32, #tpu.memory_space<vmem>>) dst(%dma_wait3A_134 : memref<5120x128xf32, #tpu.memory_space<vmem_shared>>)
        tpu.yield
      }) : () -> ()
    }
    %scan3A_51 = arith.constant 40 : i32
    %barrier3A_52 = arith.constant 0 : index
    tpu.barrier barrier_id(%barrier3A_52)
    %mul3A_53 = arith.constant 320 : i32
    %mul3A_54 = arith.muli %arg1, %mul3A_53 : i32
    %add3A_55 = arith.constant 0 : i32
    %add3A_56 = arith.addi %mul3A_54, %add3A_55 : i32
    %mul3A_57 = arith.constant 320 : i32
    %mul3A_58 = arith.muli %arg1, %mul3A_57 : i32
    %add3A_59 = arith.constant 0 : i32
    %add3A_60 = arith.addi %mul3A_58, %add3A_59 : i32
    "tpu.region"() ({
      %run_scoped3A = tpu.sem_alloc : memref<!tpu.dma_semaphore, #tpu.memory_space<semaphore_mem>>
      %dma_start3A_93 = arith.constant 0 : i32
      %dma_start3A_94 = tpu.memref_slice %arg5[%arg0, %add3A_60, %dma_start3A_93] : memref<2x5120x128xf32, #tpu.memory_space<hbm>> -> memref<1x64x128xf32, #tpu.memory_space<hbm>>
      %dma_start3A_95 = tpu.memref_squeeze %dma_start3A_94 : memref<1x64x128xf32, #tpu.memory_space<hbm>> -> memref<64x128xf32, #tpu.memory_space<hbm>>
      %dma_start3A_96 = arith.constant 0 : i32
      %dma_start3A_97 = tpu.memref_slice %arg12[%add3A_56, %dma_start3A_96] : memref<5120x128xf32, #tpu.memory_space<vmem_shared>> -> memref<64x128xf32, #tpu.memory_space<vmem_shared>>
      tpu.enqueue_dma source(%dma_start3A_97 : memref<64x128xf32, #tpu.memory_space<vmem_shared>>) target(%dma_start3A_95 : memref<64x128xf32, #tpu.memory_space<hbm>>) target_semaphore(%run_scoped3A : memref<!tpu.dma_semaphore, #tpu.memory_space<semaphore_mem>>)
      %dma_wait3A = arith.constant 0 : i32
      %dma_wait3A_98 = tpu.memref_slice %arg5[%arg0, %add3A_60, %dma_wait3A] : memref<2x5120x128xf32, #tpu.memory_space<hbm>> -> memref<1x64x128xf32, #tpu.memory_space<hbm>>
      %dma_wait3A_99 = tpu.memref_squeeze %dma_wait3A_98 : memref<1x64x128xf32, #tpu.memory_space<hbm>> -> memref<64x128xf32, #tpu.memory_space<hbm>>
      %dma_wait3A_100 = arith.constant 0 : i32
      %dma_wait3A_101 = tpu.memref_slice %arg12[%add3A_56, %dma_wait3A_100] : memref<5120x128xf32, #tpu.memory_space<vmem_shared>> -> memref<64x128xf32, #tpu.memory_space<vmem_shared>>
      tpu.wait_dma2 semaphore(%run_scoped3A : memref<!tpu.dma_semaphore, #tpu.memory_space<semaphore_mem>>) src(%dma_wait3A_101 : memref<64x128xf32, #tpu.memory_space<vmem_shared>>) dst(%dma_wait3A_99 : memref<64x128xf32, #tpu.memory_space<hbm>>)
      tpu.yield
    }) : () -> ()
    %mul3A_61 = arith.constant 320 : i32
    %mul3A_62 = arith.muli %arg1, %mul3A_61 : i32
    %add3A_63 = arith.constant 64 : i32
    %add3A_64 = arith.addi %mul3A_62, %add3A_63 : i32
    %mul3A_65 = arith.constant 320 : i32
    %mul3A_66 = arith.muli %arg1, %mul3A_65 : i32
    %add3A_67 = arith.constant 64 : i32
    %add3A_68 = arith.addi %mul3A_66, %add3A_67 : i32
    "tpu.region"() ({
      %run_scoped3A = tpu.sem_alloc : memref<!tpu.dma_semaphore, #tpu.memory_space<semaphore_mem>>
      %dma_start3A_93 = arith.constant 0 : i32
      %dma_start3A_94 = tpu.memref_slice %arg5[%arg0, %add3A_68, %dma_start3A_93] : memref<2x5120x128xf32, #tpu.memory_space<hbm>> -> memref<1x64x128xf32, #tpu.memory_space<hbm>>
      %dma_start3A_95 = tpu.memref_squeeze %dma_start3A_94 : memref<1x64x128xf32, #tpu.memory_space<hbm>> -> memref<64x128xf32, #tpu.memory_space<hbm>>
      %dma_start3A_96 = arith.constant 0 : i32
      %dma_start3A_97 = tpu.memref_slice %arg12[%add3A_64, %dma_start3A_96] : memref<5120x128xf32, #tpu.memory_space<vmem_shared>> -> memref<64x128xf32, #tpu.memory_space<vmem_shared>>
      tpu.enqueue_dma source(%dma_start3A_97 : memref<64x128xf32, #tpu.memory_space<vmem_shared>>) target(%dma_start3A_95 : memref<64x128xf32, #tpu.memory_space<hbm>>) target_semaphore(%run_scoped3A : memref<!tpu.dma_semaphore, #tpu.memory_space<semaphore_mem>>)
      %dma_wait3A = arith.constant 0 : i32
      %dma_wait3A_98 = tpu.memref_slice %arg5[%arg0, %add3A_68, %dma_wait3A] : memref<2x5120x128xf32, #tpu.memory_space<hbm>> -> memref<1x64x128xf32, #tpu.memory_space<hbm>>
      %dma_wait3A_99 = tpu.memref_squeeze %dma_wait3A_98 : memref<1x64x128xf32, #tpu.memory_space<hbm>> -> memref<64x128xf32, #tpu.memory_space<hbm>>
      %dma_wait3A_100 = arith.constant 0 : i32
      %dma_wait3A_101 = tpu.memref_slice %arg12[%add3A_64, %dma_wait3A_100] : memref<5120x128xf32, #tpu.memory_space<vmem_shared>> -> memref<64x128xf32, #tpu.memory_space<vmem_shared>>
      tpu.wait_dma2 semaphore(%run_scoped3A : memref<!tpu.dma_semaphore, #tpu.memory_space<semaphore_mem>>) src(%dma_wait3A_101 : memref<64x128xf32, #tpu.memory_space<vmem_shared>>) dst(%dma_wait3A_99 : memref<64x128xf32, #tpu.memory_space<hbm>>)
      tpu.yield
    }) : () -> ()
    %mul3A_69 = arith.constant 320 : i32
    %mul3A_70 = arith.muli %arg1, %mul3A_69 : i32
    %add3A_71 = arith.constant 128 : i32
    %add3A_72 = arith.addi %mul3A_70, %add3A_71 : i32
    %mul3A_73 = arith.constant 320 : i32
    %mul3A_74 = arith.muli %arg1, %mul3A_73 : i32
    %add3A_75 = arith.constant 128 : i32
    %add3A_76 = arith.addi %mul3A_74, %add3A_75 : i32
    "tpu.region"() ({
      %run_scoped3A = tpu.sem_alloc : memref<!tpu.dma_semaphore, #tpu.memory_space<semaphore_mem>>
      %dma_start3A_93 = arith.constant 0 : i32
      %dma_start3A_94 = tpu.memref_slice %arg5[%arg0, %add3A_76, %dma_start3A_93] : memref<2x5120x128xf32, #tpu.memory_space<hbm>> -> memref<1x64x128xf32, #tpu.memory_space<hbm>>
      %dma_start3A_95 = tpu.memref_squeeze %dma_start3A_94 : memref<1x64x128xf32, #tpu.memory_space<hbm>> -> memref<64x128xf32, #tpu.memory_space<hbm>>
      %dma_start3A_96 = arith.constant 0 : i32
      %dma_start3A_97 = tpu.memref_slice %arg12[%add3A_72, %dma_start3A_96] : memref<5120x128xf32, #tpu.memory_space<vmem_shared>> -> memref<64x128xf32, #tpu.memory_space<vmem_shared>>
      tpu.enqueue_dma source(%dma_start3A_97 : memref<64x128xf32, #tpu.memory_space<vmem_shared>>) target(%dma_start3A_95 : memref<64x128xf32, #tpu.memory_space<hbm>>) target_semaphore(%run_scoped3A : memref<!tpu.dma_semaphore, #tpu.memory_space<semaphore_mem>>)
      %dma_wait3A = arith.constant 0 : i32
      %dma_wait3A_98 = tpu.memref_slice %arg5[%arg0, %add3A_76, %dma_wait3A] : memref<2x5120x128xf32, #tpu.memory_space<hbm>> -> memref<1x64x128xf32, #tpu.memory_space<hbm>>
      %dma_wait3A_99 = tpu.memref_squeeze %dma_wait3A_98 : memref<1x64x128xf32, #tpu.memory_space<hbm>> -> memref<64x128xf32, #tpu.memory_space<hbm>>
      %dma_wait3A_100 = arith.constant 0 : i32
      %dma_wait3A_101 = tpu.memref_slice %arg12[%add3A_72, %dma_wait3A_100] : memref<5120x128xf32, #tpu.memory_space<vmem_shared>> -> memref<64x128xf32, #tpu.memory_space<vmem_shared>>
      tpu.wait_dma2 semaphore(%run_scoped3A : memref<!tpu.dma_semaphore, #tpu.memory_space<semaphore_mem>>) src(%dma_wait3A_101 : memref<64x128xf32, #tpu.memory_space<vmem_shared>>) dst(%dma_wait3A_99 : memref<64x128xf32, #tpu.memory_space<hbm>>)
      tpu.yield
    }) : () -> ()
    %mul3A_77 = arith.constant 320 : i32
    %mul3A_78 = arith.muli %arg1, %mul3A_77 : i32
    %add3A_79 = arith.constant 192 : i32
    %add3A_80 = arith.addi %mul3A_78, %add3A_79 : i32
    %mul3A_81 = arith.constant 320 : i32
    %mul3A_82 = arith.muli %arg1, %mul3A_81 : i32
    %add3A_83 = arith.constant 192 : i32
    %add3A_84 = arith.addi %mul3A_82, %add3A_83 : i32
    "tpu.region"() ({
      %run_scoped3A = tpu.sem_alloc : memref<!tpu.dma_semaphore, #tpu.memory_space<semaphore_mem>>
      %dma_start3A_93 = arith.constant 0 : i32
      %dma_start3A_94 = tpu.memref_slice %arg5[%arg0, %add3A_84, %dma_start3A_93] : memref<2x5120x128xf32, #tpu.memory_space<hbm>> -> memref<1x64x128xf32, #tpu.memory_space<hbm>>
      %dma_start3A_95 = tpu.memref_squeeze %dma_start3A_94 : memref<1x64x128xf32, #tpu.memory_space<hbm>> -> memref<64x128xf32, #tpu.memory_space<hbm>>
      %dma_start3A_96 = arith.constant 0 : i32
      %dma_start3A_97 = tpu.memref_slice %arg12[%add3A_80, %dma_start3A_96] : memref<5120x128xf32, #tpu.memory_space<vmem_shared>> -> memref<64x128xf32, #tpu.memory_space<vmem_shared>>
      tpu.enqueue_dma source(%dma_start3A_97 : memref<64x128xf32, #tpu.memory_space<vmem_shared>>) target(%dma_start3A_95 : memref<64x128xf32, #tpu.memory_space<hbm>>) target_semaphore(%run_scoped3A : memref<!tpu.dma_semaphore, #tpu.memory_space<semaphore_mem>>)
      %dma_wait3A = arith.constant 0 : i32
      %dma_wait3A_98 = tpu.memref_slice %arg5[%arg0, %add3A_84, %dma_wait3A] : memref<2x5120x128xf32, #tpu.memory_space<hbm>> -> memref<1x64x128xf32, #tpu.memory_space<hbm>>
      %dma_wait3A_99 = tpu.memref_squeeze %dma_wait3A_98 : memref<1x64x128xf32, #tpu.memory_space<hbm>> -> memref<64x128xf32, #tpu.memory_space<hbm>>
      %dma_wait3A_100 = arith.constant 0 : i32
      %dma_wait3A_101 = tpu.memref_slice %arg12[%add3A_80, %dma_wait3A_100] : memref<5120x128xf32, #tpu.memory_space<vmem_shared>> -> memref<64x128xf32, #tpu.memory_space<vmem_shared>>
      tpu.wait_dma2 semaphore(%run_scoped3A : memref<!tpu.dma_semaphore, #tpu.memory_space<semaphore_mem>>) src(%dma_wait3A_101 : memref<64x128xf32, #tpu.memory_space<vmem_shared>>) dst(%dma_wait3A_99 : memref<64x128xf32, #tpu.memory_space<hbm>>)
      tpu.yield
    }) : () -> ()
    %mul3A_85 = arith.constant 320 : i32
    %mul3A_86 = arith.muli %arg1, %mul3A_85 : i32
    %add3A_87 = arith.constant 256 : i32
    %add3A_88 = arith.addi %mul3A_86, %add3A_87 : i32
    %mul3A_89 = arith.constant 320 : i32
    %mul3A_90 = arith.muli %arg1, %mul3A_89 : i32
    %add3A_91 = arith.constant 256 : i32
    %add3A_92 = arith.addi %mul3A_90, %add3A_91 : i32
    "tpu.region"() ({
      %run_scoped3A = tpu.sem_alloc : memref<!tpu.dma_semaphore, #tpu.memory_space<semaphore_mem>>
      %dma_start3A_93 = arith.constant 0 : i32
      %dma_start3A_94 = tpu.memref_slice %arg5[%arg0, %add3A_92, %dma_start3A_93] : memref<2x5120x128xf32, #tpu.memory_space<hbm>> -> memref<1x64x128xf32, #tpu.memory_space<hbm>>
      %dma_start3A_95 = tpu.memref_squeeze %dma_start3A_94 : memref<1x64x128xf32, #tpu.memory_space<hbm>> -> memref<64x128xf32, #tpu.memory_space<hbm>>
      %dma_start3A_96 = arith.constant 0 : i32
      %dma_start3A_97 = tpu.memref_slice %arg12[%add3A_88, %dma_start3A_96] : memref<5120x128xf32, #tpu.memory_space<vmem_shared>> -> memref<64x128xf32, #tpu.memory_space<vmem_shared>>
      tpu.enqueue_dma source(%dma_start3A_97 : memref<64x128xf32, #tpu.memory_space<vmem_shared>>) target(%dma_start3A_95 : memref<64x128xf32, #tpu.memory_space<hbm>>) target_semaphore(%run_scoped3A : memref<!tpu.dma_semaphore, #tpu.memory_space<semaphore_mem>>)
      %dma_wait3A = arith.constant 0 : i32
      %dma_wait3A_98 = tpu.memref_slice %arg5[%arg0, %add3A_92, %dma_wait3A] : memref<2x5120x128xf32, #tpu.memory_space<hbm>> -> memref<1x64x128xf32, #tpu.memory_space<hbm>>
      %dma_wait3A_99 = tpu.memref_squeeze %dma_wait3A_98 : memref<1x64x128xf32, #tpu.memory_space<hbm>> -> memref<64x128xf32, #tpu.memory_space<hbm>>
      %dma_wait3A_100 = arith.constant 0 : i32
      %dma_wait3A_101 = tpu.memref_slice %arg12[%add3A_88, %dma_wait3A_100] : memref<5120x128xf32, #tpu.memory_space<vmem_shared>> -> memref<64x128xf32, #tpu.memory_space<vmem_shared>>
      tpu.wait_dma2 semaphore(%run_scoped3A : memref<!tpu.dma_semaphore, #tpu.memory_space<semaphore_mem>>) src(%dma_wait3A_101 : memref<64x128xf32, #tpu.memory_space<vmem_shared>>) dst(%dma_wait3A_99 : memref<64x128xf32, #tpu.memory_space<hbm>>)
      tpu.yield
    }) : () -> ()
    return
  }
}

#map = affine_map<(d0, d1) -> (0, 0)>
#map1 = affine_map<(d0, d1) -> (0)>
#map2 = affine_map<(d0, d1) -> (0, 0, 0)>
module attributes {stable_mosaic.version = 14 : i64} {
  func.func @agg_kernel(%arg0: i32, %arg1: i32, %arg2: memref<20000x128xf32, #tpu.memory_space<hbm>>, %arg3: memref<327680xi32, #tpu.memory_space<hbm>>, %arg4: memref<327680xi32, #tpu.memory_space<hbm>>, %arg5: memref<2x5120x128xf32, #tpu.memory_space<hbm>>, %arg6: memref<10240xi32, #tpu.memory_space<vmem>>, %arg7: memref<10240xi32, #tpu.memory_space<vmem>>, %arg8: memref<80x128xi32, #tpu.memory_space<vmem>>, %arg9: memref<128x128xf32, #tpu.memory_space<vmem>>, %arg10: memref<128x128xf32, #tpu.memory_space<vmem>>, %arg11: memref<64x128xf32, #tpu.memory_space<vmem>>, %arg12: memref<5120x128xf32, #tpu.memory_space<vmem_shared>>, %arg13: memref<!tpu.dma_semaphore, #tpu.memory_space<semaphore_mem>>, %arg14: memref<!tpu.dma_semaphore, #tpu.memory_space<semaphore_mem>>) attributes {dimension_semantics = [#tpu.dimension_semantics<core_parallel>, #tpu.dimension_semantics<subcore_parallel>], iteration_bounds = array<i64: 2, 16>, scalar_prefetch = 0 : i64, scratch_operands = 9 : i64, tpu.core_type = #tpu.core_type<sc_vector_subcore>, window_params = [{transform_indices = #map}, {transform_indices = #map1}, {transform_indices = #map1}, {transform_indices = #map2}]} {
    %mul3A = arith.constant 2 : i32
    %mul3A_0 = arith.muli %arg1, %mul3A : i32
    %add3A = arith.addi %mul3A_0, %arg0 : i32
    %scan3A = arith.constant 0 : i32
    %scan3A_1 = arith.constant 0 : i32
    %scan3A_2 = arith.constant 64 : i32
    %scan3A_3 = arith.addi %scan3A_1, %scan3A_2 : i32
    %scan3A_4 = arith.constant 1 : i32
    scf.for %scan3A_93 = %scan3A_1 to %scan3A_3 step %scan3A_4  : i32 {
      %broadcast_in_dim3A = arith.constant 0.000000e+00 : f32
      %broadcast_in_dim3A_94 = vector.broadcast %broadcast_in_dim3A : f32 to vector<16xf32>
      %swap3A = arith.index_cast %scan3A_93 : i32 to index
      %swap3A_95 = arith.constant 0 : index
      %swap3A_96 = tpu.vector_load %arg11[%swap3A, %swap3A_95] {strides = array<i32>} : memref<64x128xf32, #tpu.memory_space<vmem>>, vector<1x16xf32>,
      %swap3A_97 = vector.shape_cast %swap3A_96 : vector<1x16xf32> to vector<16xf32>
      %swap3A_98 = vector.shape_cast %broadcast_in_dim3A_94 : vector<16xf32> to vector<1x16xf32>
      tpu.vector_store %arg11[%swap3A, %swap3A_95], %swap3A_98 {strides = array<i32>} : memref<64x128xf32, #tpu.memory_space<vmem>>, vector<1x16xf32>,
      %broadcast_in_dim3A_99 = arith.constant 0.000000e+00 : f32
      %broadcast_in_dim3A_100 = vector.broadcast %broadcast_in_dim3A_99 : f32 to vector<16xf32>
      %swap3A_101 = arith.index_cast %scan3A_93 : i32 to index
      %swap3A_102 = arith.constant 16 : index
      %swap3A_103 = tpu.vector_load %arg11[%swap3A_101, %swap3A_102] {strides = array<i32>} : memref<64x128xf32, #tpu.memory_space<vmem>>, vector<1x16xf32>,
      %swap3A_104 = vector.shape_cast %swap3A_103 : vector<1x16xf32> to vector<16xf32>
      %swap3A_105 = vector.shape_cast %broadcast_in_dim3A_100 : vector<16xf32> to vector<1x16xf32>
      tpu.vector_store %arg11[%swap3A_101, %swap3A_102], %swap3A_105 {strides = array<i32>} : memref<64x128xf32, #tpu.memory_space<vmem>>, vector<1x16xf32>,
      %broadcast_in_dim3A_106 = arith.constant 0.000000e+00 : f32
      %broadcast_in_dim3A_107 = vector.broadcast %broadcast_in_dim3A_106 : f32 to vector<16xf32>
      %swap3A_108 = arith.index_cast %scan3A_93 : i32 to index
      %swap3A_109 = arith.constant 32 : index
      %swap3A_110 = tpu.vector_load %arg11[%swap3A_108, %swap3A_109] {strides = array<i32>} : memref<64x128xf32, #tpu.memory_space<vmem>>, vector<1x16xf32>,
      %swap3A_111 = vector.shape_cast %swap3A_110 : vector<1x16xf32> to vector<16xf32>
      %swap3A_112 = vector.shape_cast %broadcast_in_dim3A_107 : vector<16xf32> to vector<1x16xf32>
      tpu.vector_store %arg11[%swap3A_108, %swap3A_109], %swap3A_112 {strides = array<i32>} : memref<64x128xf32, #tpu.memory_space<vmem>>, vector<1x16xf32>,
      %broadcast_in_dim3A_113 = arith.constant 0.000000e+00 : f32
      %broadcast_in_dim3A_114 = vector.broadcast %broadcast_in_dim3A_113 : f32 to vector<16xf32>
      %swap3A_115 = arith.index_cast %scan3A_93 : i32 to index
      %swap3A_116 = arith.constant 48 : index
      %swap3A_117 = tpu.vector_load %arg11[%swap3A_115, %swap3A_116] {strides = array<i32>} : memref<64x128xf32, #tpu.memory_space<vmem>>, vector<1x16xf32>,
      %swap3A_118 = vector.shape_cast %swap3A_117 : vector<1x16xf32> to vector<16xf32>
      %swap3A_119 = vector.shape_cast %broadcast_in_dim3A_114 : vector<16xf32> to vector<1x16xf32>
      tpu.vector_store %arg11[%swap3A_115, %swap3A_116], %swap3A_119 {strides = array<i32>} : memref<64x128xf32, #tpu.memory_space<vmem>>, vector<1x16xf32>,
      %broadcast_in_dim3A_120 = arith.constant 0.000000e+00 : f32
      %broadcast_in_dim3A_121 = vector.broadcast %broadcast_in_dim3A_120 : f32 to vector<16xf32>
      %swap3A_122 = arith.index_cast %scan3A_93 : i32 to index
      %swap3A_123 = arith.constant 64 : index
      %swap3A_124 = tpu.vector_load %arg11[%swap3A_122, %swap3A_123] {strides = array<i32>} : memref<64x128xf32, #tpu.memory_space<vmem>>, vector<1x16xf32>,
      %swap3A_125 = vector.shape_cast %swap3A_124 : vector<1x16xf32> to vector<16xf32>
      %swap3A_126 = vector.shape_cast %broadcast_in_dim3A_121 : vector<16xf32> to vector<1x16xf32>
      tpu.vector_store %arg11[%swap3A_122, %swap3A_123], %swap3A_126 {strides = array<i32>} : memref<64x128xf32, #tpu.memory_space<vmem>>, vector<1x16xf32>,
      %broadcast_in_dim3A_127 = arith.constant 0.000000e+00 : f32
      %broadcast_in_dim3A_128 = vector.broadcast %broadcast_in_dim3A_127 : f32 to vector<16xf32>
      %swap3A_129 = arith.index_cast %scan3A_93 : i32 to index
      %swap3A_130 = arith.constant 80 : index
      %swap3A_131 = tpu.vector_load %arg11[%swap3A_129, %swap3A_130] {strides = array<i32>} : memref<64x128xf32, #tpu.memory_space<vmem>>, vector<1x16xf32>,
      %swap3A_132 = vector.shape_cast %swap3A_131 : vector<1x16xf32> to vector<16xf32>
      %swap3A_133 = vector.shape_cast %broadcast_in_dim3A_128 : vector<16xf32> to vector<1x16xf32>
      tpu.vector_store %arg11[%swap3A_129, %swap3A_130], %swap3A_133 {strides = array<i32>} : memref<64x128xf32, #tpu.memory_space<vmem>>, vector<1x16xf32>,
      %broadcast_in_dim3A_134 = arith.constant 0.000000e+00 : f32
      %broadcast_in_dim3A_135 = vector.broadcast %broadcast_in_dim3A_134 : f32 to vector<16xf32>
      %swap3A_136 = arith.index_cast %scan3A_93 : i32 to index
      %swap3A_137 = arith.constant 96 : index
      %swap3A_138 = tpu.vector_load %arg11[%swap3A_136, %swap3A_137] {strides = array<i32>} : memref<64x128xf32, #tpu.memory_space<vmem>>, vector<1x16xf32>,
      %swap3A_139 = vector.shape_cast %swap3A_138 : vector<1x16xf32> to vector<16xf32>
      %swap3A_140 = vector.shape_cast %broadcast_in_dim3A_135 : vector<16xf32> to vector<1x16xf32>
      tpu.vector_store %arg11[%swap3A_136, %swap3A_137], %swap3A_140 {strides = array<i32>} : memref<64x128xf32, #tpu.memory_space<vmem>>, vector<1x16xf32>,
      %broadcast_in_dim3A_141 = arith.constant 0.000000e+00 : f32
      %broadcast_in_dim3A_142 = vector.broadcast %broadcast_in_dim3A_141 : f32 to vector<16xf32>
      %swap3A_143 = arith.index_cast %scan3A_93 : i32 to index
      %swap3A_144 = arith.constant 112 : index
      %swap3A_145 = tpu.vector_load %arg11[%swap3A_143, %swap3A_144] {strides = array<i32>} : memref<64x128xf32, #tpu.memory_space<vmem>>, vector<1x16xf32>,
      %swap3A_146 = vector.shape_cast %swap3A_145 : vector<1x16xf32> to vector<16xf32>
      %swap3A_147 = vector.shape_cast %broadcast_in_dim3A_142 : vector<16xf32> to vector<1x16xf32>
      tpu.vector_store %arg11[%swap3A_143, %swap3A_144], %swap3A_147 {strides = array<i32>} : memref<64x128xf32, #tpu.memory_space<vmem>>, vector<1x16xf32>,
    }
    %scan3A_5 = arith.constant 64 : i32
    %mul3A_6 = arith.constant 320 : i32
    %mul3A_7 = arith.muli %arg1, %mul3A_6 : i32
    %add3A_8 = arith.constant 0 : i32
    %add3A_9 = arith.addi %mul3A_7, %add3A_8 : i32
    "tpu.region"() ({
      %run_scoped3A = tpu.sem_alloc : memref<!tpu.dma_semaphore, #tpu.memory_space<semaphore_mem>>
      %dma_start3A_93 = arith.constant 0 : i32
      %dma_start3A_94 = tpu.memref_slice %arg12[%add3A_9, %dma_start3A_93] : memref<5120x128xf32, #tpu.memory_space<vmem_shared>> -> memref<64x128xf32, #tpu.memory_space<vmem_shared>>
      %dma_start3A_95 = arith.constant 0 : i32
      %dma_start3A_96 = tpu.memref_slice %arg12[%add3A_9, %dma_start3A_95] : memref<5120x128xf32, #tpu.memory_space<vmem_shared>> -> memref<64x128xf32, #tpu.memory_space<vmem_shared>>
      tpu.enqueue_dma source(%arg11 : memref<64x128xf32, #tpu.memory_space<vmem>>) target(%dma_start3A_96 : memref<64x128xf32, #tpu.memory_space<vmem_shared>>) target_semaphore(%run_scoped3A : memref<!tpu.dma_semaphore, #tpu.memory_space<semaphore_mem>>)
      %dma_wait3A = arith.constant 0 : i32
      %dma_wait3A_97 = tpu.memref_slice %arg12[%add3A_9, %dma_wait3A] : memref<5120x128xf32, #tpu.memory_space<vmem_shared>> -> memref<64x128xf32, #tpu.memory_space<vmem_shared>>
      %dma_wait3A_98 = arith.constant 0 : i32
      %dma_wait3A_99 = tpu.memref_slice %arg12[%add3A_9, %dma_wait3A_98] : memref<5120x128xf32, #tpu.memory_space<vmem_shared>> -> memref<64x128xf32, #tpu.memory_space<vmem_shared>>
      tpu.wait_dma2 semaphore(%run_scoped3A : memref<!tpu.dma_semaphore, #tpu.memory_space<semaphore_mem>>) src(%arg11 : memref<64x128xf32, #tpu.memory_space<vmem>>) dst(%dma_wait3A_99 : memref<64x128xf32, #tpu.memory_space<vmem_shared>>)
      tpu.yield
    }) : () -> ()
    %mul3A_10 = arith.constant 320 : i32
    %mul3A_11 = arith.muli %arg1, %mul3A_10 : i32
    %add3A_12 = arith.constant 64 : i32
    %add3A_13 = arith.addi %mul3A_11, %add3A_12 : i32
    "tpu.region"() ({
      %run_scoped3A = tpu.sem_alloc : memref<!tpu.dma_semaphore, #tpu.memory_space<semaphore_mem>>
      %dma_start3A_93 = arith.constant 0 : i32
      %dma_start3A_94 = tpu.memref_slice %arg12[%add3A_13, %dma_start3A_93] : memref<5120x128xf32, #tpu.memory_space<vmem_shared>> -> memref<64x128xf32, #tpu.memory_space<vmem_shared>>
      %dma_start3A_95 = arith.constant 0 : i32
      %dma_start3A_96 = tpu.memref_slice %arg12[%add3A_13, %dma_start3A_95] : memref<5120x128xf32, #tpu.memory_space<vmem_shared>> -> memref<64x128xf32, #tpu.memory_space<vmem_shared>>
      tpu.enqueue_dma source(%arg11 : memref<64x128xf32, #tpu.memory_space<vmem>>) target(%dma_start3A_96 : memref<64x128xf32, #tpu.memory_space<vmem_shared>>) target_semaphore(%run_scoped3A : memref<!tpu.dma_semaphore, #tpu.memory_space<semaphore_mem>>)
      %dma_wait3A = arith.constant 0 : i32
      %dma_wait3A_97 = tpu.memref_slice %arg12[%add3A_13, %dma_wait3A] : memref<5120x128xf32, #tpu.memory_space<vmem_shared>> -> memref<64x128xf32, #tpu.memory_space<vmem_shared>>
      %dma_wait3A_98 = arith.constant 0 : i32
      %dma_wait3A_99 = tpu.memref_slice %arg12[%add3A_13, %dma_wait3A_98] : memref<5120x128xf32, #tpu.memory_space<vmem_shared>> -> memref<64x128xf32, #tpu.memory_space<vmem_shared>>
      tpu.wait_dma2 semaphore(%run_scoped3A : memref<!tpu.dma_semaphore, #tpu.memory_space<semaphore_mem>>) src(%arg11 : memref<64x128xf32, #tpu.memory_space<vmem>>) dst(%dma_wait3A_99 : memref<64x128xf32, #tpu.memory_space<vmem_shared>>)
      tpu.yield
    }) : () -> ()
    %mul3A_14 = arith.constant 320 : i32
    %mul3A_15 = arith.muli %arg1, %mul3A_14 : i32
    %add3A_16 = arith.constant 128 : i32
    %add3A_17 = arith.addi %mul3A_15, %add3A_16 : i32
    "tpu.region"() ({
      %run_scoped3A = tpu.sem_alloc : memref<!tpu.dma_semaphore, #tpu.memory_space<semaphore_mem>>
      %dma_start3A_93 = arith.constant 0 : i32
      %dma_start3A_94 = tpu.memref_slice %arg12[%add3A_17, %dma_start3A_93] : memref<5120x128xf32, #tpu.memory_space<vmem_shared>> -> memref<64x128xf32, #tpu.memory_space<vmem_shared>>
      %dma_start3A_95 = arith.constant 0 : i32
      %dma_start3A_96 = tpu.memref_slice %arg12[%add3A_17, %dma_start3A_95] : memref<5120x128xf32, #tpu.memory_space<vmem_shared>> -> memref<64x128xf32, #tpu.memory_space<vmem_shared>>
      tpu.enqueue_dma source(%arg11 : memref<64x128xf32, #tpu.memory_space<vmem>>) target(%dma_start3A_96 : memref<64x128xf32, #tpu.memory_space<vmem_shared>>) target_semaphore(%run_scoped3A : memref<!tpu.dma_semaphore, #tpu.memory_space<semaphore_mem>>)
      %dma_wait3A = arith.constant 0 : i32
      %dma_wait3A_97 = tpu.memref_slice %arg12[%add3A_17, %dma_wait3A] : memref<5120x128xf32, #tpu.memory_space<vmem_shared>> -> memref<64x128xf32, #tpu.memory_space<vmem_shared>>
      %dma_wait3A_98 = arith.constant 0 : i32
      %dma_wait3A_99 = tpu.memref_slice %arg12[%add3A_17, %dma_wait3A_98] : memref<5120x128xf32, #tpu.memory_space<vmem_shared>> -> memref<64x128xf32, #tpu.memory_space<vmem_shared>>
      tpu.wait_dma2 semaphore(%run_scoped3A : memref<!tpu.dma_semaphore, #tpu.memory_space<semaphore_mem>>) src(%arg11 : memref<64x128xf32, #tpu.memory_space<vmem>>) dst(%dma_wait3A_99 : memref<64x128xf32, #tpu.memory_space<vmem_shared>>)
      tpu.yield
    }) : () -> ()
    %mul3A_18 = arith.constant 320 : i32
    %mul3A_19 = arith.muli %arg1, %mul3A_18 : i32
    %add3A_20 = arith.constant 192 : i32
    %add3A_21 = arith.addi %mul3A_19, %add3A_20 : i32
    "tpu.region"() ({
      %run_scoped3A = tpu.sem_alloc : memref<!tpu.dma_semaphore, #tpu.memory_space<semaphore_mem>>
      %dma_start3A_93 = arith.constant 0 : i32
      %dma_start3A_94 = tpu.memref_slice %arg12[%add3A_21, %dma_start3A_93] : memref<5120x128xf32, #tpu.memory_space<vmem_shared>> -> memref<64x128xf32, #tpu.memory_space<vmem_shared>>
      %dma_start3A_95 = arith.constant 0 : i32
      %dma_start3A_96 = tpu.memref_slice %arg12[%add3A_21, %dma_start3A_95] : memref<5120x128xf32, #tpu.memory_space<vmem_shared>> -> memref<64x128xf32, #tpu.memory_space<vmem_shared>>
      tpu.enqueue_dma source(%arg11 : memref<64x128xf32, #tpu.memory_space<vmem>>) target(%dma_start3A_96 : memref<64x128xf32, #tpu.memory_space<vmem_shared>>) target_semaphore(%run_scoped3A : memref<!tpu.dma_semaphore, #tpu.memory_space<semaphore_mem>>)
      %dma_wait3A = arith.constant 0 : i32
      %dma_wait3A_97 = tpu.memref_slice %arg12[%add3A_21, %dma_wait3A] : memref<5120x128xf32, #tpu.memory_space<vmem_shared>> -> memref<64x128xf32, #tpu.memory_space<vmem_shared>>
      %dma_wait3A_98 = arith.constant 0 : i32
      %dma_wait3A_99 = tpu.memref_slice %arg12[%add3A_21, %dma_wait3A_98] : memref<5120x128xf32, #tpu.memory_space<vmem_shared>> -> memref<64x128xf32, #tpu.memory_space<vmem_shared>>
      tpu.wait_dma2 semaphore(%run_scoped3A : memref<!tpu.dma_semaphore, #tpu.memory_space<semaphore_mem>>) src(%arg11 : memref<64x128xf32, #tpu.memory_space<vmem>>) dst(%dma_wait3A_99 : memref<64x128xf32, #tpu.memory_space<vmem_shared>>)
      tpu.yield
    }) : () -> ()
    %mul3A_22 = arith.constant 320 : i32
    %mul3A_23 = arith.muli %arg1, %mul3A_22 : i32
    %add3A_24 = arith.constant 256 : i32
    %add3A_25 = arith.addi %mul3A_23, %add3A_24 : i32
    "tpu.region"() ({
      %run_scoped3A = tpu.sem_alloc : memref<!tpu.dma_semaphore, #tpu.memory_space<semaphore_mem>>
      %dma_start3A_93 = arith.constant 0 : i32
      %dma_start3A_94 = tpu.memref_slice %arg12[%add3A_25, %dma_start3A_93] : memref<5120x128xf32, #tpu.memory_space<vmem_shared>> -> memref<64x128xf32, #tpu.memory_space<vmem_shared>>
      %dma_start3A_95 = arith.constant 0 : i32
      %dma_start3A_96 = tpu.memref_slice %arg12[%add3A_25, %dma_start3A_95] : memref<5120x128xf32, #tpu.memory_space<vmem_shared>> -> memref<64x128xf32, #tpu.memory_space<vmem_shared>>
      tpu.enqueue_dma source(%arg11 : memref<64x128xf32, #tpu.memory_space<vmem>>) target(%dma_start3A_96 : memref<64x128xf32, #tpu.memory_space<vmem_shared>>) target_semaphore(%run_scoped3A : memref<!tpu.dma_semaphore, #tpu.memory_space<semaphore_mem>>)
      %dma_wait3A = arith.constant 0 : i32
      %dma_wait3A_97 = tpu.memref_slice %arg12[%add3A_25, %dma_wait3A] : memref<5120x128xf32, #tpu.memory_space<vmem_shared>> -> memref<64x128xf32, #tpu.memory_space<vmem_shared>>
      %dma_wait3A_98 = arith.constant 0 : i32
      %dma_wait3A_99 = tpu.memref_slice %arg12[%add3A_25, %dma_wait3A_98] : memref<5120x128xf32, #tpu.memory_space<vmem_shared>> -> memref<64x128xf32, #tpu.memory_space<vmem_shared>>
      tpu.wait_dma2 semaphore(%run_scoped3A : memref<!tpu.dma_semaphore, #tpu.memory_space<semaphore_mem>>) src(%arg11 : memref<64x128xf32, #tpu.memory_space<vmem>>) dst(%dma_wait3A_99 : memref<64x128xf32, #tpu.memory_space<vmem_shared>>)
      tpu.yield
    }) : () -> ()
    %barrier3A = arith.constant 0 : index
    tpu.barrier barrier_id(%barrier3A)
    %mul3A_26 = arith.constant 10240 : i32
    %mul3A_27 = arith.muli %add3A, %mul3A_26 : i32
    "tpu.region"() ({
      %run_scoped3A = tpu.sem_alloc : memref<!tpu.dma_semaphore, #tpu.memory_space<semaphore_mem>>
      %dma_start3A_93 = tpu.memref_slice %arg3[%mul3A_27] : memref<327680xi32, #tpu.memory_space<hbm>> -> memref<10240xi32, #tpu.memory_space<hbm>>
      %dma_start3A_94 = tpu.memref_slice %arg3[%mul3A_27] : memref<327680xi32, #tpu.memory_space<hbm>> -> memref<10240xi32, #tpu.memory_space<hbm>>
      tpu.enqueue_dma source(%dma_start3A_94 : memref<10240xi32, #tpu.memory_space<hbm>>) target(%arg6 : memref<10240xi32, #tpu.memory_space<vmem>>) target_semaphore(%run_scoped3A : memref<!tpu.dma_semaphore, #tpu.memory_space<semaphore_mem>>)
      %dma_wait3A = tpu.memref_slice %arg3[%mul3A_27] : memref<327680xi32, #tpu.memory_space<hbm>> -> memref<10240xi32, #tpu.memory_space<hbm>>
      %dma_wait3A_95 = tpu.memref_slice %arg3[%mul3A_27] : memref<327680xi32, #tpu.memory_space<hbm>> -> memref<10240xi32, #tpu.memory_space<hbm>>
      tpu.wait_dma2 semaphore(%run_scoped3A : memref<!tpu.dma_semaphore, #tpu.memory_space<semaphore_mem>>) src(%dma_wait3A_95 : memref<10240xi32, #tpu.memory_space<hbm>>) dst(%arg6 : memref<10240xi32, #tpu.memory_space<vmem>>)
      tpu.yield
    }) : () -> ()
    %mul3A_28 = arith.constant 10240 : i32
    %mul3A_29 = arith.muli %add3A, %mul3A_28 : i32
    "tpu.region"() ({
      %run_scoped3A = tpu.sem_alloc : memref<!tpu.dma_semaphore, #tpu.memory_space<semaphore_mem>>
      %dma_start3A_93 = tpu.memref_slice %arg4[%mul3A_29] : memref<327680xi32, #tpu.memory_space<hbm>> -> memref<10240xi32, #tpu.memory_space<hbm>>
      %dma_start3A_94 = tpu.memref_slice %arg4[%mul3A_29] : memref<327680xi32, #tpu.memory_space<hbm>> -> memref<10240xi32, #tpu.memory_space<hbm>>
      tpu.enqueue_dma source(%dma_start3A_94 : memref<10240xi32, #tpu.memory_space<hbm>>) target(%arg7 : memref<10240xi32, #tpu.memory_space<vmem>>) target_semaphore(%run_scoped3A : memref<!tpu.dma_semaphore, #tpu.memory_space<semaphore_mem>>)
      %dma_wait3A = tpu.memref_slice %arg4[%mul3A_29] : memref<327680xi32, #tpu.memory_space<hbm>> -> memref<10240xi32, #tpu.memory_space<hbm>>
      %dma_wait3A_95 = tpu.memref_slice %arg4[%mul3A_29] : memref<327680xi32, #tpu.memory_space<hbm>> -> memref<10240xi32, #tpu.memory_space<hbm>>
      tpu.wait_dma2 semaphore(%run_scoped3A : memref<!tpu.dma_semaphore, #tpu.memory_space<semaphore_mem>>) src(%dma_wait3A_95 : memref<10240xi32, #tpu.memory_space<hbm>>) dst(%arg7 : memref<10240xi32, #tpu.memory_space<vmem>>)
      tpu.yield
    }) : () -> ()
    %scan3A_30 = arith.constant 0 : i32
    %scan3A_31 = arith.constant 0 : i32
    %scan3A_32 = arith.constant 640 : i32
    %scan3A_33 = arith.addi %scan3A_31, %scan3A_32 : i32
    %scan3A_34 = arith.constant 1 : i32
    scf.for %scan3A_93 = %scan3A_31 to %scan3A_33 step %scan3A_34  : i32 {
      %mul3A_94 = arith.constant 16 : i32
      %mul3A_95 = arith.muli %scan3A_93, %mul3A_94 : i32
      %get3A = arith.index_cast %mul3A_95 : i32 to index
      %get3A_96 = tpu.vector_load %arg6[%get3A] {strides = array<i32>} : memref<10240xi32, #tpu.memory_space<vmem>>, vector<16xi32>,
      %get3A_97 = vector.shape_cast %get3A_96 : vector<16xi32> to vector<16xi32>
      %mul3A_98 = arith.constant 16 : i32
      %mul3A_99 = arith.muli %scan3A_93, %mul3A_98 : i32
      %get3A_100 = arith.index_cast %mul3A_99 : i32 to index
      %get3A_101 = tpu.vector_load %arg7[%get3A_100] {strides = array<i32>} : memref<10240xi32, #tpu.memory_space<vmem>>, vector<16xi32>,
      %get3A_102 = vector.shape_cast %get3A_101 : vector<16xi32> to vector<16xi32>
      %and3A = arith.constant 1 : i32
      %and3A_103 = vector.broadcast %and3A : i32 to vector<16xi32>
      %and3A_104 = arith.andi %get3A_102, %and3A_103 : vector<16xi32>
      %mul3A_105 = arith.constant 10000 : i32
      %mul3A_106 = vector.broadcast %mul3A_105 : i32 to vector<16xi32>
      %mul3A_107 = arith.muli %and3A_104, %mul3A_106 : vector<16xi32>
      %add3A_108 = arith.addi %get3A_97, %mul3A_107 : vector<16xi32>
      %mul3A_109 = arith.constant 16 : i32
      %mul3A_110 = arith.muli %scan3A_93, %mul3A_109 : i32
      %swap3A = arith.index_cast %mul3A_110 : i32 to index
      %swap3A_111 = tpu.vector_load %arg6[%swap3A] {strides = array<i32>} : memref<10240xi32, #tpu.memory_space<vmem>>, vector<16xi32>,
      %swap3A_112 = vector.shape_cast %swap3A_111 : vector<16xi32> to vector<16xi32>
      %swap3A_113 = vector.shape_cast %add3A_108 : vector<16xi32> to vector<16xi32>
      tpu.vector_store %arg6[%swap3A], %swap3A_113 {strides = array<i32>} : memref<10240xi32, #tpu.memory_space<vmem>>, vector<16xi32>,
    }
    %scan3A_35 = arith.constant 640 : i32
    %scan3A_36 = arith.constant 0 : i32
    %scan3A_37 = arith.constant 0 : i32
    %scan3A_38 = arith.constant 80 : i32
    %scan3A_39 = arith.addi %scan3A_37, %scan3A_38 : i32
    %scan3A_40 = arith.constant 1 : i32
    scf.for %scan3A_93 = %scan3A_37 to %scan3A_39 step %scan3A_40  : i32 {
      %mul3A_94 = arith.constant 128 : i32
      %mul3A_95 = arith.muli %scan3A_93, %mul3A_94 : i32
      %add3A_96 = arith.constant 0 : i32
      %add3A_97 = arith.addi %mul3A_95, %add3A_96 : i32
      %get3A = arith.index_cast %add3A_97 : i32 to index
      %get3A_98 = tpu.vector_load %arg7[%get3A] {strides = array<i32>} : memref<10240xi32, #tpu.memory_space<vmem>>, vector<16xi32>,
      %get3A_99 = vector.shape_cast %get3A_98 : vector<16xi32> to vector<16xi32>
      %shift_right_arithmetic3A = arith.constant 1 : i32
      %shift_right_arithmetic3A_100 = vector.broadcast %shift_right_arithmetic3A : i32 to vector<16xi32>
      %shift_right_arithmetic3A_101 = arith.shrsi %get3A_99, %shift_right_arithmetic3A_100 : vector<16xi32>
      %swap3A = arith.index_cast %scan3A_93 : i32 to index
      %swap3A_102 = arith.constant 0 : index
      %swap3A_103 = tpu.vector_load %arg8[%swap3A, %swap3A_102] {strides = array<i32>} : memref<80x128xi32, #tpu.memory_space<vmem>>, vector<1x16xi32>,
      %swap3A_104 = vector.shape_cast %swap3A_103 : vector<1x16xi32> to vector<16xi32>
      %swap3A_105 = vector.shape_cast %shift_right_arithmetic3A_101 : vector<16xi32> to vector<1x16xi32>
      tpu.vector_store %arg8[%swap3A, %swap3A_102], %swap3A_105 {strides = array<i32>} : memref<80x128xi32, #tpu.memory_space<vmem>>, vector<1x16xi32>,
      %mul3A_106 = arith.constant 128 : i32
      %mul3A_107 = arith.muli %scan3A_93, %mul3A_106 : i32
      %add3A_108 = arith.constant 16 : i32
      %add3A_109 = arith.addi %mul3A_107, %add3A_108 : i32
      %get3A_110 = arith.index_cast %add3A_109 : i32 to index
      %get3A_111 = tpu.vector_load %arg7[%get3A_110] {strides = array<i32>} : memref<10240xi32, #tpu.memory_space<vmem>>, vector<16xi32>,
      %get3A_112 = vector.shape_cast %get3A_111 : vector<16xi32> to vector<16xi32>
      %shift_right_arithmetic3A_113 = arith.constant 1 : i32
      %shift_right_arithmetic3A_114 = vector.broadcast %shift_right_arithmetic3A_113 : i32 to vector<16xi32>
      %shift_right_arithmetic3A_115 = arith.shrsi %get3A_112, %shift_right_arithmetic3A_114 : vector<16xi32>
      %swap3A_116 = arith.index_cast %scan3A_93 : i32 to index
      %swap3A_117 = arith.constant 16 : index
      %swap3A_118 = tpu.vector_load %arg8[%swap3A_116, %swap3A_117] {strides = array<i32>} : memref<80x128xi32, #tpu.memory_space<vmem>>, vector<1x16xi32>,
      %swap3A_119 = vector.shape_cast %swap3A_118 : vector<1x16xi32> to vector<16xi32>
      %swap3A_120 = vector.shape_cast %shift_right_arithmetic3A_115 : vector<16xi32> to vector<1x16xi32>
      tpu.vector_store %arg8[%swap3A_116, %swap3A_117], %swap3A_120 {strides = array<i32>} : memref<80x128xi32, #tpu.memory_space<vmem>>, vector<1x16xi32>,
      %mul3A_121 = arith.constant 128 : i32
      %mul3A_122 = arith.muli %scan3A_93, %mul3A_121 : i32
      %add3A_123 = arith.constant 32 : i32
      %add3A_124 = arith.addi %mul3A_122, %add3A_123 : i32
      %get3A_125 = arith.index_cast %add3A_124 : i32 to index
      %get3A_126 = tpu.vector_load %arg7[%get3A_125] {strides = array<i32>} : memref<10240xi32, #tpu.memory_space<vmem>>, vector<16xi32>,
      %get3A_127 = vector.shape_cast %get3A_126 : vector<16xi32> to vector<16xi32>
      %shift_right_arithmetic3A_128 = arith.constant 1 : i32
      %shift_right_arithmetic3A_129 = vector.broadcast %shift_right_arithmetic3A_128 : i32 to vector<16xi32>
      %shift_right_arithmetic3A_130 = arith.shrsi %get3A_127, %shift_right_arithmetic3A_129 : vector<16xi32>
      %swap3A_131 = arith.index_cast %scan3A_93 : i32 to index
      %swap3A_132 = arith.constant 32 : index
      %swap3A_133 = tpu.vector_load %arg8[%swap3A_131, %swap3A_132] {strides = array<i32>} : memref<80x128xi32, #tpu.memory_space<vmem>>, vector<1x16xi32>,
      %swap3A_134 = vector.shape_cast %swap3A_133 : vector<1x16xi32> to vector<16xi32>
      %swap3A_135 = vector.shape_cast %shift_right_arithmetic3A_130 : vector<16xi32> to vector<1x16xi32>
      tpu.vector_store %arg8[%swap3A_131, %swap3A_132], %swap3A_135 {strides = array<i32>} : memref<80x128xi32, #tpu.memory_space<vmem>>, vector<1x16xi32>,
      %mul3A_136 = arith.constant 128 : i32
      %mul3A_137 = arith.muli %scan3A_93, %mul3A_136 : i32
      %add3A_138 = arith.constant 48 : i32
      %add3A_139 = arith.addi %mul3A_137, %add3A_138 : i32
      %get3A_140 = arith.index_cast %add3A_139 : i32 to index
      %get3A_141 = tpu.vector_load %arg7[%get3A_140] {strides = array<i32>} : memref<10240xi32, #tpu.memory_space<vmem>>, vector<16xi32>,
      %get3A_142 = vector.shape_cast %get3A_141 : vector<16xi32> to vector<16xi32>
      %shift_right_arithmetic3A_143 = arith.constant 1 : i32
      %shift_right_arithmetic3A_144 = vector.broadcast %shift_right_arithmetic3A_143 : i32 to vector<16xi32>
      %shift_right_arithmetic3A_145 = arith.shrsi %get3A_142, %shift_right_arithmetic3A_144 : vector<16xi32>
      %swap3A_146 = arith.index_cast %scan3A_93 : i32 to index
      %swap3A_147 = arith.constant 48 : index
      %swap3A_148 = tpu.vector_load %arg8[%swap3A_146, %swap3A_147] {strides = array<i32>} : memref<80x128xi32, #tpu.memory_space<vmem>>, vector<1x16xi32>,
      %swap3A_149 = vector.shape_cast %swap3A_148 : vector<1x16xi32> to vector<16xi32>
      %swap3A_150 = vector.shape_cast %shift_right_arithmetic3A_145 : vector<16xi32> to vector<1x16xi32>
      tpu.vector_store %arg8[%swap3A_146, %swap3A_147], %swap3A_150 {strides = array<i32>} : memref<80x128xi32, #tpu.memory_space<vmem>>, vector<1x16xi32>,
      %mul3A_151 = arith.constant 128 : i32
      %mul3A_152 = arith.muli %scan3A_93, %mul3A_151 : i32
      %add3A_153 = arith.constant 64 : i32
      %add3A_154 = arith.addi %mul3A_152, %add3A_153 : i32
      %get3A_155 = arith.index_cast %add3A_154 : i32 to index
      %get3A_156 = tpu.vector_load %arg7[%get3A_155] {strides = array<i32>} : memref<10240xi32, #tpu.memory_space<vmem>>, vector<16xi32>,
      %get3A_157 = vector.shape_cast %get3A_156 : vector<16xi32> to vector<16xi32>
      %shift_right_arithmetic3A_158 = arith.constant 1 : i32
      %shift_right_arithmetic3A_159 = vector.broadcast %shift_right_arithmetic3A_158 : i32 to vector<16xi32>
      %shift_right_arithmetic3A_160 = arith.shrsi %get3A_157, %shift_right_arithmetic3A_159 : vector<16xi32>
      %swap3A_161 = arith.index_cast %scan3A_93 : i32 to index
      %swap3A_162 = arith.constant 64 : index
      %swap3A_163 = tpu.vector_load %arg8[%swap3A_161, %swap3A_162] {strides = array<i32>} : memref<80x128xi32, #tpu.memory_space<vmem>>, vector<1x16xi32>,
      %swap3A_164 = vector.shape_cast %swap3A_163 : vector<1x16xi32> to vector<16xi32>
      %swap3A_165 = vector.shape_cast %shift_right_arithmetic3A_160 : vector<16xi32> to vector<1x16xi32>
      tpu.vector_store %arg8[%swap3A_161, %swap3A_162], %swap3A_165 {strides = array<i32>} : memref<80x128xi32, #tpu.memory_space<vmem>>, vector<1x16xi32>,
      %mul3A_166 = arith.constant 128 : i32
      %mul3A_167 = arith.muli %scan3A_93, %mul3A_166 : i32
      %add3A_168 = arith.constant 80 : i32
      %add3A_169 = arith.addi %mul3A_167, %add3A_168 : i32
      %get3A_170 = arith.index_cast %add3A_169 : i32 to index
      %get3A_171 = tpu.vector_load %arg7[%get3A_170] {strides = array<i32>} : memref<10240xi32, #tpu.memory_space<vmem>>, vector<16xi32>,
      %get3A_172 = vector.shape_cast %get3A_171 : vector<16xi32> to vector<16xi32>
      %shift_right_arithmetic3A_173 = arith.constant 1 : i32
      %shift_right_arithmetic3A_174 = vector.broadcast %shift_right_arithmetic3A_173 : i32 to vector<16xi32>
      %shift_right_arithmetic3A_175 = arith.shrsi %get3A_172, %shift_right_arithmetic3A_174 : vector<16xi32>
      %swap3A_176 = arith.index_cast %scan3A_93 : i32 to index
      %swap3A_177 = arith.constant 80 : index
      %swap3A_178 = tpu.vector_load %arg8[%swap3A_176, %swap3A_177] {strides = array<i32>} : memref<80x128xi32, #tpu.memory_space<vmem>>, vector<1x16xi32>,
      %swap3A_179 = vector.shape_cast %swap3A_178 : vector<1x16xi32> to vector<16xi32>
      %swap3A_180 = vector.shape_cast %shift_right_arithmetic3A_175 : vector<16xi32> to vector<1x16xi32>
      tpu.vector_store %arg8[%swap3A_176, %swap3A_177], %swap3A_180 {strides = array<i32>} : memref<80x128xi32, #tpu.memory_space<vmem>>, vector<1x16xi32>,
      %mul3A_181 = arith.constant 128 : i32
      %mul3A_182 = arith.muli %scan3A_93, %mul3A_181 : i32
      %add3A_183 = arith.constant 96 : i32
      %add3A_184 = arith.addi %mul3A_182, %add3A_183 : i32
      %get3A_185 = arith.index_cast %add3A_184 : i32 to index
      %get3A_186 = tpu.vector_load %arg7[%get3A_185] {strides = array<i32>} : memref<10240xi32, #tpu.memory_space<vmem>>, vector<16xi32>,
      %get3A_187 = vector.shape_cast %get3A_186 : vector<16xi32> to vector<16xi32>
      %shift_right_arithmetic3A_188 = arith.constant 1 : i32
      %shift_right_arithmetic3A_189 = vector.broadcast %shift_right_arithmetic3A_188 : i32 to vector<16xi32>
      %shift_right_arithmetic3A_190 = arith.shrsi %get3A_187, %shift_right_arithmetic3A_189 : vector<16xi32>
      %swap3A_191 = arith.index_cast %scan3A_93 : i32 to index
      %swap3A_192 = arith.constant 96 : index
      %swap3A_193 = tpu.vector_load %arg8[%swap3A_191, %swap3A_192] {strides = array<i32>} : memref<80x128xi32, #tpu.memory_space<vmem>>, vector<1x16xi32>,
      %swap3A_194 = vector.shape_cast %swap3A_193 : vector<1x16xi32> to vector<16xi32>
      %swap3A_195 = vector.shape_cast %shift_right_arithmetic3A_190 : vector<16xi32> to vector<1x16xi32>
      tpu.vector_store %arg8[%swap3A_191, %swap3A_192], %swap3A_195 {strides = array<i32>} : memref<80x128xi32, #tpu.memory_space<vmem>>, vector<1x16xi32>,
      %mul3A_196 = arith.constant 128 : i32
      %mul3A_197 = arith.muli %scan3A_93, %mul3A_196 : i32
      %add3A_198 = arith.constant 112 : i32
      %add3A_199 = arith.addi %mul3A_197, %add3A_198 : i32
      %get3A_200 = arith.index_cast %add3A_199 : i32 to index
      %get3A_201 = tpu.vector_load %arg7[%get3A_200] {strides = array<i32>} : memref<10240xi32, #tpu.memory_space<vmem>>, vector<16xi32>,
      %get3A_202 = vector.shape_cast %get3A_201 : vector<16xi32> to vector<16xi32>
      %shift_right_arithmetic3A_203 = arith.constant 1 : i32
      %shift_right_arithmetic3A_204 = vector.broadcast %shift_right_arithmetic3A_203 : i32 to vector<16xi32>
      %shift_right_arithmetic3A_205 = arith.shrsi %get3A_202, %shift_right_arithmetic3A_204 : vector<16xi32>
      %swap3A_206 = arith.index_cast %scan3A_93 : i32 to index
      %swap3A_207 = arith.constant 112 : index
      %swap3A_208 = tpu.vector_load %arg8[%swap3A_206, %swap3A_207] {strides = array<i32>} : memref<80x128xi32, #tpu.memory_space<vmem>>, vector<1x16xi32>,
      %swap3A_209 = vector.shape_cast %swap3A_208 : vector<1x16xi32> to vector<16xi32>
      %swap3A_210 = vector.shape_cast %shift_right_arithmetic3A_205 : vector<16xi32> to vector<1x16xi32>
      tpu.vector_store %arg8[%swap3A_206, %swap3A_207], %swap3A_210 {strides = array<i32>} : memref<80x128xi32, #tpu.memory_space<vmem>>, vector<1x16xi32>,
    }
    %scan3A_41 = arith.constant 80 : i32
    %dma_start3A = arith.constant 0 : i32
    %dma_start3A_42 = tpu.memref_slice %arg6[%dma_start3A] : memref<10240xi32, #tpu.memory_space<vmem>> -> memref<128xi32, #tpu.memory_space<vmem>>
    %dma_start3A_43 = arith.constant 0 : i32
    %dma_start3A_44 = arith.constant 0 : i32
    %dma_start3A_45 = tpu.memref_slice %arg2[%dma_start3A_43, %dma_start3A_44] : memref<20000x128xf32, #tpu.memory_space<hbm>> -> memref<20000x128xf32, #tpu.memory_space<hbm>>
    tpu.enqueue_indirect_dma source(%dma_start3A_45 : memref<20000x128xf32, #tpu.memory_space<hbm>>) target(%arg9 : memref<128x128xf32, #tpu.memory_space<vmem>>) offsets(%dma_start3A_42 : memref<128xi32, #tpu.memory_space<vmem>>) semaphore(%arg13 : memref<!tpu.dma_semaphore, #tpu.memory_space<semaphore_mem>>)
    %scan3A_46 = arith.constant 0 : i32
    %scan3A_47 = arith.constant 0 : i32
    %scan3A_48 = arith.constant 40 : i32
    %scan3A_49 = arith.addi %scan3A_47, %scan3A_48 : i32
    %scan3A_50 = arith.constant 1 : i32
    scf.for %scan3A_93 = %scan3A_47 to %scan3A_49 step %scan3A_50  : i32 {
      %mul3A_94 = arith.constant 2 : i32
      %mul3A_95 = arith.muli %scan3A_93, %mul3A_94 : i32
      %add3A_96 = arith.constant 1 : i32
      %add3A_97 = arith.addi %mul3A_95, %add3A_96 : i32
      %mul3A_98 = arith.constant 128 : i32
      %mul3A_99 = arith.muli %add3A_97, %mul3A_98 : i32
      %dma_start3A_100 = tpu.memref_slice %arg6[%mul3A_99] : memref<10240xi32, #tpu.memory_space<vmem>> -> memref<128xi32, #tpu.memory_space<vmem>>
      %dma_start3A_101 = arith.constant 0 : i32
      %dma_start3A_102 = arith.constant 0 : i32
      %dma_start3A_103 = tpu.memref_slice %arg2[%dma_start3A_101, %dma_start3A_102] : memref<20000x128xf32, #tpu.memory_space<hbm>> -> memref<20000x128xf32, #tpu.memory_space<hbm>>
      tpu.enqueue_indirect_dma source(%dma_start3A_103 : memref<20000x128xf32, #tpu.memory_space<hbm>>) target(%arg10 : memref<128x128xf32, #tpu.memory_space<vmem>>) offsets(%dma_start3A_100 : memref<128xi32, #tpu.memory_space<vmem>>) semaphore(%arg14 : memref<!tpu.dma_semaphore, #tpu.memory_space<semaphore_mem>>)
      %mul3A_104 = arith.constant 128 : i32
      %mul3A_105 = arith.muli %mul3A_95, %mul3A_104 : i32
      %dma_wait3A = tpu.memref_slice %arg6[%mul3A_105] : memref<10240xi32, #tpu.memory_space<vmem>> -> memref<128xi32, #tpu.memory_space<vmem>>
      %dma_wait3A_106 = arith.constant 0 : i32
      %dma_wait3A_107 = arith.constant 0 : i32
      %dma_wait3A_108 = tpu.memref_slice %arg2[%dma_wait3A_106, %dma_wait3A_107] : memref<20000x128xf32, #tpu.memory_space<hbm>> -> memref<20000x128xf32, #tpu.memory_space<hbm>>
      tpu.wait_indirect_dma semaphore(%arg13 : memref<!tpu.dma_semaphore, #tpu.memory_space<semaphore_mem>>) src(%dma_wait3A_108 : memref<20000x128xf32, #tpu.memory_space<hbm>>) dst(%arg9 : memref<128x128xf32, #tpu.memory_space<vmem>>)
      "tpu.region"() ({
        %run_scoped3A = tpu.sem_alloc : memref<!tpu.dma_semaphore, #tpu.memory_space<semaphore_mem>>
        %dma_start3A_123 = arith.constant 0 : i32
        %dma_start3A_124 = tpu.memref_slice %arg8[%mul3A_95, %dma_start3A_123] : memref<80x128xi32, #tpu.memory_space<vmem>> -> memref<1x128xi32, #tpu.memory_space<vmem>>
        %dma_start3A_125 = tpu.memref_squeeze %dma_start3A_124 : memref<1x128xi32, #tpu.memory_space<vmem>> -> memref<128xi32, #tpu.memory_space<vmem>>
        %dma_start3A_126 = arith.constant 0 : i32
        %dma_start3A_127 = arith.constant 0 : i32
        %dma_start3A_128 = tpu.memref_slice %arg12[%dma_start3A_126, %dma_start3A_127] : memref<5120x128xf32, #tpu.memory_space<vmem_shared>> -> memref<5120x128xf32, #tpu.memory_space<vmem_shared>>
        tpu.enqueue_indirect_dma source(%arg9 : memref<128x128xf32, #tpu.memory_space<vmem>>) target(%dma_start3A_128 : memref<5120x128xf32, #tpu.memory_space<vmem_shared>>) offsets(%dma_start3A_125 : memref<128xi32, #tpu.memory_space<vmem>>) semaphore(%run_scoped3A : memref<!tpu.dma_semaphore, #tpu.memory_space<semaphore_mem>>) {add = true}
        %dma_wait3A_129 = arith.constant 0 : i32
        %dma_wait3A_130 = tpu.memref_slice %arg8[%mul3A_95, %dma_wait3A_129] : memref<80x128xi32, #tpu.memory_space<vmem>> -> memref<1x128xi32, #tpu.memory_space<vmem>>
        %dma_wait3A_131 = tpu.memref_squeeze %dma_wait3A_130 : memref<1x128xi32, #tpu.memory_space<vmem>> -> memref<128xi32, #tpu.memory_space<vmem>>
        %dma_wait3A_132 = arith.constant 0 : i32
        %dma_wait3A_133 = arith.constant 0 : i32
        %dma_wait3A_134 = tpu.memref_slice %arg12[%dma_wait3A_132, %dma_wait3A_133] : memref<5120x128xf32, #tpu.memory_space<vmem_shared>> -> memref<5120x128xf32, #tpu.memory_space<vmem_shared>>
        tpu.wait_indirect_dma semaphore(%run_scoped3A : memref<!tpu.dma_semaphore, #tpu.memory_space<semaphore_mem>>) src(%arg9 : memref<128x128xf32, #tpu.memory_space<vmem>>) dst(%dma_wait3A_134 : memref<5120x128xf32, #tpu.memory_space<vmem_shared>>)
        tpu.yield
      }) : () -> ()
      %add3A_109 = arith.constant 1 : i32
      %add3A_110 = arith.addi %scan3A_93, %add3A_109 : i32
      %lt3A = arith.constant 40 : i32
      %lt3A_111 = arith.cmpi slt, %add3A_110, %lt3A : i32
      %convert_element_type3A = arith.extui %lt3A_111 : i1 to i32
      %cond3A = arith.constant 0 : i32
      %cond3A_112 = arith.cmpi ne, %convert_element_type3A, %cond3A : i32
      scf.if %cond3A_112 {
        %add3A_123 = arith.constant 2 : i32
        %add3A_124 = arith.addi %mul3A_95, %add3A_123 : i32
        %mul3A_125 = arith.constant 128 : i32
        %mul3A_126 = arith.muli %add3A_124, %mul3A_125 : i32
        %dma_start3A_127 = tpu.memref_slice %arg6[%mul3A_126] : memref<10240xi32, #tpu.memory_space<vmem>> -> memref<128xi32, #tpu.memory_space<vmem>>
        %dma_start3A_128 = arith.constant 0 : i32
        %dma_start3A_129 = arith.constant 0 : i32
        %dma_start3A_130 = tpu.memref_slice %arg2[%dma_start3A_128, %dma_start3A_129] : memref<20000x128xf32, #tpu.memory_space<hbm>> -> memref<20000x128xf32, #tpu.memory_space<hbm>>
        tpu.enqueue_indirect_dma source(%dma_start3A_130 : memref<20000x128xf32, #tpu.memory_space<hbm>>) target(%arg9 : memref<128x128xf32, #tpu.memory_space<vmem>>) offsets(%dma_start3A_127 : memref<128xi32, #tpu.memory_space<vmem>>) semaphore(%arg13 : memref<!tpu.dma_semaphore, #tpu.memory_space<semaphore_mem>>)
      } else {
      }
      %add3A_113 = arith.constant 1 : i32
      %add3A_114 = arith.addi %mul3A_95, %add3A_113 : i32
      %mul3A_115 = arith.constant 128 : i32
      %mul3A_116 = arith.muli %add3A_114, %mul3A_115 : i32
      %dma_wait3A_117 = tpu.memref_slice %arg6[%mul3A_116] : memref<10240xi32, #tpu.memory_space<vmem>> -> memref<128xi32, #tpu.memory_space<vmem>>
      %dma_wait3A_118 = arith.constant 0 : i32
      %dma_wait3A_119 = arith.constant 0 : i32
      %dma_wait3A_120 = tpu.memref_slice %arg2[%dma_wait3A_118, %dma_wait3A_119] : memref<20000x128xf32, #tpu.memory_space<hbm>> -> memref<20000x128xf32, #tpu.memory_space<hbm>>
      tpu.wait_indirect_dma semaphore(%arg14 : memref<!tpu.dma_semaphore, #tpu.memory_space<semaphore_mem>>) src(%dma_wait3A_120 : memref<20000x128xf32, #tpu.memory_space<hbm>>) dst(%arg10 : memref<128x128xf32, #tpu.memory_space<vmem>>)
      %add3A_121 = arith.constant 1 : i32
      %add3A_122 = arith.addi %mul3A_95, %add3A_121 : i32
      "tpu.region"() ({
        %run_scoped3A = tpu.sem_alloc : memref<!tpu.dma_semaphore, #tpu.memory_space<semaphore_mem>>
        %dma_start3A_123 = arith.constant 0 : i32
        %dma_start3A_124 = tpu.memref_slice %arg8[%add3A_122, %dma_start3A_123] : memref<80x128xi32, #tpu.memory_space<vmem>> -> memref<1x128xi32, #tpu.memory_space<vmem>>
        %dma_start3A_125 = tpu.memref_squeeze %dma_start3A_124 : memref<1x128xi32, #tpu.memory_space<vmem>> -> memref<128xi32, #tpu.memory_space<vmem>>
        %dma_start3A_126 = arith.constant 0 : i32
        %dma_start3A_127 = arith.constant 0 : i32
        %dma_start3A_128 = tpu.memref_slice %arg12[%dma_start3A_126, %dma_start3A_127] : memref<5120x128xf32, #tpu.memory_space<vmem_shared>> -> memref<5120x128xf32, #tpu.memory_space<vmem_shared>>
        tpu.enqueue_indirect_dma source(%arg10 : memref<128x128xf32, #tpu.memory_space<vmem>>) target(%dma_start3A_128 : memref<5120x128xf32, #tpu.memory_space<vmem_shared>>) offsets(%dma_start3A_125 : memref<128xi32, #tpu.memory_space<vmem>>) semaphore(%run_scoped3A : memref<!tpu.dma_semaphore, #tpu.memory_space<semaphore_mem>>) {add = true}
        %dma_wait3A_129 = arith.constant 0 : i32
        %dma_wait3A_130 = tpu.memref_slice %arg8[%add3A_122, %dma_wait3A_129] : memref<80x128xi32, #tpu.memory_space<vmem>> -> memref<1x128xi32, #tpu.memory_space<vmem>>
        %dma_wait3A_131 = tpu.memref_squeeze %dma_wait3A_130 : memref<1x128xi32, #tpu.memory_space<vmem>> -> memref<128xi32, #tpu.memory_space<vmem>>
        %dma_wait3A_132 = arith.constant 0 : i32
        %dma_wait3A_133 = arith.constant 0 : i32
        %dma_wait3A_134 = tpu.memref_slice %arg12[%dma_wait3A_132, %dma_wait3A_133] : memref<5120x128xf32, #tpu.memory_space<vmem_shared>> -> memref<5120x128xf32, #tpu.memory_space<vmem_shared>>
        tpu.wait_indirect_dma semaphore(%run_scoped3A : memref<!tpu.dma_semaphore, #tpu.memory_space<semaphore_mem>>) src(%arg10 : memref<128x128xf32, #tpu.memory_space<vmem>>) dst(%dma_wait3A_134 : memref<5120x128xf32, #tpu.memory_space<vmem_shared>>)
        tpu.yield
      }) : () -> ()
    }
    %scan3A_51 = arith.constant 40 : i32
    %barrier3A_52 = arith.constant 0 : index
    tpu.barrier barrier_id(%barrier3A_52)
    %mul3A_53 = arith.constant 320 : i32
    %mul3A_54 = arith.muli %arg1, %mul3A_53 : i32
    %add3A_55 = arith.constant 0 : i32
    %add3A_56 = arith.addi %mul3A_54, %add3A_55 : i32
    %mul3A_57 = arith.constant 320 : i32
    %mul3A_58 = arith.muli %arg1, %mul3A_57 : i32
    %add3A_59 = arith.constant 0 : i32
    %add3A_60 = arith.addi %mul3A_58, %add3A_59 : i32
    "tpu.region"() ({
      %run_scoped3A = tpu.sem_alloc : memref<!tpu.dma_semaphore, #tpu.memory_space<semaphore_mem>>
      %dma_start3A_93 = arith.constant 0 : i32
      %dma_start3A_94 = tpu.memref_slice %arg5[%arg0, %add3A_60, %dma_start3A_93] : memref<2x5120x128xf32, #tpu.memory_space<hbm>> -> memref<1x64x128xf32, #tpu.memory_space<hbm>>
      %dma_start3A_95 = tpu.memref_squeeze %dma_start3A_94 : memref<1x64x128xf32, #tpu.memory_space<hbm>> -> memref<64x128xf32, #tpu.memory_space<hbm>>
      %dma_start3A_96 = arith.constant 0 : i32
      %dma_start3A_97 = tpu.memref_slice %arg12[%add3A_56, %dma_start3A_96] : memref<5120x128xf32, #tpu.memory_space<vmem_shared>> -> memref<64x128xf32, #tpu.memory_space<vmem_shared>>
      tpu.enqueue_dma source(%dma_start3A_97 : memref<64x128xf32, #tpu.memory_space<vmem_shared>>) target(%dma_start3A_95 : memref<64x128xf32, #tpu.memory_space<hbm>>) target_semaphore(%run_scoped3A : memref<!tpu.dma_semaphore, #tpu.memory_space<semaphore_mem>>)
      %dma_wait3A = arith.constant 0 : i32
      %dma_wait3A_98 = tpu.memref_slice %arg5[%arg0, %add3A_60, %dma_wait3A] : memref<2x5120x128xf32, #tpu.memory_space<hbm>> -> memref<1x64x128xf32, #tpu.memory_space<hbm>>
      %dma_wait3A_99 = tpu.memref_squeeze %dma_wait3A_98 : memref<1x64x128xf32, #tpu.memory_space<hbm>> -> memref<64x128xf32, #tpu.memory_space<hbm>>
      %dma_wait3A_100 = arith.constant 0 : i32
      %dma_wait3A_101 = tpu.memref_slice %arg12[%add3A_56, %dma_wait3A_100] : memref<5120x128xf32, #tpu.memory_space<vmem_shared>> -> memref<64x128xf32, #tpu.memory_space<vmem_shared>>
      tpu.wait_dma2 semaphore(%run_scoped3A : memref<!tpu.dma_semaphore, #tpu.memory_space<semaphore_mem>>) src(%dma_wait3A_101 : memref<64x128xf32, #tpu.memory_space<vmem_shared>>) dst(%dma_wait3A_99 : memref<64x128xf32, #tpu.memory_space<hbm>>)
      tpu.yield
    }) : () -> ()
    %mul3A_61 = arith.constant 320 : i32
    %mul3A_62 = arith.muli %arg1, %mul3A_61 : i32
    %add3A_63 = arith.constant 64 : i32
    %add3A_64 = arith.addi %mul3A_62, %add3A_63 : i32
    %mul3A_65 = arith.constant 320 : i32
    %mul3A_66 = arith.muli %arg1, %mul3A_65 : i32
    %add3A_67 = arith.constant 64 : i32
    %add3A_68 = arith.addi %mul3A_66, %add3A_67 : i32
    "tpu.region"() ({
      %run_scoped3A = tpu.sem_alloc : memref<!tpu.dma_semaphore, #tpu.memory_space<semaphore_mem>>
      %dma_start3A_93 = arith.constant 0 : i32
      %dma_start3A_94 = tpu.memref_slice %arg5[%arg0, %add3A_68, %dma_start3A_93] : memref<2x5120x128xf32, #tpu.memory_space<hbm>> -> memref<1x64x128xf32, #tpu.memory_space<hbm>>
      %dma_start3A_95 = tpu.memref_squeeze %dma_start3A_94 : memref<1x64x128xf32, #tpu.memory_space<hbm>> -> memref<64x128xf32, #tpu.memory_space<hbm>>
      %dma_start3A_96 = arith.constant 0 : i32
      %dma_start3A_97 = tpu.memref_slice %arg12[%add3A_64, %dma_start3A_96] : memref<5120x128xf32, #tpu.memory_space<vmem_shared>> -> memref<64x128xf32, #tpu.memory_space<vmem_shared>>
      tpu.enqueue_dma source(%dma_start3A_97 : memref<64x128xf32, #tpu.memory_space<vmem_shared>>) target(%dma_start3A_95 : memref<64x128xf32, #tpu.memory_space<hbm>>) target_semaphore(%run_scoped3A : memref<!tpu.dma_semaphore, #tpu.memory_space<semaphore_mem>>)
      %dma_wait3A = arith.constant 0 : i32
      %dma_wait3A_98 = tpu.memref_slice %arg5[%arg0, %add3A_68, %dma_wait3A] : memref<2x5120x128xf32, #tpu.memory_space<hbm>> -> memref<1x64x128xf32, #tpu.memory_space<hbm>>
      %dma_wait3A_99 = tpu.memref_squeeze %dma_wait3A_98 : memref<1x64x128xf32, #tpu.memory_space<hbm>> -> memref<64x128xf32, #tpu.memory_space<hbm>>
      %dma_wait3A_100 = arith.constant 0 : i32
      %dma_wait3A_101 = tpu.memref_slice %arg12[%add3A_64, %dma_wait3A_100] : memref<5120x128xf32, #tpu.memory_space<vmem_shared>> -> memref<64x128xf32, #tpu.memory_space<vmem_shared>>
      tpu.wait_dma2 semaphore(%run_scoped3A : memref<!tpu.dma_semaphore, #tpu.memory_space<semaphore_mem>>) src(%dma_wait3A_101 : memref<64x128xf32, #tpu.memory_space<vmem_shared>>) dst(%dma_wait3A_99 : memref<64x128xf32, #tpu.memory_space<hbm>>)
      tpu.yield
    }) : () -> ()
    %mul3A_69 = arith.constant 320 : i32
    %mul3A_70 = arith.muli %arg1, %mul3A_69 : i32
    %add3A_71 = arith.constant 128 : i32
    %add3A_72 = arith.addi %mul3A_70, %add3A_71 : i32
    %mul3A_73 = arith.constant 320 : i32
    %mul3A_74 = arith.muli %arg1, %mul3A_73 : i32
    %add3A_75 = arith.constant 128 : i32
    %add3A_76 = arith.addi %mul3A_74, %add3A_75 : i32
    "tpu.region"() ({
      %run_scoped3A = tpu.sem_alloc : memref<!tpu.dma_semaphore, #tpu.memory_space<semaphore_mem>>
      %dma_start3A_93 = arith.constant 0 : i32
      %dma_start3A_94 = tpu.memref_slice %arg5[%arg0, %add3A_76, %dma_start3A_93] : memref<2x5120x128xf32, #tpu.memory_space<hbm>> -> memref<1x64x128xf32, #tpu.memory_space<hbm>>
      %dma_start3A_95 = tpu.memref_squeeze %dma_start3A_94 : memref<1x64x128xf32, #tpu.memory_space<hbm>> -> memref<64x128xf32, #tpu.memory_space<hbm>>
      %dma_start3A_96 = arith.constant 0 : i32
      %dma_start3A_97 = tpu.memref_slice %arg12[%add3A_72, %dma_start3A_96] : memref<5120x128xf32, #tpu.memory_space<vmem_shared>> -> memref<64x128xf32, #tpu.memory_space<vmem_shared>>
      tpu.enqueue_dma source(%dma_start3A_97 : memref<64x128xf32, #tpu.memory_space<vmem_shared>>) target(%dma_start3A_95 : memref<64x128xf32, #tpu.memory_space<hbm>>) target_semaphore(%run_scoped3A : memref<!tpu.dma_semaphore, #tpu.memory_space<semaphore_mem>>)
      %dma_wait3A = arith.constant 0 : i32
      %dma_wait3A_98 = tpu.memref_slice %arg5[%arg0, %add3A_76, %dma_wait3A] : memref<2x5120x128xf32, #tpu.memory_space<hbm>> -> memref<1x64x128xf32, #tpu.memory_space<hbm>>
      %dma_wait3A_99 = tpu.memref_squeeze %dma_wait3A_98 : memref<1x64x128xf32, #tpu.memory_space<hbm>> -> memref<64x128xf32, #tpu.memory_space<hbm>>
      %dma_wait3A_100 = arith.constant 0 : i32
      %dma_wait3A_101 = tpu.memref_slice %arg12[%add3A_72, %dma_wait3A_100] : memref<5120x128xf32, #tpu.memory_space<vmem_shared>> -> memref<64x128xf32, #tpu.memory_space<vmem_shared>>
      tpu.wait_dma2 semaphore(%run_scoped3A : memref<!tpu.dma_semaphore, #tpu.memory_space<semaphore_mem>>) src(%dma_wait3A_101 : memref<64x128xf32, #tpu.memory_space<vmem_shared>>) dst(%dma_wait3A_99 : memref<64x128xf32, #tpu.memory_space<hbm>>)
      tpu.yield
    }) : () -> ()
    %mul3A_77 = arith.constant 320 : i32
    %mul3A_78 = arith.muli %arg1, %mul3A_77 : i32
    %add3A_79 = arith.constant 192 : i32
    %add3A_80 = arith.addi %mul3A_78, %add3A_79 : i32
    %mul3A_81 = arith.constant 320 : i32
    %mul3A_82 = arith.muli %arg1, %mul3A_81 : i32
    %add3A_83 = arith.constant 192 : i32
    %add3A_84 = arith.addi %mul3A_82, %add3A_83 : i32
    "tpu.region"() ({
      %run_scoped3A = tpu.sem_alloc : memref<!tpu.dma_semaphore, #tpu.memory_space<semaphore_mem>>
      %dma_start3A_93 = arith.constant 0 : i32
      %dma_start3A_94 = tpu.memref_slice %arg5[%arg0, %add3A_84, %dma_start3A_93] : memref<2x5120x128xf32, #tpu.memory_space<hbm>> -> memref<1x64x128xf32, #tpu.memory_space<hbm>>
      %dma_start3A_95 = tpu.memref_squeeze %dma_start3A_94 : memref<1x64x128xf32, #tpu.memory_space<hbm>> -> memref<64x128xf32, #tpu.memory_space<hbm>>
      %dma_start3A_96 = arith.constant 0 : i32
      %dma_start3A_97 = tpu.memref_slice %arg12[%add3A_80, %dma_start3A_96] : memref<5120x128xf32, #tpu.memory_space<vmem_shared>> -> memref<64x128xf32, #tpu.memory_space<vmem_shared>>
      tpu.enqueue_dma source(%dma_start3A_97 : memref<64x128xf32, #tpu.memory_space<vmem_shared>>) target(%dma_start3A_95 : memref<64x128xf32, #tpu.memory_space<hbm>>) target_semaphore(%run_scoped3A : memref<!tpu.dma_semaphore, #tpu.memory_space<semaphore_mem>>)
      %dma_wait3A = arith.constant 0 : i32
      %dma_wait3A_98 = tpu.memref_slice %arg5[%arg0, %add3A_84, %dma_wait3A] : memref<2x5120x128xf32, #tpu.memory_space<hbm>> -> memref<1x64x128xf32, #tpu.memory_space<hbm>>
      %dma_wait3A_99 = tpu.memref_squeeze %dma_wait3A_98 : memref<1x64x128xf32, #tpu.memory_space<hbm>> -> memref<64x128xf32, #tpu.memory_space<hbm>>
      %dma_wait3A_100 = arith.constant 0 : i32
      %dma_wait3A_101 = tpu.memref_slice %arg12[%add3A_80, %dma_wait3A_100] : memref<5120x128xf32, #tpu.memory_space<vmem_shared>> -> memref<64x128xf32, #tpu.memory_space<vmem_shared>>
      tpu.wait_dma2 semaphore(%run_scoped3A : memref<!tpu.dma_semaphore, #tpu.memory_space<semaphore_mem>>) src(%dma_wait3A_101 : memref<64x128xf32, #tpu.memory_space<vmem_shared>>) dst(%dma_wait3A_99 : memref<64x128xf32, #tpu.memory_space<hbm>>)
      tpu.yield
    }) : () -> ()
    %mul3A_85 = arith.constant 320 : i32
    %mul3A_86 = arith.muli %arg1, %mul3A_85 : i32
    %add3A_87 = arith.constant 256 : i32
    %add3A_88 = arith.addi %mul3A_86, %add3A_87 : i32
    %mul3A_89 = arith.constant 320 : i32
    %mul3A_90 = arith.muli %arg1, %mul3A_89 : i32
    %add3A_91 = arith.constant 256 : i32
    %add3A_92 = arith.addi %mul3A_90, %add3A_91 : i32
    "tpu.region"() ({
      %run_scoped3A = tpu.sem_alloc : memref<!tpu.dma_semaphore, #tpu.memory_space<semaphore_mem>>
      %dma_start3A_93 = arith.constant 0 : i32
      %dma_start3A_94 = tpu.memref_slice %arg5[%arg0, %add3A_92, %dma_start3A_93] : memref<2x5120x128xf32, #tpu.memory_space<hbm>> -> memref<1x64x128xf32, #tpu.memory_space<hbm>>
      %dma_start3A_95 = tpu.memref_squeeze %dma_start3A_94 : memref<1x64x128xf32, #tpu.memory_space<hbm>> -> memref<64x128xf32, #tpu.memory_space<hbm>>
      %dma_start3A_96 = arith.constant 0 : i32
      %dma_start3A_97 = tpu.memref_slice %arg12[%add3A_88, %dma_start3A_96] : memref<5120x128xf32, #tpu.memory_space<vmem_shared>> -> memref<64x128xf32, #tpu.memory_space<vmem_shared>>
      tpu.enqueue_dma source(%dma_start3A_97 : memref<64x128xf32, #tpu.memory_space<vmem_shared>>) target(%dma_start3A_95 : memref<64x128xf32, #tpu.memory_space<hbm>>) target_semaphore(%run_scoped3A : memref<!tpu.dma_semaphore, #tpu.memory_space<semaphore_mem>>)
      %dma_wait3A = arith.constant 0 : i32
      %dma_wait3A_98 = tpu.memref_slice %arg5[%arg0, %add3A_92, %dma_wait3A] : memref<2x5120x128xf32, #tpu.memory_space<hbm>> -> memref<1x64x128xf32, #tpu.memory_space<hbm>>
      %dma_wait3A_99 = tpu.memref_squeeze %dma_wait3A_98 : memref<1x64x128xf32, #tpu.memory_space<hbm>> -> memref<64x128xf32, #tpu.memory_space<hbm>>
      %dma_wait3A_100 = arith.constant 0 : i32
      %dma_wait3A_101 = tpu.memref_slice %arg12[%add3A_88, %dma_wait3A_100] : memref<5120x128xf32, #tpu.memory_space<vmem_shared>> -> memref<64x128xf32, #tpu.memory_space<vmem_shared>>
      tpu.wait_dma2 semaphore(%run_scoped3A : memref<!tpu.dma_semaphore, #tpu.memory_space<semaphore_mem>>) src(%dma_wait3A_101 : memref<64x128xf32, #tpu.memory_space<vmem_shared>>) dst(%dma_wait3A_99 : memref<64x128xf32, #tpu.memory_space<hbm>>)
      tpu.yield
    }) : () -> ()
    return
  }
}

#map = affine_map<(d0, d1) -> (0, 0)>
#map1 = affine_map<(d0, d1) -> (0)>
#map2 = affine_map<(d0, d1) -> (0, 0, 0)>
module attributes {stable_mosaic.version = 14 : i64} {
  func.func @agg_kernel(%arg0: i32, %arg1: i32, %arg2: memref<20000x128xf32, #tpu.memory_space<hbm>>, %arg3: memref<327680xi32, #tpu.memory_space<hbm>>, %arg4: memref<327680xi32, #tpu.memory_space<hbm>>, %arg5: memref<2x5120x128xf32, #tpu.memory_space<hbm>>, %arg6: memref<10240xi32, #tpu.memory_space<vmem>>, %arg7: memref<10240xi32, #tpu.memory_space<vmem>>, %arg8: memref<80x128xi32, #tpu.memory_space<vmem>>, %arg9: memref<128x128xf32, #tpu.memory_space<vmem>>, %arg10: memref<128x128xf32, #tpu.memory_space<vmem>>, %arg11: memref<64x128xf32, #tpu.memory_space<vmem>>, %arg12: memref<5120x128xf32, #tpu.memory_space<vmem_shared>>, %arg13: memref<!tpu.dma_semaphore, #tpu.memory_space<semaphore_mem>>, %arg14: memref<!tpu.dma_semaphore, #tpu.memory_space<semaphore_mem>>) attributes {dimension_semantics = [#tpu.dimension_semantics<core_parallel>, #tpu.dimension_semantics<subcore_parallel>], iteration_bounds = array<i64: 2, 16>, scalar_prefetch = 0 : i64, scratch_operands = 9 : i64, tpu.core_type = #tpu.core_type<sc_vector_subcore>, window_params = [{transform_indices = #map}, {transform_indices = #map1}, {transform_indices = #map1}, {transform_indices = #map2}]} {
    %mul3A = arith.constant 2 : i32
    %mul3A_0 = arith.muli %arg1, %mul3A : i32
    %add3A = arith.addi %mul3A_0, %arg0 : i32
    %scan3A = arith.constant 0 : i32
    %scan3A_1 = arith.constant 0 : i32
    %scan3A_2 = arith.constant 64 : i32
    %scan3A_3 = arith.addi %scan3A_1, %scan3A_2 : i32
    %scan3A_4 = arith.constant 1 : i32
    scf.for %scan3A_93 = %scan3A_1 to %scan3A_3 step %scan3A_4  : i32 {
      %broadcast_in_dim3A = arith.constant 0.000000e+00 : f32
      %broadcast_in_dim3A_94 = vector.broadcast %broadcast_in_dim3A : f32 to vector<16xf32>
      %swap3A = arith.index_cast %scan3A_93 : i32 to index
      %swap3A_95 = arith.constant 0 : index
      %swap3A_96 = tpu.vector_load %arg11[%swap3A, %swap3A_95] {strides = array<i32>} : memref<64x128xf32, #tpu.memory_space<vmem>>, vector<1x16xf32>,
      %swap3A_97 = vector.shape_cast %swap3A_96 : vector<1x16xf32> to vector<16xf32>
      %swap3A_98 = vector.shape_cast %broadcast_in_dim3A_94 : vector<16xf32> to vector<1x16xf32>
      tpu.vector_store %arg11[%swap3A, %swap3A_95], %swap3A_98 {strides = array<i32>} : memref<64x128xf32, #tpu.memory_space<vmem>>, vector<1x16xf32>,
      %broadcast_in_dim3A_99 = arith.constant 0.000000e+00 : f32
      %broadcast_in_dim3A_100 = vector.broadcast %broadcast_in_dim3A_99 : f32 to vector<16xf32>
      %swap3A_101 = arith.index_cast %scan3A_93 : i32 to index
      %swap3A_102 = arith.constant 16 : index
      %swap3A_103 = tpu.vector_load %arg11[%swap3A_101, %swap3A_102] {strides = array<i32>} : memref<64x128xf32, #tpu.memory_space<vmem>>, vector<1x16xf32>,
      %swap3A_104 = vector.shape_cast %swap3A_103 : vector<1x16xf32> to vector<16xf32>
      %swap3A_105 = vector.shape_cast %broadcast_in_dim3A_100 : vector<16xf32> to vector<1x16xf32>
      tpu.vector_store %arg11[%swap3A_101, %swap3A_102], %swap3A_105 {strides = array<i32>} : memref<64x128xf32, #tpu.memory_space<vmem>>, vector<1x16xf32>,
      %broadcast_in_dim3A_106 = arith.constant 0.000000e+00 : f32
      %broadcast_in_dim3A_107 = vector.broadcast %broadcast_in_dim3A_106 : f32 to vector<16xf32>
      %swap3A_108 = arith.index_cast %scan3A_93 : i32 to index
      %swap3A_109 = arith.constant 32 : index
      %swap3A_110 = tpu.vector_load %arg11[%swap3A_108, %swap3A_109] {strides = array<i32>} : memref<64x128xf32, #tpu.memory_space<vmem>>, vector<1x16xf32>,
      %swap3A_111 = vector.shape_cast %swap3A_110 : vector<1x16xf32> to vector<16xf32>
      %swap3A_112 = vector.shape_cast %broadcast_in_dim3A_107 : vector<16xf32> to vector<1x16xf32>
      tpu.vector_store %arg11[%swap3A_108, %swap3A_109], %swap3A_112 {strides = array<i32>} : memref<64x128xf32, #tpu.memory_space<vmem>>, vector<1x16xf32>,
      %broadcast_in_dim3A_113 = arith.constant 0.000000e+00 : f32
      %broadcast_in_dim3A_114 = vector.broadcast %broadcast_in_dim3A_113 : f32 to vector<16xf32>
      %swap3A_115 = arith.index_cast %scan3A_93 : i32 to index
      %swap3A_116 = arith.constant 48 : index
      %swap3A_117 = tpu.vector_load %arg11[%swap3A_115, %swap3A_116] {strides = array<i32>} : memref<64x128xf32, #tpu.memory_space<vmem>>, vector<1x16xf32>,
      %swap3A_118 = vector.shape_cast %swap3A_117 : vector<1x16xf32> to vector<16xf32>
      %swap3A_119 = vector.shape_cast %broadcast_in_dim3A_114 : vector<16xf32> to vector<1x16xf32>
      tpu.vector_store %arg11[%swap3A_115, %swap3A_116], %swap3A_119 {strides = array<i32>} : memref<64x128xf32, #tpu.memory_space<vmem>>, vector<1x16xf32>,
      %broadcast_in_dim3A_120 = arith.constant 0.000000e+00 : f32
      %broadcast_in_dim3A_121 = vector.broadcast %broadcast_in_dim3A_120 : f32 to vector<16xf32>
      %swap3A_122 = arith.index_cast %scan3A_93 : i32 to index
      %swap3A_123 = arith.constant 64 : index
      %swap3A_124 = tpu.vector_load %arg11[%swap3A_122, %swap3A_123] {strides = array<i32>} : memref<64x128xf32, #tpu.memory_space<vmem>>, vector<1x16xf32>,
      %swap3A_125 = vector.shape_cast %swap3A_124 : vector<1x16xf32> to vector<16xf32>
      %swap3A_126 = vector.shape_cast %broadcast_in_dim3A_121 : vector<16xf32> to vector<1x16xf32>
      tpu.vector_store %arg11[%swap3A_122, %swap3A_123], %swap3A_126 {strides = array<i32>} : memref<64x128xf32, #tpu.memory_space<vmem>>, vector<1x16xf32>,
      %broadcast_in_dim3A_127 = arith.constant 0.000000e+00 : f32
      %broadcast_in_dim3A_128 = vector.broadcast %broadcast_in_dim3A_127 : f32 to vector<16xf32>
      %swap3A_129 = arith.index_cast %scan3A_93 : i32 to index
      %swap3A_130 = arith.constant 80 : index
      %swap3A_131 = tpu.vector_load %arg11[%swap3A_129, %swap3A_130] {strides = array<i32>} : memref<64x128xf32, #tpu.memory_space<vmem>>, vector<1x16xf32>,
      %swap3A_132 = vector.shape_cast %swap3A_131 : vector<1x16xf32> to vector<16xf32>
      %swap3A_133 = vector.shape_cast %broadcast_in_dim3A_128 : vector<16xf32> to vector<1x16xf32>
      tpu.vector_store %arg11[%swap3A_129, %swap3A_130], %swap3A_133 {strides = array<i32>} : memref<64x128xf32, #tpu.memory_space<vmem>>, vector<1x16xf32>,
      %broadcast_in_dim3A_134 = arith.constant 0.000000e+00 : f32
      %broadcast_in_dim3A_135 = vector.broadcast %broadcast_in_dim3A_134 : f32 to vector<16xf32>
      %swap3A_136 = arith.index_cast %scan3A_93 : i32 to index
      %swap3A_137 = arith.constant 96 : index
      %swap3A_138 = tpu.vector_load %arg11[%swap3A_136, %swap3A_137] {strides = array<i32>} : memref<64x128xf32, #tpu.memory_space<vmem>>, vector<1x16xf32>,
      %swap3A_139 = vector.shape_cast %swap3A_138 : vector<1x16xf32> to vector<16xf32>
      %swap3A_140 = vector.shape_cast %broadcast_in_dim3A_135 : vector<16xf32> to vector<1x16xf32>
      tpu.vector_store %arg11[%swap3A_136, %swap3A_137], %swap3A_140 {strides = array<i32>} : memref<64x128xf32, #tpu.memory_space<vmem>>, vector<1x16xf32>,
      %broadcast_in_dim3A_141 = arith.constant 0.000000e+00 : f32
      %broadcast_in_dim3A_142 = vector.broadcast %broadcast_in_dim3A_141 : f32 to vector<16xf32>
      %swap3A_143 = arith.index_cast %scan3A_93 : i32 to index
      %swap3A_144 = arith.constant 112 : index
      %swap3A_145 = tpu.vector_load %arg11[%swap3A_143, %swap3A_144] {strides = array<i32>} : memref<64x128xf32, #tpu.memory_space<vmem>>, vector<1x16xf32>,
      %swap3A_146 = vector.shape_cast %swap3A_145 : vector<1x16xf32> to vector<16xf32>
      %swap3A_147 = vector.shape_cast %broadcast_in_dim3A_142 : vector<16xf32> to vector<1x16xf32>
      tpu.vector_store %arg11[%swap3A_143, %swap3A_144], %swap3A_147 {strides = array<i32>} : memref<64x128xf32, #tpu.memory_space<vmem>>, vector<1x16xf32>,
    }
    %scan3A_5 = arith.constant 64 : i32
    %mul3A_6 = arith.constant 320 : i32
    %mul3A_7 = arith.muli %arg1, %mul3A_6 : i32
    %add3A_8 = arith.constant 0 : i32
    %add3A_9 = arith.addi %mul3A_7, %add3A_8 : i32
    "tpu.region"() ({
      %run_scoped3A = tpu.sem_alloc : memref<!tpu.dma_semaphore, #tpu.memory_space<semaphore_mem>>
      %dma_start3A_93 = arith.constant 0 : i32
      %dma_start3A_94 = tpu.memref_slice %arg12[%add3A_9, %dma_start3A_93] : memref<5120x128xf32, #tpu.memory_space<vmem_shared>> -> memref<64x128xf32, #tpu.memory_space<vmem_shared>>
      %dma_start3A_95 = arith.constant 0 : i32
      %dma_start3A_96 = tpu.memref_slice %arg12[%add3A_9, %dma_start3A_95] : memref<5120x128xf32, #tpu.memory_space<vmem_shared>> -> memref<64x128xf32, #tpu.memory_space<vmem_shared>>
      tpu.enqueue_dma source(%arg11 : memref<64x128xf32, #tpu.memory_space<vmem>>) target(%dma_start3A_96 : memref<64x128xf32, #tpu.memory_space<vmem_shared>>) target_semaphore(%run_scoped3A : memref<!tpu.dma_semaphore, #tpu.memory_space<semaphore_mem>>)
      %dma_wait3A = arith.constant 0 : i32
      %dma_wait3A_97 = tpu.memref_slice %arg12[%add3A_9, %dma_wait3A] : memref<5120x128xf32, #tpu.memory_space<vmem_shared>> -> memref<64x128xf32, #tpu.memory_space<vmem_shared>>
      %dma_wait3A_98 = arith.constant 0 : i32
      %dma_wait3A_99 = tpu.memref_slice %arg12[%add3A_9, %dma_wait3A_98] : memref<5120x128xf32, #tpu.memory_space<vmem_shared>> -> memref<64x128xf32, #tpu.memory_space<vmem_shared>>
      tpu.wait_dma2 semaphore(%run_scoped3A : memref<!tpu.dma_semaphore, #tpu.memory_space<semaphore_mem>>) src(%arg11 : memref<64x128xf32, #tpu.memory_space<vmem>>) dst(%dma_wait3A_99 : memref<64x128xf32, #tpu.memory_space<vmem_shared>>)
      tpu.yield
    }) : () -> ()
    %mul3A_10 = arith.constant 320 : i32
    %mul3A_11 = arith.muli %arg1, %mul3A_10 : i32
    %add3A_12 = arith.constant 64 : i32
    %add3A_13 = arith.addi %mul3A_11, %add3A_12 : i32
    "tpu.region"() ({
      %run_scoped3A = tpu.sem_alloc : memref<!tpu.dma_semaphore, #tpu.memory_space<semaphore_mem>>
      %dma_start3A_93 = arith.constant 0 : i32
      %dma_start3A_94 = tpu.memref_slice %arg12[%add3A_13, %dma_start3A_93] : memref<5120x128xf32, #tpu.memory_space<vmem_shared>> -> memref<64x128xf32, #tpu.memory_space<vmem_shared>>
      %dma_start3A_95 = arith.constant 0 : i32
      %dma_start3A_96 = tpu.memref_slice %arg12[%add3A_13, %dma_start3A_95] : memref<5120x128xf32, #tpu.memory_space<vmem_shared>> -> memref<64x128xf32, #tpu.memory_space<vmem_shared>>
      tpu.enqueue_dma source(%arg11 : memref<64x128xf32, #tpu.memory_space<vmem>>) target(%dma_start3A_96 : memref<64x128xf32, #tpu.memory_space<vmem_shared>>) target_semaphore(%run_scoped3A : memref<!tpu.dma_semaphore, #tpu.memory_space<semaphore_mem>>)
      %dma_wait3A = arith.constant 0 : i32
      %dma_wait3A_97 = tpu.memref_slice %arg12[%add3A_13, %dma_wait3A] : memref<5120x128xf32, #tpu.memory_space<vmem_shared>> -> memref<64x128xf32, #tpu.memory_space<vmem_shared>>
      %dma_wait3A_98 = arith.constant 0 : i32
      %dma_wait3A_99 = tpu.memref_slice %arg12[%add3A_13, %dma_wait3A_98] : memref<5120x128xf32, #tpu.memory_space<vmem_shared>> -> memref<64x128xf32, #tpu.memory_space<vmem_shared>>
      tpu.wait_dma2 semaphore(%run_scoped3A : memref<!tpu.dma_semaphore, #tpu.memory_space<semaphore_mem>>) src(%arg11 : memref<64x128xf32, #tpu.memory_space<vmem>>) dst(%dma_wait3A_99 : memref<64x128xf32, #tpu.memory_space<vmem_shared>>)
      tpu.yield
    }) : () -> ()
    %mul3A_14 = arith.constant 320 : i32
    %mul3A_15 = arith.muli %arg1, %mul3A_14 : i32
    %add3A_16 = arith.constant 128 : i32
    %add3A_17 = arith.addi %mul3A_15, %add3A_16 : i32
    "tpu.region"() ({
      %run_scoped3A = tpu.sem_alloc : memref<!tpu.dma_semaphore, #tpu.memory_space<semaphore_mem>>
      %dma_start3A_93 = arith.constant 0 : i32
      %dma_start3A_94 = tpu.memref_slice %arg12[%add3A_17, %dma_start3A_93] : memref<5120x128xf32, #tpu.memory_space<vmem_shared>> -> memref<64x128xf32, #tpu.memory_space<vmem_shared>>
      %dma_start3A_95 = arith.constant 0 : i32
      %dma_start3A_96 = tpu.memref_slice %arg12[%add3A_17, %dma_start3A_95] : memref<5120x128xf32, #tpu.memory_space<vmem_shared>> -> memref<64x128xf32, #tpu.memory_space<vmem_shared>>
      tpu.enqueue_dma source(%arg11 : memref<64x128xf32, #tpu.memory_space<vmem>>) target(%dma_start3A_96 : memref<64x128xf32, #tpu.memory_space<vmem_shared>>) target_semaphore(%run_scoped3A : memref<!tpu.dma_semaphore, #tpu.memory_space<semaphore_mem>>)
      %dma_wait3A = arith.constant 0 : i32
      %dma_wait3A_97 = tpu.memref_slice %arg12[%add3A_17, %dma_wait3A] : memref<5120x128xf32, #tpu.memory_space<vmem_shared>> -> memref<64x128xf32, #tpu.memory_space<vmem_shared>>
      %dma_wait3A_98 = arith.constant 0 : i32
      %dma_wait3A_99 = tpu.memref_slice %arg12[%add3A_17, %dma_wait3A_98] : memref<5120x128xf32, #tpu.memory_space<vmem_shared>> -> memref<64x128xf32, #tpu.memory_space<vmem_shared>>
      tpu.wait_dma2 semaphore(%run_scoped3A : memref<!tpu.dma_semaphore, #tpu.memory_space<semaphore_mem>>) src(%arg11 : memref<64x128xf32, #tpu.memory_space<vmem>>) dst(%dma_wait3A_99 : memref<64x128xf32, #tpu.memory_space<vmem_shared>>)
      tpu.yield
    }) : () -> ()
    %mul3A_18 = arith.constant 320 : i32
    %mul3A_19 = arith.muli %arg1, %mul3A_18 : i32
    %add3A_20 = arith.constant 192 : i32
    %add3A_21 = arith.addi %mul3A_19, %add3A_20 : i32
    "tpu.region"() ({
      %run_scoped3A = tpu.sem_alloc : memref<!tpu.dma_semaphore, #tpu.memory_space<semaphore_mem>>
      %dma_start3A_93 = arith.constant 0 : i32
      %dma_start3A_94 = tpu.memref_slice %arg12[%add3A_21, %dma_start3A_93] : memref<5120x128xf32, #tpu.memory_space<vmem_shared>> -> memref<64x128xf32, #tpu.memory_space<vmem_shared>>
      %dma_start3A_95 = arith.constant 0 : i32
      %dma_start3A_96 = tpu.memref_slice %arg12[%add3A_21, %dma_start3A_95] : memref<5120x128xf32, #tpu.memory_space<vmem_shared>> -> memref<64x128xf32, #tpu.memory_space<vmem_shared>>
      tpu.enqueue_dma source(%arg11 : memref<64x128xf32, #tpu.memory_space<vmem>>) target(%dma_start3A_96 : memref<64x128xf32, #tpu.memory_space<vmem_shared>>) target_semaphore(%run_scoped3A : memref<!tpu.dma_semaphore, #tpu.memory_space<semaphore_mem>>)
      %dma_wait3A = arith.constant 0 : i32
      %dma_wait3A_97 = tpu.memref_slice %arg12[%add3A_21, %dma_wait3A] : memref<5120x128xf32, #tpu.memory_space<vmem_shared>> -> memref<64x128xf32, #tpu.memory_space<vmem_shared>>
      %dma_wait3A_98 = arith.constant 0 : i32
      %dma_wait3A_99 = tpu.memref_slice %arg12[%add3A_21, %dma_wait3A_98] : memref<5120x128xf32, #tpu.memory_space<vmem_shared>> -> memref<64x128xf32, #tpu.memory_space<vmem_shared>>
      tpu.wait_dma2 semaphore(%run_scoped3A : memref<!tpu.dma_semaphore, #tpu.memory_space<semaphore_mem>>) src(%arg11 : memref<64x128xf32, #tpu.memory_space<vmem>>) dst(%dma_wait3A_99 : memref<64x128xf32, #tpu.memory_space<vmem_shared>>)
      tpu.yield
    }) : () -> ()
    %mul3A_22 = arith.constant 320 : i32
    %mul3A_23 = arith.muli %arg1, %mul3A_22 : i32
    %add3A_24 = arith.constant 256 : i32
    %add3A_25 = arith.addi %mul3A_23, %add3A_24 : i32
    "tpu.region"() ({
      %run_scoped3A = tpu.sem_alloc : memref<!tpu.dma_semaphore, #tpu.memory_space<semaphore_mem>>
      %dma_start3A_93 = arith.constant 0 : i32
      %dma_start3A_94 = tpu.memref_slice %arg12[%add3A_25, %dma_start3A_93] : memref<5120x128xf32, #tpu.memory_space<vmem_shared>> -> memref<64x128xf32, #tpu.memory_space<vmem_shared>>
      %dma_start3A_95 = arith.constant 0 : i32
      %dma_start3A_96 = tpu.memref_slice %arg12[%add3A_25, %dma_start3A_95] : memref<5120x128xf32, #tpu.memory_space<vmem_shared>> -> memref<64x128xf32, #tpu.memory_space<vmem_shared>>
      tpu.enqueue_dma source(%arg11 : memref<64x128xf32, #tpu.memory_space<vmem>>) target(%dma_start3A_96 : memref<64x128xf32, #tpu.memory_space<vmem_shared>>) target_semaphore(%run_scoped3A : memref<!tpu.dma_semaphore, #tpu.memory_space<semaphore_mem>>)
      %dma_wait3A = arith.constant 0 : i32
      %dma_wait3A_97 = tpu.memref_slice %arg12[%add3A_25, %dma_wait3A] : memref<5120x128xf32, #tpu.memory_space<vmem_shared>> -> memref<64x128xf32, #tpu.memory_space<vmem_shared>>
      %dma_wait3A_98 = arith.constant 0 : i32
      %dma_wait3A_99 = tpu.memref_slice %arg12[%add3A_25, %dma_wait3A_98] : memref<5120x128xf32, #tpu.memory_space<vmem_shared>> -> memref<64x128xf32, #tpu.memory_space<vmem_shared>>
      tpu.wait_dma2 semaphore(%run_scoped3A : memref<!tpu.dma_semaphore, #tpu.memory_space<semaphore_mem>>) src(%arg11 : memref<64x128xf32, #tpu.memory_space<vmem>>) dst(%dma_wait3A_99 : memref<64x128xf32, #tpu.memory_space<vmem_shared>>)
      tpu.yield
    }) : () -> ()
    %barrier3A = arith.constant 0 : index
    tpu.barrier barrier_id(%barrier3A)
    %mul3A_26 = arith.constant 10240 : i32
    %mul3A_27 = arith.muli %add3A, %mul3A_26 : i32
    "tpu.region"() ({
      %run_scoped3A = tpu.sem_alloc : memref<!tpu.dma_semaphore, #tpu.memory_space<semaphore_mem>>
      %dma_start3A_93 = tpu.memref_slice %arg3[%mul3A_27] : memref<327680xi32, #tpu.memory_space<hbm>> -> memref<10240xi32, #tpu.memory_space<hbm>>
      %dma_start3A_94 = tpu.memref_slice %arg3[%mul3A_27] : memref<327680xi32, #tpu.memory_space<hbm>> -> memref<10240xi32, #tpu.memory_space<hbm>>
      tpu.enqueue_dma source(%dma_start3A_94 : memref<10240xi32, #tpu.memory_space<hbm>>) target(%arg6 : memref<10240xi32, #tpu.memory_space<vmem>>) target_semaphore(%run_scoped3A : memref<!tpu.dma_semaphore, #tpu.memory_space<semaphore_mem>>)
      %dma_wait3A = tpu.memref_slice %arg3[%mul3A_27] : memref<327680xi32, #tpu.memory_space<hbm>> -> memref<10240xi32, #tpu.memory_space<hbm>>
      %dma_wait3A_95 = tpu.memref_slice %arg3[%mul3A_27] : memref<327680xi32, #tpu.memory_space<hbm>> -> memref<10240xi32, #tpu.memory_space<hbm>>
      tpu.wait_dma2 semaphore(%run_scoped3A : memref<!tpu.dma_semaphore, #tpu.memory_space<semaphore_mem>>) src(%dma_wait3A_95 : memref<10240xi32, #tpu.memory_space<hbm>>) dst(%arg6 : memref<10240xi32, #tpu.memory_space<vmem>>)
      tpu.yield
    }) : () -> ()
    %mul3A_28 = arith.constant 10240 : i32
    %mul3A_29 = arith.muli %add3A, %mul3A_28 : i32
    "tpu.region"() ({
      %run_scoped3A = tpu.sem_alloc : memref<!tpu.dma_semaphore, #tpu.memory_space<semaphore_mem>>
      %dma_start3A_93 = tpu.memref_slice %arg4[%mul3A_29] : memref<327680xi32, #tpu.memory_space<hbm>> -> memref<10240xi32, #tpu.memory_space<hbm>>
      %dma_start3A_94 = tpu.memref_slice %arg4[%mul3A_29] : memref<327680xi32, #tpu.memory_space<hbm>> -> memref<10240xi32, #tpu.memory_space<hbm>>
      tpu.enqueue_dma source(%dma_start3A_94 : memref<10240xi32, #tpu.memory_space<hbm>>) target(%arg7 : memref<10240xi32, #tpu.memory_space<vmem>>) target_semaphore(%run_scoped3A : memref<!tpu.dma_semaphore, #tpu.memory_space<semaphore_mem>>)
      %dma_wait3A = tpu.memref_slice %arg4[%mul3A_29] : memref<327680xi32, #tpu.memory_space<hbm>> -> memref<10240xi32, #tpu.memory_space<hbm>>
      %dma_wait3A_95 = tpu.memref_slice %arg4[%mul3A_29] : memref<327680xi32, #tpu.memory_space<hbm>> -> memref<10240xi32, #tpu.memory_space<hbm>>
      tpu.wait_dma2 semaphore(%run_scoped3A : memref<!tpu.dma_semaphore, #tpu.memory_space<semaphore_mem>>) src(%dma_wait3A_95 : memref<10240xi32, #tpu.memory_space<hbm>>) dst(%arg7 : memref<10240xi32, #tpu.memory_space<vmem>>)
      tpu.yield
    }) : () -> ()
    %scan3A_30 = arith.constant 0 : i32
    %scan3A_31 = arith.constant 0 : i32
    %scan3A_32 = arith.constant 640 : i32
    %scan3A_33 = arith.addi %scan3A_31, %scan3A_32 : i32
    %scan3A_34 = arith.constant 1 : i32
    scf.for %scan3A_93 = %scan3A_31 to %scan3A_33 step %scan3A_34  : i32 {
      %mul3A_94 = arith.constant 16 : i32
      %mul3A_95 = arith.muli %scan3A_93, %mul3A_94 : i32
      %get3A = arith.index_cast %mul3A_95 : i32 to index
      %get3A_96 = tpu.vector_load %arg6[%get3A] {strides = array<i32>} : memref<10240xi32, #tpu.memory_space<vmem>>, vector<16xi32>,
      %get3A_97 = vector.shape_cast %get3A_96 : vector<16xi32> to vector<16xi32>
      %mul3A_98 = arith.constant 16 : i32
      %mul3A_99 = arith.muli %scan3A_93, %mul3A_98 : i32
      %get3A_100 = arith.index_cast %mul3A_99 : i32 to index
      %get3A_101 = tpu.vector_load %arg7[%get3A_100] {strides = array<i32>} : memref<10240xi32, #tpu.memory_space<vmem>>, vector<16xi32>,
      %get3A_102 = vector.shape_cast %get3A_101 : vector<16xi32> to vector<16xi32>
      %and3A = arith.constant 1 : i32
      %and3A_103 = vector.broadcast %and3A : i32 to vector<16xi32>
      %and3A_104 = arith.andi %get3A_102, %and3A_103 : vector<16xi32>
      %mul3A_105 = arith.constant 10000 : i32
      %mul3A_106 = vector.broadcast %mul3A_105 : i32 to vector<16xi32>
      %mul3A_107 = arith.muli %and3A_104, %mul3A_106 : vector<16xi32>
      %add3A_108 = arith.addi %get3A_97, %mul3A_107 : vector<16xi32>
      %mul3A_109 = arith.constant 16 : i32
      %mul3A_110 = arith.muli %scan3A_93, %mul3A_109 : i32
      %swap3A = arith.index_cast %mul3A_110 : i32 to index
      %swap3A_111 = tpu.vector_load %arg6[%swap3A] {strides = array<i32>} : memref<10240xi32, #tpu.memory_space<vmem>>, vector<16xi32>,
      %swap3A_112 = vector.shape_cast %swap3A_111 : vector<16xi32> to vector<16xi32>
      %swap3A_113 = vector.shape_cast %add3A_108 : vector<16xi32> to vector<16xi32>
      tpu.vector_store %arg6[%swap3A], %swap3A_113 {strides = array<i32>} : memref<10240xi32, #tpu.memory_space<vmem>>, vector<16xi32>,
    }
    %scan3A_35 = arith.constant 640 : i32
    %scan3A_36 = arith.constant 0 : i32
    %scan3A_37 = arith.constant 0 : i32
    %scan3A_38 = arith.constant 80 : i32
    %scan3A_39 = arith.addi %scan3A_37, %scan3A_38 : i32
    %scan3A_40 = arith.constant 1 : i32
    scf.for %scan3A_93 = %scan3A_37 to %scan3A_39 step %scan3A_40  : i32 {
      %mul3A_94 = arith.constant 128 : i32
      %mul3A_95 = arith.muli %scan3A_93, %mul3A_94 : i32
      %add3A_96 = arith.constant 0 : i32
      %add3A_97 = arith.addi %mul3A_95, %add3A_96 : i32
      %get3A = arith.index_cast %add3A_97 : i32 to index
      %get3A_98 = tpu.vector_load %arg7[%get3A] {strides = array<i32>} : memref<10240xi32, #tpu.memory_space<vmem>>, vector<16xi32>,
      %get3A_99 = vector.shape_cast %get3A_98 : vector<16xi32> to vector<16xi32>
      %shift_right_arithmetic3A = arith.constant 1 : i32
      %shift_right_arithmetic3A_100 = vector.broadcast %shift_right_arithmetic3A : i32 to vector<16xi32>
      %shift_right_arithmetic3A_101 = arith.shrsi %get3A_99, %shift_right_arithmetic3A_100 : vector<16xi32>
      %swap3A = arith.index_cast %scan3A_93 : i32 to index
      %swap3A_102 = arith.constant 0 : index
      %swap3A_103 = tpu.vector_load %arg8[%swap3A, %swap3A_102] {strides = array<i32>} : memref<80x128xi32, #tpu.memory_space<vmem>>, vector<1x16xi32>,
      %swap3A_104 = vector.shape_cast %swap3A_103 : vector<1x16xi32> to vector<16xi32>
      %swap3A_105 = vector.shape_cast %shift_right_arithmetic3A_101 : vector<16xi32> to vector<1x16xi32>
      tpu.vector_store %arg8[%swap3A, %swap3A_102], %swap3A_105 {strides = array<i32>} : memref<80x128xi32, #tpu.memory_space<vmem>>, vector<1x16xi32>,
      %mul3A_106 = arith.constant 128 : i32
      %mul3A_107 = arith.muli %scan3A_93, %mul3A_106 : i32
      %add3A_108 = arith.constant 16 : i32
      %add3A_109 = arith.addi %mul3A_107, %add3A_108 : i32
      %get3A_110 = arith.index_cast %add3A_109 : i32 to index
      %get3A_111 = tpu.vector_load %arg7[%get3A_110] {strides = array<i32>} : memref<10240xi32, #tpu.memory_space<vmem>>, vector<16xi32>,
      %get3A_112 = vector.shape_cast %get3A_111 : vector<16xi32> to vector<16xi32>
      %shift_right_arithmetic3A_113 = arith.constant 1 : i32
      %shift_right_arithmetic3A_114 = vector.broadcast %shift_right_arithmetic3A_113 : i32 to vector<16xi32>
      %shift_right_arithmetic3A_115 = arith.shrsi %get3A_112, %shift_right_arithmetic3A_114 : vector<16xi32>
      %swap3A_116 = arith.index_cast %scan3A_93 : i32 to index
      %swap3A_117 = arith.constant 16 : index
      %swap3A_118 = tpu.vector_load %arg8[%swap3A_116, %swap3A_117] {strides = array<i32>} : memref<80x128xi32, #tpu.memory_space<vmem>>, vector<1x16xi32>,
      %swap3A_119 = vector.shape_cast %swap3A_118 : vector<1x16xi32> to vector<16xi32>
      %swap3A_120 = vector.shape_cast %shift_right_arithmetic3A_115 : vector<16xi32> to vector<1x16xi32>
      tpu.vector_store %arg8[%swap3A_116, %swap3A_117], %swap3A_120 {strides = array<i32>} : memref<80x128xi32, #tpu.memory_space<vmem>>, vector<1x16xi32>,
      %mul3A_121 = arith.constant 128 : i32
      %mul3A_122 = arith.muli %scan3A_93, %mul3A_121 : i32
      %add3A_123 = arith.constant 32 : i32
      %add3A_124 = arith.addi %mul3A_122, %add3A_123 : i32
      %get3A_125 = arith.index_cast %add3A_124 : i32 to index
      %get3A_126 = tpu.vector_load %arg7[%get3A_125] {strides = array<i32>} : memref<10240xi32, #tpu.memory_space<vmem>>, vector<16xi32>,
      %get3A_127 = vector.shape_cast %get3A_126 : vector<16xi32> to vector<16xi32>
      %shift_right_arithmetic3A_128 = arith.constant 1 : i32
      %shift_right_arithmetic3A_129 = vector.broadcast %shift_right_arithmetic3A_128 : i32 to vector<16xi32>
      %shift_right_arithmetic3A_130 = arith.shrsi %get3A_127, %shift_right_arithmetic3A_129 : vector<16xi32>
      %swap3A_131 = arith.index_cast %scan3A_93 : i32 to index
      %swap3A_132 = arith.constant 32 : index
      %swap3A_133 = tpu.vector_load %arg8[%swap3A_131, %swap3A_132] {strides = array<i32>} : memref<80x128xi32, #tpu.memory_space<vmem>>, vector<1x16xi32>,
      %swap3A_134 = vector.shape_cast %swap3A_133 : vector<1x16xi32> to vector<16xi32>
      %swap3A_135 = vector.shape_cast %shift_right_arithmetic3A_130 : vector<16xi32> to vector<1x16xi32>
      tpu.vector_store %arg8[%swap3A_131, %swap3A_132], %swap3A_135 {strides = array<i32>} : memref<80x128xi32, #tpu.memory_space<vmem>>, vector<1x16xi32>,
      %mul3A_136 = arith.constant 128 : i32
      %mul3A_137 = arith.muli %scan3A_93, %mul3A_136 : i32
      %add3A_138 = arith.constant 48 : i32
      %add3A_139 = arith.addi %mul3A_137, %add3A_138 : i32
      %get3A_140 = arith.index_cast %add3A_139 : i32 to index
      %get3A_141 = tpu.vector_load %arg7[%get3A_140] {strides = array<i32>} : memref<10240xi32, #tpu.memory_space<vmem>>, vector<16xi32>,
      %get3A_142 = vector.shape_cast %get3A_141 : vector<16xi32> to vector<16xi32>
      %shift_right_arithmetic3A_143 = arith.constant 1 : i32
      %shift_right_arithmetic3A_144 = vector.broadcast %shift_right_arithmetic3A_143 : i32 to vector<16xi32>
      %shift_right_arithmetic3A_145 = arith.shrsi %get3A_142, %shift_right_arithmetic3A_144 : vector<16xi32>
      %swap3A_146 = arith.index_cast %scan3A_93 : i32 to index
      %swap3A_147 = arith.constant 48 : index
      %swap3A_148 = tpu.vector_load %arg8[%swap3A_146, %swap3A_147] {strides = array<i32>} : memref<80x128xi32, #tpu.memory_space<vmem>>, vector<1x16xi32>,
      %swap3A_149 = vector.shape_cast %swap3A_148 : vector<1x16xi32> to vector<16xi32>
      %swap3A_150 = vector.shape_cast %shift_right_arithmetic3A_145 : vector<16xi32> to vector<1x16xi32>
      tpu.vector_store %arg8[%swap3A_146, %swap3A_147], %swap3A_150 {strides = array<i32>} : memref<80x128xi32, #tpu.memory_space<vmem>>, vector<1x16xi32>,
      %mul3A_151 = arith.constant 128 : i32
      %mul3A_152 = arith.muli %scan3A_93, %mul3A_151 : i32
      %add3A_153 = arith.constant 64 : i32
      %add3A_154 = arith.addi %mul3A_152, %add3A_153 : i32
      %get3A_155 = arith.index_cast %add3A_154 : i32 to index
      %get3A_156 = tpu.vector_load %arg7[%get3A_155] {strides = array<i32>} : memref<10240xi32, #tpu.memory_space<vmem>>, vector<16xi32>,
      %get3A_157 = vector.shape_cast %get3A_156 : vector<16xi32> to vector<16xi32>
      %shift_right_arithmetic3A_158 = arith.constant 1 : i32
      %shift_right_arithmetic3A_159 = vector.broadcast %shift_right_arithmetic3A_158 : i32 to vector<16xi32>
      %shift_right_arithmetic3A_160 = arith.shrsi %get3A_157, %shift_right_arithmetic3A_159 : vector<16xi32>
      %swap3A_161 = arith.index_cast %scan3A_93 : i32 to index
      %swap3A_162 = arith.constant 64 : index
      %swap3A_163 = tpu.vector_load %arg8[%swap3A_161, %swap3A_162] {strides = array<i32>} : memref<80x128xi32, #tpu.memory_space<vmem>>, vector<1x16xi32>,
      %swap3A_164 = vector.shape_cast %swap3A_163 : vector<1x16xi32> to vector<16xi32>
      %swap3A_165 = vector.shape_cast %shift_right_arithmetic3A_160 : vector<16xi32> to vector<1x16xi32>
      tpu.vector_store %arg8[%swap3A_161, %swap3A_162], %swap3A_165 {strides = array<i32>} : memref<80x128xi32, #tpu.memory_space<vmem>>, vector<1x16xi32>,
      %mul3A_166 = arith.constant 128 : i32
      %mul3A_167 = arith.muli %scan3A_93, %mul3A_166 : i32
      %add3A_168 = arith.constant 80 : i32
      %add3A_169 = arith.addi %mul3A_167, %add3A_168 : i32
      %get3A_170 = arith.index_cast %add3A_169 : i32 to index
      %get3A_171 = tpu.vector_load %arg7[%get3A_170] {strides = array<i32>} : memref<10240xi32, #tpu.memory_space<vmem>>, vector<16xi32>,
      %get3A_172 = vector.shape_cast %get3A_171 : vector<16xi32> to vector<16xi32>
      %shift_right_arithmetic3A_173 = arith.constant 1 : i32
      %shift_right_arithmetic3A_174 = vector.broadcast %shift_right_arithmetic3A_173 : i32 to vector<16xi32>
      %shift_right_arithmetic3A_175 = arith.shrsi %get3A_172, %shift_right_arithmetic3A_174 : vector<16xi32>
      %swap3A_176 = arith.index_cast %scan3A_93 : i32 to index
      %swap3A_177 = arith.constant 80 : index
      %swap3A_178 = tpu.vector_load %arg8[%swap3A_176, %swap3A_177] {strides = array<i32>} : memref<80x128xi32, #tpu.memory_space<vmem>>, vector<1x16xi32>,
      %swap3A_179 = vector.shape_cast %swap3A_178 : vector<1x16xi32> to vector<16xi32>
      %swap3A_180 = vector.shape_cast %shift_right_arithmetic3A_175 : vector<16xi32> to vector<1x16xi32>
      tpu.vector_store %arg8[%swap3A_176, %swap3A_177], %swap3A_180 {strides = array<i32>} : memref<80x128xi32, #tpu.memory_space<vmem>>, vector<1x16xi32>,
      %mul3A_181 = arith.constant 128 : i32
      %mul3A_182 = arith.muli %scan3A_93, %mul3A_181 : i32
      %add3A_183 = arith.constant 96 : i32
      %add3A_184 = arith.addi %mul3A_182, %add3A_183 : i32
      %get3A_185 = arith.index_cast %add3A_184 : i32 to index
      %get3A_186 = tpu.vector_load %arg7[%get3A_185] {strides = array<i32>} : memref<10240xi32, #tpu.memory_space<vmem>>, vector<16xi32>,
      %get3A_187 = vector.shape_cast %get3A_186 : vector<16xi32> to vector<16xi32>
      %shift_right_arithmetic3A_188 = arith.constant 1 : i32
      %shift_right_arithmetic3A_189 = vector.broadcast %shift_right_arithmetic3A_188 : i32 to vector<16xi32>
      %shift_right_arithmetic3A_190 = arith.shrsi %get3A_187, %shift_right_arithmetic3A_189 : vector<16xi32>
      %swap3A_191 = arith.index_cast %scan3A_93 : i32 to index
      %swap3A_192 = arith.constant 96 : index
      %swap3A_193 = tpu.vector_load %arg8[%swap3A_191, %swap3A_192] {strides = array<i32>} : memref<80x128xi32, #tpu.memory_space<vmem>>, vector<1x16xi32>,
      %swap3A_194 = vector.shape_cast %swap3A_193 : vector<1x16xi32> to vector<16xi32>
      %swap3A_195 = vector.shape_cast %shift_right_arithmetic3A_190 : vector<16xi32> to vector<1x16xi32>
      tpu.vector_store %arg8[%swap3A_191, %swap3A_192], %swap3A_195 {strides = array<i32>} : memref<80x128xi32, #tpu.memory_space<vmem>>, vector<1x16xi32>,
      %mul3A_196 = arith.constant 128 : i32
      %mul3A_197 = arith.muli %scan3A_93, %mul3A_196 : i32
      %add3A_198 = arith.constant 112 : i32
      %add3A_199 = arith.addi %mul3A_197, %add3A_198 : i32
      %get3A_200 = arith.index_cast %add3A_199 : i32 to index
      %get3A_201 = tpu.vector_load %arg7[%get3A_200] {strides = array<i32>} : memref<10240xi32, #tpu.memory_space<vmem>>, vector<16xi32>,
      %get3A_202 = vector.shape_cast %get3A_201 : vector<16xi32> to vector<16xi32>
      %shift_right_arithmetic3A_203 = arith.constant 1 : i32
      %shift_right_arithmetic3A_204 = vector.broadcast %shift_right_arithmetic3A_203 : i32 to vector<16xi32>
      %shift_right_arithmetic3A_205 = arith.shrsi %get3A_202, %shift_right_arithmetic3A_204 : vector<16xi32>
      %swap3A_206 = arith.index_cast %scan3A_93 : i32 to index
      %swap3A_207 = arith.constant 112 : index
      %swap3A_208 = tpu.vector_load %arg8[%swap3A_206, %swap3A_207] {strides = array<i32>} : memref<80x128xi32, #tpu.memory_space<vmem>>, vector<1x16xi32>,
      %swap3A_209 = vector.shape_cast %swap3A_208 : vector<1x16xi32> to vector<16xi32>
      %swap3A_210 = vector.shape_cast %shift_right_arithmetic3A_205 : vector<16xi32> to vector<1x16xi32>
      tpu.vector_store %arg8[%swap3A_206, %swap3A_207], %swap3A_210 {strides = array<i32>} : memref<80x128xi32, #tpu.memory_space<vmem>>, vector<1x16xi32>,
    }
    %scan3A_41 = arith.constant 80 : i32
    %dma_start3A = arith.constant 0 : i32
    %dma_start3A_42 = tpu.memref_slice %arg6[%dma_start3A] : memref<10240xi32, #tpu.memory_space<vmem>> -> memref<128xi32, #tpu.memory_space<vmem>>
    %dma_start3A_43 = arith.constant 0 : i32
    %dma_start3A_44 = arith.constant 0 : i32
    %dma_start3A_45 = tpu.memref_slice %arg2[%dma_start3A_43, %dma_start3A_44] : memref<20000x128xf32, #tpu.memory_space<hbm>> -> memref<20000x128xf32, #tpu.memory_space<hbm>>
    tpu.enqueue_indirect_dma source(%dma_start3A_45 : memref<20000x128xf32, #tpu.memory_space<hbm>>) target(%arg9 : memref<128x128xf32, #tpu.memory_space<vmem>>) offsets(%dma_start3A_42 : memref<128xi32, #tpu.memory_space<vmem>>) semaphore(%arg13 : memref<!tpu.dma_semaphore, #tpu.memory_space<semaphore_mem>>)
    %scan3A_46 = arith.constant 0 : i32
    %scan3A_47 = arith.constant 0 : i32
    %scan3A_48 = arith.constant 40 : i32
    %scan3A_49 = arith.addi %scan3A_47, %scan3A_48 : i32
    %scan3A_50 = arith.constant 1 : i32
    scf.for %scan3A_93 = %scan3A_47 to %scan3A_49 step %scan3A_50  : i32 {
      %mul3A_94 = arith.constant 2 : i32
      %mul3A_95 = arith.muli %scan3A_93, %mul3A_94 : i32
      %add3A_96 = arith.constant 1 : i32
      %add3A_97 = arith.addi %mul3A_95, %add3A_96 : i32
      %mul3A_98 = arith.constant 128 : i32
      %mul3A_99 = arith.muli %add3A_97, %mul3A_98 : i32
      %dma_start3A_100 = tpu.memref_slice %arg6[%mul3A_99] : memref<10240xi32, #tpu.memory_space<vmem>> -> memref<128xi32, #tpu.memory_space<vmem>>
      %dma_start3A_101 = arith.constant 0 : i32
      %dma_start3A_102 = arith.constant 0 : i32
      %dma_start3A_103 = tpu.memref_slice %arg2[%dma_start3A_101, %dma_start3A_102] : memref<20000x128xf32, #tpu.memory_space<hbm>> -> memref<20000x128xf32, #tpu.memory_space<hbm>>
      tpu.enqueue_indirect_dma source(%dma_start3A_103 : memref<20000x128xf32, #tpu.memory_space<hbm>>) target(%arg10 : memref<128x128xf32, #tpu.memory_space<vmem>>) offsets(%dma_start3A_100 : memref<128xi32, #tpu.memory_space<vmem>>) semaphore(%arg14 : memref<!tpu.dma_semaphore, #tpu.memory_space<semaphore_mem>>)
      %mul3A_104 = arith.constant 128 : i32
      %mul3A_105 = arith.muli %mul3A_95, %mul3A_104 : i32
      %dma_wait3A = tpu.memref_slice %arg6[%mul3A_105] : memref<10240xi32, #tpu.memory_space<vmem>> -> memref<128xi32, #tpu.memory_space<vmem>>
      %dma_wait3A_106 = arith.constant 0 : i32
      %dma_wait3A_107 = arith.constant 0 : i32
      %dma_wait3A_108 = tpu.memref_slice %arg2[%dma_wait3A_106, %dma_wait3A_107] : memref<20000x128xf32, #tpu.memory_space<hbm>> -> memref<20000x128xf32, #tpu.memory_space<hbm>>
      tpu.wait_indirect_dma semaphore(%arg13 : memref<!tpu.dma_semaphore, #tpu.memory_space<semaphore_mem>>) src(%dma_wait3A_108 : memref<20000x128xf32, #tpu.memory_space<hbm>>) dst(%arg9 : memref<128x128xf32, #tpu.memory_space<vmem>>)
      "tpu.region"() ({
        %run_scoped3A = tpu.sem_alloc : memref<!tpu.dma_semaphore, #tpu.memory_space<semaphore_mem>>
        %dma_start3A_123 = arith.constant 0 : i32
        %dma_start3A_124 = tpu.memref_slice %arg8[%mul3A_95, %dma_start3A_123] : memref<80x128xi32, #tpu.memory_space<vmem>> -> memref<1x128xi32, #tpu.memory_space<vmem>>
        %dma_start3A_125 = tpu.memref_squeeze %dma_start3A_124 : memref<1x128xi32, #tpu.memory_space<vmem>> -> memref<128xi32, #tpu.memory_space<vmem>>
        %dma_start3A_126 = arith.constant 0 : i32
        %dma_start3A_127 = arith.constant 0 : i32
        %dma_start3A_128 = tpu.memref_slice %arg12[%dma_start3A_126, %dma_start3A_127] : memref<5120x128xf32, #tpu.memory_space<vmem_shared>> -> memref<5120x128xf32, #tpu.memory_space<vmem_shared>>
        tpu.enqueue_indirect_dma source(%arg9 : memref<128x128xf32, #tpu.memory_space<vmem>>) target(%dma_start3A_128 : memref<5120x128xf32, #tpu.memory_space<vmem_shared>>) offsets(%dma_start3A_125 : memref<128xi32, #tpu.memory_space<vmem>>) semaphore(%run_scoped3A : memref<!tpu.dma_semaphore, #tpu.memory_space<semaphore_mem>>) {add = true}
        %dma_wait3A_129 = arith.constant 0 : i32
        %dma_wait3A_130 = tpu.memref_slice %arg8[%mul3A_95, %dma_wait3A_129] : memref<80x128xi32, #tpu.memory_space<vmem>> -> memref<1x128xi32, #tpu.memory_space<vmem>>
        %dma_wait3A_131 = tpu.memref_squeeze %dma_wait3A_130 : memref<1x128xi32, #tpu.memory_space<vmem>> -> memref<128xi32, #tpu.memory_space<vmem>>
        %dma_wait3A_132 = arith.constant 0 : i32
        %dma_wait3A_133 = arith.constant 0 : i32
        %dma_wait3A_134 = tpu.memref_slice %arg12[%dma_wait3A_132, %dma_wait3A_133] : memref<5120x128xf32, #tpu.memory_space<vmem_shared>> -> memref<5120x128xf32, #tpu.memory_space<vmem_shared>>
        tpu.wait_indirect_dma semaphore(%run_scoped3A : memref<!tpu.dma_semaphore, #tpu.memory_space<semaphore_mem>>) src(%arg9 : memref<128x128xf32, #tpu.memory_space<vmem>>) dst(%dma_wait3A_134 : memref<5120x128xf32, #tpu.memory_space<vmem_shared>>)
        tpu.yield
      }) : () -> ()
      %add3A_109 = arith.constant 1 : i32
      %add3A_110 = arith.addi %scan3A_93, %add3A_109 : i32
      %lt3A = arith.constant 40 : i32
      %lt3A_111 = arith.cmpi slt, %add3A_110, %lt3A : i32
      %convert_element_type3A = arith.extui %lt3A_111 : i1 to i32
      %cond3A = arith.constant 0 : i32
      %cond3A_112 = arith.cmpi ne, %convert_element_type3A, %cond3A : i32
      scf.if %cond3A_112 {
        %add3A_123 = arith.constant 2 : i32
        %add3A_124 = arith.addi %mul3A_95, %add3A_123 : i32
        %mul3A_125 = arith.constant 128 : i32
        %mul3A_126 = arith.muli %add3A_124, %mul3A_125 : i32
        %dma_start3A_127 = tpu.memref_slice %arg6[%mul3A_126] : memref<10240xi32, #tpu.memory_space<vmem>> -> memref<128xi32, #tpu.memory_space<vmem>>
        %dma_start3A_128 = arith.constant 0 : i32
        %dma_start3A_129 = arith.constant 0 : i32
        %dma_start3A_130 = tpu.memref_slice %arg2[%dma_start3A_128, %dma_start3A_129] : memref<20000x128xf32, #tpu.memory_space<hbm>> -> memref<20000x128xf32, #tpu.memory_space<hbm>>
        tpu.enqueue_indirect_dma source(%dma_start3A_130 : memref<20000x128xf32, #tpu.memory_space<hbm>>) target(%arg9 : memref<128x128xf32, #tpu.memory_space<vmem>>) offsets(%dma_start3A_127 : memref<128xi32, #tpu.memory_space<vmem>>) semaphore(%arg13 : memref<!tpu.dma_semaphore, #tpu.memory_space<semaphore_mem>>)
      } else {
      }
      %add3A_113 = arith.constant 1 : i32
      %add3A_114 = arith.addi %mul3A_95, %add3A_113 : i32
      %mul3A_115 = arith.constant 128 : i32
      %mul3A_116 = arith.muli %add3A_114, %mul3A_115 : i32
      %dma_wait3A_117 = tpu.memref_slice %arg6[%mul3A_116] : memref<10240xi32, #tpu.memory_space<vmem>> -> memref<128xi32, #tpu.memory_space<vmem>>
      %dma_wait3A_118 = arith.constant 0 : i32
      %dma_wait3A_119 = arith.constant 0 : i32
      %dma_wait3A_120 = tpu.memref_slice %arg2[%dma_wait3A_118, %dma_wait3A_119] : memref<20000x128xf32, #tpu.memory_space<hbm>> -> memref<20000x128xf32, #tpu.memory_space<hbm>>
      tpu.wait_indirect_dma semaphore(%arg14 : memref<!tpu.dma_semaphore, #tpu.memory_space<semaphore_mem>>) src(%dma_wait3A_120 : memref<20000x128xf32, #tpu.memory_space<hbm>>) dst(%arg10 : memref<128x128xf32, #tpu.memory_space<vmem>>)
      %add3A_121 = arith.constant 1 : i32
      %add3A_122 = arith.addi %mul3A_95, %add3A_121 : i32
      "tpu.region"() ({
        %run_scoped3A = tpu.sem_alloc : memref<!tpu.dma_semaphore, #tpu.memory_space<semaphore_mem>>
        %dma_start3A_123 = arith.constant 0 : i32
        %dma_start3A_124 = tpu.memref_slice %arg8[%add3A_122, %dma_start3A_123] : memref<80x128xi32, #tpu.memory_space<vmem>> -> memref<1x128xi32, #tpu.memory_space<vmem>>
        %dma_start3A_125 = tpu.memref_squeeze %dma_start3A_124 : memref<1x128xi32, #tpu.memory_space<vmem>> -> memref<128xi32, #tpu.memory_space<vmem>>
        %dma_start3A_126 = arith.constant 0 : i32
        %dma_start3A_127 = arith.constant 0 : i32
        %dma_start3A_128 = tpu.memref_slice %arg12[%dma_start3A_126, %dma_start3A_127] : memref<5120x128xf32, #tpu.memory_space<vmem_shared>> -> memref<5120x128xf32, #tpu.memory_space<vmem_shared>>
        tpu.enqueue_indirect_dma source(%arg10 : memref<128x128xf32, #tpu.memory_space<vmem>>) target(%dma_start3A_128 : memref<5120x128xf32, #tpu.memory_space<vmem_shared>>) offsets(%dma_start3A_125 : memref<128xi32, #tpu.memory_space<vmem>>) semaphore(%run_scoped3A : memref<!tpu.dma_semaphore, #tpu.memory_space<semaphore_mem>>) {add = true}
        %dma_wait3A_129 = arith.constant 0 : i32
        %dma_wait3A_130 = tpu.memref_slice %arg8[%add3A_122, %dma_wait3A_129] : memref<80x128xi32, #tpu.memory_space<vmem>> -> memref<1x128xi32, #tpu.memory_space<vmem>>
        %dma_wait3A_131 = tpu.memref_squeeze %dma_wait3A_130 : memref<1x128xi32, #tpu.memory_space<vmem>> -> memref<128xi32, #tpu.memory_space<vmem>>
        %dma_wait3A_132 = arith.constant 0 : i32
        %dma_wait3A_133 = arith.constant 0 : i32
        %dma_wait3A_134 = tpu.memref_slice %arg12[%dma_wait3A_132, %dma_wait3A_133] : memref<5120x128xf32, #tpu.memory_space<vmem_shared>> -> memref<5120x128xf32, #tpu.memory_space<vmem_shared>>
        tpu.wait_indirect_dma semaphore(%run_scoped3A : memref<!tpu.dma_semaphore, #tpu.memory_space<semaphore_mem>>) src(%arg10 : memref<128x128xf32, #tpu.memory_space<vmem>>) dst(%dma_wait3A_134 : memref<5120x128xf32, #tpu.memory_space<vmem_shared>>)
        tpu.yield
      }) : () -> ()
    }
    %scan3A_51 = arith.constant 40 : i32
    %barrier3A_52 = arith.constant 0 : index
    tpu.barrier barrier_id(%barrier3A_52)
    %mul3A_53 = arith.constant 320 : i32
    %mul3A_54 = arith.muli %arg1, %mul3A_53 : i32
    %add3A_55 = arith.constant 0 : i32
    %add3A_56 = arith.addi %mul3A_54, %add3A_55 : i32
    %mul3A_57 = arith.constant 320 : i32
    %mul3A_58 = arith.muli %arg1, %mul3A_57 : i32
    %add3A_59 = arith.constant 0 : i32
    %add3A_60 = arith.addi %mul3A_58, %add3A_59 : i32
    "tpu.region"() ({
      %run_scoped3A = tpu.sem_alloc : memref<!tpu.dma_semaphore, #tpu.memory_space<semaphore_mem>>
      %dma_start3A_93 = arith.constant 0 : i32
      %dma_start3A_94 = tpu.memref_slice %arg5[%arg0, %add3A_60, %dma_start3A_93] : memref<2x5120x128xf32, #tpu.memory_space<hbm>> -> memref<1x64x128xf32, #tpu.memory_space<hbm>>
      %dma_start3A_95 = tpu.memref_squeeze %dma_start3A_94 : memref<1x64x128xf32, #tpu.memory_space<hbm>> -> memref<64x128xf32, #tpu.memory_space<hbm>>
      %dma_start3A_96 = arith.constant 0 : i32
      %dma_start3A_97 = tpu.memref_slice %arg12[%add3A_56, %dma_start3A_96] : memref<5120x128xf32, #tpu.memory_space<vmem_shared>> -> memref<64x128xf32, #tpu.memory_space<vmem_shared>>
      tpu.enqueue_dma source(%dma_start3A_97 : memref<64x128xf32, #tpu.memory_space<vmem_shared>>) target(%dma_start3A_95 : memref<64x128xf32, #tpu.memory_space<hbm>>) target_semaphore(%run_scoped3A : memref<!tpu.dma_semaphore, #tpu.memory_space<semaphore_mem>>)
      %dma_wait3A = arith.constant 0 : i32
      %dma_wait3A_98 = tpu.memref_slice %arg5[%arg0, %add3A_60, %dma_wait3A] : memref<2x5120x128xf32, #tpu.memory_space<hbm>> -> memref<1x64x128xf32, #tpu.memory_space<hbm>>
      %dma_wait3A_99 = tpu.memref_squeeze %dma_wait3A_98 : memref<1x64x128xf32, #tpu.memory_space<hbm>> -> memref<64x128xf32, #tpu.memory_space<hbm>>
      %dma_wait3A_100 = arith.constant 0 : i32
      %dma_wait3A_101 = tpu.memref_slice %arg12[%add3A_56, %dma_wait3A_100] : memref<5120x128xf32, #tpu.memory_space<vmem_shared>> -> memref<64x128xf32, #tpu.memory_space<vmem_shared>>
      tpu.wait_dma2 semaphore(%run_scoped3A : memref<!tpu.dma_semaphore, #tpu.memory_space<semaphore_mem>>) src(%dma_wait3A_101 : memref<64x128xf32, #tpu.memory_space<vmem_shared>>) dst(%dma_wait3A_99 : memref<64x128xf32, #tpu.memory_space<hbm>>)
      tpu.yield
    }) : () -> ()
    %mul3A_61 = arith.constant 320 : i32
    %mul3A_62 = arith.muli %arg1, %mul3A_61 : i32
    %add3A_63 = arith.constant 64 : i32
    %add3A_64 = arith.addi %mul3A_62, %add3A_63 : i32
    %mul3A_65 = arith.constant 320 : i32
    %mul3A_66 = arith.muli %arg1, %mul3A_65 : i32
    %add3A_67 = arith.constant 64 : i32
    %add3A_68 = arith.addi %mul3A_66, %add3A_67 : i32
    "tpu.region"() ({
      %run_scoped3A = tpu.sem_alloc : memref<!tpu.dma_semaphore, #tpu.memory_space<semaphore_mem>>
      %dma_start3A_93 = arith.constant 0 : i32
      %dma_start3A_94 = tpu.memref_slice %arg5[%arg0, %add3A_68, %dma_start3A_93] : memref<2x5120x128xf32, #tpu.memory_space<hbm>> -> memref<1x64x128xf32, #tpu.memory_space<hbm>>
      %dma_start3A_95 = tpu.memref_squeeze %dma_start3A_94 : memref<1x64x128xf32, #tpu.memory_space<hbm>> -> memref<64x128xf32, #tpu.memory_space<hbm>>
      %dma_start3A_96 = arith.constant 0 : i32
      %dma_start3A_97 = tpu.memref_slice %arg12[%add3A_64, %dma_start3A_96] : memref<5120x128xf32, #tpu.memory_space<vmem_shared>> -> memref<64x128xf32, #tpu.memory_space<vmem_shared>>
      tpu.enqueue_dma source(%dma_start3A_97 : memref<64x128xf32, #tpu.memory_space<vmem_shared>>) target(%dma_start3A_95 : memref<64x128xf32, #tpu.memory_space<hbm>>) target_semaphore(%run_scoped3A : memref<!tpu.dma_semaphore, #tpu.memory_space<semaphore_mem>>)
      %dma_wait3A = arith.constant 0 : i32
      %dma_wait3A_98 = tpu.memref_slice %arg5[%arg0, %add3A_68, %dma_wait3A] : memref<2x5120x128xf32, #tpu.memory_space<hbm>> -> memref<1x64x128xf32, #tpu.memory_space<hbm>>
      %dma_wait3A_99 = tpu.memref_squeeze %dma_wait3A_98 : memref<1x64x128xf32, #tpu.memory_space<hbm>> -> memref<64x128xf32, #tpu.memory_space<hbm>>
      %dma_wait3A_100 = arith.constant 0 : i32
      %dma_wait3A_101 = tpu.memref_slice %arg12[%add3A_64, %dma_wait3A_100] : memref<5120x128xf32, #tpu.memory_space<vmem_shared>> -> memref<64x128xf32, #tpu.memory_space<vmem_shared>>
      tpu.wait_dma2 semaphore(%run_scoped3A : memref<!tpu.dma_semaphore, #tpu.memory_space<semaphore_mem>>) src(%dma_wait3A_101 : memref<64x128xf32, #tpu.memory_space<vmem_shared>>) dst(%dma_wait3A_99 : memref<64x128xf32, #tpu.memory_space<hbm>>)
      tpu.yield
    }) : () -> ()
    %mul3A_69 = arith.constant 320 : i32
    %mul3A_70 = arith.muli %arg1, %mul3A_69 : i32
    %add3A_71 = arith.constant 128 : i32
    %add3A_72 = arith.addi %mul3A_70, %add3A_71 : i32
    %mul3A_73 = arith.constant 320 : i32
    %mul3A_74 = arith.muli %arg1, %mul3A_73 : i32
    %add3A_75 = arith.constant 128 : i32
    %add3A_76 = arith.addi %mul3A_74, %add3A_75 : i32
    "tpu.region"() ({
      %run_scoped3A = tpu.sem_alloc : memref<!tpu.dma_semaphore, #tpu.memory_space<semaphore_mem>>
      %dma_start3A_93 = arith.constant 0 : i32
      %dma_start3A_94 = tpu.memref_slice %arg5[%arg0, %add3A_76, %dma_start3A_93] : memref<2x5120x128xf32, #tpu.memory_space<hbm>> -> memref<1x64x128xf32, #tpu.memory_space<hbm>>
      %dma_start3A_95 = tpu.memref_squeeze %dma_start3A_94 : memref<1x64x128xf32, #tpu.memory_space<hbm>> -> memref<64x128xf32, #tpu.memory_space<hbm>>
      %dma_start3A_96 = arith.constant 0 : i32
      %dma_start3A_97 = tpu.memref_slice %arg12[%add3A_72, %dma_start3A_96] : memref<5120x128xf32, #tpu.memory_space<vmem_shared>> -> memref<64x128xf32, #tpu.memory_space<vmem_shared>>
      tpu.enqueue_dma source(%dma_start3A_97 : memref<64x128xf32, #tpu.memory_space<vmem_shared>>) target(%dma_start3A_95 : memref<64x128xf32, #tpu.memory_space<hbm>>) target_semaphore(%run_scoped3A : memref<!tpu.dma_semaphore, #tpu.memory_space<semaphore_mem>>)
      %dma_wait3A = arith.constant 0 : i32
      %dma_wait3A_98 = tpu.memref_slice %arg5[%arg0, %add3A_76, %dma_wait3A] : memref<2x5120x128xf32, #tpu.memory_space<hbm>> -> memref<1x64x128xf32, #tpu.memory_space<hbm>>
      %dma_wait3A_99 = tpu.memref_squeeze %dma_wait3A_98 : memref<1x64x128xf32, #tpu.memory_space<hbm>> -> memref<64x128xf32, #tpu.memory_space<hbm>>
      %dma_wait3A_100 = arith.constant 0 : i32
      %dma_wait3A_101 = tpu.memref_slice %arg12[%add3A_72, %dma_wait3A_100] : memref<5120x128xf32, #tpu.memory_space<vmem_shared>> -> memref<64x128xf32, #tpu.memory_space<vmem_shared>>
      tpu.wait_dma2 semaphore(%run_scoped3A : memref<!tpu.dma_semaphore, #tpu.memory_space<semaphore_mem>>) src(%dma_wait3A_101 : memref<64x128xf32, #tpu.memory_space<vmem_shared>>) dst(%dma_wait3A_99 : memref<64x128xf32, #tpu.memory_space<hbm>>)
      tpu.yield
    }) : () -> ()
    %mul3A_77 = arith.constant 320 : i32
    %mul3A_78 = arith.muli %arg1, %mul3A_77 : i32
    %add3A_79 = arith.constant 192 : i32
    %add3A_80 = arith.addi %mul3A_78, %add3A_79 : i32
    %mul3A_81 = arith.constant 320 : i32
    %mul3A_82 = arith.muli %arg1, %mul3A_81 : i32
    %add3A_83 = arith.constant 192 : i32
    %add3A_84 = arith.addi %mul3A_82, %add3A_83 : i32
    "tpu.region"() ({
      %run_scoped3A = tpu.sem_alloc : memref<!tpu.dma_semaphore, #tpu.memory_space<semaphore_mem>>
      %dma_start3A_93 = arith.constant 0 : i32
      %dma_start3A_94 = tpu.memref_slice %arg5[%arg0, %add3A_84, %dma_start3A_93] : memref<2x5120x128xf32, #tpu.memory_space<hbm>> -> memref<1x64x128xf32, #tpu.memory_space<hbm>>
      %dma_start3A_95 = tpu.memref_squeeze %dma_start3A_94 : memref<1x64x128xf32, #tpu.memory_space<hbm>> -> memref<64x128xf32, #tpu.memory_space<hbm>>
      %dma_start3A_96 = arith.constant 0 : i32
      %dma_start3A_97 = tpu.memref_slice %arg12[%add3A_80, %dma_start3A_96] : memref<5120x128xf32, #tpu.memory_space<vmem_shared>> -> memref<64x128xf32, #tpu.memory_space<vmem_shared>>
      tpu.enqueue_dma source(%dma_start3A_97 : memref<64x128xf32, #tpu.memory_space<vmem_shared>>) target(%dma_start3A_95 : memref<64x128xf32, #tpu.memory_space<hbm>>) target_semaphore(%run_scoped3A : memref<!tpu.dma_semaphore, #tpu.memory_space<semaphore_mem>>)
      %dma_wait3A = arith.constant 0 : i32
      %dma_wait3A_98 = tpu.memref_slice %arg5[%arg0, %add3A_84, %dma_wait3A] : memref<2x5120x128xf32, #tpu.memory_space<hbm>> -> memref<1x64x128xf32, #tpu.memory_space<hbm>>
      %dma_wait3A_99 = tpu.memref_squeeze %dma_wait3A_98 : memref<1x64x128xf32, #tpu.memory_space<hbm>> -> memref<64x128xf32, #tpu.memory_space<hbm>>
      %dma_wait3A_100 = arith.constant 0 : i32
      %dma_wait3A_101 = tpu.memref_slice %arg12[%add3A_80, %dma_wait3A_100] : memref<5120x128xf32, #tpu.memory_space<vmem_shared>> -> memref<64x128xf32, #tpu.memory_space<vmem_shared>>
      tpu.wait_dma2 semaphore(%run_scoped3A : memref<!tpu.dma_semaphore, #tpu.memory_space<semaphore_mem>>) src(%dma_wait3A_101 : memref<64x128xf32, #tpu.memory_space<vmem_shared>>) dst(%dma_wait3A_99 : memref<64x128xf32, #tpu.memory_space<hbm>>)
      tpu.yield
    }) : () -> ()
    %mul3A_85 = arith.constant 320 : i32
    %mul3A_86 = arith.muli %arg1, %mul3A_85 : i32
    %add3A_87 = arith.constant 256 : i32
    %add3A_88 = arith.addi %mul3A_86, %add3A_87 : i32
    %mul3A_89 = arith.constant 320 : i32
    %mul3A_90 = arith.muli %arg1, %mul3A_89 : i32
    %add3A_91 = arith.constant 256 : i32
    %add3A_92 = arith.addi %mul3A_90, %add3A_91 : i32
    "tpu.region"() ({
      %run_scoped3A = tpu.sem_alloc : memref<!tpu.dma_semaphore, #tpu.memory_space<semaphore_mem>>
      %dma_start3A_93 = arith.constant 0 : i32
      %dma_start3A_94 = tpu.memref_slice %arg5[%arg0, %add3A_92, %dma_start3A_93] : memref<2x5120x128xf32, #tpu.memory_space<hbm>> -> memref<1x64x128xf32, #tpu.memory_space<hbm>>
      %dma_start3A_95 = tpu.memref_squeeze %dma_start3A_94 : memref<1x64x128xf32, #tpu.memory_space<hbm>> -> memref<64x128xf32, #tpu.memory_space<hbm>>
      %dma_start3A_96 = arith.constant 0 : i32
      %dma_start3A_97 = tpu.memref_slice %arg12[%add3A_88, %dma_start3A_96] : memref<5120x128xf32, #tpu.memory_space<vmem_shared>> -> memref<64x128xf32, #tpu.memory_space<vmem_shared>>
      tpu.enqueue_dma source(%dma_start3A_97 : memref<64x128xf32, #tpu.memory_space<vmem_shared>>) target(%dma_start3A_95 : memref<64x128xf32, #tpu.memory_space<hbm>>) target_semaphore(%run_scoped3A : memref<!tpu.dma_semaphore, #tpu.memory_space<semaphore_mem>>)
      %dma_wait3A = arith.constant 0 : i32
      %dma_wait3A_98 = tpu.memref_slice %arg5[%arg0, %add3A_92, %dma_wait3A] : memref<2x5120x128xf32, #tpu.memory_space<hbm>> -> memref<1x64x128xf32, #tpu.memory_space<hbm>>
      %dma_wait3A_99 = tpu.memref_squeeze %dma_wait3A_98 : memref<1x64x128xf32, #tpu.memory_space<hbm>> -> memref<64x128xf32, #tpu.memory_space<hbm>>
      %dma_wait3A_100 = arith.constant 0 : i32
      %dma_wait3A_101 = tpu.memref_slice %arg12[%add3A_88, %dma_wait3A_100] : memref<5120x128xf32, #tpu.memory_space<vmem_shared>> -> memref<64x128xf32, #tpu.memory_space<vmem_shared>>
      tpu.wait_dma2 semaphore(%run_scoped3A : memref<!tpu.dma_semaphore, #tpu.memory_space<semaphore_mem>>) src(%dma_wait3A_101 : memref<64x128xf32, #tpu.memory_space<vmem_shared>>) dst(%dma_wait3A_99 : memref<64x128xf32, #tpu.memory_space<hbm>>)
      tpu.yield
    }) : () -> ()
    return
  }
}

#map = affine_map<(d0, d1) -> (0, 0)>
module attributes {stable_mosaic.version = 14 : i64} {
  func.func @gat_kernel(%arg0: i32, %arg1: i32, %arg2: memref<10000x128xf32, #tpu.memory_space<hbm>>, %arg3: memref<512x128xi32, #tpu.memory_space<hbm>>, %arg4: memref<512x128xi32, #tpu.memory_space<hbm>>, %arg5: memref<65536x64xf32, #tpu.memory_space<hbm>>, %arg6: memref<16x128xi32, #tpu.memory_space<vmem>>, %arg7: memref<16x128xi32, #tpu.memory_space<vmem>>, %arg8: memref<128x128xf32, #tpu.memory_space<vmem>>, %arg9: memref<128x128xf32, #tpu.memory_space<vmem>>, %arg10: memref<128x128xf32, #tpu.memory_space<vmem>>, %arg11: memref<128x128xf32, #tpu.memory_space<vmem>>, %arg12: memref<128x64xf32, #tpu.memory_space<vmem>>, %arg13: memref<128x64xf32, #tpu.memory_space<vmem>>, %arg14: memref<!tpu.dma_semaphore, #tpu.memory_space<semaphore_mem>>, %arg15: memref<!tpu.dma_semaphore, #tpu.memory_space<semaphore_mem>>) attributes {dimension_semantics = [#tpu.dimension_semantics<core_parallel>, #tpu.dimension_semantics<subcore_parallel>], iteration_bounds = array<i64: 2, 16>, scalar_prefetch = 0 : i64, scratch_operands = 10 : i64, tpu.core_type = #tpu.core_type<sc_vector_subcore>, window_params = [{transform_indices = #map}, {transform_indices = #map}, {transform_indices = #map}, {transform_indices = #map}]} {
    %mul3A = arith.constant 2 : i32
    %mul3A_0 = arith.muli %arg1, %mul3A : i32
    %add3A = arith.addi %mul3A_0, %arg0 : i32
    %mul3A_1 = arith.constant 16 : i32
    %mul3A_2 = arith.muli %add3A, %mul3A_1 : i32
    %mul3A_3 = arith.constant 128 : i32
    %mul3A_4 = arith.muli %mul3A_2, %mul3A_3 : i32
    %mul3A_5 = arith.constant 16 : i32
    %mul3A_6 = arith.muli %add3A, %mul3A_5 : i32
    "tpu.region"() ({
      %run_scoped3A = tpu.sem_alloc : memref<!tpu.dma_semaphore, #tpu.memory_space<semaphore_mem>>
      %dma_start3A_27 = arith.constant 0 : i32
      %dma_start3A_28 = tpu.memref_slice %arg3[%mul3A_6, %dma_start3A_27] : memref<512x128xi32, #tpu.memory_space<hbm>> -> memref<16x128xi32, #tpu.memory_space<hbm>>
      %dma_start3A_29 = arith.constant 0 : i32
      %dma_start3A_30 = tpu.memref_slice %arg3[%mul3A_6, %dma_start3A_29] : memref<512x128xi32, #tpu.memory_space<hbm>> -> memref<16x128xi32, #tpu.memory_space<hbm>>
      tpu.enqueue_dma source(%dma_start3A_30 : memref<16x128xi32, #tpu.memory_space<hbm>>) target(%arg6 : memref<16x128xi32, #tpu.memory_space<vmem>>) target_semaphore(%run_scoped3A : memref<!tpu.dma_semaphore, #tpu.memory_space<semaphore_mem>>)
      %dma_wait3A = arith.constant 0 : i32
      %dma_wait3A_31 = tpu.memref_slice %arg3[%mul3A_6, %dma_wait3A] : memref<512x128xi32, #tpu.memory_space<hbm>> -> memref<16x128xi32, #tpu.memory_space<hbm>>
      %dma_wait3A_32 = arith.constant 0 : i32
      %dma_wait3A_33 = tpu.memref_slice %arg3[%mul3A_6, %dma_wait3A_32] : memref<512x128xi32, #tpu.memory_space<hbm>> -> memref<16x128xi32, #tpu.memory_space<hbm>>
      tpu.wait_dma2 semaphore(%run_scoped3A : memref<!tpu.dma_semaphore, #tpu.memory_space<semaphore_mem>>) src(%dma_wait3A_33 : memref<16x128xi32, #tpu.memory_space<hbm>>) dst(%arg6 : memref<16x128xi32, #tpu.memory_space<vmem>>)
      tpu.yield
    }) : () -> ()
    %mul3A_7 = arith.constant 16 : i32
    %mul3A_8 = arith.muli %add3A, %mul3A_7 : i32
    "tpu.region"() ({
      %run_scoped3A = tpu.sem_alloc : memref<!tpu.dma_semaphore, #tpu.memory_space<semaphore_mem>>
      %dma_start3A_27 = arith.constant 0 : i32
      %dma_start3A_28 = tpu.memref_slice %arg4[%mul3A_8, %dma_start3A_27] : memref<512x128xi32, #tpu.memory_space<hbm>> -> memref<16x128xi32, #tpu.memory_space<hbm>>
      %dma_start3A_29 = arith.constant 0 : i32
      %dma_start3A_30 = tpu.memref_slice %arg4[%mul3A_8, %dma_start3A_29] : memref<512x128xi32, #tpu.memory_space<hbm>> -> memref<16x128xi32, #tpu.memory_space<hbm>>
      tpu.enqueue_dma source(%dma_start3A_30 : memref<16x128xi32, #tpu.memory_space<hbm>>) target(%arg7 : memref<16x128xi32, #tpu.memory_space<vmem>>) target_semaphore(%run_scoped3A : memref<!tpu.dma_semaphore, #tpu.memory_space<semaphore_mem>>)
      %dma_wait3A = arith.constant 0 : i32
      %dma_wait3A_31 = tpu.memref_slice %arg4[%mul3A_8, %dma_wait3A] : memref<512x128xi32, #tpu.memory_space<hbm>> -> memref<16x128xi32, #tpu.memory_space<hbm>>
      %dma_wait3A_32 = arith.constant 0 : i32
      %dma_wait3A_33 = tpu.memref_slice %arg4[%mul3A_8, %dma_wait3A_32] : memref<512x128xi32, #tpu.memory_space<hbm>> -> memref<16x128xi32, #tpu.memory_space<hbm>>
      tpu.wait_dma2 semaphore(%run_scoped3A : memref<!tpu.dma_semaphore, #tpu.memory_space<semaphore_mem>>) src(%dma_wait3A_33 : memref<16x128xi32, #tpu.memory_space<hbm>>) dst(%arg7 : memref<16x128xi32, #tpu.memory_space<vmem>>)
      tpu.yield
    }) : () -> ()
    %dma_start3A = arith.constant 0 : i32
    %dma_start3A_9 = arith.constant 0 : i32
    %dma_start3A_10 = tpu.memref_slice %arg6[%dma_start3A, %dma_start3A_9] : memref<16x128xi32, #tpu.memory_space<vmem>> -> memref<1x128xi32, #tpu.memory_space<vmem>>
    %dma_start3A_11 = tpu.memref_squeeze %dma_start3A_10 : memref<1x128xi32, #tpu.memory_space<vmem>> -> memref<128xi32, #tpu.memory_space<vmem>>
    %dma_start3A_12 = arith.constant 0 : i32
    %dma_start3A_13 = arith.constant 0 : i32
    %dma_start3A_14 = tpu.memref_slice %arg2[%dma_start3A_12, %dma_start3A_13] : memref<10000x128xf32, #tpu.memory_space<hbm>> -> memref<10000x128xf32, #tpu.memory_space<hbm>>
    tpu.enqueue_indirect_dma source(%dma_start3A_14 : memref<10000x128xf32, #tpu.memory_space<hbm>>) target(%arg8 : memref<128x128xf32, #tpu.memory_space<vmem>>) offsets(%dma_start3A_11 : memref<128xi32, #tpu.memory_space<vmem>>) semaphore(%arg14 : memref<!tpu.dma_semaphore, #tpu.memory_space<semaphore_mem>>)
    %dma_start3A_15 = arith.constant 0 : i32
    %dma_start3A_16 = arith.constant 0 : i32
    %dma_start3A_17 = tpu.memref_slice %arg7[%dma_start3A_15, %dma_start3A_16] : memref<16x128xi32, #tpu.memory_space<vmem>> -> memref<1x128xi32, #tpu.memory_space<vmem>>
    %dma_start3A_18 = tpu.memref_squeeze %dma_start3A_17 : memref<1x128xi32, #tpu.memory_space<vmem>> -> memref<128xi32, #tpu.memory_space<vmem>>
    %dma_start3A_19 = arith.constant 0 : i32
    %dma_start3A_20 = arith.constant 0 : i32
    %dma_start3A_21 = tpu.memref_slice %arg2[%dma_start3A_19, %dma_start3A_20] : memref<10000x128xf32, #tpu.memory_space<hbm>> -> memref<10000x128xf32, #tpu.memory_space<hbm>>
    tpu.enqueue_indirect_dma source(%dma_start3A_21 : memref<10000x128xf32, #tpu.memory_space<hbm>>) target(%arg9 : memref<128x128xf32, #tpu.memory_space<vmem>>) offsets(%dma_start3A_18 : memref<128xi32, #tpu.memory_space<vmem>>) semaphore(%arg14 : memref<!tpu.dma_semaphore, #tpu.memory_space<semaphore_mem>>)
    %scan3A = arith.constant 0 : i32
    %scan3A_22 = arith.constant 0 : i32
    %scan3A_23 = arith.constant 8 : i32
    %scan3A_24 = arith.addi %scan3A_22, %scan3A_23 : i32
    %scan3A_25 = arith.constant 1 : i32
    scf.for %scan3A_27 = %scan3A_22 to %scan3A_24 step %scan3A_25  : i32 {
      %mul3A_28 = arith.constant 2 : i32
      %mul3A_29 = arith.muli %scan3A_27, %mul3A_28 : i32
      %add3A_30 = arith.constant 1 : i32
      %add3A_31 = arith.addi %mul3A_29, %add3A_30 : i32
      %dma_start3A_32 = arith.constant 0 : i32
      %dma_start3A_33 = tpu.memref_slice %arg6[%add3A_31, %dma_start3A_32] : memref<16x128xi32, #tpu.memory_space<vmem>> -> memref<1x128xi32, #tpu.memory_space<vmem>>
      %dma_start3A_34 = tpu.memref_squeeze %dma_start3A_33 : memref<1x128xi32, #tpu.memory_space<vmem>> -> memref<128xi32, #tpu.memory_space<vmem>>
      %dma_start3A_35 = arith.constant 0 : i32
      %dma_start3A_36 = arith.constant 0 : i32
      %dma_start3A_37 = tpu.memref_slice %arg2[%dma_start3A_35, %dma_start3A_36] : memref<10000x128xf32, #tpu.memory_space<hbm>> -> memref<10000x128xf32, #tpu.memory_space<hbm>>
      tpu.enqueue_indirect_dma source(%dma_start3A_37 : memref<10000x128xf32, #tpu.memory_space<hbm>>) target(%arg10 : memref<128x128xf32, #tpu.memory_space<vmem>>) offsets(%dma_start3A_34 : memref<128xi32, #tpu.memory_space<vmem>>) semaphore(%arg15 : memref<!tpu.dma_semaphore, #tpu.memory_space<semaphore_mem>>)
      %dma_start3A_38 = arith.constant 0 : i32
      %dma_start3A_39 = tpu.memref_slice %arg7[%add3A_31, %dma_start3A_38] : memref<16x128xi32, #tpu.memory_space<vmem>> -> memref<1x128xi32, #tpu.memory_space<vmem>>
      %dma_start3A_40 = tpu.memref_squeeze %dma_start3A_39 : memref<1x128xi32, #tpu.memory_space<vmem>> -> memref<128xi32, #tpu.memory_space<vmem>>
      %dma_start3A_41 = arith.constant 0 : i32
      %dma_start3A_42 = arith.constant 0 : i32
      %dma_start3A_43 = tpu.memref_slice %arg2[%dma_start3A_41, %dma_start3A_42] : memref<10000x128xf32, #tpu.memory_space<hbm>> -> memref<10000x128xf32, #tpu.memory_space<hbm>>
      tpu.enqueue_indirect_dma source(%dma_start3A_43 : memref<10000x128xf32, #tpu.memory_space<hbm>>) target(%arg11 : memref<128x128xf32, #tpu.memory_space<vmem>>) offsets(%dma_start3A_40 : memref<128xi32, #tpu.memory_space<vmem>>) semaphore(%arg15 : memref<!tpu.dma_semaphore, #tpu.memory_space<semaphore_mem>>)
      %dma_wait3A = arith.constant 0 : i32
      %dma_wait3A_44 = tpu.memref_slice %arg6[%mul3A_29, %dma_wait3A] : memref<16x128xi32, #tpu.memory_space<vmem>> -> memref<1x128xi32, #tpu.memory_space<vmem>>
      %dma_wait3A_45 = tpu.memref_squeeze %dma_wait3A_44 : memref<1x128xi32, #tpu.memory_space<vmem>> -> memref<128xi32, #tpu.memory_space<vmem>>
      %dma_wait3A_46 = arith.constant 0 : i32
      %dma_wait3A_47 = arith.constant 0 : i32
      %dma_wait3A_48 = tpu.memref_slice %arg2[%dma_wait3A_46, %dma_wait3A_47] : memref<10000x128xf32, #tpu.memory_space<hbm>> -> memref<10000x128xf32, #tpu.memory_space<hbm>>
      tpu.wait_indirect_dma semaphore(%arg14 : memref<!tpu.dma_semaphore, #tpu.memory_space<semaphore_mem>>) src(%dma_wait3A_48 : memref<10000x128xf32, #tpu.memory_space<hbm>>) dst(%arg8 : memref<128x128xf32, #tpu.memory_space<vmem>>)
      %dma_wait3A_49 = arith.constant 0 : i32
      %dma_wait3A_50 = tpu.memref_slice %arg7[%mul3A_29, %dma_wait3A_49] : memref<16x128xi32, #tpu.memory_space<vmem>> -> memref<1x128xi32, #tpu.memory_space<vmem>>
      %dma_wait3A_51 = tpu.memref_squeeze %dma_wait3A_50 : memref<1x128xi32, #tpu.memory_space<vmem>> -> memref<128xi32, #tpu.memory_space<vmem>>
      %dma_wait3A_52 = arith.constant 0 : i32
      %dma_wait3A_53 = arith.constant 0 : i32
      %dma_wait3A_54 = tpu.memref_slice %arg2[%dma_wait3A_52, %dma_wait3A_53] : memref<10000x128xf32, #tpu.memory_space<hbm>> -> memref<10000x128xf32, #tpu.memory_space<hbm>>
      tpu.wait_indirect_dma semaphore(%arg14 : memref<!tpu.dma_semaphore, #tpu.memory_space<semaphore_mem>>) src(%dma_wait3A_54 : memref<10000x128xf32, #tpu.memory_space<hbm>>) dst(%arg9 : memref<128x128xf32, #tpu.memory_space<vmem>>)
      %scan3A_55 = arith.constant 0 : i32
      %scan3A_56 = arith.constant 0 : i32
      %scan3A_57 = arith.constant 32 : i32
      %scan3A_58 = arith.addi %scan3A_56, %scan3A_57 : i32
      %scan3A_59 = arith.constant 1 : i32
      scf.for %scan3A_93 = %scan3A_56 to %scan3A_58 step %scan3A_59  : i32 {
        %mul3A_94 = arith.constant 4 : i32
        %mul3A_95 = arith.muli %scan3A_93, %mul3A_94 : i32
        %add3A_96 = arith.constant 0 : i32
        %add3A_97 = arith.addi %mul3A_95, %add3A_96 : i32
        %get3A = arith.index_cast %add3A_97 : i32 to index
        %get3A_98 = arith.constant 0 : index
        %get3A_99 = tpu.vector_load %arg8[%get3A, %get3A_98] {strides = array<i32>} : memref<128x128xf32, #tpu.memory_space<vmem>>, vector<1x16xf32>,
        %get3A_100 = vector.shape_cast %get3A_99 : vector<1x16xf32> to vector<16xf32>
        %get3A_101 = arith.index_cast %add3A_97 : i32 to index
        %get3A_102 = arith.constant 0 : index
        %get3A_103 = tpu.vector_load %arg9[%get3A_101, %get3A_102] {strides = array<i32>} : memref<128x128xf32, #tpu.memory_space<vmem>>, vector<1x16xf32>,
        %get3A_104 = vector.shape_cast %get3A_103 : vector<1x16xf32> to vector<16xf32>
        %mul3A_105 = arith.mulf %get3A_100, %get3A_104 : vector<16xf32>
        %swap3A = arith.index_cast %add3A_97 : i32 to index
        %swap3A_106 = arith.constant 0 : index
        %swap3A_107 = tpu.vector_load %arg12[%swap3A, %swap3A_106] {strides = array<i32>} : memref<128x64xf32, #tpu.memory_space<vmem>>, vector<1x16xf32>,
        %swap3A_108 = vector.shape_cast %swap3A_107 : vector<1x16xf32> to vector<16xf32>
        %swap3A_109 = vector.shape_cast %mul3A_105 : vector<16xf32> to vector<1x16xf32>
        tpu.vector_store %arg12[%swap3A, %swap3A_106], %swap3A_109 {strides = array<i32>} : memref<128x64xf32, #tpu.memory_space<vmem>>, vector<1x16xf32>,
        %get3A_110 = arith.index_cast %add3A_97 : i32 to index
        %get3A_111 = arith.constant 16 : index
        %get3A_112 = tpu.vector_load %arg8[%get3A_110, %get3A_111] {strides = array<i32>} : memref<128x128xf32, #tpu.memory_space<vmem>>, vector<1x16xf32>,
        %get3A_113 = vector.shape_cast %get3A_112 : vector<1x16xf32> to vector<16xf32>
        %get3A_114 = arith.index_cast %add3A_97 : i32 to index
        %get3A_115 = arith.constant 16 : index
        %get3A_116 = tpu.vector_load %arg9[%get3A_114, %get3A_115] {strides = array<i32>} : memref<128x128xf32, #tpu.memory_space<vmem>>, vector<1x16xf32>,
        %get3A_117 = vector.shape_cast %get3A_116 : vector<1x16xf32> to vector<16xf32>
        %mul3A_118 = arith.mulf %get3A_113, %get3A_117 : vector<16xf32>
        %swap3A_119 = arith.index_cast %add3A_97 : i32 to index
        %swap3A_120 = arith.constant 16 : index
        %swap3A_121 = tpu.vector_load %arg12[%swap3A_119, %swap3A_120] {strides = array<i32>} : memref<128x64xf32, #tpu.memory_space<vmem>>, vector<1x16xf32>,
        %swap3A_122 = vector.shape_cast %swap3A_121 : vector<1x16xf32> to vector<16xf32>
        %swap3A_123 = vector.shape_cast %mul3A_118 : vector<16xf32> to vector<1x16xf32>
        tpu.vector_store %arg12[%swap3A_119, %swap3A_120], %swap3A_123 {strides = array<i32>} : memref<128x64xf32, #tpu.memory_space<vmem>>, vector<1x16xf32>,
        %get3A_124 = arith.index_cast %add3A_97 : i32 to index
        %get3A_125 = arith.constant 32 : index
        %get3A_126 = tpu.vector_load %arg8[%get3A_124, %get3A_125] {strides = array<i32>} : memref<128x128xf32, #tpu.memory_space<vmem>>, vector<1x16xf32>,
        %get3A_127 = vector.shape_cast %get3A_126 : vector<1x16xf32> to vector<16xf32>
        %get3A_128 = arith.index_cast %add3A_97 : i32 to index
        %get3A_129 = arith.constant 32 : index
        %get3A_130 = tpu.vector_load %arg9[%get3A_128, %get3A_129] {strides = array<i32>} : memref<128x128xf32, #tpu.memory_space<vmem>>, vector<1x16xf32>,
        %get3A_131 = vector.shape_cast %get3A_130 : vector<1x16xf32> to vector<16xf32>
        %mul3A_132 = arith.mulf %get3A_127, %get3A_131 : vector<16xf32>
        %swap3A_133 = arith.index_cast %add3A_97 : i32 to index
        %swap3A_134 = arith.constant 32 : index
        %swap3A_135 = tpu.vector_load %arg12[%swap3A_133, %swap3A_134] {strides = array<i32>} : memref<128x64xf32, #tpu.memory_space<vmem>>, vector<1x16xf32>,
        %swap3A_136 = vector.shape_cast %swap3A_135 : vector<1x16xf32> to vector<16xf32>
        %swap3A_137 = vector.shape_cast %mul3A_132 : vector<16xf32> to vector<1x16xf32>
        tpu.vector_store %arg12[%swap3A_133, %swap3A_134], %swap3A_137 {strides = array<i32>} : memref<128x64xf32, #tpu.memory_space<vmem>>, vector<1x16xf32>,
        %get3A_138 = arith.index_cast %add3A_97 : i32 to index
        %get3A_139 = arith.constant 48 : index
        %get3A_140 = tpu.vector_load %arg8[%get3A_138, %get3A_139] {strides = array<i32>} : memref<128x128xf32, #tpu.memory_space<vmem>>, vector<1x16xf32>,
        %get3A_141 = vector.shape_cast %get3A_140 : vector<1x16xf32> to vector<16xf32>
        %get3A_142 = arith.index_cast %add3A_97 : i32 to index
        %get3A_143 = arith.constant 48 : index
        %get3A_144 = tpu.vector_load %arg9[%get3A_142, %get3A_143] {strides = array<i32>} : memref<128x128xf32, #tpu.memory_space<vmem>>, vector<1x16xf32>,
        %get3A_145 = vector.shape_cast %get3A_144 : vector<1x16xf32> to vector<16xf32>
        %mul3A_146 = arith.mulf %get3A_141, %get3A_145 : vector<16xf32>
        %swap3A_147 = arith.index_cast %add3A_97 : i32 to index
        %swap3A_148 = arith.constant 48 : index
        %swap3A_149 = tpu.vector_load %arg12[%swap3A_147, %swap3A_148] {strides = array<i32>} : memref<128x64xf32, #tpu.memory_space<vmem>>, vector<1x16xf32>,
        %swap3A_150 = vector.shape_cast %swap3A_149 : vector<1x16xf32> to vector<16xf32>
        %swap3A_151 = vector.shape_cast %mul3A_146 : vector<16xf32> to vector<1x16xf32>
        tpu.vector_store %arg12[%swap3A_147, %swap3A_148], %swap3A_151 {strides = array<i32>} : memref<128x64xf32, #tpu.memory_space<vmem>>, vector<1x16xf32>,
        %mul3A_152 = arith.constant 4 : i32
        %mul3A_153 = arith.muli %scan3A_93, %mul3A_152 : i32
        %add3A_154 = arith.constant 1 : i32
        %add3A_155 = arith.addi %mul3A_153, %add3A_154 : i32
        %get3A_156 = arith.index_cast %add3A_155 : i32 to index
        %get3A_157 = arith.constant 0 : index
        %get3A_158 = tpu.vector_load %arg8[%get3A_156, %get3A_157] {strides = array<i32>} : memref<128x128xf32, #tpu.memory_space<vmem>>, vector<1x16xf32>,
        %get3A_159 = vector.shape_cast %get3A_158 : vector<1x16xf32> to vector<16xf32>
        %get3A_160 = arith.index_cast %add3A_155 : i32 to index
        %get3A_161 = arith.constant 0 : index
        %get3A_162 = tpu.vector_load %arg9[%get3A_160, %get3A_161] {strides = array<i32>} : memref<128x128xf32, #tpu.memory_space<vmem>>, vector<1x16xf32>,
        %get3A_163 = vector.shape_cast %get3A_162 : vector<1x16xf32> to vector<16xf32>
        %mul3A_164 = arith.mulf %get3A_159, %get3A_163 : vector<16xf32>
        %swap3A_165 = arith.index_cast %add3A_155 : i32 to index
        %swap3A_166 = arith.constant 0 : index
        %swap3A_167 = tpu.vector_load %arg12[%swap3A_165, %swap3A_166] {strides = array<i32>} : memref<128x64xf32, #tpu.memory_space<vmem>>, vector<1x16xf32>,
        %swap3A_168 = vector.shape_cast %swap3A_167 : vector<1x16xf32> to vector<16xf32>
        %swap3A_169 = vector.shape_cast %mul3A_164 : vector<16xf32> to vector<1x16xf32>
        tpu.vector_store %arg12[%swap3A_165, %swap3A_166], %swap3A_169 {strides = array<i32>} : memref<128x64xf32, #tpu.memory_space<vmem>>, vector<1x16xf32>,
        %get3A_170 = arith.index_cast %add3A_155 : i32 to index
        %get3A_171 = arith.constant 16 : index
        %get3A_172 = tpu.vector_load %arg8[%get3A_170, %get3A_171] {strides = array<i32>} : memref<128x128xf32, #tpu.memory_space<vmem>>, vector<1x16xf32>,
        %get3A_173 = vector.shape_cast %get3A_172 : vector<1x16xf32> to vector<16xf32>
        %get3A_174 = arith.index_cast %add3A_155 : i32 to index
        %get3A_175 = arith.constant 16 : index
        %get3A_176 = tpu.vector_load %arg9[%get3A_174, %get3A_175] {strides = array<i32>} : memref<128x128xf32, #tpu.memory_space<vmem>>, vector<1x16xf32>,
        %get3A_177 = vector.shape_cast %get3A_176 : vector<1x16xf32> to vector<16xf32>
        %mul3A_178 = arith.mulf %get3A_173, %get3A_177 : vector<16xf32>
        %swap3A_179 = arith.index_cast %add3A_155 : i32 to index
        %swap3A_180 = arith.constant 16 : index
        %swap3A_181 = tpu.vector_load %arg12[%swap3A_179, %swap3A_180] {strides = array<i32>} : memref<128x64xf32, #tpu.memory_space<vmem>>, vector<1x16xf32>,
        %swap3A_182 = vector.shape_cast %swap3A_181 : vector<1x16xf32> to vector<16xf32>
        %swap3A_183 = vector.shape_cast %mul3A_178 : vector<16xf32> to vector<1x16xf32>
        tpu.vector_store %arg12[%swap3A_179, %swap3A_180], %swap3A_183 {strides = array<i32>} : memref<128x64xf32, #tpu.memory_space<vmem>>, vector<1x16xf32>,
        %get3A_184 = arith.index_cast %add3A_155 : i32 to index
        %get3A_185 = arith.constant 32 : index
        %get3A_186 = tpu.vector_load %arg8[%get3A_184, %get3A_185] {strides = array<i32>} : memref<128x128xf32, #tpu.memory_space<vmem>>, vector<1x16xf32>,
        %get3A_187 = vector.shape_cast %get3A_186 : vector<1x16xf32> to vector<16xf32>
        %get3A_188 = arith.index_cast %add3A_155 : i32 to index
        %get3A_189 = arith.constant 32 : index
        %get3A_190 = tpu.vector_load %arg9[%get3A_188, %get3A_189] {strides = array<i32>} : memref<128x128xf32, #tpu.memory_space<vmem>>, vector<1x16xf32>,
        %get3A_191 = vector.shape_cast %get3A_190 : vector<1x16xf32> to vector<16xf32>
        %mul3A_192 = arith.mulf %get3A_187, %get3A_191 : vector<16xf32>
        %swap3A_193 = arith.index_cast %add3A_155 : i32 to index
        %swap3A_194 = arith.constant 32 : index
        %swap3A_195 = tpu.vector_load %arg12[%swap3A_193, %swap3A_194] {strides = array<i32>} : memref<128x64xf32, #tpu.memory_space<vmem>>, vector<1x16xf32>,
        %swap3A_196 = vector.shape_cast %swap3A_195 : vector<1x16xf32> to vector<16xf32>
        %swap3A_197 = vector.shape_cast %mul3A_192 : vector<16xf32> to vector<1x16xf32>
        tpu.vector_store %arg12[%swap3A_193, %swap3A_194], %swap3A_197 {strides = array<i32>} : memref<128x64xf32, #tpu.memory_space<vmem>>, vector<1x16xf32>,
        %get3A_198 = arith.index_cast %add3A_155 : i32 to index
        %get3A_199 = arith.constant 48 : index
        %get3A_200 = tpu.vector_load %arg8[%get3A_198, %get3A_199] {strides = array<i32>} : memref<128x128xf32, #tpu.memory_space<vmem>>, vector<1x16xf32>,
        %get3A_201 = vector.shape_cast %get3A_200 : vector<1x16xf32> to vector<16xf32>
        %get3A_202 = arith.index_cast %add3A_155 : i32 to index
        %get3A_203 = arith.constant 48 : index
        %get3A_204 = tpu.vector_load %arg9[%get3A_202, %get3A_203] {strides = array<i32>} : memref<128x128xf32, #tpu.memory_space<vmem>>, vector<1x16xf32>,
        %get3A_205 = vector.shape_cast %get3A_204 : vector<1x16xf32> to vector<16xf32>
        %mul3A_206 = arith.mulf %get3A_201, %get3A_205 : vector<16xf32>
        %swap3A_207 = arith.index_cast %add3A_155 : i32 to index
        %swap3A_208 = arith.constant 48 : index
        %swap3A_209 = tpu.vector_load %arg12[%swap3A_207, %swap3A_208] {strides = array<i32>} : memref<128x64xf32, #tpu.memory_space<vmem>>, vector<1x16xf32>,
        %swap3A_210 = vector.shape_cast %swap3A_209 : vector<1x16xf32> to vector<16xf32>
        %swap3A_211 = vector.shape_cast %mul3A_206 : vector<16xf32> to vector<1x16xf32>
        tpu.vector_store %arg12[%swap3A_207, %swap3A_208], %swap3A_211 {strides = array<i32>} : memref<128x64xf32, #tpu.memory_space<vmem>>, vector<1x16xf32>,
        %mul3A_212 = arith.constant 4 : i32
        %mul3A_213 = arith.muli %scan3A_93, %mul3A_212 : i32
        %add3A_214 = arith.constant 2 : i32
        %add3A_215 = arith.addi %mul3A_213, %add3A_214 : i32
        %get3A_216 = arith.index_cast %add3A_215 : i32 to index
        %get3A_217 = arith.constant 0 : index
        %get3A_218 = tpu.vector_load %arg8[%get3A_216, %get3A_217] {strides = array<i32>} : memref<128x128xf32, #tpu.memory_space<vmem>>, vector<1x16xf32>,
        %get3A_219 = vector.shape_cast %get3A_218 : vector<1x16xf32> to vector<16xf32>
        %get3A_220 = arith.index_cast %add3A_215 : i32 to index
        %get3A_221 = arith.constant 0 : index
        %get3A_222 = tpu.vector_load %arg9[%get3A_220, %get3A_221] {strides = array<i32>} : memref<128x128xf32, #tpu.memory_space<vmem>>, vector<1x16xf32>,
        %get3A_223 = vector.shape_cast %get3A_222 : vector<1x16xf32> to vector<16xf32>
        %mul3A_224 = arith.mulf %get3A_219, %get3A_223 : vector<16xf32>
        %swap3A_225 = arith.index_cast %add3A_215 : i32 to index
        %swap3A_226 = arith.constant 0 : index
        %swap3A_227 = tpu.vector_load %arg12[%swap3A_225, %swap3A_226] {strides = array<i32>} : memref<128x64xf32, #tpu.memory_space<vmem>>, vector<1x16xf32>,
        %swap3A_228 = vector.shape_cast %swap3A_227 : vector<1x16xf32> to vector<16xf32>
        %swap3A_229 = vector.shape_cast %mul3A_224 : vector<16xf32> to vector<1x16xf32>
        tpu.vector_store %arg12[%swap3A_225, %swap3A_226], %swap3A_229 {strides = array<i32>} : memref<128x64xf32, #tpu.memory_space<vmem>>, vector<1x16xf32>,
        %get3A_230 = arith.index_cast %add3A_215 : i32 to index
        %get3A_231 = arith.constant 16 : index
        %get3A_232 = tpu.vector_load %arg8[%get3A_230, %get3A_231] {strides = array<i32>} : memref<128x128xf32, #tpu.memory_space<vmem>>, vector<1x16xf32>,
        %get3A_233 = vector.shape_cast %get3A_232 : vector<1x16xf32> to vector<16xf32>
        %get3A_234 = arith.index_cast %add3A_215 : i32 to index
        %get3A_235 = arith.constant 16 : index
        %get3A_236 = tpu.vector_load %arg9[%get3A_234, %get3A_235] {strides = array<i32>} : memref<128x128xf32, #tpu.memory_space<vmem>>, vector<1x16xf32>,
        %get3A_237 = vector.shape_cast %get3A_236 : vector<1x16xf32> to vector<16xf32>
        %mul3A_238 = arith.mulf %get3A_233, %get3A_237 : vector<16xf32>
        %swap3A_239 = arith.index_cast %add3A_215 : i32 to index
        %swap3A_240 = arith.constant 16 : index
        %swap3A_241 = tpu.vector_load %arg12[%swap3A_239, %swap3A_240] {strides = array<i32>} : memref<128x64xf32, #tpu.memory_space<vmem>>, vector<1x16xf32>,
        %swap3A_242 = vector.shape_cast %swap3A_241 : vector<1x16xf32> to vector<16xf32>
        %swap3A_243 = vector.shape_cast %mul3A_238 : vector<16xf32> to vector<1x16xf32>
        tpu.vector_store %arg12[%swap3A_239, %swap3A_240], %swap3A_243 {strides = array<i32>} : memref<128x64xf32, #tpu.memory_space<vmem>>, vector<1x16xf32>,
        %get3A_244 = arith.index_cast %add3A_215 : i32 to index
        %get3A_245 = arith.constant 32 : index
        %get3A_246 = tpu.vector_load %arg8[%get3A_244, %get3A_245] {strides = array<i32>} : memref<128x128xf32, #tpu.memory_space<vmem>>, vector<1x16xf32>,
        %get3A_247 = vector.shape_cast %get3A_246 : vector<1x16xf32> to vector<16xf32>
        %get3A_248 = arith.index_cast %add3A_215 : i32 to index
        %get3A_249 = arith.constant 32 : index
        %get3A_250 = tpu.vector_load %arg9[%get3A_248, %get3A_249] {strides = array<i32>} : memref<128x128xf32, #tpu.memory_space<vmem>>, vector<1x16xf32>,
        %get3A_251 = vector.shape_cast %get3A_250 : vector<1x16xf32> to vector<16xf32>
        %mul3A_252 = arith.mulf %get3A_247, %get3A_251 : vector<16xf32>
        %swap3A_253 = arith.index_cast %add3A_215 : i32 to index
        %swap3A_254 = arith.constant 32 : index
        %swap3A_255 = tpu.vector_load %arg12[%swap3A_253, %swap3A_254] {strides = array<i32>} : memref<128x64xf32, #tpu.memory_space<vmem>>, vector<1x16xf32>,
        %swap3A_256 = vector.shape_cast %swap3A_255 : vector<1x16xf32> to vector<16xf32>
        %swap3A_257 = vector.shape_cast %mul3A_252 : vector<16xf32> to vector<1x16xf32>
        tpu.vector_store %arg12[%swap3A_253, %swap3A_254], %swap3A_257 {strides = array<i32>} : memref<128x64xf32, #tpu.memory_space<vmem>>, vector<1x16xf32>,
        %get3A_258 = arith.index_cast %add3A_215 : i32 to index
        %get3A_259 = arith.constant 48 : index
        %get3A_260 = tpu.vector_load %arg8[%get3A_258, %get3A_259] {strides = array<i32>} : memref<128x128xf32, #tpu.memory_space<vmem>>, vector<1x16xf32>,
        %get3A_261 = vector.shape_cast %get3A_260 : vector<1x16xf32> to vector<16xf32>
        %get3A_262 = arith.index_cast %add3A_215 : i32 to index
        %get3A_263 = arith.constant 48 : index
        %get3A_264 = tpu.vector_load %arg9[%get3A_262, %get3A_263] {strides = array<i32>} : memref<128x128xf32, #tpu.memory_space<vmem>>, vector<1x16xf32>,
        %get3A_265 = vector.shape_cast %get3A_264 : vector<1x16xf32> to vector<16xf32>
        %mul3A_266 = arith.mulf %get3A_261, %get3A_265 : vector<16xf32>
        %swap3A_267 = arith.index_cast %add3A_215 : i32 to index
        %swap3A_268 = arith.constant 48 : index
        %swap3A_269 = tpu.vector_load %arg12[%swap3A_267, %swap3A_268] {strides = array<i32>} : memref<128x64xf32, #tpu.memory_space<vmem>>, vector<1x16xf32>,
        %swap3A_270 = vector.shape_cast %swap3A_269 : vector<1x16xf32> to vector<16xf32>
        %swap3A_271 = vector.shape_cast %mul3A_266 : vector<16xf32> to vector<1x16xf32>
        tpu.vector_store %arg12[%swap3A_267, %swap3A_268], %swap3A_271 {strides = array<i32>} : memref<128x64xf32, #tpu.memory_space<vmem>>, vector<1x16xf32>,
        %mul3A_272 = arith.constant 4 : i32
        %mul3A_273 = arith.muli %scan3A_93, %mul3A_272 : i32
        %add3A_274 = arith.constant 3 : i32
        %add3A_275 = arith.addi %mul3A_273, %add3A_274 : i32
        %get3A_276 = arith.index_cast %add3A_275 : i32 to index
        %get3A_277 = arith.constant 0 : index
        %get3A_278 = tpu.vector_load %arg8[%get3A_276, %get3A_277] {strides = array<i32>} : memref<128x128xf32, #tpu.memory_space<vmem>>, vector<1x16xf32>,
        %get3A_279 = vector.shape_cast %get3A_278 : vector<1x16xf32> to vector<16xf32>
        %get3A_280 = arith.index_cast %add3A_275 : i32 to index
        %get3A_281 = arith.constant 0 : index
        %get3A_282 = tpu.vector_load %arg9[%get3A_280, %get3A_281] {strides = array<i32>} : memref<128x128xf32, #tpu.memory_space<vmem>>, vector<1x16xf32>,
        %get3A_283 = vector.shape_cast %get3A_282 : vector<1x16xf32> to vector<16xf32>
        %mul3A_284 = arith.mulf %get3A_279, %get3A_283 : vector<16xf32>
        %swap3A_285 = arith.index_cast %add3A_275 : i32 to index
        %swap3A_286 = arith.constant 0 : index
        %swap3A_287 = tpu.vector_load %arg12[%swap3A_285, %swap3A_286] {strides = array<i32>} : memref<128x64xf32, #tpu.memory_space<vmem>>, vector<1x16xf32>,
        %swap3A_288 = vector.shape_cast %swap3A_287 : vector<1x16xf32> to vector<16xf32>
        %swap3A_289 = vector.shape_cast %mul3A_284 : vector<16xf32> to vector<1x16xf32>
        tpu.vector_store %arg12[%swap3A_285, %swap3A_286], %swap3A_289 {strides = array<i32>} : memref<128x64xf32, #tpu.memory_space<vmem>>, vector<1x16xf32>,
        %get3A_290 = arith.index_cast %add3A_275 : i32 to index
        %get3A_291 = arith.constant 16 : index
        %get3A_292 = tpu.vector_load %arg8[%get3A_290, %get3A_291] {strides = array<i32>} : memref<128x128xf32, #tpu.memory_space<vmem>>, vector<1x16xf32>,
        %get3A_293 = vector.shape_cast %get3A_292 : vector<1x16xf32> to vector<16xf32>
        %get3A_294 = arith.index_cast %add3A_275 : i32 to index
        %get3A_295 = arith.constant 16 : index
        %get3A_296 = tpu.vector_load %arg9[%get3A_294, %get3A_295] {strides = array<i32>} : memref<128x128xf32, #tpu.memory_space<vmem>>, vector<1x16xf32>,
        %get3A_297 = vector.shape_cast %get3A_296 : vector<1x16xf32> to vector<16xf32>
        %mul3A_298 = arith.mulf %get3A_293, %get3A_297 : vector<16xf32>
        %swap3A_299 = arith.index_cast %add3A_275 : i32 to index
        %swap3A_300 = arith.constant 16 : index
        %swap3A_301 = tpu.vector_load %arg12[%swap3A_299, %swap3A_300] {strides = array<i32>} : memref<128x64xf32, #tpu.memory_space<vmem>>, vector<1x16xf32>,
        %swap3A_302 = vector.shape_cast %swap3A_301 : vector<1x16xf32> to vector<16xf32>
        %swap3A_303 = vector.shape_cast %mul3A_298 : vector<16xf32> to vector<1x16xf32>
        tpu.vector_store %arg12[%swap3A_299, %swap3A_300], %swap3A_303 {strides = array<i32>} : memref<128x64xf32, #tpu.memory_space<vmem>>, vector<1x16xf32>,
        %get3A_304 = arith.index_cast %add3A_275 : i32 to index
        %get3A_305 = arith.constant 32 : index
        %get3A_306 = tpu.vector_load %arg8[%get3A_304, %get3A_305] {strides = array<i32>} : memref<128x128xf32, #tpu.memory_space<vmem>>, vector<1x16xf32>,
        %get3A_307 = vector.shape_cast %get3A_306 : vector<1x16xf32> to vector<16xf32>
        %get3A_308 = arith.index_cast %add3A_275 : i32 to index
        %get3A_309 = arith.constant 32 : index
        %get3A_310 = tpu.vector_load %arg9[%get3A_308, %get3A_309] {strides = array<i32>} : memref<128x128xf32, #tpu.memory_space<vmem>>, vector<1x16xf32>,
        %get3A_311 = vector.shape_cast %get3A_310 : vector<1x16xf32> to vector<16xf32>
        %mul3A_312 = arith.mulf %get3A_307, %get3A_311 : vector<16xf32>
        %swap3A_313 = arith.index_cast %add3A_275 : i32 to index
        %swap3A_314 = arith.constant 32 : index
        %swap3A_315 = tpu.vector_load %arg12[%swap3A_313, %swap3A_314] {strides = array<i32>} : memref<128x64xf32, #tpu.memory_space<vmem>>, vector<1x16xf32>,
        %swap3A_316 = vector.shape_cast %swap3A_315 : vector<1x16xf32> to vector<16xf32>
        %swap3A_317 = vector.shape_cast %mul3A_312 : vector<16xf32> to vector<1x16xf32>
        tpu.vector_store %arg12[%swap3A_313, %swap3A_314], %swap3A_317 {strides = array<i32>} : memref<128x64xf32, #tpu.memory_space<vmem>>, vector<1x16xf32>,
        %get3A_318 = arith.index_cast %add3A_275 : i32 to index
        %get3A_319 = arith.constant 48 : index
        %get3A_320 = tpu.vector_load %arg8[%get3A_318, %get3A_319] {strides = array<i32>} : memref<128x128xf32, #tpu.memory_space<vmem>>, vector<1x16xf32>,
        %get3A_321 = vector.shape_cast %get3A_320 : vector<1x16xf32> to vector<16xf32>
        %get3A_322 = arith.index_cast %add3A_275 : i32 to index
        %get3A_323 = arith.constant 48 : index
        %get3A_324 = tpu.vector_load %arg9[%get3A_322, %get3A_323] {strides = array<i32>} : memref<128x128xf32, #tpu.memory_space<vmem>>, vector<1x16xf32>,
        %get3A_325 = vector.shape_cast %get3A_324 : vector<1x16xf32> to vector<16xf32>
        %mul3A_326 = arith.mulf %get3A_321, %get3A_325 : vector<16xf32>
        %swap3A_327 = arith.index_cast %add3A_275 : i32 to index
        %swap3A_328 = arith.constant 48 : index
        %swap3A_329 = tpu.vector_load %arg12[%swap3A_327, %swap3A_328] {strides = array<i32>} : memref<128x64xf32, #tpu.memory_space<vmem>>, vector<1x16xf32>,
        %swap3A_330 = vector.shape_cast %swap3A_329 : vector<1x16xf32> to vector<16xf32>
        %swap3A_331 = vector.shape_cast %mul3A_326 : vector<16xf32> to vector<1x16xf32>
        tpu.vector_store %arg12[%swap3A_327, %swap3A_328], %swap3A_331 {strides = array<i32>} : memref<128x64xf32, #tpu.memory_space<vmem>>, vector<1x16xf32>,
      }
      %scan3A_60 = arith.constant 32 : i32
      %mul3A_61 = arith.constant 128 : i32
      %mul3A_62 = arith.muli %mul3A_29, %mul3A_61 : i32
      %add3A_63 = arith.addi %mul3A_4, %mul3A_62 : i32
      "tpu.region"() ({
        %run_scoped3A = tpu.sem_alloc : memref<!tpu.dma_semaphore, #tpu.memory_space<semaphore_mem>>
        %dma_start3A_93 = arith.constant 0 : i32
        %dma_start3A_94 = tpu.memref_slice %arg5[%add3A_63, %dma_start3A_93] : memref<65536x64xf32, #tpu.memory_space<hbm>> -> memref<128x64xf32, #tpu.memory_space<hbm>>
        %dma_start3A_95 = arith.constant 0 : i32
        %dma_start3A_96 = tpu.memref_slice %arg5[%add3A_63, %dma_start3A_95] : memref<65536x64xf32, #tpu.memory_space<hbm>> -> memref<128x64xf32, #tpu.memory_space<hbm>>
        tpu.enqueue_dma source(%arg12 : memref<128x64xf32, #tpu.memory_space<vmem>>) target(%dma_start3A_96 : memref<128x64xf32, #tpu.memory_space<hbm>>) target_semaphore(%run_scoped3A : memref<!tpu.dma_semaphore, #tpu.memory_space<semaphore_mem>>)
        %dma_wait3A_97 = arith.constant 0 : i32
        %dma_wait3A_98 = tpu.memref_slice %arg5[%add3A_63, %dma_wait3A_97] : memref<65536x64xf32, #tpu.memory_space<hbm>> -> memref<128x64xf32, #tpu.memory_space<hbm>>
        %dma_wait3A_99 = arith.constant 0 : i32
        %dma_wait3A_100 = tpu.memref_slice %arg5[%add3A_63, %dma_wait3A_99] : memref<65536x64xf32, #tpu.memory_space<hbm>> -> memref<128x64xf32, #tpu.memory_space<hbm>>
        tpu.wait_dma2 semaphore(%run_scoped3A : memref<!tpu.dma_semaphore, #tpu.memory_space<semaphore_mem>>) src(%arg12 : memref<128x64xf32, #tpu.memory_space<vmem>>) dst(%dma_wait3A_100 : memref<128x64xf32, #tpu.memory_space<hbm>>)
        tpu.yield
      }) : () -> ()
      %add3A_64 = arith.constant 1 : i32
      %add3A_65 = arith.addi %scan3A_27, %add3A_64 : i32
      %lt3A = arith.constant 8 : i32
      %lt3A_66 = arith.cmpi slt, %add3A_65, %lt3A : i32
      %convert_element_type3A = arith.extui %lt3A_66 : i1 to i32
      %cond3A = arith.constant 0 : i32
      %cond3A_67 = arith.cmpi ne, %convert_element_type3A, %cond3A : i32
      scf.if %cond3A_67 {
        %add3A_93 = arith.constant 2 : i32
        %add3A_94 = arith.addi %mul3A_29, %add3A_93 : i32
        %dma_start3A_95 = arith.constant 0 : i32
        %dma_start3A_96 = tpu.memref_slice %arg6[%add3A_94, %dma_start3A_95] : memref<16x128xi32, #tpu.memory_space<vmem>> -> memref<1x128xi32, #tpu.memory_space<vmem>>
        %dma_start3A_97 = tpu.memref_squeeze %dma_start3A_96 : memref<1x128xi32, #tpu.memory_space<vmem>> -> memref<128xi32, #tpu.memory_space<vmem>>
        %dma_start3A_98 = arith.constant 0 : i32
        %dma_start3A_99 = arith.constant 0 : i32
        %dma_start3A_100 = tpu.memref_slice %arg2[%dma_start3A_98, %dma_start3A_99] : memref<10000x128xf32, #tpu.memory_space<hbm>> -> memref<10000x128xf32, #tpu.memory_space<hbm>>
        tpu.enqueue_indirect_dma source(%dma_start3A_100 : memref<10000x128xf32, #tpu.memory_space<hbm>>) target(%arg8 : memref<128x128xf32, #tpu.memory_space<vmem>>) offsets(%dma_start3A_97 : memref<128xi32, #tpu.memory_space<vmem>>) semaphore(%arg14 : memref<!tpu.dma_semaphore, #tpu.memory_space<semaphore_mem>>)
        %dma_start3A_101 = arith.constant 0 : i32
        %dma_start3A_102 = tpu.memref_slice %arg7[%add3A_94, %dma_start3A_101] : memref<16x128xi32, #tpu.memory_space<vmem>> -> memref<1x128xi32, #tpu.memory_space<vmem>>
        %dma_start3A_103 = tpu.memref_squeeze %dma_start3A_102 : memref<1x128xi32, #tpu.memory_space<vmem>> -> memref<128xi32, #tpu.memory_space<vmem>>
        %dma_start3A_104 = arith.constant 0 : i32
        %dma_start3A_105 = arith.constant 0 : i32
        %dma_start3A_106 = tpu.memref_slice %arg2[%dma_start3A_104, %dma_start3A_105] : memref<10000x128xf32, #tpu.memory_space<hbm>> -> memref<10000x128xf32, #tpu.memory_space<hbm>>
        tpu.enqueue_indirect_dma source(%dma_start3A_106 : memref<10000x128xf32, #tpu.memory_space<hbm>>) target(%arg9 : memref<128x128xf32, #tpu.memory_space<vmem>>) offsets(%dma_start3A_103 : memref<128xi32, #tpu.memory_space<vmem>>) semaphore(%arg14 : memref<!tpu.dma_semaphore, #tpu.memory_space<semaphore_mem>>)
      } else {
      }
      %add3A_68 = arith.constant 1 : i32
      %add3A_69 = arith.addi %mul3A_29, %add3A_68 : i32
      %dma_wait3A_70 = arith.constant 0 : i32
      %dma_wait3A_71 = tpu.memref_slice %arg6[%add3A_69, %dma_wait3A_70] : memref<16x128xi32, #tpu.memory_space<vmem>> -> memref<1x128xi32, #tpu.memory_space<vmem>>
      %dma_wait3A_72 = tpu.memref_squeeze %dma_wait3A_71 : memref<1x128xi32, #tpu.memory_space<vmem>> -> memref<128xi32, #tpu.memory_space<vmem>>
      %dma_wait3A_73 = arith.constant 0 : i32
      %dma_wait3A_74 = arith.constant 0 : i32
      %dma_wait3A_75 = tpu.memref_slice %arg2[%dma_wait3A_73, %dma_wait3A_74] : memref<10000x128xf32, #tpu.memory_space<hbm>> -> memref<10000x128xf32, #tpu.memory_space<hbm>>
      tpu.wait_indirect_dma semaphore(%arg15 : memref<!tpu.dma_semaphore, #tpu.memory_space<semaphore_mem>>) src(%dma_wait3A_75 : memref<10000x128xf32, #tpu.memory_space<hbm>>) dst(%arg10 : memref<128x128xf32, #tpu.memory_space<vmem>>)
      %dma_wait3A_76 = arith.constant 0 : i32
      %dma_wait3A_77 = tpu.memref_slice %arg7[%add3A_69, %dma_wait3A_76] : memref<16x128xi32, #tpu.memory_space<vmem>> -> memref<1x128xi32, #tpu.memory_space<vmem>>
      %dma_wait3A_78 = tpu.memref_squeeze %dma_wait3A_77 : memref<1x128xi32, #tpu.memory_space<vmem>> -> memref<128xi32, #tpu.memory_space<vmem>>
      %dma_wait3A_79 = arith.constant 0 : i32
      %dma_wait3A_80 = arith.constant 0 : i32
      %dma_wait3A_81 = tpu.memref_slice %arg2[%dma_wait3A_79, %dma_wait3A_80] : memref<10000x128xf32, #tpu.memory_space<hbm>> -> memref<10000x128xf32, #tpu.memory_space<hbm>>
      tpu.wait_indirect_dma semaphore(%arg15 : memref<!tpu.dma_semaphore, #tpu.memory_space<semaphore_mem>>) src(%dma_wait3A_81 : memref<10000x128xf32, #tpu.memory_space<hbm>>) dst(%arg11 : memref<128x128xf32, #tpu.memory_space<vmem>>)
      %add3A_82 = arith.constant 1 : i32
      %add3A_83 = arith.addi %mul3A_29, %add3A_82 : i32
      %scan3A_84 = arith.constant 0 : i32
      %scan3A_85 = arith.constant 0 : i32
      %scan3A_86 = arith.constant 32 : i32
      %scan3A_87 = arith.addi %scan3A_85, %scan3A_86 : i32
      %scan3A_88 = arith.constant 1 : i32
      scf.for %scan3A_93 = %scan3A_85 to %scan3A_87 step %scan3A_88  : i32 {
        %mul3A_94 = arith.constant 4 : i32
        %mul3A_95 = arith.muli %scan3A_93, %mul3A_94 : i32
        %add3A_96 = arith.constant 0 : i32
        %add3A_97 = arith.addi %mul3A_95, %add3A_96 : i32
        %get3A = arith.index_cast %add3A_97 : i32 to index
        %get3A_98 = arith.constant 0 : index
        %get3A_99 = tpu.vector_load %arg10[%get3A, %get3A_98] {strides = array<i32>} : memref<128x128xf32, #tpu.memory_space<vmem>>, vector<1x16xf32>,
        %get3A_100 = vector.shape_cast %get3A_99 : vector<1x16xf32> to vector<16xf32>
        %get3A_101 = arith.index_cast %add3A_97 : i32 to index
        %get3A_102 = arith.constant 0 : index
        %get3A_103 = tpu.vector_load %arg11[%get3A_101, %get3A_102] {strides = array<i32>} : memref<128x128xf32, #tpu.memory_space<vmem>>, vector<1x16xf32>,
        %get3A_104 = vector.shape_cast %get3A_103 : vector<1x16xf32> to vector<16xf32>
        %mul3A_105 = arith.mulf %get3A_100, %get3A_104 : vector<16xf32>
        %swap3A = arith.index_cast %add3A_97 : i32 to index
        %swap3A_106 = arith.constant 0 : index
        %swap3A_107 = tpu.vector_load %arg13[%swap3A, %swap3A_106] {strides = array<i32>} : memref<128x64xf32, #tpu.memory_space<vmem>>, vector<1x16xf32>,
        %swap3A_108 = vector.shape_cast %swap3A_107 : vector<1x16xf32> to vector<16xf32>
        %swap3A_109 = vector.shape_cast %mul3A_105 : vector<16xf32> to vector<1x16xf32>
        tpu.vector_store %arg13[%swap3A, %swap3A_106], %swap3A_109 {strides = array<i32>} : memref<128x64xf32, #tpu.memory_space<vmem>>, vector<1x16xf32>,
        %get3A_110 = arith.index_cast %add3A_97 : i32 to index
        %get3A_111 = arith.constant 16 : index
        %get3A_112 = tpu.vector_load %arg10[%get3A_110, %get3A_111] {strides = array<i32>} : memref<128x128xf32, #tpu.memory_space<vmem>>, vector<1x16xf32>,
        %get3A_113 = vector.shape_cast %get3A_112 : vector<1x16xf32> to vector<16xf32>
        %get3A_114 = arith.index_cast %add3A_97 : i32 to index
        %get3A_115 = arith.constant 16 : index
        %get3A_116 = tpu.vector_load %arg11[%get3A_114, %get3A_115] {strides = array<i32>} : memref<128x128xf32, #tpu.memory_space<vmem>>, vector<1x16xf32>,
        %get3A_117 = vector.shape_cast %get3A_116 : vector<1x16xf32> to vector<16xf32>
        %mul3A_118 = arith.mulf %get3A_113, %get3A_117 : vector<16xf32>
        %swap3A_119 = arith.index_cast %add3A_97 : i32 to index
        %swap3A_120 = arith.constant 16 : index
        %swap3A_121 = tpu.vector_load %arg13[%swap3A_119, %swap3A_120] {strides = array<i32>} : memref<128x64xf32, #tpu.memory_space<vmem>>, vector<1x16xf32>,
        %swap3A_122 = vector.shape_cast %swap3A_121 : vector<1x16xf32> to vector<16xf32>
        %swap3A_123 = vector.shape_cast %mul3A_118 : vector<16xf32> to vector<1x16xf32>
        tpu.vector_store %arg13[%swap3A_119, %swap3A_120], %swap3A_123 {strides = array<i32>} : memref<128x64xf32, #tpu.memory_space<vmem>>, vector<1x16xf32>,
        %get3A_124 = arith.index_cast %add3A_97 : i32 to index
        %get3A_125 = arith.constant 32 : index
        %get3A_126 = tpu.vector_load %arg10[%get3A_124, %get3A_125] {strides = array<i32>} : memref<128x128xf32, #tpu.memory_space<vmem>>, vector<1x16xf32>,
        %get3A_127 = vector.shape_cast %get3A_126 : vector<1x16xf32> to vector<16xf32>
        %get3A_128 = arith.index_cast %add3A_97 : i32 to index
        %get3A_129 = arith.constant 32 : index
        %get3A_130 = tpu.vector_load %arg11[%get3A_128, %get3A_129] {strides = array<i32>} : memref<128x128xf32, #tpu.memory_space<vmem>>, vector<1x16xf32>,
        %get3A_131 = vector.shape_cast %get3A_130 : vector<1x16xf32> to vector<16xf32>
        %mul3A_132 = arith.mulf %get3A_127, %get3A_131 : vector<16xf32>
        %swap3A_133 = arith.index_cast %add3A_97 : i32 to index
        %swap3A_134 = arith.constant 32 : index
        %swap3A_135 = tpu.vector_load %arg13[%swap3A_133, %swap3A_134] {strides = array<i32>} : memref<128x64xf32, #tpu.memory_space<vmem>>, vector<1x16xf32>,
        %swap3A_136 = vector.shape_cast %swap3A_135 : vector<1x16xf32> to vector<16xf32>
        %swap3A_137 = vector.shape_cast %mul3A_132 : vector<16xf32> to vector<1x16xf32>
        tpu.vector_store %arg13[%swap3A_133, %swap3A_134], %swap3A_137 {strides = array<i32>} : memref<128x64xf32, #tpu.memory_space<vmem>>, vector<1x16xf32>,
        %get3A_138 = arith.index_cast %add3A_97 : i32 to index
        %get3A_139 = arith.constant 48 : index
        %get3A_140 = tpu.vector_load %arg10[%get3A_138, %get3A_139] {strides = array<i32>} : memref<128x128xf32, #tpu.memory_space<vmem>>, vector<1x16xf32>,
        %get3A_141 = vector.shape_cast %get3A_140 : vector<1x16xf32> to vector<16xf32>
        %get3A_142 = arith.index_cast %add3A_97 : i32 to index
        %get3A_143 = arith.constant 48 : index
        %get3A_144 = tpu.vector_load %arg11[%get3A_142, %get3A_143] {strides = array<i32>} : memref<128x128xf32, #tpu.memory_space<vmem>>, vector<1x16xf32>,
        %get3A_145 = vector.shape_cast %get3A_144 : vector<1x16xf32> to vector<16xf32>
        %mul3A_146 = arith.mulf %get3A_141, %get3A_145 : vector<16xf32>
        %swap3A_147 = arith.index_cast %add3A_97 : i32 to index
        %swap3A_148 = arith.constant 48 : index
        %swap3A_149 = tpu.vector_load %arg13[%swap3A_147, %swap3A_148] {strides = array<i32>} : memref<128x64xf32, #tpu.memory_space<vmem>>, vector<1x16xf32>,
        %swap3A_150 = vector.shape_cast %swap3A_149 : vector<1x16xf32> to vector<16xf32>
        %swap3A_151 = vector.shape_cast %mul3A_146 : vector<16xf32> to vector<1x16xf32>
        tpu.vector_store %arg13[%swap3A_147, %swap3A_148], %swap3A_151 {strides = array<i32>} : memref<128x64xf32, #tpu.memory_space<vmem>>, vector<1x16xf32>,
        %mul3A_152 = arith.constant 4 : i32
        %mul3A_153 = arith.muli %scan3A_93, %mul3A_152 : i32
        %add3A_154 = arith.constant 1 : i32
        %add3A_155 = arith.addi %mul3A_153, %add3A_154 : i32
        %get3A_156 = arith.index_cast %add3A_155 : i32 to index
        %get3A_157 = arith.constant 0 : index
        %get3A_158 = tpu.vector_load %arg10[%get3A_156, %get3A_157] {strides = array<i32>} : memref<128x128xf32, #tpu.memory_space<vmem>>, vector<1x16xf32>,
        %get3A_159 = vector.shape_cast %get3A_158 : vector<1x16xf32> to vector<16xf32>
        %get3A_160 = arith.index_cast %add3A_155 : i32 to index
        %get3A_161 = arith.constant 0 : index
        %get3A_162 = tpu.vector_load %arg11[%get3A_160, %get3A_161] {strides = array<i32>} : memref<128x128xf32, #tpu.memory_space<vmem>>, vector<1x16xf32>,
        %get3A_163 = vector.shape_cast %get3A_162 : vector<1x16xf32> to vector<16xf32>
        %mul3A_164 = arith.mulf %get3A_159, %get3A_163 : vector<16xf32>
        %swap3A_165 = arith.index_cast %add3A_155 : i32 to index
        %swap3A_166 = arith.constant 0 : index
        %swap3A_167 = tpu.vector_load %arg13[%swap3A_165, %swap3A_166] {strides = array<i32>} : memref<128x64xf32, #tpu.memory_space<vmem>>, vector<1x16xf32>,
        %swap3A_168 = vector.shape_cast %swap3A_167 : vector<1x16xf32> to vector<16xf32>
        %swap3A_169 = vector.shape_cast %mul3A_164 : vector<16xf32> to vector<1x16xf32>
        tpu.vector_store %arg13[%swap3A_165, %swap3A_166], %swap3A_169 {strides = array<i32>} : memref<128x64xf32, #tpu.memory_space<vmem>>, vector<1x16xf32>,
        %get3A_170 = arith.index_cast %add3A_155 : i32 to index
        %get3A_171 = arith.constant 16 : index
        %get3A_172 = tpu.vector_load %arg10[%get3A_170, %get3A_171] {strides = array<i32>} : memref<128x128xf32, #tpu.memory_space<vmem>>, vector<1x16xf32>,
        %get3A_173 = vector.shape_cast %get3A_172 : vector<1x16xf32> to vector<16xf32>
        %get3A_174 = arith.index_cast %add3A_155 : i32 to index
        %get3A_175 = arith.constant 16 : index
        %get3A_176 = tpu.vector_load %arg11[%get3A_174, %get3A_175] {strides = array<i32>} : memref<128x128xf32, #tpu.memory_space<vmem>>, vector<1x16xf32>,
        %get3A_177 = vector.shape_cast %get3A_176 : vector<1x16xf32> to vector<16xf32>
        %mul3A_178 = arith.mulf %get3A_173, %get3A_177 : vector<16xf32>
        %swap3A_179 = arith.index_cast %add3A_155 : i32 to index
        %swap3A_180 = arith.constant 16 : index
        %swap3A_181 = tpu.vector_load %arg13[%swap3A_179, %swap3A_180] {strides = array<i32>} : memref<128x64xf32, #tpu.memory_space<vmem>>, vector<1x16xf32>,
        %swap3A_182 = vector.shape_cast %swap3A_181 : vector<1x16xf32> to vector<16xf32>
        %swap3A_183 = vector.shape_cast %mul3A_178 : vector<16xf32> to vector<1x16xf32>
        tpu.vector_store %arg13[%swap3A_179, %swap3A_180], %swap3A_183 {strides = array<i32>} : memref<128x64xf32, #tpu.memory_space<vmem>>, vector<1x16xf32>,
        %get3A_184 = arith.index_cast %add3A_155 : i32 to index
        %get3A_185 = arith.constant 32 : index
        %get3A_186 = tpu.vector_load %arg10[%get3A_184, %get3A_185] {strides = array<i32>} : memref<128x128xf32, #tpu.memory_space<vmem>>, vector<1x16xf32>,
        %get3A_187 = vector.shape_cast %get3A_186 : vector<1x16xf32> to vector<16xf32>
        %get3A_188 = arith.index_cast %add3A_155 : i32 to index
        %get3A_189 = arith.constant 32 : index
        %get3A_190 = tpu.vector_load %arg11[%get3A_188, %get3A_189] {strides = array<i32>} : memref<128x128xf32, #tpu.memory_space<vmem>>, vector<1x16xf32>,
        %get3A_191 = vector.shape_cast %get3A_190 : vector<1x16xf32> to vector<16xf32>
        %mul3A_192 = arith.mulf %get3A_187, %get3A_191 : vector<16xf32>
        %swap3A_193 = arith.index_cast %add3A_155 : i32 to index
        %swap3A_194 = arith.constant 32 : index
        %swap3A_195 = tpu.vector_load %arg13[%swap3A_193, %swap3A_194] {strides = array<i32>} : memref<128x64xf32, #tpu.memory_space<vmem>>, vector<1x16xf32>,
        %swap3A_196 = vector.shape_cast %swap3A_195 : vector<1x16xf32> to vector<16xf32>
        %swap3A_197 = vector.shape_cast %mul3A_192 : vector<16xf32> to vector<1x16xf32>
        tpu.vector_store %arg13[%swap3A_193, %swap3A_194], %swap3A_197 {strides = array<i32>} : memref<128x64xf32, #tpu.memory_space<vmem>>, vector<1x16xf32>,
        %get3A_198 = arith.index_cast %add3A_155 : i32 to index
        %get3A_199 = arith.constant 48 : index
        %get3A_200 = tpu.vector_load %arg10[%get3A_198, %get3A_199] {strides = array<i32>} : memref<128x128xf32, #tpu.memory_space<vmem>>, vector<1x16xf32>,
        %get3A_201 = vector.shape_cast %get3A_200 : vector<1x16xf32> to vector<16xf32>
        %get3A_202 = arith.index_cast %add3A_155 : i32 to index
        %get3A_203 = arith.constant 48 : index
        %get3A_204 = tpu.vector_load %arg11[%get3A_202, %get3A_203] {strides = array<i32>} : memref<128x128xf32, #tpu.memory_space<vmem>>, vector<1x16xf32>,
        %get3A_205 = vector.shape_cast %get3A_204 : vector<1x16xf32> to vector<16xf32>
        %mul3A_206 = arith.mulf %get3A_201, %get3A_205 : vector<16xf32>
        %swap3A_207 = arith.index_cast %add3A_155 : i32 to index
        %swap3A_208 = arith.constant 48 : index
        %swap3A_209 = tpu.vector_load %arg13[%swap3A_207, %swap3A_208] {strides = array<i32>} : memref<128x64xf32, #tpu.memory_space<vmem>>, vector<1x16xf32>,
        %swap3A_210 = vector.shape_cast %swap3A_209 : vector<1x16xf32> to vector<16xf32>
        %swap3A_211 = vector.shape_cast %mul3A_206 : vector<16xf32> to vector<1x16xf32>
        tpu.vector_store %arg13[%swap3A_207, %swap3A_208], %swap3A_211 {strides = array<i32>} : memref<128x64xf32, #tpu.memory_space<vmem>>, vector<1x16xf32>,
        %mul3A_212 = arith.constant 4 : i32
        %mul3A_213 = arith.muli %scan3A_93, %mul3A_212 : i32
        %add3A_214 = arith.constant 2 : i32
        %add3A_215 = arith.addi %mul3A_213, %add3A_214 : i32
        %get3A_216 = arith.index_cast %add3A_215 : i32 to index
        %get3A_217 = arith.constant 0 : index
        %get3A_218 = tpu.vector_load %arg10[%get3A_216, %get3A_217] {strides = array<i32>} : memref<128x128xf32, #tpu.memory_space<vmem>>, vector<1x16xf32>,
        %get3A_219 = vector.shape_cast %get3A_218 : vector<1x16xf32> to vector<16xf32>
        %get3A_220 = arith.index_cast %add3A_215 : i32 to index
        %get3A_221 = arith.constant 0 : index
        %get3A_222 = tpu.vector_load %arg11[%get3A_220, %get3A_221] {strides = array<i32>} : memref<128x128xf32, #tpu.memory_space<vmem>>, vector<1x16xf32>,
        %get3A_223 = vector.shape_cast %get3A_222 : vector<1x16xf32> to vector<16xf32>
        %mul3A_224 = arith.mulf %get3A_219, %get3A_223 : vector<16xf32>
        %swap3A_225 = arith.index_cast %add3A_215 : i32 to index
        %swap3A_226 = arith.constant 0 : index
        %swap3A_227 = tpu.vector_load %arg13[%swap3A_225, %swap3A_226] {strides = array<i32>} : memref<128x64xf32, #tpu.memory_space<vmem>>, vector<1x16xf32>,
        %swap3A_228 = vector.shape_cast %swap3A_227 : vector<1x16xf32> to vector<16xf32>
        %swap3A_229 = vector.shape_cast %mul3A_224 : vector<16xf32> to vector<1x16xf32>
        tpu.vector_store %arg13[%swap3A_225, %swap3A_226], %swap3A_229 {strides = array<i32>} : memref<128x64xf32, #tpu.memory_space<vmem>>, vector<1x16xf32>,
        %get3A_230 = arith.index_cast %add3A_215 : i32 to index
        %get3A_231 = arith.constant 16 : index
        %get3A_232 = tpu.vector_load %arg10[%get3A_230, %get3A_231] {strides = array<i32>} : memref<128x128xf32, #tpu.memory_space<vmem>>, vector<1x16xf32>,
        %get3A_233 = vector.shape_cast %get3A_232 : vector<1x16xf32> to vector<16xf32>
        %get3A_234 = arith.index_cast %add3A_215 : i32 to index
        %get3A_235 = arith.constant 16 : index
        %get3A_236 = tpu.vector_load %arg11[%get3A_234, %get3A_235] {strides = array<i32>} : memref<128x128xf32, #tpu.memory_space<vmem>>, vector<1x16xf32>,
        %get3A_237 = vector.shape_cast %get3A_236 : vector<1x16xf32> to vector<16xf32>
        %mul3A_238 = arith.mulf %get3A_233, %get3A_237 : vector<16xf32>
        %swap3A_239 = arith.index_cast %add3A_215 : i32 to index
        %swap3A_240 = arith.constant 16 : index
        %swap3A_241 = tpu.vector_load %arg13[%swap3A_239, %swap3A_240] {strides = array<i32>} : memref<128x64xf32, #tpu.memory_space<vmem>>, vector<1x16xf32>,
        %swap3A_242 = vector.shape_cast %swap3A_241 : vector<1x16xf32> to vector<16xf32>
        %swap3A_243 = vector.shape_cast %mul3A_238 : vector<16xf32> to vector<1x16xf32>
        tpu.vector_store %arg13[%swap3A_239, %swap3A_240], %swap3A_243 {strides = array<i32>} : memref<128x64xf32, #tpu.memory_space<vmem>>, vector<1x16xf32>,
        %get3A_244 = arith.index_cast %add3A_215 : i32 to index
        %get3A_245 = arith.constant 32 : index
        %get3A_246 = tpu.vector_load %arg10[%get3A_244, %get3A_245] {strides = array<i32>} : memref<128x128xf32, #tpu.memory_space<vmem>>, vector<1x16xf32>,
        %get3A_247 = vector.shape_cast %get3A_246 : vector<1x16xf32> to vector<16xf32>
        %get3A_248 = arith.index_cast %add3A_215 : i32 to index
        %get3A_249 = arith.constant 32 : index
        %get3A_250 = tpu.vector_load %arg11[%get3A_248, %get3A_249] {strides = array<i32>} : memref<128x128xf32, #tpu.memory_space<vmem>>, vector<1x16xf32>,
        %get3A_251 = vector.shape_cast %get3A_250 : vector<1x16xf32> to vector<16xf32>
        %mul3A_252 = arith.mulf %get3A_247, %get3A_251 : vector<16xf32>
        %swap3A_253 = arith.index_cast %add3A_215 : i32 to index
        %swap3A_254 = arith.constant 32 : index
        %swap3A_255 = tpu.vector_load %arg13[%swap3A_253, %swap3A_254] {strides = array<i32>} : memref<128x64xf32, #tpu.memory_space<vmem>>, vector<1x16xf32>,
        %swap3A_256 = vector.shape_cast %swap3A_255 : vector<1x16xf32> to vector<16xf32>
        %swap3A_257 = vector.shape_cast %mul3A_252 : vector<16xf32> to vector<1x16xf32>
        tpu.vector_store %arg13[%swap3A_253, %swap3A_254], %swap3A_257 {strides = array<i32>} : memref<128x64xf32, #tpu.memory_space<vmem>>, vector<1x16xf32>,
        %get3A_258 = arith.index_cast %add3A_215 : i32 to index
        %get3A_259 = arith.constant 48 : index
        %get3A_260 = tpu.vector_load %arg10[%get3A_258, %get3A_259] {strides = array<i32>} : memref<128x128xf32, #tpu.memory_space<vmem>>, vector<1x16xf32>,
        %get3A_261 = vector.shape_cast %get3A_260 : vector<1x16xf32> to vector<16xf32>
        %get3A_262 = arith.index_cast %add3A_215 : i32 to index
        %get3A_263 = arith.constant 48 : index
        %get3A_264 = tpu.vector_load %arg11[%get3A_262, %get3A_263] {strides = array<i32>} : memref<128x128xf32, #tpu.memory_space<vmem>>, vector<1x16xf32>,
        %get3A_265 = vector.shape_cast %get3A_264 : vector<1x16xf32> to vector<16xf32>
        %mul3A_266 = arith.mulf %get3A_261, %get3A_265 : vector<16xf32>
        %swap3A_267 = arith.index_cast %add3A_215 : i32 to index
        %swap3A_268 = arith.constant 48 : index
        %swap3A_269 = tpu.vector_load %arg13[%swap3A_267, %swap3A_268] {strides = array<i32>} : memref<128x64xf32, #tpu.memory_space<vmem>>, vector<1x16xf32>,
        %swap3A_270 = vector.shape_cast %swap3A_269 : vector<1x16xf32> to vector<16xf32>
        %swap3A_271 = vector.shape_cast %mul3A_266 : vector<16xf32> to vector<1x16xf32>
        tpu.vector_store %arg13[%swap3A_267, %swap3A_268], %swap3A_271 {strides = array<i32>} : memref<128x64xf32, #tpu.memory_space<vmem>>, vector<1x16xf32>,
        %mul3A_272 = arith.constant 4 : i32
        %mul3A_273 = arith.muli %scan3A_93, %mul3A_272 : i32
        %add3A_274 = arith.constant 3 : i32
        %add3A_275 = arith.addi %mul3A_273, %add3A_274 : i32
        %get3A_276 = arith.index_cast %add3A_275 : i32 to index
        %get3A_277 = arith.constant 0 : index
        %get3A_278 = tpu.vector_load %arg10[%get3A_276, %get3A_277] {strides = array<i32>} : memref<128x128xf32, #tpu.memory_space<vmem>>, vector<1x16xf32>,
        %get3A_279 = vector.shape_cast %get3A_278 : vector<1x16xf32> to vector<16xf32>
        %get3A_280 = arith.index_cast %add3A_275 : i32 to index
        %get3A_281 = arith.constant 0 : index
        %get3A_282 = tpu.vector_load %arg11[%get3A_280, %get3A_281] {strides = array<i32>} : memref<128x128xf32, #tpu.memory_space<vmem>>, vector<1x16xf32>,
        %get3A_283 = vector.shape_cast %get3A_282 : vector<1x16xf32> to vector<16xf32>
        %mul3A_284 = arith.mulf %get3A_279, %get3A_283 : vector<16xf32>
        %swap3A_285 = arith.index_cast %add3A_275 : i32 to index
        %swap3A_286 = arith.constant 0 : index
        %swap3A_287 = tpu.vector_load %arg13[%swap3A_285, %swap3A_286] {strides = array<i32>} : memref<128x64xf32, #tpu.memory_space<vmem>>, vector<1x16xf32>,
        %swap3A_288 = vector.shape_cast %swap3A_287 : vector<1x16xf32> to vector<16xf32>
        %swap3A_289 = vector.shape_cast %mul3A_284 : vector<16xf32> to vector<1x16xf32>
        tpu.vector_store %arg13[%swap3A_285, %swap3A_286], %swap3A_289 {strides = array<i32>} : memref<128x64xf32, #tpu.memory_space<vmem>>, vector<1x16xf32>,
        %get3A_290 = arith.index_cast %add3A_275 : i32 to index
        %get3A_291 = arith.constant 16 : index
        %get3A_292 = tpu.vector_load %arg10[%get3A_290, %get3A_291] {strides = array<i32>} : memref<128x128xf32, #tpu.memory_space<vmem>>, vector<1x16xf32>,
        %get3A_293 = vector.shape_cast %get3A_292 : vector<1x16xf32> to vector<16xf32>
        %get3A_294 = arith.index_cast %add3A_275 : i32 to index
        %get3A_295 = arith.constant 16 : index
        %get3A_296 = tpu.vector_load %arg11[%get3A_294, %get3A_295] {strides = array<i32>} : memref<128x128xf32, #tpu.memory_space<vmem>>, vector<1x16xf32>,
        %get3A_297 = vector.shape_cast %get3A_296 : vector<1x16xf32> to vector<16xf32>
        %mul3A_298 = arith.mulf %get3A_293, %get3A_297 : vector<16xf32>
        %swap3A_299 = arith.index_cast %add3A_275 : i32 to index
        %swap3A_300 = arith.constant 16 : index
        %swap3A_301 = tpu.vector_load %arg13[%swap3A_299, %swap3A_300] {strides = array<i32>} : memref<128x64xf32, #tpu.memory_space<vmem>>, vector<1x16xf32>,
        %swap3A_302 = vector.shape_cast %swap3A_301 : vector<1x16xf32> to vector<16xf32>
        %swap3A_303 = vector.shape_cast %mul3A_298 : vector<16xf32> to vector<1x16xf32>
        tpu.vector_store %arg13[%swap3A_299, %swap3A_300], %swap3A_303 {strides = array<i32>} : memref<128x64xf32, #tpu.memory_space<vmem>>, vector<1x16xf32>,
        %get3A_304 = arith.index_cast %add3A_275 : i32 to index
        %get3A_305 = arith.constant 32 : index
        %get3A_306 = tpu.vector_load %arg10[%get3A_304, %get3A_305] {strides = array<i32>} : memref<128x128xf32, #tpu.memory_space<vmem>>, vector<1x16xf32>,
        %get3A_307 = vector.shape_cast %get3A_306 : vector<1x16xf32> to vector<16xf32>
        %get3A_308 = arith.index_cast %add3A_275 : i32 to index
        %get3A_309 = arith.constant 32 : index
        %get3A_310 = tpu.vector_load %arg11[%get3A_308, %get3A_309] {strides = array<i32>} : memref<128x128xf32, #tpu.memory_space<vmem>>, vector<1x16xf32>,
        %get3A_311 = vector.shape_cast %get3A_310 : vector<1x16xf32> to vector<16xf32>
        %mul3A_312 = arith.mulf %get3A_307, %get3A_311 : vector<16xf32>
        %swap3A_313 = arith.index_cast %add3A_275 : i32 to index
        %swap3A_314 = arith.constant 32 : index
        %swap3A_315 = tpu.vector_load %arg13[%swap3A_313, %swap3A_314] {strides = array<i32>} : memref<128x64xf32, #tpu.memory_space<vmem>>, vector<1x16xf32>,
        %swap3A_316 = vector.shape_cast %swap3A_315 : vector<1x16xf32> to vector<16xf32>
        %swap3A_317 = vector.shape_cast %mul3A_312 : vector<16xf32> to vector<1x16xf32>
        tpu.vector_store %arg13[%swap3A_313, %swap3A_314], %swap3A_317 {strides = array<i32>} : memref<128x64xf32, #tpu.memory_space<vmem>>, vector<1x16xf32>,
        %get3A_318 = arith.index_cast %add3A_275 : i32 to index
        %get3A_319 = arith.constant 48 : index
        %get3A_320 = tpu.vector_load %arg10[%get3A_318, %get3A_319] {strides = array<i32>} : memref<128x128xf32, #tpu.memory_space<vmem>>, vector<1x16xf32>,
        %get3A_321 = vector.shape_cast %get3A_320 : vector<1x16xf32> to vector<16xf32>
        %get3A_322 = arith.index_cast %add3A_275 : i32 to index
        %get3A_323 = arith.constant 48 : index
        %get3A_324 = tpu.vector_load %arg11[%get3A_322, %get3A_323] {strides = array<i32>} : memref<128x128xf32, #tpu.memory_space<vmem>>, vector<1x16xf32>,
        %get3A_325 = vector.shape_cast %get3A_324 : vector<1x16xf32> to vector<16xf32>
        %mul3A_326 = arith.mulf %get3A_321, %get3A_325 : vector<16xf32>
        %swap3A_327 = arith.index_cast %add3A_275 : i32 to index
        %swap3A_328 = arith.constant 48 : index
        %swap3A_329 = tpu.vector_load %arg13[%swap3A_327, %swap3A_328] {strides = array<i32>} : memref<128x64xf32, #tpu.memory_space<vmem>>, vector<1x16xf32>,
        %swap3A_330 = vector.shape_cast %swap3A_329 : vector<1x16xf32> to vector<16xf32>
        %swap3A_331 = vector.shape_cast %mul3A_326 : vector<16xf32> to vector<1x16xf32>
        tpu.vector_store %arg13[%swap3A_327, %swap3A_328], %swap3A_331 {strides = array<i32>} : memref<128x64xf32, #tpu.memory_space<vmem>>, vector<1x16xf32>,
      }
      %scan3A_89 = arith.constant 32 : i32
      %mul3A_90 = arith.constant 128 : i32
      %mul3A_91 = arith.muli %add3A_83, %mul3A_90 : i32
      %add3A_92 = arith.addi %mul3A_4, %mul3A_91 : i32
      "tpu.region"() ({
        %run_scoped3A = tpu.sem_alloc : memref<!tpu.dma_semaphore, #tpu.memory_space<semaphore_mem>>
        %dma_start3A_93 = arith.constant 0 : i32
        %dma_start3A_94 = tpu.memref_slice %arg5[%add3A_92, %dma_start3A_93] : memref<65536x64xf32, #tpu.memory_space<hbm>> -> memref<128x64xf32, #tpu.memory_space<hbm>>
        %dma_start3A_95 = arith.constant 0 : i32
        %dma_start3A_96 = tpu.memref_slice %arg5[%add3A_92, %dma_start3A_95] : memref<65536x64xf32, #tpu.memory_space<hbm>> -> memref<128x64xf32, #tpu.memory_space<hbm>>
        tpu.enqueue_dma source(%arg13 : memref<128x64xf32, #tpu.memory_space<vmem>>) target(%dma_start3A_96 : memref<128x64xf32, #tpu.memory_space<hbm>>) target_semaphore(%run_scoped3A : memref<!tpu.dma_semaphore, #tpu.memory_space<semaphore_mem>>)
        %dma_wait3A_97 = arith.constant 0 : i32
        %dma_wait3A_98 = tpu.memref_slice %arg5[%add3A_92, %dma_wait3A_97] : memref<65536x64xf32, #tpu.memory_space<hbm>> -> memref<128x64xf32, #tpu.memory_space<hbm>>
        %dma_wait3A_99 = arith.constant 0 : i32
        %dma_wait3A_100 = tpu.memref_slice %arg5[%add3A_92, %dma_wait3A_99] : memref<65536x64xf32, #tpu.memory_space<hbm>> -> memref<128x64xf32, #tpu.memory_space<hbm>>
        tpu.wait_dma2 semaphore(%run_scoped3A : memref<!tpu.dma_semaphore, #tpu.memory_space<semaphore_mem>>) src(%arg13 : memref<128x64xf32, #tpu.memory_space<vmem>>) dst(%dma_wait3A_100 : memref<128x64xf32, #tpu.memory_space<hbm>>)
        tpu.yield
      }) : () -> ()
    }
    %scan3A_26 = arith.constant 8 : i32
    return
  }
}

module attributes {stable_mosaic.version = 14 : i64} {
  func.func @mm_body(%arg0: memref<10000x128xf32, #tpu.memory_space<vmem>>, %arg1: memref<128x64xf32, #tpu.memory_space<vmem>>, %arg2: memref<10000x64xf32, #tpu.memory_space<vmem>>) attributes {dimension_semantics = [], scalar_prefetch = 0 : i64, scratch_operands = 0 : i64, tpu.core_type = #tpu.core_type<tc>} {
    %get3A = arith.constant 0 : index
    %get3A_0 = arith.constant 0 : index
    %get3A_1 = vector.load %arg0[%get3A, %get3A_0] : memref<10000x128xf32, #tpu.memory_space<vmem>>, vector<10000x128xf32>
    %get3A_2 = arith.constant 0 : index
    %get3A_3 = arith.constant 0 : index
    %get3A_4 = vector.load %arg1[%get3A_2, %get3A_3] : memref<128x64xf32, #tpu.memory_space<vmem>>, vector<128x64xf32>
    %dot_general3A = arith.constant dense<0.000000e+00> : vector<10000x64xf32>
    %dot_general3A_5 = tpu.matmul %get3A_1, %get3A_4, %dot_general3A {dimension_numbers = #tpu.dot_dimension_numbers<[1], [0], [0], [1], [0, 0, 1, 1], [], []>, transpose_lhs_hint = false} : vector<10000x128xf32>, vector<128x64xf32>, vector<10000x64xf32> -> vector<10000x64xf32>
    %swap3A = arith.constant 0 : index
    %swap3A_6 = arith.constant 0 : index
    %swap3A_7 = vector.load %arg2[%swap3A, %swap3A_6] : memref<10000x64xf32, #tpu.memory_space<vmem>>, vector<10000x64xf32>
    tpu.vector_store %arg2[%swap3A, %swap3A_6], %dot_general3A_5 {strides = array<i32>} : memref<10000x64xf32, #tpu.memory_space<vmem>>, vector<10000x64xf32>,
    return
  }
}

module attributes {stable_mosaic.version = 14 : i64} {
  func.func @body(%arg0: memref<10000x64xf32, #tpu.memory_space<vmem>>, %arg1: memref<2x10240x1xf32, #tpu.memory_space<vmem>>, %arg2: memref<10000x1xf32, #tpu.memory_space<vmem>>, %arg3: memref<2x10000x128xf32, #tpu.memory_space<vmem>>) attributes {dimension_semantics = [], scalar_prefetch = 0 : i64, scratch_operands = 0 : i64, tpu.core_type = #tpu.core_type<tc>} {
    %get3A = arith.constant 0 : index
    %get3A_0 = arith.constant 0 : index
    %get3A_1 = arith.constant 0 : index
    %get3A_2 = vector.load %arg1[%get3A, %get3A_0, %get3A_1] : memref<2x10240x1xf32, #tpu.memory_space<vmem>>, vector<2x10240x1xf32>
    %slice3A = vector.extract_strided_slice %get3A_2 {offsets = [0, 0, 0], sizes = [1, 10240, 1], strides = [1, 1, 1]} : vector<2x10240x1xf32> to vector<1x10240x1xf32>
    %squeeze3A = vector.shape_cast %slice3A : vector<1x10240x1xf32> to vector<10240x1xf32>
    %slice3A_3 = vector.extract_strided_slice %get3A_2 {offsets = [1, 0, 0], sizes = [1, 10240, 1], strides = [1, 1, 1]} : vector<2x10240x1xf32> to vector<1x10240x1xf32>
    %squeeze3A_4 = vector.shape_cast %slice3A_3 : vector<1x10240x1xf32> to vector<10240x1xf32>
    %add3A = arith.addf %squeeze3A, %squeeze3A_4 : vector<10240x1xf32>
    %add3A_5 = arith.constant 1.000000e+00 : f32
    %add3A_6 = vector.broadcast %add3A_5 : f32 to vector<10240x1xf32>
    %add3A_7 = arith.addf %add3A, %add3A_6 : vector<10240x1xf32>
    %slice3A_8 = vector.extract_strided_slice %add3A_7 {offsets = [0, 0], sizes = [10000, 1], strides = [1, 1]} : vector<10240x1xf32> to vector<10000x1xf32>
    %rsqrt3A = math.rsqrt %slice3A_8 : vector<10000x1xf32>
    %swap3A = arith.constant 0 : index
    %swap3A_9 = arith.constant 0 : index
    %swap3A_10 = vector.load %arg2[%swap3A, %swap3A_9] : memref<10000x1xf32, #tpu.memory_space<vmem>>, vector<10000x1xf32>
    tpu.vector_store %arg2[%swap3A, %swap3A_9], %rsqrt3A {strides = array<i32>} : memref<10000x1xf32, #tpu.memory_space<vmem>>, vector<10000x1xf32>,
    %get3A_11 = arith.constant 0 : index
    %get3A_12 = arith.constant 0 : index
    %get3A_13 = vector.load %arg0[%get3A_11, %get3A_12] : memref<10000x64xf32, #tpu.memory_space<vmem>>, vector<10000x64xf32>
    %mul3A = vector.broadcast %rsqrt3A : vector<10000x1xf32> to vector<10000x64xf32>
    %mul3A_14 = arith.mulf %get3A_13, %mul3A : vector<10000x64xf32>
    %broadcast_in_dim3A = arith.constant 0.000000e+00 : f32
    %broadcast_in_dim3A_15 = vector.broadcast %broadcast_in_dim3A : f32 to vector<10000x64xf32>
    %concatenate3A = tpu.concatenate %mul3A_14, %broadcast_in_dim3A_15 in 1 : vector<10000x64xf32>, vector<10000x64xf32> -> vector<10000x128xf32>
    %concatenate3A_16 = tpu.concatenate %broadcast_in_dim3A_15, %mul3A_14 in 1 : vector<10000x64xf32>, vector<10000x64xf32> -> vector<10000x128xf32>
    %stack3A = vector.shape_cast %concatenate3A : vector<10000x128xf32> to vector<1x10000x128xf32>
    %stack3A_17 = vector.shape_cast %concatenate3A_16 : vector<10000x128xf32> to vector<1x10000x128xf32>
    %stack3A_18 = tpu.concatenate %stack3A, %stack3A_17 in 0 : vector<1x10000x128xf32>, vector<1x10000x128xf32> -> vector<2x10000x128xf32>
    %swap3A_19 = arith.constant 0 : index
    %swap3A_20 = arith.constant 0 : index
    %swap3A_21 = arith.constant 0 : index
    %swap3A_22 = vector.load %arg3[%swap3A_19, %swap3A_20, %swap3A_21] : memref<2x10000x128xf32, #tpu.memory_space<vmem>>, vector<2x10000x128xf32>
    tpu.vector_store %arg3[%swap3A_19, %swap3A_20, %swap3A_21], %stack3A_18 {strides = array<i32>} : memref<2x10000x128xf32, #tpu.memory_space<vmem>>, vector<2x10000x128xf32>,
    return
  }
}

module attributes {stable_mosaic.version = 14 : i64} {
  func.func @body(%arg0: memref<2x10240x64xf32, #tpu.memory_space<vmem>>, %arg1: memref<2x10000x128xf32, #tpu.memory_space<vmem>>, %arg2: memref<10000x1xf32, #tpu.memory_space<vmem>>, %arg3: memref<1x64xf32, #tpu.memory_space<vmem>>, %arg4: memref<1x64xf32, #tpu.memory_space<vmem>>, %arg5: memref<1x64xf32, #tpu.memory_space<vmem>>, %arg6: memref<64x64xf32, #tpu.memory_space<vmem>>, %arg7: memref<10000x64xf32, #tpu.memory_space<vmem>>, %arg8: memref<2x10000x128xf32, #tpu.memory_space<vmem>>) attributes {dimension_semantics = [], scalar_prefetch = 0 : i64, scratch_operands = 0 : i64, tpu.core_type = #tpu.core_type<tc>} {
    %get3A = arith.constant 0 : index
    %get3A_0 = arith.constant 0 : index
    %get3A_1 = arith.constant 0 : index
    %get3A_2 = vector.load %arg0[%get3A, %get3A_0, %get3A_1] : memref<2x10240x64xf32, #tpu.memory_space<vmem>>, vector<2x10240x64xf32>
    %get3A_3 = arith.constant 0 : index
    %get3A_4 = arith.constant 0 : index
    %get3A_5 = vector.load %arg2[%get3A_3, %get3A_4] : memref<10000x1xf32, #tpu.memory_space<vmem>>, vector<10000x1xf32>
    %get3A_6 = arith.constant 0 : index
    %get3A_7 = arith.constant 0 : index
    %get3A_8 = arith.constant 0 : index
    %get3A_9 = vector.load %arg1[%get3A_6, %get3A_7, %get3A_8] : memref<2x10000x128xf32, #tpu.memory_space<vmem>>, vector<1x10000x64xf32>
    %get3A_10 = vector.shape_cast %get3A_9 : vector<1x10000x64xf32> to vector<10000x64xf32>
    %slice3A = vector.extract_strided_slice %get3A_2 {offsets = [0, 0, 0], sizes = [1, 10000, 64], strides = [1, 1, 1]} : vector<2x10240x64xf32> to vector<1x10000x64xf32>
    %squeeze3A = vector.shape_cast %slice3A : vector<1x10000x64xf32> to vector<10000x64xf32>
    %slice3A_11 = vector.extract_strided_slice %get3A_2 {offsets = [1, 0, 0], sizes = [1, 10000, 64], strides = [1, 1, 1]} : vector<2x10240x64xf32> to vector<1x10000x64xf32>
    %squeeze3A_12 = vector.shape_cast %slice3A_11 : vector<1x10000x64xf32> to vector<10000x64xf32>
    %add3A = arith.addf %squeeze3A, %squeeze3A_12 : vector<10000x64xf32>
    %add3A_13 = arith.addf %add3A, %get3A_10 : vector<10000x64xf32>
    %mul3A = vector.broadcast %get3A_5 : vector<10000x1xf32> to vector<10000x64xf32>
    %mul3A_14 = arith.mulf %add3A_13, %mul3A : vector<10000x64xf32>
    %get3A_15 = arith.constant 0 : index
    %get3A_16 = arith.constant 0 : index
    %get3A_17 = vector.load %arg3[%get3A_15, %get3A_16] : memref<1x64xf32, #tpu.memory_space<vmem>>, vector<1x64xf32>
    %add3A_18 = vector.broadcast %get3A_17 : vector<1x64xf32> to vector<10000x64xf32>
    %add3A_19 = arith.addf %mul3A_14, %add3A_18 : vector<10000x64xf32>
    %reduce_sum3A = arith.constant dense<0.000000e+00> : vector<64xf32>
    %reduce_sum3A_20 = vector.multi_reduction <add>, %add3A_19, %reduce_sum3A [0] : vector<10000x64xf32> to vector<64xf32>
    %broadcast_in_dim3A = vector.shape_cast %reduce_sum3A_20 : vector<64xf32> to vector<1x64xf32>
    %div3A = arith.constant 1.000000e+04 : f32
    %div3A_21 = vector.broadcast %div3A : f32 to vector<1x64xf32>
    %div3A_22 = arith.divf %broadcast_in_dim3A, %div3A_21 : vector<1x64xf32>
    %sub3A = vector.broadcast %div3A_22 : vector<1x64xf32> to vector<10000x64xf32>
    %sub3A_23 = arith.subf %add3A_19, %sub3A : vector<10000x64xf32>
    %mul3A_24 = arith.mulf %sub3A_23, %sub3A_23 : vector<10000x64xf32>
    %reduce_sum3A_25 = arith.constant dense<0.000000e+00> : vector<64xf32>
    %reduce_sum3A_26 = vector.multi_reduction <add>, %mul3A_24, %reduce_sum3A_25 [0] : vector<10000x64xf32> to vector<64xf32>
    %broadcast_in_dim3A_27 = vector.shape_cast %reduce_sum3A_26 : vector<64xf32> to vector<1x64xf32>
    %div3A_28 = arith.constant 1.000000e+04 : f32
    %div3A_29 = vector.broadcast %div3A_28 : f32 to vector<1x64xf32>
    %div3A_30 = arith.divf %broadcast_in_dim3A_27, %div3A_29 : vector<1x64xf32>
    %add3A_31 = arith.constant 9.99999974E-6 : f32
    %add3A_32 = vector.broadcast %add3A_31 : f32 to vector<1x64xf32>
    %add3A_33 = arith.addf %div3A_30, %add3A_32 : vector<1x64xf32>
    %rsqrt3A = math.rsqrt %add3A_33 : vector<1x64xf32>
    %mul3A_34 = vector.broadcast %rsqrt3A : vector<1x64xf32> to vector<10000x64xf32>
    %mul3A_35 = arith.mulf %sub3A_23, %mul3A_34 : vector<10000x64xf32>
    %get3A_36 = arith.constant 0 : index
    %get3A_37 = arith.constant 0 : index
    %get3A_38 = vector.load %arg4[%get3A_36, %get3A_37] : memref<1x64xf32, #tpu.memory_space<vmem>>, vector<1x64xf32>
    %mul3A_39 = vector.broadcast %get3A_38 : vector<1x64xf32> to vector<10000x64xf32>
    %mul3A_40 = arith.mulf %mul3A_35, %mul3A_39 : vector<10000x64xf32>
    %get3A_41 = arith.constant 0 : index
    %get3A_42 = arith.constant 0 : index
    %get3A_43 = vector.load %arg5[%get3A_41, %get3A_42] : memref<1x64xf32, #tpu.memory_space<vmem>>, vector<1x64xf32>
    %add3A_44 = vector.broadcast %get3A_43 : vector<1x64xf32> to vector<10000x64xf32>
    %add3A_45 = arith.addf %mul3A_40, %add3A_44 : vector<10000x64xf32>
    %gt3A = arith.constant 0.000000e+00 : f32
    %gt3A_46 = vector.broadcast %gt3A : f32 to vector<10000x64xf32>
    %gt3A_47 = arith.cmpf ogt, %add3A_45, %gt3A_46 : vector<10000x64xf32>
    %exp3A = math.exp %add3A_45 : vector<10000x64xf32>
    %sub3A_48 = arith.constant 1.000000e+00 : f32
    %sub3A_49 = vector.broadcast %sub3A_48 : f32 to vector<10000x64xf32>
    %sub3A_50 = arith.subf %exp3A, %sub3A_49 : vector<10000x64xf32>
    %select_n3A = arith.select %gt3A_47, %add3A_45, %sub3A_50 : vector<10000x64xi1>, vector<10000x64xf32>
    %swap3A = arith.constant 0 : index
    %swap3A_51 = arith.constant 0 : index
    %swap3A_52 = vector.load %arg7[%swap3A, %swap3A_51] : memref<10000x64xf32, #tpu.memory_space<vmem>>, vector<10000x64xf32>
    tpu.vector_store %arg7[%swap3A, %swap3A_51], %select_n3A {strides = array<i32>} : memref<10000x64xf32, #tpu.memory_space<vmem>>, vector<10000x64xf32>,
    %get3A_53 = arith.constant 0 : index
    %get3A_54 = arith.constant 0 : index
    %get3A_55 = vector.load %arg6[%get3A_53, %get3A_54] : memref<64x64xf32, #tpu.memory_space<vmem>>, vector<64x64xf32>
    %dot_general3A = arith.constant dense<0.000000e+00> : vector<10000x64xf32>
    %dot_general3A_56 = tpu.matmul %select_n3A, %get3A_55, %dot_general3A {dimension_numbers = #tpu.dot_dimension_numbers<[1], [0], [0], [1], [0, 0, 1, 1], [], []>, transpose_lhs_hint = false} : vector<10000x64xf32>, vector<64x64xf32>, vector<10000x64xf32> -> vector<10000x64xf32>
    %mul3A_57 = vector.broadcast %get3A_5 : vector<10000x1xf32> to vector<10000x64xf32>
    %mul3A_58 = arith.mulf %dot_general3A_56, %mul3A_57 : vector<10000x64xf32>
    %broadcast_in_dim3A_59 = arith.constant 0.000000e+00 : f32
    %broadcast_in_dim3A_60 = vector.broadcast %broadcast_in_dim3A_59 : f32 to vector<10000x64xf32>
    %concatenate3A = tpu.concatenate %mul3A_58, %broadcast_in_dim3A_60 in 1 : vector<10000x64xf32>, vector<10000x64xf32> -> vector<10000x128xf32>
    %concatenate3A_61 = tpu.concatenate %broadcast_in_dim3A_60, %mul3A_58 in 1 : vector<10000x64xf32>, vector<10000x64xf32> -> vector<10000x128xf32>
    %stack3A = vector.shape_cast %concatenate3A : vector<10000x128xf32> to vector<1x10000x128xf32>
    %stack3A_62 = vector.shape_cast %concatenate3A_61 : vector<10000x128xf32> to vector<1x10000x128xf32>
    %stack3A_63 = tpu.concatenate %stack3A, %stack3A_62 in 0 : vector<1x10000x128xf32>, vector<1x10000x128xf32> -> vector<2x10000x128xf32>
    %swap3A_64 = arith.constant 0 : index
    %swap3A_65 = arith.constant 0 : index
    %swap3A_66 = arith.constant 0 : index
    %swap3A_67 = vector.load %arg8[%swap3A_64, %swap3A_65, %swap3A_66] : memref<2x10000x128xf32, #tpu.memory_space<vmem>>, vector<2x10000x128xf32>
    tpu.vector_store %arg8[%swap3A_64, %swap3A_65, %swap3A_66], %stack3A_63 {strides = array<i32>} : memref<2x10000x128xf32, #tpu.memory_space<vmem>>, vector<2x10000x128xf32>,
    return
  }
}

module attributes {stable_mosaic.version = 14 : i64} {
  func.func @body(%arg0: memref<2x10240x64xf32, #tpu.memory_space<vmem>>, %arg1: memref<2x10000x128xf32, #tpu.memory_space<vmem>>, %arg2: memref<10000x1xf32, #tpu.memory_space<vmem>>, %arg3: memref<1x64xf32, #tpu.memory_space<vmem>>, %arg4: memref<1x64xf32, #tpu.memory_space<vmem>>, %arg5: memref<1x64xf32, #tpu.memory_space<vmem>>, %arg6: memref<10000x64xf32, #tpu.memory_space<vmem>>, %arg7: memref<10000x64xf32, #tpu.memory_space<vmem>>, %arg8: memref<1x3xf32, #tpu.memory_space<vmem>>, %arg9: memref<10000x64xf32, #tpu.memory_space<vmem>>, %arg10: memref<10000x128xf32, #tpu.memory_space<vmem>>) attributes {dimension_semantics = [], scalar_prefetch = 0 : i64, scratch_operands = 0 : i64, tpu.core_type = #tpu.core_type<tc>} {
    %get3A = arith.constant 0 : index
    %get3A_0 = arith.constant 0 : index
    %get3A_1 = arith.constant 0 : index
    %get3A_2 = vector.load %arg0[%get3A, %get3A_0, %get3A_1] : memref<2x10240x64xf32, #tpu.memory_space<vmem>>, vector<2x10240x64xf32>
    %get3A_3 = arith.constant 0 : index
    %get3A_4 = arith.constant 0 : index
    %get3A_5 = arith.constant 0 : index
    %get3A_6 = vector.load %arg1[%get3A_3, %get3A_4, %get3A_5] : memref<2x10000x128xf32, #tpu.memory_space<vmem>>, vector<1x10000x64xf32>
    %get3A_7 = vector.shape_cast %get3A_6 : vector<1x10000x64xf32> to vector<10000x64xf32>
    %slice3A = vector.extract_strided_slice %get3A_2 {offsets = [0, 0, 0], sizes = [1, 10000, 64], strides = [1, 1, 1]} : vector<2x10240x64xf32> to vector<1x10000x64xf32>
    %squeeze3A = vector.shape_cast %slice3A : vector<1x10000x64xf32> to vector<10000x64xf32>
    %slice3A_8 = vector.extract_strided_slice %get3A_2 {offsets = [1, 0, 0], sizes = [1, 10000, 64], strides = [1, 1, 1]} : vector<2x10240x64xf32> to vector<1x10000x64xf32>
    %squeeze3A_9 = vector.shape_cast %slice3A_8 : vector<1x10000x64xf32> to vector<10000x64xf32>
    %add3A = arith.addf %squeeze3A, %squeeze3A_9 : vector<10000x64xf32>
    %add3A_10 = arith.addf %add3A, %get3A_7 : vector<10000x64xf32>
    %get3A_11 = arith.constant 0 : index
    %get3A_12 = arith.constant 0 : index
    %get3A_13 = vector.load %arg2[%get3A_11, %get3A_12] : memref<10000x1xf32, #tpu.memory_space<vmem>>, vector<10000x1xf32>
    %mul3A = vector.broadcast %get3A_13 : vector<10000x1xf32> to vector<10000x64xf32>
    %mul3A_14 = arith.mulf %add3A_10, %mul3A : vector<10000x64xf32>
    %get3A_15 = arith.constant 0 : index
    %get3A_16 = arith.constant 0 : index
    %get3A_17 = vector.load %arg3[%get3A_15, %get3A_16] : memref<1x64xf32, #tpu.memory_space<vmem>>, vector<1x64xf32>
    %add3A_18 = vector.broadcast %get3A_17 : vector<1x64xf32> to vector<10000x64xf32>
    %add3A_19 = arith.addf %mul3A_14, %add3A_18 : vector<10000x64xf32>
    %reduce_sum3A = arith.constant dense<0.000000e+00> : vector<64xf32>
    %reduce_sum3A_20 = vector.multi_reduction <add>, %add3A_19, %reduce_sum3A [0] : vector<10000x64xf32> to vector<64xf32>
    %broadcast_in_dim3A = vector.shape_cast %reduce_sum3A_20 : vector<64xf32> to vector<1x64xf32>
    %div3A = arith.constant 1.000000e+04 : f32
    %div3A_21 = vector.broadcast %div3A : f32 to vector<1x64xf32>
    %div3A_22 = arith.divf %broadcast_in_dim3A, %div3A_21 : vector<1x64xf32>
    %sub3A = vector.broadcast %div3A_22 : vector<1x64xf32> to vector<10000x64xf32>
    %sub3A_23 = arith.subf %add3A_19, %sub3A : vector<10000x64xf32>
    %mul3A_24 = arith.mulf %sub3A_23, %sub3A_23 : vector<10000x64xf32>
    %reduce_sum3A_25 = arith.constant dense<0.000000e+00> : vector<64xf32>
    %reduce_sum3A_26 = vector.multi_reduction <add>, %mul3A_24, %reduce_sum3A_25 [0] : vector<10000x64xf32> to vector<64xf32>
    %broadcast_in_dim3A_27 = vector.shape_cast %reduce_sum3A_26 : vector<64xf32> to vector<1x64xf32>
    %div3A_28 = arith.constant 1.000000e+04 : f32
    %div3A_29 = vector.broadcast %div3A_28 : f32 to vector<1x64xf32>
    %div3A_30 = arith.divf %broadcast_in_dim3A_27, %div3A_29 : vector<1x64xf32>
    %add3A_31 = arith.constant 9.99999974E-6 : f32
    %add3A_32 = vector.broadcast %add3A_31 : f32 to vector<1x64xf32>
    %add3A_33 = arith.addf %div3A_30, %add3A_32 : vector<1x64xf32>
    %rsqrt3A = math.rsqrt %add3A_33 : vector<1x64xf32>
    %mul3A_34 = vector.broadcast %rsqrt3A : vector<1x64xf32> to vector<10000x64xf32>
    %mul3A_35 = arith.mulf %sub3A_23, %mul3A_34 : vector<10000x64xf32>
    %get3A_36 = arith.constant 0 : index
    %get3A_37 = arith.constant 0 : index
    %get3A_38 = vector.load %arg4[%get3A_36, %get3A_37] : memref<1x64xf32, #tpu.memory_space<vmem>>, vector<1x64xf32>
    %mul3A_39 = vector.broadcast %get3A_38 : vector<1x64xf32> to vector<10000x64xf32>
    %mul3A_40 = arith.mulf %mul3A_35, %mul3A_39 : vector<10000x64xf32>
    %get3A_41 = arith.constant 0 : index
    %get3A_42 = arith.constant 0 : index
    %get3A_43 = vector.load %arg5[%get3A_41, %get3A_42] : memref<1x64xf32, #tpu.memory_space<vmem>>, vector<1x64xf32>
    %add3A_44 = vector.broadcast %get3A_43 : vector<1x64xf32> to vector<10000x64xf32>
    %add3A_45 = arith.addf %mul3A_40, %add3A_44 : vector<10000x64xf32>
    %gt3A = arith.constant 0.000000e+00 : f32
    %gt3A_46 = vector.broadcast %gt3A : f32 to vector<10000x64xf32>
    %gt3A_47 = arith.cmpf ogt, %add3A_45, %gt3A_46 : vector<10000x64xf32>
    %exp3A = math.exp %add3A_45 : vector<10000x64xf32>
    %sub3A_48 = arith.constant 1.000000e+00 : f32
    %sub3A_49 = vector.broadcast %sub3A_48 : f32 to vector<10000x64xf32>
    %sub3A_50 = arith.subf %exp3A, %sub3A_49 : vector<10000x64xf32>
    %select_n3A = arith.select %gt3A_47, %add3A_45, %sub3A_50 : vector<10000x64xi1>, vector<10000x64xf32>
    %get3A_51 = arith.constant 0 : index
    %get3A_52 = arith.constant 0 : index
    %get3A_53 = vector.load %arg8[%get3A_51, %get3A_52] : memref<1x3xf32, #tpu.memory_space<vmem>>, vector<1x3xf32>
    %exp3A_54 = math.exp %get3A_53 : vector<1x3xf32>
    %reduce_sum3A_55 = arith.constant dense<0.000000e+00> : vector<1xf32>
    %reduce_sum3A_56 = vector.multi_reduction <add>, %exp3A_54, %reduce_sum3A_55 [1] : vector<1x3xf32> to vector<1xf32>
    %broadcast_in_dim3A_57 = vector.shape_cast %reduce_sum3A_56 : vector<1xf32> to vector<1x1xf32>
    %get3A_58 = arith.constant 0 : index
    %get3A_59 = arith.constant 0 : index
    %get3A_60 = vector.load %arg6[%get3A_58, %get3A_59] : memref<10000x64xf32, #tpu.memory_space<vmem>>, vector<10000x64xf32>
    %slice3A_61 = vector.extract_strided_slice %exp3A_54 {offsets = [0, 0], sizes = [1, 1], strides = [1, 1]} : vector<1x3xf32> to vector<1x1xf32>
    %mul3A_62 = vector.broadcast %slice3A_61 : vector<1x1xf32> to vector<10000x64xf32>
    %mul3A_63 = arith.mulf %get3A_60, %mul3A_62 : vector<10000x64xf32>
    %get3A_64 = arith.constant 0 : index
    %get3A_65 = arith.constant 0 : index
    %get3A_66 = vector.load %arg7[%get3A_64, %get3A_65] : memref<10000x64xf32, #tpu.memory_space<vmem>>, vector<10000x64xf32>
    %slice3A_67 = vector.extract_strided_slice %exp3A_54 {offsets = [0, 1], sizes = [1, 1], strides = [1, 1]} : vector<1x3xf32> to vector<1x1xf32>
    %mul3A_68 = vector.broadcast %slice3A_67 : vector<1x1xf32> to vector<10000x64xf32>
    %mul3A_69 = arith.mulf %get3A_66, %mul3A_68 : vector<10000x64xf32>
    %add3A_70 = arith.addf %mul3A_63, %mul3A_69 : vector<10000x64xf32>
    %slice3A_71 = vector.extract_strided_slice %exp3A_54 {offsets = [0, 2], sizes = [1, 1], strides = [1, 1]} : vector<1x3xf32> to vector<1x1xf32>
    %mul3A_72 = vector.broadcast %slice3A_71 : vector<1x1xf32> to vector<10000x64xf32>
    %mul3A_73 = arith.mulf %select_n3A, %mul3A_72 : vector<10000x64xf32>
    %add3A_74 = arith.addf %add3A_70, %mul3A_73 : vector<10000x64xf32>
    %div3A_75 = vector.broadcast %broadcast_in_dim3A_57 : vector<1x1xf32> to vector<10000x64xf32>
    %div3A_76 = arith.divf %add3A_74, %div3A_75 : vector<10000x64xf32>
    %swap3A = arith.constant 0 : index
    %swap3A_77 = arith.constant 0 : index
    %swap3A_78 = vector.load %arg9[%swap3A, %swap3A_77] : memref<10000x64xf32, #tpu.memory_space<vmem>>, vector<10000x64xf32>
    tpu.vector_store %arg9[%swap3A, %swap3A_77], %div3A_76 {strides = array<i32>} : memref<10000x64xf32, #tpu.memory_space<vmem>>, vector<10000x64xf32>,
    %broadcast_in_dim3A_79 = arith.constant 0.000000e+00 : f32
    %broadcast_in_dim3A_80 = vector.broadcast %broadcast_in_dim3A_79 : f32 to vector<10000x64xf32>
    %concatenate3A = tpu.concatenate %div3A_76, %broadcast_in_dim3A_80 in 1 : vector<10000x64xf32>, vector<10000x64xf32> -> vector<10000x128xf32>
    %swap3A_81 = arith.constant 0 : index
    %swap3A_82 = arith.constant 0 : index
    %swap3A_83 = vector.load %arg10[%swap3A_81, %swap3A_82] : memref<10000x128xf32, #tpu.memory_space<vmem>>, vector<10000x128xf32>
    tpu.vector_store %arg10[%swap3A_81, %swap3A_82], %concatenate3A {strides = array<i32>} : memref<10000x128xf32, #tpu.memory_space<vmem>>, vector<10000x128xf32>,
    return
  }
}

module attributes {stable_mosaic.version = 14 : i64} {
  func.func @body(%arg0: i32, %arg1: memref<1024x64xf32, #tpu.memory_space<vmem>>, %arg2: memref<1024x1xf32, #tpu.memory_space<vmem>>, %arg3: memref<1024x1xf32, #tpu.memory_space<vmem>>, %arg4: memref<65x64xf32, #tpu.memory_space<vmem>>, %arg5: memref<1x64xf32, #tpu.memory_space<vmem>>, %arg6: memref<64x1xf32, #tpu.memory_space<vmem>>, %arg7: memref<1024x1xf32, #tpu.memory_space<vmem>>, %arg8: memref<1024x1xf32, #tpu.memory_space<vmem>>) attributes {dimension_semantics = [#tpu.dimension_semantics<arbitrary>], iteration_bounds = array<i64: 64>, scalar_prefetch = 0 : i64, scratch_operands = 0 : i64, tpu.core_type = #tpu.core_type<tc>, window_params = [{transform_indices = @transform_0, window_bounds = array<i64: 1024, 64>}, {transform_indices = @transform_1, window_bounds = array<i64: 1024, 1>}, {transform_indices = @transform_2, window_bounds = array<i64: 1024, 1>}, {pipeline_mode = #tpu.pipeline_mode<synchronous>, transform_indices = @transform_3, window_bounds = array<i64: 65, 64>}, {pipeline_mode = #tpu.pipeline_mode<synchronous>, transform_indices = @transform_4, window_bounds = array<i64: 1, 64>}, {pipeline_mode = #tpu.pipeline_mode<synchronous>, transform_indices = @transform_5, window_bounds = array<i64: 64, 1>}, {transform_indices = @transform_6, window_bounds = array<i64: 1024, 1>}, {transform_indices = @transform_7, window_bounds = array<i64: 1024, 1>}]} {
    %get3A = arith.constant 0 : index
    %get3A_0 = arith.constant 0 : index
    %get3A_1 = vector.load %arg1[%get3A, %get3A_0] : memref<1024x64xf32, #tpu.memory_space<vmem>>, vector<1024x64xf32>
    %get3A_2 = arith.constant 0 : index
    %get3A_3 = arith.constant 0 : index
    %get3A_4 = vector.load %arg4[%get3A_2, %get3A_3] : memref<65x64xf32, #tpu.memory_space<vmem>>, vector<65x64xf32>
    %slice3A = vector.extract_strided_slice %get3A_4 {offsets = [0, 0], sizes = [64, 64], strides = [1, 1]} : vector<65x64xf32> to vector<64x64xf32>
    %dot_general3A = arith.constant dense<0.000000e+00> : vector<1024x64xf32>
    %dot_general3A_5 = tpu.matmul %get3A_1, %slice3A, %dot_general3A {dimension_numbers = #tpu.dot_dimension_numbers<[1], [0], [0], [1], [0, 0, 1, 1], [], []>, transpose_lhs_hint = false} : vector<1024x64xf32>, vector<64x64xf32>, vector<1024x64xf32> -> vector<1024x64xf32>
    %get3A_6 = arith.constant 0 : index
    %get3A_7 = arith.constant 0 : index
    %get3A_8 = vector.load %arg5[%get3A_6, %get3A_7] : memref<1x64xf32, #tpu.memory_space<vmem>>, vector<1x64xf32>
    %add3A = vector.broadcast %get3A_8 : vector<1x64xf32> to vector<1024x64xf32>
    %add3A_9 = arith.addf %dot_general3A_5, %add3A : vector<1024x64xf32>
    %slice3A_10 = vector.extract_strided_slice %get3A_4 {offsets = [64, 0], sizes = [1, 64], strides = [1, 1]} : vector<65x64xf32> to vector<1x64xf32>
    %get3A_11 = arith.constant 0 : index
    %get3A_12 = arith.constant 0 : index
    %get3A_13 = vector.load %arg6[%get3A_11, %get3A_12] : memref<64x1xf32, #tpu.memory_space<vmem>>, vector<64x1xf32>
    %get3A_14 = arith.constant 0 : index
    %get3A_15 = arith.constant 0 : index
    %get3A_16 = vector.load %arg2[%get3A_14, %get3A_15] : memref<1024x1xf32, #tpu.memory_space<vmem>>, vector<1024x1xf32>
    %mul3A = vector.broadcast %get3A_16 : vector<1024x1xf32> to vector<1024x64xf32>
    %mul3A_17 = vector.broadcast %slice3A_10 : vector<1x64xf32> to vector<1024x64xf32>
    %mul3A_18 = arith.mulf %mul3A, %mul3A_17 : vector<1024x64xf32>
    %add3A_19 = arith.addf %add3A_9, %mul3A_18 : vector<1024x64xf32>
    %gt3A = arith.constant 0.000000e+00 : f32
    %gt3A_20 = vector.broadcast %gt3A : f32 to vector<1024x64xf32>
    %gt3A_21 = arith.cmpf ogt, %add3A_19, %gt3A_20 : vector<1024x64xf32>
    %exp3A = math.exp %add3A_19 : vector<1024x64xf32>
    %sub3A = arith.constant 1.000000e+00 : f32
    %sub3A_22 = vector.broadcast %sub3A : f32 to vector<1024x64xf32>
    %sub3A_23 = arith.subf %exp3A, %sub3A_22 : vector<1024x64xf32>
    %select_n3A = arith.select %gt3A_21, %add3A_19, %sub3A_23 : vector<1024x64xi1>, vector<1024x64xf32>
    %dot_general3A_24 = arith.constant dense<0.000000e+00> : vector<1024x1xf32>
    %dot_general3A_25 = tpu.matmul %select_n3A, %get3A_13, %dot_general3A_24 {dimension_numbers = #tpu.dot_dimension_numbers<[1], [0], [0], [1], [0, 0, 1, 1], [], []>, transpose_lhs_hint = false} : vector<1024x64xf32>, vector<64x1xf32>, vector<1024x1xf32> -> vector<1024x1xf32>
    %swap3A = arith.constant 0 : index
    %swap3A_26 = arith.constant 0 : index
    %swap3A_27 = vector.load %arg7[%swap3A, %swap3A_26] : memref<1024x1xf32, #tpu.memory_space<vmem>>, vector<1024x1xf32>
    tpu.vector_store %arg7[%swap3A, %swap3A_26], %dot_general3A_25 {strides = array<i32>} : memref<1024x1xf32, #tpu.memory_space<vmem>>, vector<1024x1xf32>,
    %get3A_28 = arith.constant 0 : index
    %get3A_29 = arith.constant 0 : index
    %get3A_30 = vector.load %arg3[%get3A_28, %get3A_29] : memref<1024x1xf32, #tpu.memory_space<vmem>>, vector<1024x1xf32>
    %mul3A_31 = vector.broadcast %get3A_30 : vector<1024x1xf32> to vector<1024x64xf32>
    %mul3A_32 = vector.broadcast %slice3A_10 : vector<1x64xf32> to vector<1024x64xf32>
    %mul3A_33 = arith.mulf %mul3A_31, %mul3A_32 : vector<1024x64xf32>
    %add3A_34 = arith.addf %add3A_9, %mul3A_33 : vector<1024x64xf32>
    %gt3A_35 = arith.constant 0.000000e+00 : f32
    %gt3A_36 = vector.broadcast %gt3A_35 : f32 to vector<1024x64xf32>
    %gt3A_37 = arith.cmpf ogt, %add3A_34, %gt3A_36 : vector<1024x64xf32>
    %exp3A_38 = math.exp %add3A_34 : vector<1024x64xf32>
    %sub3A_39 = arith.constant 1.000000e+00 : f32
    %sub3A_40 = vector.broadcast %sub3A_39 : f32 to vector<1024x64xf32>
    %sub3A_41 = arith.subf %exp3A_38, %sub3A_40 : vector<1024x64xf32>
    %select_n3A_42 = arith.select %gt3A_37, %add3A_34, %sub3A_41 : vector<1024x64xi1>, vector<1024x64xf32>
    %dot_general3A_43 = arith.constant dense<0.000000e+00> : vector<1024x1xf32>
    %dot_general3A_44 = tpu.matmul %select_n3A_42, %get3A_13, %dot_general3A_43 {dimension_numbers = #tpu.dot_dimension_numbers<[1], [0], [0], [1], [0, 0, 1, 1], [], []>, transpose_lhs_hint = false} : vector<1024x64xf32>, vector<64x1xf32>, vector<1024x1xf32> -> vector<1024x1xf32>
    %swap3A_45 = arith.constant 0 : index
    %swap3A_46 = arith.constant 0 : index
    %swap3A_47 = vector.load %arg8[%swap3A_45, %swap3A_46] : memref<1024x1xf32, #tpu.memory_space<vmem>>, vector<1024x1xf32>
    tpu.vector_store %arg8[%swap3A_45, %swap3A_46], %dot_general3A_44 {strides = array<i32>} : memref<1024x1xf32, #tpu.memory_space<vmem>>, vector<1024x1xf32>,
    return
  }
  func.func @transform_0(%arg0: i32) -> (i32, i32) {
    %c0_i32 = arith.constant 0 : i32
    %c0_i32_0 = arith.constant 0 : i32
    return %arg0, %c0_i32 : i32, i32
  }
  func.func @transform_1(%arg0: i32) -> (i32, i32) {
    %c0_i32 = arith.constant 0 : i32
    %c0_i32_0 = arith.constant 0 : i32
    return %arg0, %c0_i32 : i32, i32
  }
  func.func @transform_2(%arg0: i32) -> (i32, i32) {
    %c0_i32 = arith.constant 0 : i32
    %c0_i32_0 = arith.constant 0 : i32
    return %arg0, %c0_i32 : i32, i32
  }
  func.func @transform_3(%arg0: i32) -> (i32, i32) {
    %c0_i32 = arith.constant 0 : i32
    %c0_i32_0 = arith.constant 0 : i32
    %c0_i32_1 = arith.constant 0 : i32
    return %c0_i32, %c0_i32_0 : i32, i32
  }
  func.func @transform_4(%arg0: i32) -> (i32, i32) {
    %c0_i32 = arith.constant 0 : i32
    %c0_i32_0 = arith.constant 0 : i32
    %c0_i32_1 = arith.constant 0 : i32
    return %c0_i32, %c0_i32_0 : i32, i32
  }
  func.func @transform_5(%arg0: i32) -> (i32, i32) {
    %c0_i32 = arith.constant 0 : i32
    %c0_i32_0 = arith.constant 0 : i32
    %c0_i32_1 = arith.constant 0 : i32
    return %c0_i32, %c0_i32_0 : i32, i32
  }
  func.func @transform_6(%arg0: i32) -> (i32, i32) {
    %c0_i32 = arith.constant 0 : i32
    %c0_i32_0 = arith.constant 0 : i32
    return %arg0, %c0_i32 : i32, i32
  }
  func.func @transform_7(%arg0: i32) -> (i32, i32) {
    %c0_i32 = arith.constant 0 : i32
    %c0_i32_0 = arith.constant 0 : i32
    return %arg0, %c0_i32 : i32, i32
  }
}

</mosaic_0001>

<sc_bundles>
// kernel: kernel.13.cloned.1.call-start
scs
__scs_entry_jumppad:
0x0: {  	(pc) =	sbr.rel $0x88, $3  }
0x1: {  	(tag) =	ssettag $0x0;
	lr =	simm.s32 $0x1  }
0x2: {  	[smem:$0x3F8C] =	sst lr;
	_ =	strace $0xD0000000  }
0x3: {  	_ = 	snop  }
0x4: {  	_ = 	snop  }
0x5: {  	_ = 	snop  }
0x6: {  	_ = 	snop  }
0x7: {  	_ = 	snop  }
__scs_overlays_trampoline_lowered:
0x8: {  	[smem:$0x3F9B] =	sst s0  }
0x9: {  	[smem:$0x3F9C] =	sst s1  }
0xa: {  	[smem:$0x3F9D] =	sst s2  }
0xb: {  	[smem:$0x3F9E] =	sst s3  }
0xc: {  	[smem:$0x3F9F] =	sst s4  }
0xd: {  	[smem:$0x3FA0] =	sst s5  }
0xe: {  	[smem:$0x3FA1] =	sst s6  }
0xf: {  	[smem:$0x3FA2] =	sst s7  }
0x10: {  	[smem:$0x3FA3] =	sst s8  }
0x11: {  	[smem:$0x3FA4] =	sst s9;
	s0 =	simm.s32 @!p0 $0x0  }
0x12: {  	s1 =	sld [smem:$0x3F8A];
	s0 =	simm.s32 @p0 $0x1  }
0x13: {  	[smem:$0x3FA5] =	sst s0;
	s0 =	simm.s32 @!p1 $0x0  }
0x14: {  	s2 =	sld [smem:$0x3F89];
	s0 =	simm.s32 @p1 $0x1  }
0x15: {  	[smem:$0x3FA6] =	sst s0;
	s0 =	simm.s32 @!p2 $0x0  }
0x16: {  	s3 =	sld [smem:$0x3FDB];
	s0 =	simm.s32 @p2 $0x1  }
0x17: {  	s4 =	simm.s32 $0x1BF5;
	[smem:$0x3FA8] =	sst s0  }
0x18: {  	s0 =	sld [smem:$0x3F8B];
	_ =	swait.ge [sflag:s4], $0x0  }
0x19: {  	s7 =	sld [smem:$0x3F8C]  }
0x1a: {  	s8 =	sadd.s32 $0xFFFFE003, lr  }
0x1b: {  	s9 =	sadd.s32 $0xFFFFFEF7, lr;
	s5 =	simm.s32 $0xFFFFFFFF;
	p2 =	slt.u32 s8, $0xFFFFF086  }
0x1c: {  	p1 =	slt.u32 s9, $0xF7A;
	s5 =	simm.s32 @!p2 $0x0  }
0x1d: {  	s5 =	simm.s32 @p1 $0x1;
	p0 =	seq.s32 s7, s2  }
0x1e: {  	s7 =	smul.u32 @!p0 $0xF7A, s2;
	p2 =	seq.s32 @!p0 s5, $0x0  }
0x1f: {  	s9 =	smul.u32 $0xF7A, s1;
	s8 =	simm.s32 @!p0 $0x1BF5;
	p2 =	por !p2, p0  }
0x20: {  	[sflag:s8] =	ssyncset.s32 @!p0 $0xFFFFF086;
	s6 =	sadd.s32 @!p0 s3, s7;
	s7 =	simm.s32 @!p0 $0x108  }
0x21: {  	s3 =	sadd.s32 s3, s9;
	s6 =	sadd.s32 @!p0 $0x88, s6;
	s7 =	simm.s32 @p2 $0x1082  }
0x22: {  	[simem:s7], [sflag:s8] =	dma.local @!p0 [hbm:s6], $0xF7A  }
0x23: {  	s9 =	sor.u32 $0xD0000000, s2;
	s6 =	simm.s32 $0x108;
	_ =	swait.ge @!p0 [sflag:s8], $0x0  }
0x24: {  	s3 =	sadd.s32 $0x88, s3;
	s6 =	simm.s32 @!p1 $0x1082;
	[sflag:s4] =	ssyncset.s32 $0xFFFFF086  }
0x25: {  	[simem:s6], [sflag:s4] =	dma.local [hbm:s3], $0xF7A  }
0x26: {  	[smem:$0x3F8C] =	sst s1;
	(tag) =	ssettag s2;
	_ =	strace s9  }
0x27: {  	s1 =	sld [smem:$0x3F9C]  }
0x28: {  	s2 =	sld [smem:$0x3F9D]  }
0x29: {  	s4 =	sld [smem:$0x3F9F]  }
0x2a: {  	p0 =	seq.s32 s5, $0x0;
	s5 =	sld [smem:$0x3FA0]  }
0x2b: {  	s6 =	sld [smem:$0x3FA1]  }
0x2c: {  	s7 =	sld [smem:$0x3FA2]  }
0x2d: {  	s3 =	simm.s32 $0x108;
	s8 =	sld [smem:$0x3FA3]  }
0x2e: {  	s3 =	simm.s32 @!p0 $0x1082;
	s9 =	sld [smem:$0x3FA4]  }
0x2f: {  	lr =	sadd.s32 s0, s3;
	s0 =	sld [smem:$0x3F9B]  }
0x30: {  	s3 =	sld [smem:$0x3F9E]  }
0x31: {  	[smem:$0x3FA7] =	sst s10  }
0x32: {  	s10 =	sld [smem:$0x3FA5];
	_ =	sdelay $0x3  }
0x33: {  	p0 =	seq.s32 s10, $0x1;
	s10 =	sld [smem:$0x3FA7];
	_ =	sdelay $0x3  }
0x34: {  	[smem:$0x3FA7] =	sst s10  }
0x35: {  	s10 =	sld [smem:$0x3FA6];
	_ =	sdelay $0x3  }
0x36: {  	p1 =	seq.s32 s10, $0x1;
	s10 =	sld [smem:$0x3FA7];
	_ =	sdelay $0x3  }
0x37: {  	[smem:$0x3FA7] =	sst s10  }
0x38: {  	s10 =	sld [smem:$0x3FA8]  }
0x39: {  	_ = 	snop;
	(pc) =	sbr.ind lr, $3  }
0x3a: {  	_ = 	snop  }
0x3b: {  	_ = 	snop  }
0x3c: {  	p2 =	seq.s32 s10, $0x1;
	s10 =	sld [smem:$0x3FA7]  }
0x3d: {  	_ =	shalt  }
0x3e: {  	_ =	shalt  }
0x3f: {  	_ =	shalt  }
0x40: {  	_ =	shalt  }
0x41: {  	_ =	shalt  }
0x42: {  	_ =	shalt  }
0x43: {  	_ =	shalt  }
0x44: {  	_ =	shalt  }
0x45: {  	_ =	shalt  }
0x46: {  	_ =	shalt  }
0x47: {  	_ =	shalt  }
0x48: {  	_ =	shalt  }
0x49: {  	_ =	shalt  }
0x4a: {  	_ =	shalt  }
0x4b: {  	_ =	shalt  }
0x4c: {  	_ =	shalt  }
0x4d: {  	_ =	shalt  }
0x4e: {  	_ =	shalt  }
0x4f: {  	_ =	shalt  }
0x50: {  	_ =	shalt  }
0x51: {  	_ =	shalt  }
0x52: {  	_ =	shalt  }
0x53: {  	_ =	shalt  }
0x54: {  	_ =	shalt  }
0x55: {  	_ =	shalt  }
0x56: {  	_ =	shalt  }
0x57: {  	_ =	shalt  }
0x58: {  	_ =	shalt  }
0x59: {  	_ =	shalt  }
0x5a: {  	_ =	shalt  }
0x5b: {  	_ =	shalt  }
0x5c: {  	_ =	shalt  }
0x5d: {  	_ =	shalt  }
0x5e: {  	_ =	shalt  }
0x5f: {  	_ =	shalt  }
0x60: {  	_ =	shalt  }
0x61: {  	_ =	shalt  }
0x62: {  	_ =	shalt  }
0x63: {  	_ =	shalt  }
0x64: {  	_ =	shalt  }
0x65: {  	_ =	shalt  }
0x66: {  	_ =	shalt  }
0x67: {  	_ =	shalt  }
0x68: {  	_ =	shalt  }
0x69: {  	_ =	shalt  }
0x6a: {  	_ =	shalt  }
0x6b: {  	_ =	shalt  }
0x6c: {  	_ =	shalt  }
0x6d: {  	_ =	shalt  }
0x6e: {  	_ =	shalt  }
0x6f: {  	_ =	shalt  }
0x70: {  	_ =	shalt  }
0x71: {  	_ =	shalt  }
0x72: {  	_ =	shalt  }
0x73: {  	_ =	shalt  }
0x74: {  	_ =	shalt  }
0x75: {  	_ =	shalt  }
0x76: {  	_ =	shalt  }
0x77: {  	_ =	shalt  }
0x78: {  	_ =	shalt  }
0x79: {  	_ =	shalt  }
0x7a: {  	_ =	shalt  }
0x7b: {  	_ =	shalt  }
0x7c: {  	_ =	shalt  }
0x7d: {  	_ =	shalt  }
0x7e: {  	_ =	shalt  }
0x7f: {  	_ =	shalt  }
0x80: {  	_ =	shalt  }
0x81: {  	_ =	shalt  }
0x82: {  	_ =	shalt  }
0x83: {  	_ =	shalt  }
0x84: {  	_ =	shalt  }
0x85: {  	_ =	shalt  }
0x86: {  	_ =	shalt  }
0x87: {  	_ =	shalt  }
.Lfunc_end0:
.L_simem_size_0:
called_computation_lowered:
.L_overlay_start_0:
0x88: {  	s2 =	sld [smem:$0x3FD9]  }
0x89: {  	s3 =	sld [smem:$0x3FFE];
	_ =	sdelay $0x1  }
0x8a: {  	s1 =	srdreg.scid  }
0x8b: {  	s0 =	sand.u32 $0x1, s1  }
0x8c: {  	s14 =	sshll.u32 s0, $0xA;
	s2 =	sadd.s32 s3, s2  }
0x8d: {  	s2 =	sadd.s32 s2, s14  }
0x8e: {  	[smem:$0x3FB3] =	sst s2  }
0x8f: {  	_ = 	snop  }
0x90: {  	s2 =	sld [smem:$0x3FD0];
	_ =	sdelay $0x2  }
0x91: {  	s15 =	simm.s32 $0xA;
	s4 =	simm.s32 $0x10  }
0x92: {  	[smem:s4], [sflag:s15] =	dma.local [hbm:s2], $0x1  }
0x93: {  	_ =	swait.eq [sflag:s15], $0x1  }
0x94: {  	[sflag:s15] =	ssyncset.done $0x0  }
0x95: {  	[sflag:s15] =	ssyncadd.s32 $0xFFFFFFFF  }
0x96: {  	s16 =	sld [smem:$0x12];
	(tm) =	ssettm $0x1  }
0x97: {  	s17 =	sld [smem:$0x3FFB];
	_ =	sdelay $0x3  }
0x98: {  	_ =	strace s17  }
0x99: {  	s3 =	sld [smem:$0x3FFC];
	_ =	sdelay $0x3  }
0x9a: {  	_ =	strace s3  }
0x9b: {  	s3 =	sld [smem:$0x3FFD];
	_ =	sdelay $0x3  }
0x9c: {  	_ =	strace s3  }
0x9d: {  	_ =	strace $0x8FFFFFFF  }
0x9e: {  	s18 =	sld [smem:$0x3FDB];
	_ =	sdelay $0x1  }
0x9f: {  	s19 =	simm.s32 $_scs_section_size  }
0xa0: {  	s5 =	simm.s32 $_size__tile_overlayer_lowered;
	s6 =	simm.s32 $_tile_overlayer_lowered  }
0xa1: {  	s22 =	simm.s32 $0x1BFF;
	s21 =	sshll.u32 s6, $0x1;
	s3 =	sadd.s32 s19, s18  }
0xa2: {  	s7 =	simm.s32 $0x0;
	s20 =	sshll.u32 s5, $0x1;
	s5 =	sadd.s32 s21, s3  }
0xa3: {  	[timem:s7], [sflag:s22] =	dma.local [hbm:s5], s20  }
0xa4: {  	_ =	swait.ge [sflag:s22], s20  }
0xa5: {  	s4 =	ssub.s32 $0x0, s20;
	[sflag:s22] =	ssyncset.done $0x0  }
0xa6: {  	[sflag:s22] =	ssyncadd.s32 s4;
	_ =	sdelay $0x1  }
0xa7: {  	s23 =	simm.s32 $0x1B8B  }
0xa8: {  	_ =	swait.ge [sflag:s23], $0x1  }
0xa9: {  	[sflag:s23] =	ssyncset.done $0x0  }
0xaa: {  	s25 =	simm.s32 $0x1B8E;
	s24 =	sld [smem:$0x3FFE];
	[sflag:s23] =	ssyncadd.s32 $0xFFFFFFFF  }
0xab: {  	s26 =	simm.s32 $execute0_lowered;
	[smem:$0x3FD2] =	sst s25  }
0xac: {  	s5 =	sshll.u32 s26, $0x1;
	_ =	strace $0x80000046;
	[dreg:$0x1] =	wrdreg $0xFFFFFFFF  }
0xad: {  	s28 =	simm.s32 $_size_execute0_lowered;
	s3 =	sadd.s32 s3, s5;
	[dreg:$0x0] =	wrdreg $0x0  }
0xae: {  	s5 =	sshll.u32 s28, $0x1;
	[dreg:$0x2] =	wrdreg s3  }
0xaf: {  	[dreg:$0x3] =	wrdreg s5  }
0xb0: {  	[dreg:$0x4] =	wrdreg $0xC0  }
0xb1: {  	_ =	task [dreg:s7], $0x5FFFF  }
0xb2: {  	[dreg:$0x1] =	wrdreg $0xFFFFFFFF  }
0xb3: {  	[dreg:$0x0] =	wrdreg $0x60  }
0xb4: {  	[dreg:$0x2] =	wrdreg s24  }
0xb5: {  	[dreg:$0x3] =	wrdreg s16  }
0xb6: {  	[dreg:$0x4] =	wrdreg $0x67000  }
0xb7: {  	[dreg:$0x5] =	wrdreg $0x9  }
0xb8: {  	_ =	task.clear_ibuf [dreg:s7], $0x6FFFF;
	_ =	strace $0x90000046  }
0xb9: {  	s29 =	simm.s32 $0x9;
	_ =	strace $0x80000048  }
0xba: {  	_ =	swait.ge [sflag:s29], $0x1  }
0xbb: {  	[sflag:s29] =	ssyncadd.s32 $0xFFFFFFFF  }
0xbc: {  	_ =	strace $0x90000048  }
0xbd: {  	_ =	sfence  }
0xbe: {  	s30 =	sld [smem:$0x0];
	_ =	sdelay $0x2  }
0xbf: {  	s31 =	sshll.u32 s1, $0xD;
	s1 =	sshrl.u32 s1, $0x2  }
0xc0: {  	s3 =	sand.u32 $0x4000, s31;
	s1 =	sadd.s32 s1, s30  }
0xc1: {  	s0 =	sor.u32 s3, s0;
	s1 =	sshll.u32 s1, $0x11  }
0xc2: {  	s0 =	sor.u32 s1, s0  }
0xc3: {  	s0 =	sadd.s32 $0x8F2B, s0  }
0xc4: {  	[sflag:s0] =	ssyncadd.remote.s32 $0x1  }
0xc5: {  	_ =	sfence.sel $0xFFFF  }
0xc6: {  	[dreg:$0x0] =	wrdreg $0xFFFFFFFF;
	(pc) =	sbr.abs _section_cstart, $3  }
0xc7: {  	[dreg:$0x1] =	wrdreg $0xFFFFFFFF  }
0xc8: {  	_ =	task.clear_ibuf [dreg:s7], $0x2FFFF;
	_ =	strace $0x9FFFFFFF  }
0xc9: {  	(tm) =	ssettm $0x7FFFFFFF  }
tec
execute0_lowered:
.L_overlay_start_1:
0x0: {  	(tag) =	ssettag $0x1  }
0x1: {  	s4 =	rddreg [dreg:$0x0]  }
0x2: {  	s6 =	rddreg [dreg:$0x1]  }
0x3: {  	s2 =	rddreg [dreg:$0x2]  }
0x4: {  	s0 =	rddreg [dreg:$0x3]  }
0x5: {  	s3 =	srdreg.scid;
	s1 =	stileid.u32  }
0x6: {  	s11 =	simm.s32 $0x6400;
	s14 =	simm.s32 $0x0;
	s5 =	sand.u32 $0x1, s3  }
0x7: {  	s7 =	sshll.u32 s1, $0x1;
	s8 =	smul.u32 $0x280, s1;
	s3 =	simm.s32 $0x0  }
0x8: {  	s12 =	sshll.u32 s1, $0x6;
	s7 =	sor.u32 s5, s7;
	s9 =	smul.u32 $0x2800, s5  }
0x9: {  	[smem:$0x7FF] =	sst s3;
	s5 =	ssub.s32 $0x2, s5;
	s7 =	smul.u32 $0xC80, s7  }
0xa: {  	s12 =	sor.u32 $0x1C01, s12;
	_ =	strace $0x80000047;
	s10 =	sshrl.u32 s5, $0x1  }
0xb: {  	s9 =	sadd.s32 s8, s9;
	s10 =	ssub.s32 s5, s10;
	s7 =	sadd.s32 s7, s4  }
0xc: {  	s9 =	sshrl.u32 s9, $0x3;
	s4 =	sadd.s32 s8, s2;
	s8 =	simm.s32 $0x6480  }
0xd: {  	s5 =	sadd.s32 $0x2200, s7;
	s6 =	sadd.s32 s6, s9;
	s7 =	smax.u32 s10, $0x1  }
0xe: {  	v0 =	vimm.f32 $0.0e+00;
	v1 =	vimm.f32 $1.000000000e+00;
	s9 =	simm.s32 $0x1;
	s10 =	simm.s32 $0x32;
	s13 =	sshrl.u32 s4, $0x3  }
.LBB2_1:
0xf: {  	[tilespmem:$0x6480] =	vst v0  }
0x10: {  	[tilespmem:$0x6490] =	vst v0  }
0x11: {  	[tilespmem:$0x64A0] =	vst v0  }
0x12: {  	[tilespmem:$0x64B0] =	vst v0  }
0x13: {  	[tilespmem:$0x64C0] =	vst v0  }
0x14: {  	[tilespmem:$0x64D0] =	vst v0  }
0x15: {  	[tilespmem:$0x64E0] =	vst v0  }
0x16: {  	[tilespmem:$0x64F0] =	vst v0  }
0x17: {  	[tilespmem:$0x6500] =	vst v0  }
0x18: {  	[tilespmem:$0x6510] =	vst v0  }
0x19: {  	[tilespmem:$0x6520] =	vst v0  }
0x1a: {  	[tilespmem:$0x6530] =	vst v0  }
0x1b: {  	[tilespmem:$0x6540] =	vst v0  }
0x1c: {  	[tilespmem:$0x6550] =	vst v0  }
0x1d: {  	[tilespmem:$0x6560] =	vst v0  }
0x1e: {  	[tilespmem:$0x6570] =	vst v0  }
0x1f: {  	[tilespmem:$0x6580] =	vst v0  }
0x20: {  	[tilespmem:$0x6590] =	vst v0  }
0x21: {  	[tilespmem:$0x65A0] =	vst v0  }
0x22: {  	[tilespmem:$0x65B0] =	vst v0  }
0x23: {  	[tilespmem:$0x65C0] =	vst v0  }
0x24: {  	[tilespmem:$0x65D0] =	vst v0  }
0x25: {  	[tilespmem:$0x65E0] =	vst v0  }
0x26: {  	[tilespmem:$0x65F0] =	vst v0  }
0x27: {  	[tilespmem:$0x6600] =	vst v0  }
0x28: {  	[tilespmem:$0x6610] =	vst v0  }
0x29: {  	[tilespmem:$0x6620] =	vst v0  }
0x2a: {  	[tilespmem:$0x6630] =	vst v0  }
0x2b: {  	[tilespmem:$0x6640] =	vst v0  }
0x2c: {  	[tilespmem:$0x6650] =	vst v0  }
0x2d: {  	[tilespmem:$0x6660] =	vst v0  }
0x2e: {  	[tilespmem:$0x6670] =	vst v0  }
0x2f: {  	[tilespmem:$0x6680] =	vst v0  }
0x30: {  	[tilespmem:$0x6690] =	vst v0  }
0x31: {  	[tilespmem:$0x66A0] =	vst v0  }
0x32: {  	[tilespmem:$0x66B0] =	vst v0  }
0x33: {  	[tilespmem:$0x66C0] =	vst v0  }
0x34: {  	[tilespmem:$0x66D0] =	vst v0  }
0x35: {  	[tilespmem:$0x66E0] =	vst v0  }
0x36: {  	[tilespmem:$0x66F0] =	vst v0  }
0x37: {  	[tilespmem:$0x6400] =	vst v1  }
0x38: {  	[tilespmem:$0x6410] =	vst v1  }
0x39: {  	[tilespmem:$0x6420] =	vst v1  }
0x3a: {  	[tilespmem:$0x6422] =	vst v1  }
0x3b: {  	[spmem:s4] =	stream.linear.scatter [tilespmem:s8], [sflag:$0x1], $0x280, $0x38;
	[tilespmem:$0x6980] =	vst v63  }
0x3c: {  	_ =	swait.ge [sflag:s9], $0x280  }
0x3d: {  	[sflag:s9] =	ssyncset.done $0x0  }
0x3e: {  	[sflag:s9] =	ssyncadd.s32 $0xFFFFFD80  }
0x3f: {  	[bflag:$0x0] =	sbarrier.arrive $0xFFFF  }
0x40: {  	[tilespmem:s3], [sflag:$0x1] =	stream.linear.gather [hbm4b:s5+s3], $0x6400, $0x38;
	[tilespmem:$0x6980] =	vst v63  }
0x41: {  	_ =	swait.ge [sflag:s9], $0x6400  }
0x42: {  	[sflag:s9] =	ssyncset.done $0x0  }
0x43: {  	s15 =	simm.s32 $0x0;
	[sflag:s9] =	ssyncadd.s32 $0xFFFF9C00  }
0x44: {  	[spmem:s2] =	stream.indirect.scatter.add.f32 [tilespmem:s11], [sflag:$0x1], $0x1, s15, s10, $0xb8;
	[tilespmem:$0x6980] =	vst v63  }
0x45: {  	_ =	swait.ge [sflag:s9], $0x32  }
0x46: {  	s15 =	simm.s32 $0x200;
	[sflag:s9] =	ssyncset.done $0x0  }
.LBB2_2:
0x47: {  	s16 =	sshra.s32 s15, $0x2;
	[sflag:s9] =	ssyncadd.s32 $0xFFFFFFCE;
	p0 =	sne.s32 s15, $0x18E00  }
0x48: {  	[spmem:s2] =	stream.indirect.scatter.add.f32 [tilespmem:s11], [sflag:$0x1], $0x1, s16, s10, $0xb8;
	[tilespmem:$0x6980] =	vst v63  }
.Ltmp0:
0x49: {  	_ = 	snop;
	(pc) =	sbr.rel @p0 .LBB2_2-.Ltmp0, $4  }
0x4a: {  	_ = 	snop  }
0x4b: {  	s15 =	sadd.s32 $0x200, s15  }
0x4c: {  	_ =	swait.ge [sflag:s9], $0x32  }
0x4d: {  	[sflag:s9] =	ssyncset.done $0x0  }
0x4e: {  	s14 =	sadd.s32 $0x1, s14  }
0x4f: {  	[sflag:s9] =	ssyncadd.s32 $0xFFFFFFCE;
	p0 =	sne.s32 s14, s7  }
.Ltmp1:
0x50: {  	[bflag:$0x0] =	sbarrier.arrive $0xFFFF;
	(pc) =	sbr.rel @p0 .LBB2_1-.Ltmp1, $4  }
0x51: {  	[hbm:s6], [sflag:s12] =	dma.local [spmem:s13], $0x50  }
0x52: {  	_ =	swait.ge [sflag:s9], $0x50  }
0x53: {  	[sflag:s9] =	ssyncset.done $0x0  }
0x54: {  	[sflag:s9] =	ssyncadd.s32 $0xFFFFFFB0  }
0x55: {  	_ =	sfence.sel $0x180000  }
0x56: {  	[bflag:$0x0] =	sbarrier.arrive $0xFFFF  }
0x57: {  	p0 =	sne.s32 s1, $0x0;
	_ =	strace $0x90000047  }
0x58: {  	s0 =	sadd.s32 @!p0 $0x100000, s0;
	[bflag:$0x2] =	sbarrier.arrive $0xFFFF  }
0x59: {  	[sflag:s0] =	ssyncadd.tile.s32 @!p0 $0x1;
	_ =	shalt  }
.Lfunc_end2:
_tile_overlayer_lowered:
.L_overlay_start_2:
0x5a: {  	(tag) =	ssettag $0x2  }
0x5b: {  	s0 =	rddreg [dreg:$0x0];
	s2 =	stileid.u32  }
0x5c: {  	s1 =	rddreg [dreg:$0x1];
	p0 =	sne.s32 s2, $0x0  }
0x5d: {  	s3 =	rddreg [dreg:$0x2];
	[bflag:$0x3] =	sbarrier.arrive $0xFFFF;
	s2 =	simm.s32 @!p0 $0x1C01  }
0x5e: {  	[timem:s3], [sflag:s2] =	dma.local @!p0 [hbm:s0], s1  }
0x5f: {  	s0 =	simm.s32 @!p0 $0x1  }
0x60: {  	_ =	swait.ge @!p0 [sflag:s0], s1  }
0x61: {  	s1 =	ssub.s32 @!p0 $0x0, s1;
	[sflag:s0] =	ssyncset.done @!p0 $0x0  }
0x62: {  	[sflag:s0] =	ssyncadd.s32 @!p0 s1  }
0x63: {  	[bflag:$0x3] =	sbarrier.arrive $0xFFFF  }
0x64: {  	_ =	shalt  }

// kernel: kernel.16.cloned.1.call-start
scs
__scs_entry_jumppad:
0x0: {  	(pc) =	sbr.rel $0x88, $3  }
0x1: {  	(tag) =	ssettag $0x0;
	lr =	simm.s32 $0x1  }
0x2: {  	[smem:$0x3F8C] =	sst lr;
	_ =	strace $0xD0000000  }
0x3: {  	_ = 	snop  }
0x4: {  	_ = 	snop  }
0x5: {  	_ = 	snop  }
0x6: {  	_ = 	snop  }
0x7: {  	_ = 	snop  }
__scs_overlays_trampoline_lowered:
0x8: {  	[smem:$0x3F9B] =	sst s0  }
0x9: {  	[smem:$0x3F9C] =	sst s1  }
0xa: {  	[smem:$0x3F9D] =	sst s2  }
0xb: {  	[smem:$0x3F9E] =	sst s3  }
0xc: {  	[smem:$0x3F9F] =	sst s4  }
0xd: {  	[smem:$0x3FA0] =	sst s5  }
0xe: {  	[smem:$0x3FA1] =	sst s6  }
0xf: {  	[smem:$0x3FA2] =	sst s7  }
0x10: {  	[smem:$0x3FA3] =	sst s8  }
0x11: {  	[smem:$0x3FA4] =	sst s9;
	s0 =	simm.s32 @!p0 $0x0  }
0x12: {  	s1 =	sld [smem:$0x3F8A];
	s0 =	simm.s32 @p0 $0x1  }
0x13: {  	[smem:$0x3FA5] =	sst s0;
	s0 =	simm.s32 @!p1 $0x0  }
0x14: {  	s2 =	sld [smem:$0x3F89];
	s0 =	simm.s32 @p1 $0x1  }
0x15: {  	[smem:$0x3FA6] =	sst s0;
	s0 =	simm.s32 @!p2 $0x0  }
0x16: {  	s3 =	sld [smem:$0x3FDB];
	s0 =	simm.s32 @p2 $0x1  }
0x17: {  	s4 =	simm.s32 $0x1BF5;
	[smem:$0x3FA8] =	sst s0  }
0x18: {  	s0 =	sld [smem:$0x3F8B];
	_ =	swait.ge [sflag:s4], $0x0  }
0x19: {  	s7 =	sld [smem:$0x3F8C]  }
0x1a: {  	s8 =	sadd.s32 $0xFFFFE003, lr  }
0x1b: {  	s9 =	sadd.s32 $0xFFFFFEF7, lr;
	s5 =	simm.s32 $0xFFFFFFFF;
	p2 =	slt.u32 s8, $0xFFFFF086  }
0x1c: {  	p1 =	slt.u32 s9, $0xF7A;
	s5 =	simm.s32 @!p2 $0x0  }
0x1d: {  	s5 =	simm.s32 @p1 $0x1;
	p0 =	seq.s32 s7, s2  }
0x1e: {  	s7 =	smul.u32 @!p0 $0xF7A, s2;
	p2 =	seq.s32 @!p0 s5, $0x0  }
0x1f: {  	s9 =	smul.u32 $0xF7A, s1;
	s8 =	simm.s32 @!p0 $0x1BF5;
	p2 =	por !p2, p0  }
0x20: {  	[sflag:s8] =	ssyncset.s32 @!p0 $0xFFFFF086;
	s6 =	sadd.s32 @!p0 s3, s7;
	s7 =	simm.s32 @!p0 $0x108  }
0x21: {  	s3 =	sadd.s32 s3, s9;
	s6 =	sadd.s32 @!p0 $0x88, s6;
	s7 =	simm.s32 @p2 $0x1082  }
0x22: {  	[simem:s7], [sflag:s8] =	dma.local @!p0 [hbm:s6], $0xF7A  }
0x23: {  	s9 =	sor.u32 $0xD0000000, s2;
	s6 =	simm.s32 $0x108;
	_ =	swait.ge @!p0 [sflag:s8], $0x0  }
0x24: {  	s3 =	sadd.s32 $0x88, s3;
	s6 =	simm.s32 @!p1 $0x1082;
	[sflag:s4] =	ssyncset.s32 $0xFFFFF086  }
0x25: {  	[simem:s6], [sflag:s4] =	dma.local [hbm:s3], $0xF7A  }
0x26: {  	[smem:$0x3F8C] =	sst s1;
	(tag) =	ssettag s2;
	_ =	strace s9  }
0x27: {  	s1 =	sld [smem:$0x3F9C]  }
0x28: {  	s2 =	sld [smem:$0x3F9D]  }
0x29: {  	s4 =	sld [smem:$0x3F9F]  }
0x2a: {  	p0 =	seq.s32 s5, $0x0;
	s5 =	sld [smem:$0x3FA0]  }
0x2b: {  	s6 =	sld [smem:$0x3FA1]  }
0x2c: {  	s7 =	sld [smem:$0x3FA2]  }
0x2d: {  	s3 =	simm.s32 $0x108;
	s8 =	sld [smem:$0x3FA3]  }
0x2e: {  	s3 =	simm.s32 @!p0 $0x1082;
	s9 =	sld [smem:$0x3FA4]  }
0x2f: {  	lr =	sadd.s32 s0, s3;
	s0 =	sld [smem:$0x3F9B]  }
0x30: {  	s3 =	sld [smem:$0x3F9E]  }
0x31: {  	[smem:$0x3FA7] =	sst s10  }
0x32: {  	s10 =	sld [smem:$0x3FA5];
	_ =	sdelay $0x3  }
0x33: {  	p0 =	seq.s32 s10, $0x1;
	s10 =	sld [smem:$0x3FA7];
	_ =	sdelay $0x3  }
0x34: {  	[smem:$0x3FA7] =	sst s10  }
0x35: {  	s10 =	sld [smem:$0x3FA6];
	_ =	sdelay $0x3  }
0x36: {  	p1 =	seq.s32 s10, $0x1;
	s10 =	sld [smem:$0x3FA7];
	_ =	sdelay $0x3  }
0x37: {  	[smem:$0x3FA7] =	sst s10  }
0x38: {  	s10 =	sld [smem:$0x3FA8]  }
0x39: {  	_ = 	snop;
	(pc) =	sbr.ind lr, $3  }
0x3a: {  	_ = 	snop  }
0x3b: {  	_ = 	snop  }
0x3c: {  	p2 =	seq.s32 s10, $0x1;
	s10 =	sld [smem:$0x3FA7]  }
0x3d: {  	_ =	shalt  }
0x3e: {  	_ =	shalt  }
0x3f: {  	_ =	shalt  }
0x40: {  	_ =	shalt  }
0x41: {  	_ =	shalt  }
0x42: {  	_ =	shalt  }
0x43: {  	_ =	shalt  }
0x44: {  	_ =	shalt  }
0x45: {  	_ =	shalt  }
0x46: {  	_ =	shalt  }
0x47: {  	_ =	shalt  }
0x48: {  	_ =	shalt  }
0x49: {  	_ =	shalt  }
0x4a: {  	_ =	shalt  }
0x4b: {  	_ =	shalt  }
0x4c: {  	_ =	shalt  }
0x4d: {  	_ =	shalt  }
0x4e: {  	_ =	shalt  }
0x4f: {  	_ =	shalt  }
0x50: {  	_ =	shalt  }
0x51: {  	_ =	shalt  }
0x52: {  	_ =	shalt  }
0x53: {  	_ =	shalt  }
0x54: {  	_ =	shalt  }
0x55: {  	_ =	shalt  }
0x56: {  	_ =	shalt  }
0x57: {  	_ =	shalt  }
0x58: {  	_ =	shalt  }
0x59: {  	_ =	shalt  }
0x5a: {  	_ =	shalt  }
0x5b: {  	_ =	shalt  }
0x5c: {  	_ =	shalt  }
0x5d: {  	_ =	shalt  }
0x5e: {  	_ =	shalt  }
0x5f: {  	_ =	shalt  }
0x60: {  	_ =	shalt  }
0x61: {  	_ =	shalt  }
0x62: {  	_ =	shalt  }
0x63: {  	_ =	shalt  }
0x64: {  	_ =	shalt  }
0x65: {  	_ =	shalt  }
0x66: {  	_ =	shalt  }
0x67: {  	_ =	shalt  }
0x68: {  	_ =	shalt  }
0x69: {  	_ =	shalt  }
0x6a: {  	_ =	shalt  }
0x6b: {  	_ =	shalt  }
0x6c: {  	_ =	shalt  }
0x6d: {  	_ =	shalt  }
0x6e: {  	_ =	shalt  }
0x6f: {  	_ =	shalt  }
0x70: {  	_ =	shalt  }
0x71: {  	_ =	shalt  }
0x72: {  	_ =	shalt  }
0x73: {  	_ =	shalt  }
0x74: {  	_ =	shalt  }
0x75: {  	_ =	shalt  }
0x76: {  	_ =	shalt  }
0x77: {  	_ =	shalt  }
0x78: {  	_ =	shalt  }
0x79: {  	_ =	shalt  }
0x7a: {  	_ =	shalt  }
0x7b: {  	_ =	shalt  }
0x7c: {  	_ =	shalt  }
0x7d: {  	_ =	shalt  }
0x7e: {  	_ =	shalt  }
0x7f: {  	_ =	shalt  }
0x80: {  	_ =	shalt  }
0x81: {  	_ =	shalt  }
0x82: {  	_ =	shalt  }
0x83: {  	_ =	shalt  }
0x84: {  	_ =	shalt  }
0x85: {  	_ =	shalt  }
0x86: {  	_ =	shalt  }
0x87: {  	_ =	shalt  }
.Lfunc_end0:
.L_simem_size_0:
called_computation.1_lowered:
.L_overlay_start_0:
0x88: {  	s2 =	sld [smem:$0x3FD9]  }
0x89: {  	s3 =	sld [smem:$0x3FFE];
	_ =	sdelay $0x1  }
0x8a: {  	s1 =	srdreg.scid  }
0x8b: {  	s0 =	sand.u32 $0x1, s1  }
0x8c: {  	s14 =	sshll.u32 s0, $0xA;
	s2 =	sadd.s32 s3, s2  }
0x8d: {  	s2 =	sadd.s32 s2, s14  }
0x8e: {  	[smem:$0x3FB3] =	sst s2  }
0x8f: {  	_ = 	snop  }
0x90: {  	s2 =	sld [smem:$0x3FD0];
	_ =	sdelay $0x2  }
0x91: {  	s15 =	simm.s32 $0xA;
	s4 =	simm.s32 $0x10  }
0x92: {  	[smem:s4], [sflag:s15] =	dma.local [hbm:s2], $0x1  }
0x93: {  	_ =	swait.eq [sflag:s15], $0x1  }
0x94: {  	[sflag:s15] =	ssyncset.done $0x0  }
0x95: {  	[sflag:s15] =	ssyncadd.s32 $0xFFFFFFFF  }
0x96: {  	s16 =	sld [smem:$0x10];
	(tm) =	ssettm $0x1  }
0x97: {  	s17 =	sld [smem:$0x3FFB];
	_ =	sdelay $0x3  }
0x98: {  	_ =	strace s17  }
0x99: {  	s3 =	sld [smem:$0x3FFC];
	_ =	sdelay $0x3  }
0x9a: {  	_ =	strace s3  }
0x9b: {  	s3 =	sld [smem:$0x3FFD];
	_ =	sdelay $0x3  }
0x9c: {  	_ =	strace s3  }
0x9d: {  	_ =	strace $0x8FFFFFFF  }
0x9e: {  	s18 =	sld [smem:$0x3FDB];
	_ =	sdelay $0x1  }
0x9f: {  	s19 =	simm.s32 $_scs_section_size  }
0xa0: {  	s5 =	simm.s32 $_size__tile_overlayer_lowered;
	s6 =	simm.s32 $_tile_overlayer_lowered  }
0xa1: {  	s22 =	simm.s32 $0x1BFF;
	s21 =	sshll.u32 s6, $0x1;
	s3 =	sadd.s32 s19, s18  }
0xa2: {  	s7 =	simm.s32 $0x0;
	s20 =	sshll.u32 s5, $0x1;
	s5 =	sadd.s32 s21, s3  }
0xa3: {  	[timem:s7], [sflag:s22] =	dma.local [hbm:s5], s20  }
0xa4: {  	_ =	swait.ge [sflag:s22], s20  }
0xa5: {  	s4 =	ssub.s32 $0x0, s20;
	[sflag:s22] =	ssyncset.done $0x0  }
0xa6: {  	[sflag:s22] =	ssyncadd.s32 s4;
	_ =	sdelay $0x1  }
0xa7: {  	s23 =	simm.s32 $0x1B8B  }
0xa8: {  	_ =	swait.ge [sflag:s23], $0x1  }
0xa9: {  	[sflag:s23] =	ssyncset.done $0x0  }
0xaa: {  	s25 =	simm.s32 $0x1B8E;
	s24 =	sld [smem:$0x3FFE];
	[sflag:s23] =	ssyncadd.s32 $0xFFFFFFFF  }
0xab: {  	s26 =	simm.s32 $execute0_lowered;
	[smem:$0x3FD2] =	sst s25  }
0xac: {  	s5 =	sshll.u32 s26, $0x1;
	_ =	strace $0x80000049;
	[dreg:$0x1] =	wrdreg $0xFFFFFFFF  }
0xad: {  	s28 =	simm.s32 $_size_execute0_lowered;
	s3 =	sadd.s32 s3, s5;
	[dreg:$0x0] =	wrdreg $0x0  }
0xae: {  	s5 =	sshll.u32 s28, $0x1;
	[dreg:$0x2] =	wrdreg s3  }
0xaf: {  	[dreg:$0x3] =	wrdreg s5  }
0xb0: {  	[dreg:$0x4] =	wrdreg $0xC0  }
0xb1: {  	_ =	task [dreg:s7], $0x5FFFF  }
0xb2: {  	[dreg:$0x1] =	wrdreg $0xFFFFFFFF  }
0xb3: {  	[dreg:$0x0] =	wrdreg $0x60  }
0xb4: {  	[dreg:$0x2] =	wrdreg s24  }
0xb5: {  	[dreg:$0x3] =	wrdreg s16  }
0xb6: {  	[dreg:$0x4] =	wrdreg $0x118000  }
0xb7: {  	[dreg:$0x5] =	wrdreg $0x9  }
0xb8: {  	_ =	task.clear_ibuf [dreg:s7], $0x6FFFF;
	_ =	strace $0x90000049  }
0xb9: {  	s29 =	simm.s32 $0x9;
	_ =	strace $0x8000004B  }
0xba: {  	_ =	swait.ge [sflag:s29], $0x1  }
0xbb: {  	[sflag:s29] =	ssyncadd.s32 $0xFFFFFFFF  }
0xbc: {  	_ =	strace $0x9000004B  }
0xbd: {  	_ =	sfence  }
0xbe: {  	s30 =	sld [smem:$0x0];
	_ =	sdelay $0x2  }
0xbf: {  	s31 =	sshll.u32 s1, $0xD;
	s1 =	sshrl.u32 s1, $0x2  }
0xc0: {  	s3 =	sand.u32 $0x4000, s31;
	s1 =	sadd.s32 s1, s30  }
0xc1: {  	s0 =	sor.u32 s3, s0;
	s1 =	sshll.u32 s1, $0x11  }
0xc2: {  	s0 =	sor.u32 s1, s0  }
0xc3: {  	s0 =	sadd.s32 $0x8F2B, s0  }
0xc4: {  	[sflag:s0] =	ssyncadd.remote.s32 $0x1  }
0xc5: {  	_ =	sfence.sel $0xFFFF  }
0xc6: {  	[dreg:$0x0] =	wrdreg $0xFFFFFFFF;
	(pc) =	sbr.abs _section_cstart, $3  }
0xc7: {  	[dreg:$0x1] =	wrdreg $0xFFFFFFFF  }
0xc8: {  	_ =	task.clear_ibuf [dreg:s7], $0x2FFFF;
	_ =	strace $0x9FFFFFFF  }
0xc9: {  	(tm) =	ssettm $0x7FFFFFFF  }
tec
execute0_lowered:
.L_overlay_start_1:
0x0: {  	(tag) =	ssettag $0x1  }
0x1: {  	s0 =	rddreg [dreg:$0x0]  }
0x2: {  	s1 =	srdreg.scid;
	s10 =	rddreg [dreg:$0x1]  }
0x3: {  	s6 =	stileid.u32;
	s2 =	rddreg [dreg:$0x2]  }
0x4: {  	s19 =	simm.s32 $0x3;
	s21 =	simm.s32 $0x80;
	s22 =	simm.s32 $0x7800  }
0x5: {  	s23 =	simm.s32 $0xB800;
	s24 =	simm.s32 $0x1;
	s25 =	simm.s32 $0x2  }
0x6: {  	s1 =	sand.u32 $0x1, s1;
	s3 =	sshll.u32 s6, $0x1;
	s5 =	smul.u32 $0x28000, s6  }
0x7: {  	s28 =	simm.s32 $0x7700;
	s12 =	smul.u32 $0xA000, s6;
	s4 =	sor.u32 s1, s3  }
0x8: {  	s3 =	simm.s32 $0x0;
	s26 =	ssub.s32 $0x2, s1;
	s1 =	smul.u32 $0xA0000, s1  }
0x9: {  	s29 =	simm.s32 $0x7780;
	s11 =	smul.u32 $0x500, s4;
	[smem:$0x7FF] =	sst s3  }
0xa: {  	s4 =	sadd.s32 $0x9C400, s0;
	s7 =	sshrl.u32 s26, $0x1;
	s5 =	sshrl.u32 s5, $0x2  }
0xb: {  	s14 =	sadd.s32 $0x2000, s12;
	s15 =	sadd.s32 $0x4000, s12;
	s16 =	sadd.s32 $0x6000, s12  }
0xc: {  	s18 =	sadd.s32 $0x8000, s12;
	_ =	strace $0x8000004A;
	s17 =	ssub.s32 s26, s7  }
0xd: {  	s5 =	sadd.s32 s5, s2;
	s6 =	sadd.s32 s14, s2;
	s7 =	sadd.s32 s15, s2  }
0xe: {  	s8 =	sadd.s32 s16, s2;
	s9 =	sadd.s32 s18, s2;
	s12 =	sadd.s32 s12, s1  }
0xf: {  	s14 =	sadd.s32 s1, s14;
	s30 =	sadd.s32 s1, s15;
	s31 =	sadd.s32 s1, s16  }
0x10: {  	s1 =	sadd.s32 s1, s18;
	s18 =	simm.s32 $0xF800;
	s26 =	simm.s32 $0x2780  }
0x11: {  	s13 =	sadd.s32 s11, s0;
	s0 =	sadd.s32 $0x25200, s0;
	s10 =	sadd.s32 s10, s11  }
0x12: {  	s12 =	sshrl.u32 s12, $0x3;
	s14 =	sshrl.u32 s14, $0x3;
	s15 =	sshrl.u32 s31, $0x3  }
0x13: {  	s1 =	sshrl.u32 s1, $0x3;
	s17 =	smax.u32 s17, $0x1;
	s11 =	sadd.s32 $0x1B200, s13  }
0x14: {  	s12 =	sadd.s32 s0, s12;
	s13 =	sadd.s32 s0, s14;
	s14 =	sshrl.u32 s30, $0x3  }
0x15: {  	v0 =	vimm.f32 $0.0e+00;
	v1 =	vimm.s32 $0x0;
	s15 =	sadd.s32 s0, s15;
	s16 =	sadd.s32 s0, s1;
	s14 =	sadd.s32 s0, s14  }
.LBB2_1:
0x16: {  	s1 =	simm.s32 $0x0;
	s0 =	simm.s32 $0x200  }
.LBB2_2:
0x17: {  	p0 =	sne.s32 s0, $0x7E00;
	[tilespmem:s1+$0xF870] =	vst v0  }
0x18: {  	[tilespmem:s1+$0xF800] =	vst v0  }
0x19: {  	[tilespmem:s1+$0xF810] =	vst v0  }
.Ltmp0:
0x1a: {  	[tilespmem:s1+$0xF820] =	vst v0;
	(pc) =	sbr.rel @p0 .LBB2_2-.Ltmp0, $4  }
0x1b: {  	[tilespmem:s1+$0xF830] =	vst v0  }
0x1c: {  	[tilespmem:s1+$0xF840] =	vst v0  }
0x1d: {  	[tilespmem:s1+$0xF850] =	vst v0  }
0x1e: {  	[tilespmem:s1+$0xF860] =	vst v0;
	s1 =	sshra.s32 s0, $0x2;
	s0 =	sadd.s32 $0x200, s0  }
0x1f: {  	[tilespmem:s1+$0xF870] =	vst v0  }
0x20: {  	[tilespmem:s1+$0xF800] =	vst v0  }
0x21: {  	[tilespmem:s1+$0xF810] =	vst v0  }
0x22: {  	[tilespmem:s1+$0xF820] =	vst v0  }
0x23: {  	[tilespmem:s1+$0xF830] =	vst v0  }
0x24: {  	[tilespmem:s1+$0xF840] =	vst v0  }
0x25: {  	[tilespmem:s1+$0xF850] =	vst v0  }
0x26: {  	[tilespmem:s1+$0xF860] =	vst v0  }
0x27: {  	[spmem:s5] =	stream.linear.scatter [tilespmem:s18], [sflag:$0x3], $0x2000, $0x38;
	[tilespmem:$0x1B800] =	vst v63  }
0x28: {  	_ =	swait.ge [sflag:s19], $0x2000  }
0x29: {  	[sflag:s19] =	ssyncset.done $0x0  }
0x2a: {  	[sflag:s19] =	ssyncadd.s32 $0xFFFFE000  }
0x2b: {  	[spmem:s6] =	stream.linear.scatter [tilespmem:s18], [sflag:$0x3], $0x2000, $0x38;
	[tilespmem:$0x1B800] =	vst v63  }
0x2c: {  	_ =	swait.ge [sflag:s19], $0x2000  }
0x2d: {  	[sflag:s19] =	ssyncset.done $0x0  }
0x2e: {  	[sflag:s19] =	ssyncadd.s32 $0xFFFFE000  }
0x2f: {  	[spmem:s7] =	stream.linear.scatter [tilespmem:s18], [sflag:$0x3], $0x2000, $0x38;
	[tilespmem:$0x1B800] =	vst v63  }
0x30: {  	_ =	swait.ge [sflag:s19], $0x2000  }
0x31: {  	[sflag:s19] =	ssyncset.done $0x0  }
0x32: {  	[sflag:s19] =	ssyncadd.s32 $0xFFFFE000  }
0x33: {  	[spmem:s8] =	stream.linear.scatter [tilespmem:s18], [sflag:$0x3], $0x2000, $0x38;
	[tilespmem:$0x1B800] =	vst v63  }
0x34: {  	_ =	swait.ge [sflag:s19], $0x2000  }
0x35: {  	[sflag:s19] =	ssyncset.done $0x0  }
0x36: {  	[sflag:s19] =	ssyncadd.s32 $0xFFFFE000  }
0x37: {  	[spmem:s9] =	stream.linear.scatter [tilespmem:s18], [sflag:$0x3], $0x2000, $0x38;
	[tilespmem:$0x1B800] =	vst v63  }
0x38: {  	_ =	swait.ge [sflag:s19], $0x2000  }
0x39: {  	[sflag:s19] =	ssyncset.done $0x0  }
0x3a: {  	[sflag:s19] =	ssyncadd.s32 $0xFFFFE000  }
0x3b: {  	s0 =	simm.s32 $0x0;
	[bflag:$0x0] =	sbarrier.arrive $0xFFFF  }
0x3c: {  	[tilespmem:s0], [sflag:$0x3] =	stream.linear.gather [hbm4b:s10+s0], $0x2800, $0x38;
	[tilespmem:$0x1B800] =	vst v63  }
0x3d: {  	_ =	swait.ge [sflag:s19], $0x2800  }
0x3e: {  	[sflag:s19] =	ssyncset.done $0x0  }
0x3f: {  	s20 =	simm.s32 $0x2800;
	[sflag:s19] =	ssyncadd.s32 $0xFFFFD800  }
0x40: {  	[tilespmem:s20], [sflag:$0x3] =	stream.linear.gather [hbm4b:s11+s0], $0x2800, $0x38;
	[tilespmem:$0x1B800] =	vst v63  }
0x41: {  	_ =	swait.ge [sflag:s19], $0x2800  }
0x42: {  	[sflag:s19] =	ssyncset.done $0x0  }
0x43: {  	s30 =	simm.s32 $0x0;
	[sflag:s19] =	ssyncadd.s32 $0xFFFFD800  }
0x44: {  	v2 =	vld [tilespmem:s30+$0x2800];
	_ =	sdelay $0x4  }
0x45: {  	v3 =	vand.u32 $0x1, v2;
	v2 =	vld [tilespmem:s30+$0x0];
	_ =	sdelay $0x2  }
0x46: {  	s1 =	simm.s32 $0x10;
	s31 =	simm.s32 $0x0;
	s0 =	simm.s32 $0x80;
	vm0 =	veq.s32 v3, $0x1  }
.LBB2_4:
0x47: {  	p0 =	sne.s32 s0, $0x9FC0;
	v3 =	vld [tilespmem:s1+$0x2800];
	v4 =	vsel vm0, $0x2710, v1  }
0x48: {  	v2 =	vadd.s32 v2, v4  }
.Ltmp1:
0x49: {  	[tilespmem:s31+$0x0] =	vst v2;
	s31 =	smov.u32 s1;
	(pc) =	sbr.rel @p0 .LBB2_4-.Ltmp1, $3  }
0x4a: {  	v2 =	vld [tilespmem:s31+$0x0];
	_ =	sdelay $0x1  }
0x4b: {  	v3 =	vand.u32 $0x1, v3  }
0x4c: {  	s1 =	sshra.s32 s0, $0x2;
	s0 =	sadd.s32 $0x40, s0;
	vm0 =	veq.s32 v3, $0x1  }
0x4d: {  	v3 =	vld [tilespmem:s1+$0x2800];
	v4 =	vsel vm0, $0x2710, v1  }
0x4e: {  	v2 =	vadd.s32 v2, v4  }
0x4f: {  	[tilespmem:s31+$0x0] =	vst v2  }
0x50: {  	v2 =	vld [tilespmem:s1+$0x0];
	_ =	sdelay $0x1  }
0x51: {  	v3 =	vand.u32 $0x1, v3  }
0x52: {  	vm15 =	veq.s32 v3, $0x1  }
0x53: {  	v3 =	vsel vm15, $0x2710, v1  }
0x54: {  	v2 =	vadd.s32 v2, v3  }
0x55: {  	[tilespmem:s1+$0x0] =	vst v2  }
0x56: {  	v3 =	vld [tilespmem:s30+$0x2870]  }
0x57: {  	v6 =	vld [tilespmem:s30+$0x2800]  }
0x58: {  	v7 =	vld [tilespmem:s30+$0x2810]  }
0x59: {  	v5 =	vld [tilespmem:s30+$0x2820]  }
0x5a: {  	v4 =	vld [tilespmem:s30+$0x2830]  }
0x5b: {  	v2 =	vld [tilespmem:s30+$0x2840];
	v8 =	vshra.s32 v3, $0x1  }
0x5c: {  	v3 =	vld [tilespmem:s30+$0x2850];
	v6 =	vshra.s32 v6, $0x1;
	[tilespmem:s30+$0x5070] =	vst v8  }
0x5d: {  	s31 =	simm.s32 $0x80;
	s1 =	simm.s32 $0x400;
	v7 =	vshra.s32 v7, $0x1;
	[tilespmem:s30+$0x5000] =	vst v6;
	v6 =	vld [tilespmem:s30+$0x2860]  }
.LBB2_6:
0x5e: {  	p0 =	sne.s32 s1, $0x9E00;
	v8 =	vld [tilespmem:s31+$0x2870];
	[tilespmem:s30+$0x5010] =	vst v7;
	v5 =	vshra.s32 v5, $0x1  }
0x5f: {  	v7 =	vld [tilespmem:s31+$0x2800];
	[tilespmem:s30+$0x5020] =	vst v5;
	v4 =	vshra.s32 v4, $0x1  }
0x60: {  	v9 =	vld [tilespmem:s31+$0x2810];
	[tilespmem:s30+$0x5030] =	vst v4;
	v2 =	vshra.s32 v2, $0x1  }
.Ltmp2:
0x61: {  	v5 =	vld [tilespmem:s31+$0x2820];
	[tilespmem:s30+$0x5040] =	vst v2;
	v2 =	vshra.s32 v3, $0x1;
	(pc) =	sbr.rel @p0 .LBB2_6-.Ltmp2, $4  }
0x62: {  	v4 =	vld [tilespmem:s31+$0x2830];
	[tilespmem:s30+$0x5050] =	vst v2;
	v3 =	vshra.s32 v6, $0x1  }
0x63: {  	v2 =	vld [tilespmem:s31+$0x2840];
	v6 =	vshra.s32 v8, $0x1;
	[tilespmem:s30+$0x5060] =	vst v3;
	s30 =	smov.u32 s31  }
0x64: {  	v7 =	vshra.s32 v7, $0x1;
	v3 =	vld [tilespmem:s30+$0x2850];
	[tilespmem:s30+$0x5070] =	vst v6  }
0x65: {  	s31 =	sshra.s32 s1, $0x2;
	s1 =	sadd.s32 $0x200, s1;
	[tilespmem:s30+$0x5000] =	vst v7;
	v7 =	vshra.s32 v9, $0x1;
	v6 =	vld [tilespmem:s30+$0x2860]  }
0x66: {  	v8 =	vld [tilespmem:s31+$0x2870];
	[tilespmem:s30+$0x5010] =	vst v7;
	v5 =	vshra.s32 v5, $0x1  }
0x67: {  	v7 =	vld [tilespmem:s31+$0x2800];
	[tilespmem:s30+$0x5020] =	vst v5;
	v4 =	vshra.s32 v4, $0x1  }
0x68: {  	v5 =	vld [tilespmem:s31+$0x2810];
	[tilespmem:s30+$0x5030] =	vst v4;
	v2 =	vshra.s32 v2, $0x1  }
0x69: {  	v4 =	vld [tilespmem:s31+$0x2820];
	[tilespmem:s30+$0x5040] =	vst v2;
	v2 =	vshra.s32 v3, $0x1  }
0x6a: {  	v3 =	vld [tilespmem:s31+$0x2830];
	[tilespmem:s30+$0x5050] =	vst v2;
	v2 =	vshra.s32 v6, $0x1  }
0x6b: {  	v61 =	vld [tilespmem:s31+$0x2840];
	[tilespmem:s30+$0x5060] =	vst v2;
	v2 =	vshra.s32 v8, $0x1  }
0x6c: {  	v62 =	vld [tilespmem:s31+$0x2850];
	v7 =	vshra.s32 v7, $0x1;
	[tilespmem:s31+$0x5070] =	vst v2  }
0x6d: {  	v63 =	vld [tilespmem:s31+$0x2860];
	[tilespmem:s31+$0x5000] =	vst v7;
	v2 =	vshra.s32 v5, $0x1  }
0x6e: {  	[tilespmem:s31+$0x5010] =	vst v2;
	v2 =	vshra.s32 v4, $0x1  }
0x6f: {  	[tilespmem:s31+$0x5020] =	vst v2;
	v2 =	vshra.s32 v3, $0x1  }
0x70: {  	[tilespmem:s31+$0x5030] =	vst v2;
	v2 =	vshra.s32 v61, $0x1  }
0x71: {  	[tilespmem:s31+$0x5040] =	vst v2;
	v2 =	vshra.s32 v62, $0x1  }
0x72: {  	[tilespmem:s31+$0x5050] =	vst v2;
	v2 =	vshra.s32 v63, $0x1  }
0x73: {  	s0 =	simm.s32 $0x0;
	[tilespmem:s31+$0x5060] =	vst v2  }
0x74: {  	[tilespmem:s22], [sflag:$0x1] =	stream.indirect.gather [hbm4b:s4+s21], $0x80, s0, s21, $0xb8;
	[tilespmem:$0x1B800] =	vst v63  }
0x75: {  	s31 =	simm.s32 $0x80  }
0x76: {  	[tilespmem:s23], [sflag:$0x2] =	stream.indirect.gather [hbm4b:s4+s21], $0x80, s31, s21, $0xb8;
	[tilespmem:$0x1B800] =	vst v63  }
0x77: {  	_ =	swait.ge [sflag:s24], $0x4000  }
0x78: {  	[sflag:s24] =	ssyncset.done $0x0  }
0x79: {  	s1 =	simm.s32 $0x5000;
	[sflag:s24] =	ssyncadd.s32 $0xFFFFC000  }
0x7a: {  	[spmem:s2] =	stream.indirect.scatter.add.f32 [tilespmem:s22], [sflag:$0x3], $0x80, s1, s21, $0xb8;
	[tilespmem:$0x1B800] =	vst v63  }
0x7b: {  	_ =	swait.ge [sflag:s19], $0x4000  }
0x7c: {  	[sflag:s19] =	ssyncset.done $0x0  }
0x7d: {  	s20 =	simm.s32 $0x100;
	[sflag:s19] =	ssyncadd.s32 $0xFFFFC000  }
0x7e: {  	[tilespmem:s22], [sflag:$0x1] =	stream.indirect.gather [hbm4b:s4+s21], $0x80, s20, s21, $0xb8;
	[tilespmem:$0x1B800] =	vst v63  }
0x7f: {  	_ =	swait.ge [sflag:s25], $0x4000  }
0x80: {  	[sflag:s25] =	ssyncset.done $0x0  }
0x81: {  	s31 =	simm.s32 $0x5080;
	[sflag:s25] =	ssyncadd.s32 $0xFFFFC000  }
0x82: {  	[spmem:s2] =	stream.indirect.scatter.add.f32 [tilespmem:s23], [sflag:$0x3], $0x80, s31, s21, $0xb8;
	[tilespmem:$0x1B800] =	vst v63  }
0x83: {  	_ =	swait.ge [sflag:s19], $0x4000  }
0x84: {  	s30 =	simm.s32 $0x100;
	s0 =	simm.s32 $0x800;
	[sflag:s19] =	ssyncset.done $0x0  }
.LBB2_8:
0x85: {  	s1 =	sadd.s32 $0x80, s30  }
0x86: {  	[sflag:s19] =	ssyncadd.s32 $0xFFFFC000;
	s31 =	smov.u32 s0;
	s20 =	sadd.s32 $0x400, s0  }
0x87: {  	[tilespmem:s23], [sflag:$0x2] =	stream.indirect.gather [hbm4b:s4+s21], $0x80, s1, s21, $0xb8;
	[tilespmem:$0x1B800] =	vst v63  }
0x88: {  	p0 =	sne.s32 s0, $0x9800;
	_ =	swait.ge [sflag:s24], $0x4000  }
0x89: {  	[sflag:s24] =	ssyncset.done $0x0  }
0x8a: {  	s0 =	sadd.s32 $0x5000, s30;
	[sflag:s24] =	ssyncadd.s32 $0xFFFFC000  }
0x8b: {  	[spmem:s2] =	stream.indirect.scatter.add.f32 [tilespmem:s22], [sflag:$0x3], $0x80, s0, s21, $0xb8;
	[tilespmem:$0x1B800] =	vst v63  }
0x8c: {  	_ =	swait.ge [sflag:s19], $0x4000  }
0x8d: {  	[sflag:s19] =	ssyncset.done $0x0  }
0x8e: {  	s0 =	sadd.s32 $0x100, s30;
	[sflag:s19] =	ssyncadd.s32 $0xFFFFC000  }
0x8f: {  	[tilespmem:s22], [sflag:$0x1] =	stream.indirect.gather [hbm4b:s4+s21], $0x80, s0, s21, $0xb8;
	[tilespmem:$0x1B800] =	vst v63  }
0x90: {  	_ =	swait.ge [sflag:s25], $0x4000  }
.Ltmp3:
0x91: {  	[sflag:s25] =	ssyncset.done $0x0;
	(pc) =	sbr.rel @p0 .LBB2_8-.Ltmp3, $4  }
0x92: {  	s0 =	sadd.s32 $0x5080, s30;
	[sflag:s25] =	ssyncadd.s32 $0xFFFFC000  }
0x93: {  	[spmem:s2] =	stream.indirect.scatter.add.f32 [tilespmem:s23], [sflag:$0x3], $0x80, s0, s21, $0xb8;
	[tilespmem:$0x1B800] =	vst v63  }
0x94: {  	_ =	swait.ge [sflag:s19], $0x4000  }
0x95: {  	s30 =	sshra.s32 s31, $0x2;
	s0 =	smov.u32 s20;
	[sflag:s19] =	ssyncset.done $0x0  }
0x96: {  	s0 =	sadd.s32 $0x80, s30;
	[sflag:s19] =	ssyncadd.s32 $0xFFFFC000  }
0x97: {  	[tilespmem:s23], [sflag:$0x2] =	stream.indirect.gather [hbm4b:s4+s21], $0x80, s0, s21, $0xb8;
	[tilespmem:$0x1B800] =	vst v63  }
0x98: {  	_ =	swait.ge [sflag:s24], $0x4000  }
0x99: {  	[sflag:s24] =	ssyncset.done $0x0  }
0x9a: {  	s31 =	sadd.s32 $0x5000, s30;
	[sflag:s24] =	ssyncadd.s32 $0xFFFFC000  }
0x9b: {  	[spmem:s2] =	stream.indirect.scatter.add.f32 [tilespmem:s22], [sflag:$0x3], $0x80, s31, s21, $0xb8;
	[tilespmem:$0x1B800] =	vst v63  }
0x9c: {  	_ =	swait.ge [sflag:s19], $0x4000  }
0x9d: {  	[sflag:s19] =	ssyncset.done $0x0  }
0x9e: {  	s1 =	sadd.s32 $0x100, s30;
	[sflag:s19] =	ssyncadd.s32 $0xFFFFC000  }
0x9f: {  	[tilespmem:s22], [sflag:$0x1] =	stream.indirect.gather [hbm4b:s4+s21], $0x80, s1, s21, $0xb8;
	[tilespmem:$0x1B800] =	vst v63  }
0xa0: {  	_ =	swait.ge [sflag:s25], $0x4000  }
0xa1: {  	[sflag:s25] =	ssyncset.done $0x0  }
0xa2: {  	s20 =	sadd.s32 $0x5080, s30;
	[sflag:s25] =	ssyncadd.s32 $0xFFFFC000  }
0xa3: {  	[spmem:s2] =	stream.indirect.scatter.add.f32 [tilespmem:s23], [sflag:$0x3], $0x80, s20, s21, $0xb8;
	[tilespmem:$0x1B800] =	vst v63  }
0xa4: {  	_ =	swait.ge [sflag:s19], $0x4000  }
0xa5: {  	[sflag:s19] =	ssyncset.done $0x0  }
0xa6: {  	[sflag:s19] =	ssyncadd.s32 $0xFFFFC000  }
0xa7: {  	[tilespmem:s23], [sflag:$0x2] =	stream.indirect.gather [hbm4b:s4+s21], $0x80, s26, s21, $0xb8;
	[tilespmem:$0x1B800] =	vst v63  }
0xa8: {  	_ =	swait.ge [sflag:s24], $0x4000  }
0xa9: {  	[sflag:s24] =	ssyncset.done $0x0  }
0xaa: {  	[sflag:s24] =	ssyncadd.s32 $0xFFFFC000  }
0xab: {  	[spmem:s2] =	stream.indirect.scatter.add.f32 [tilespmem:s22], [sflag:$0x3], $0x80, s28, s21, $0xb8;
	[tilespmem:$0x1B800] =	vst v63  }
0xac: {  	_ =	swait.ge [sflag:s19], $0x4000  }
0xad: {  	[sflag:s19] =	ssyncset.done $0x0  }
0xae: {  	[sflag:s19] =	ssyncadd.s32 $0xFFFFC000  }
0xaf: {  	_ =	swait.ge [sflag:s25], $0x4000  }
0xb0: {  	[sflag:s25] =	ssyncset.done $0x0  }
0xb1: {  	[sflag:s25] =	ssyncadd.s32 $0xFFFFC000  }
0xb2: {  	[spmem:s2] =	stream.indirect.scatter.add.f32 [tilespmem:s23], [sflag:$0x3], $0x80, s29, s21, $0xb8;
	[tilespmem:$0x1B800] =	vst v63  }
0xb3: {  	_ =	swait.ge [sflag:s19], $0x4000  }
0xb4: {  	s30 =	stileid.u32;
	[sflag:s19] =	ssyncset.done $0x0  }
0xb5: {  	s0 =	sshll.u32 s30, $0x6;
	[sflag:s19] =	ssyncadd.s32 $0xFFFFC000  }
0xb6: {  	s0 =	sor.u32 $0x1C03, s0;
	s1 =	sshrl.u32 s5, $0x3;
	[bflag:$0x0] =	sbarrier.arrive $0xFFFF  }
0xb7: {  	[hbm:s12], [sflag:s0] =	dma.local [spmem:s1], $0x400  }
0xb8: {  	_ =	swait.ge [sflag:s19], $0x400  }
0xb9: {  	[sflag:s19] =	ssyncset.done $0x0  }
0xba: {  	s31 =	sshrl.u32 s6, $0x3;
	[sflag:s19] =	ssyncadd.s32 $0xFFFFFC00  }
0xbb: {  	[hbm:s13], [sflag:s0] =	dma.local [spmem:s31], $0x400  }
0xbc: {  	_ =	swait.ge [sflag:s19], $0x400  }
0xbd: {  	[sflag:s19] =	ssyncset.done $0x0  }
0xbe: {  	s20 =	sshrl.u32 s7, $0x3;
	[sflag:s19] =	ssyncadd.s32 $0xFFFFFC00  }
0xbf: {  	[hbm:s14], [sflag:s0] =	dma.local [spmem:s20], $0x400  }
0xc0: {  	_ =	swait.ge [sflag:s19], $0x400  }
0xc1: {  	[sflag:s19] =	ssyncset.done $0x0  }
0xc2: {  	s30 =	sshrl.u32 s8, $0x3;
	[sflag:s19] =	ssyncadd.s32 $0xFFFFFC00  }
0xc3: {  	[hbm:s15], [sflag:s0] =	dma.local [spmem:s30], $0x400  }
0xc4: {  	s3 =	sadd.s32 $0x1, s3;
	_ =	swait.ge [sflag:s19], $0x400  }
0xc5: {  	p0 =	sne.s32 s3, s17;
	[sflag:s19] =	ssyncset.done $0x0  }
.Ltmp4:
0xc6: {  	s31 =	sshrl.u32 s9, $0x3;
	[sflag:s19] =	ssyncadd.s32 $0xFFFFFC00;
	(pc) =	sbr.rel @p0 .LBB2_1-.Ltmp4, $4  }
0xc7: {  	[hbm:s16], [sflag:s0] =	dma.local [spmem:s31], $0x400  }
0xc8: {  	_ =	swait.ge [sflag:s19], $0x400  }
0xc9: {  	[sflag:s19] =	ssyncset.done $0x0  }
0xca: {  	[sflag:s19] =	ssyncadd.s32 $0xFFFFFC00  }
0xcb: {  	_ =	sfence.sel $0x180000  }
0xcc: {  	[bflag:$0x0] =	sbarrier.arrive $0xFFFF  }
0xcd: {  	_ =	strace $0x9000004A  }
0xce: {  	s0 =	stileid.u32;
	[bflag:$0x2] =	sbarrier.arrive $0xFFFF  }
0xcf: {  	p0 =	sne.s32 s0, $0x0;
	s0 =	rddreg [dreg:$0x3]  }
0xd0: {  	s0 =	sadd.s32 @!p0 $0x100000, s0  }
0xd1: {  	[sflag:s0] =	ssyncadd.tile.s32 @!p0 $0x1;
	_ =	shalt  }
.Lfunc_end2:
_tile_overlayer_lowered:
.L_overlay_start_2:
0xd2: {  	(tag) =	ssettag $0x2  }
0xd3: {  	s0 =	rddreg [dreg:$0x0];
	s2 =	stileid.u32  }
0xd4: {  	s1 =	rddreg [dreg:$0x1];
	p0 =	sne.s32 s2, $0x0  }
0xd5: {  	s3 =	rddreg [dreg:$0x2];
	[bflag:$0x3] =	sbarrier.arrive $0xFFFF;
	s2 =	simm.s32 @!p0 $0x1C03  }
0xd6: {  	[timem:s3], [sflag:s2] =	dma.local @!p0 [hbm:s0], s1  }
0xd7: {  	s0 =	simm.s32 @!p0 $0x3  }
0xd8: {  	_ =	swait.ge @!p0 [sflag:s0], s1  }
0xd9: {  	s1 =	ssub.s32 @!p0 $0x0, s1;
	[sflag:s0] =	ssyncset.done @!p0 $0x0  }
0xda: {  	[sflag:s0] =	ssyncadd.s32 @!p0 s1  }
0xdb: {  	[bflag:$0x3] =	sbarrier.arrive $0xFFFF  }
0xdc: {  	_ =	shalt  }

// kernel: kernel.19.cloned.1.call-start
scs
__scs_entry_jumppad:
0x0: {  	(pc) =	sbr.rel $0x88, $3  }
0x1: {  	(tag) =	ssettag $0x0;
	lr =	simm.s32 $0x1  }
0x2: {  	[smem:$0x3F8C] =	sst lr;
	_ =	strace $0xD0000000  }
0x3: {  	_ = 	snop  }
0x4: {  	_ = 	snop  }
0x5: {  	_ = 	snop  }
0x6: {  	_ = 	snop  }
0x7: {  	_ = 	snop  }
__scs_overlays_trampoline_lowered:
0x8: {  	[smem:$0x3F9B] =	sst s0  }
0x9: {  	[smem:$0x3F9C] =	sst s1  }
0xa: {  	[smem:$0x3F9D] =	sst s2  }
0xb: {  	[smem:$0x3F9E] =	sst s3  }
0xc: {  	[smem:$0x3F9F] =	sst s4  }
0xd: {  	[smem:$0x3FA0] =	sst s5  }
0xe: {  	[smem:$0x3FA1] =	sst s6  }
0xf: {  	[smem:$0x3FA2] =	sst s7  }
0x10: {  	[smem:$0x3FA3] =	sst s8  }
0x11: {  	[smem:$0x3FA4] =	sst s9;
	s0 =	simm.s32 @!p0 $0x0  }
0x12: {  	s1 =	sld [smem:$0x3F8A];
	s0 =	simm.s32 @p0 $0x1  }
0x13: {  	[smem:$0x3FA5] =	sst s0;
	s0 =	simm.s32 @!p1 $0x0  }
0x14: {  	s2 =	sld [smem:$0x3F89];
	s0 =	simm.s32 @p1 $0x1  }
0x15: {  	[smem:$0x3FA6] =	sst s0;
	s0 =	simm.s32 @!p2 $0x0  }
0x16: {  	s3 =	sld [smem:$0x3FDB];
	s0 =	simm.s32 @p2 $0x1  }
0x17: {  	s4 =	simm.s32 $0x1BF5;
	[smem:$0x3FA8] =	sst s0  }
0x18: {  	s0 =	sld [smem:$0x3F8B];
	_ =	swait.ge [sflag:s4], $0x0  }
0x19: {  	s7 =	sld [smem:$0x3F8C]  }
0x1a: {  	s8 =	sadd.s32 $0xFFFFE003, lr  }
0x1b: {  	s9 =	sadd.s32 $0xFFFFFEF7, lr;
	s5 =	simm.s32 $0xFFFFFFFF;
	p2 =	slt.u32 s8, $0xFFFFF086  }
0x1c: {  	p1 =	slt.u32 s9, $0xF7A;
	s5 =	simm.s32 @!p2 $0x0  }
0x1d: {  	s5 =	simm.s32 @p1 $0x1;
	p0 =	seq.s32 s7, s2  }
0x1e: {  	s7 =	smul.u32 @!p0 $0xF7A, s2;
	p2 =	seq.s32 @!p0 s5, $0x0  }
0x1f: {  	s9 =	smul.u32 $0xF7A, s1;
	s8 =	simm.s32 @!p0 $0x1BF5;
	p2 =	por !p2, p0  }
0x20: {  	[sflag:s8] =	ssyncset.s32 @!p0 $0xFFFFF086;
	s6 =	sadd.s32 @!p0 s3, s7;
	s7 =	simm.s32 @!p0 $0x108  }
0x21: {  	s3 =	sadd.s32 s3, s9;
	s6 =	sadd.s32 @!p0 $0x88, s6;
	s7 =	simm.s32 @p2 $0x1082  }
0x22: {  	[simem:s7], [sflag:s8] =	dma.local @!p0 [hbm:s6], $0xF7A  }
0x23: {  	s9 =	sor.u32 $0xD0000000, s2;
	s6 =	simm.s32 $0x108;
	_ =	swait.ge @!p0 [sflag:s8], $0x0  }
0x24: {  	s3 =	sadd.s32 $0x88, s3;
	s6 =	simm.s32 @!p1 $0x1082;
	[sflag:s4] =	ssyncset.s32 $0xFFFFF086  }
0x25: {  	[simem:s6], [sflag:s4] =	dma.local [hbm:s3], $0xF7A  }
0x26: {  	[smem:$0x3F8C] =	sst s1;
	(tag) =	ssettag s2;
	_ =	strace s9  }
0x27: {  	s1 =	sld [smem:$0x3F9C]  }
0x28: {  	s2 =	sld [smem:$0x3F9D]  }
0x29: {  	s4 =	sld [smem:$0x3F9F]  }
0x2a: {  	p0 =	seq.s32 s5, $0x0;
	s5 =	sld [smem:$0x3FA0]  }
0x2b: {  	s6 =	sld [smem:$0x3FA1]  }
0x2c: {  	s7 =	sld [smem:$0x3FA2]  }
0x2d: {  	s3 =	simm.s32 $0x108;
	s8 =	sld [smem:$0x3FA3]  }
0x2e: {  	s3 =	simm.s32 @!p0 $0x1082;
	s9 =	sld [smem:$0x3FA4]  }
0x2f: {  	lr =	sadd.s32 s0, s3;
	s0 =	sld [smem:$0x3F9B]  }
0x30: {  	s3 =	sld [smem:$0x3F9E]  }
0x31: {  	[smem:$0x3FA7] =	sst s10  }
0x32: {  	s10 =	sld [smem:$0x3FA5];
	_ =	sdelay $0x3  }
0x33: {  	p0 =	seq.s32 s10, $0x1;
	s10 =	sld [smem:$0x3FA7];
	_ =	sdelay $0x3  }
0x34: {  	[smem:$0x3FA7] =	sst s10  }
0x35: {  	s10 =	sld [smem:$0x3FA6];
	_ =	sdelay $0x3  }
0x36: {  	p1 =	seq.s32 s10, $0x1;
	s10 =	sld [smem:$0x3FA7];
	_ =	sdelay $0x3  }
0x37: {  	[smem:$0x3FA7] =	sst s10  }
0x38: {  	s10 =	sld [smem:$0x3FA8]  }
0x39: {  	_ = 	snop;
	(pc) =	sbr.ind lr, $3  }
0x3a: {  	_ = 	snop  }
0x3b: {  	_ = 	snop  }
0x3c: {  	p2 =	seq.s32 s10, $0x1;
	s10 =	sld [smem:$0x3FA7]  }
0x3d: {  	_ =	shalt  }
0x3e: {  	_ =	shalt  }
0x3f: {  	_ =	shalt  }
0x40: {  	_ =	shalt  }
0x41: {  	_ =	shalt  }
0x42: {  	_ =	shalt  }
0x43: {  	_ =	shalt  }
0x44: {  	_ =	shalt  }
0x45: {  	_ =	shalt  }
0x46: {  	_ =	shalt  }
0x47: {  	_ =	shalt  }
0x48: {  	_ =	shalt  }
0x49: {  	_ =	shalt  }
0x4a: {  	_ =	shalt  }
0x4b: {  	_ =	shalt  }
0x4c: {  	_ =	shalt  }
0x4d: {  	_ =	shalt  }
0x4e: {  	_ =	shalt  }
0x4f: {  	_ =	shalt  }
0x50: {  	_ =	shalt  }
0x51: {  	_ =	shalt  }
0x52: {  	_ =	shalt  }
0x53: {  	_ =	shalt  }
0x54: {  	_ =	shalt  }
0x55: {  	_ =	shalt  }
0x56: {  	_ =	shalt  }
0x57: {  	_ =	shalt  }
0x58: {  	_ =	shalt  }
0x59: {  	_ =	shalt  }
0x5a: {  	_ =	shalt  }
0x5b: {  	_ =	shalt  }
0x5c: {  	_ =	shalt  }
0x5d: {  	_ =	shalt  }
0x5e: {  	_ =	shalt  }
0x5f: {  	_ =	shalt  }
0x60: {  	_ =	shalt  }
0x61: {  	_ =	shalt  }
0x62: {  	_ =	shalt  }
0x63: {  	_ =	shalt  }
0x64: {  	_ =	shalt  }
0x65: {  	_ =	shalt  }
0x66: {  	_ =	shalt  }
0x67: {  	_ =	shalt  }
0x68: {  	_ =	shalt  }
0x69: {  	_ =	shalt  }
0x6a: {  	_ =	shalt  }
0x6b: {  	_ =	shalt  }
0x6c: {  	_ =	shalt  }
0x6d: {  	_ =	shalt  }
0x6e: {  	_ =	shalt  }
0x6f: {  	_ =	shalt  }
0x70: {  	_ =	shalt  }
0x71: {  	_ =	shalt  }
0x72: {  	_ =	shalt  }
0x73: {  	_ =	shalt  }
0x74: {  	_ =	shalt  }
0x75: {  	_ =	shalt  }
0x76: {  	_ =	shalt  }
0x77: {  	_ =	shalt  }
0x78: {  	_ =	shalt  }
0x79: {  	_ =	shalt  }
0x7a: {  	_ =	shalt  }
0x7b: {  	_ =	shalt  }
0x7c: {  	_ =	shalt  }
0x7d: {  	_ =	shalt  }
0x7e: {  	_ =	shalt  }
0x7f: {  	_ =	shalt  }
0x80: {  	_ =	shalt  }
0x81: {  	_ =	shalt  }
0x82: {  	_ =	shalt  }
0x83: {  	_ =	shalt  }
0x84: {  	_ =	shalt  }
0x85: {  	_ =	shalt  }
0x86: {  	_ =	shalt  }
0x87: {  	_ =	shalt  }
.Lfunc_end0:
.L_simem_size_0:
called_computation.2_lowered:
.L_overlay_start_0:
0x88: {  	s2 =	sld [smem:$0x3FD9]  }
0x89: {  	s3 =	sld [smem:$0x3FFE];
	_ =	sdelay $0x1  }
0x8a: {  	s1 =	srdreg.scid  }
0x8b: {  	s0 =	sand.u32 $0x1, s1  }
0x8c: {  	s14 =	sshll.u32 s0, $0xA;
	s2 =	sadd.s32 s3, s2  }
0x8d: {  	s2 =	sadd.s32 s2, s14  }
0x8e: {  	[smem:$0x3FB3] =	sst s2  }
0x8f: {  	_ = 	snop  }
0x90: {  	s2 =	sld [smem:$0x3FD0];
	_ =	sdelay $0x2  }
0x91: {  	s15 =	simm.s32 $0xA;
	s4 =	simm.s32 $0x10  }
0x92: {  	[smem:s4], [sflag:s15] =	dma.local [hbm:s2], $0x1  }
0x93: {  	_ =	swait.eq [sflag:s15], $0x1  }
0x94: {  	[sflag:s15] =	ssyncset.done $0x0  }
0x95: {  	[sflag:s15] =	ssyncadd.s32 $0xFFFFFFFF  }
0x96: {  	s16 =	sld [smem:$0x10];
	(tm) =	ssettm $0x1  }
0x97: {  	s17 =	sld [smem:$0x3FFB];
	_ =	sdelay $0x3  }
0x98: {  	_ =	strace s17  }
0x99: {  	s3 =	sld [smem:$0x3FFC];
	_ =	sdelay $0x3  }
0x9a: {  	_ =	strace s3  }
0x9b: {  	s3 =	sld [smem:$0x3FFD];
	_ =	sdelay $0x3  }
0x9c: {  	_ =	strace s3  }
0x9d: {  	_ =	strace $0x8FFFFFFF  }
0x9e: {  	s18 =	sld [smem:$0x3FDB];
	_ =	sdelay $0x1  }
0x9f: {  	s19 =	simm.s32 $_scs_section_size  }
0xa0: {  	s5 =	simm.s32 $_size__tile_overlayer_lowered;
	s6 =	simm.s32 $_tile_overlayer_lowered  }
0xa1: {  	s22 =	simm.s32 $0x1BFF;
	s21 =	sshll.u32 s6, $0x1;
	s3 =	sadd.s32 s19, s18  }
0xa2: {  	s7 =	simm.s32 $0x0;
	s20 =	sshll.u32 s5, $0x1;
	s5 =	sadd.s32 s21, s3  }
0xa3: {  	[timem:s7], [sflag:s22] =	dma.local [hbm:s5], s20  }
0xa4: {  	_ =	swait.ge [sflag:s22], s20  }
0xa5: {  	s4 =	ssub.s32 $0x0, s20;
	[sflag:s22] =	ssyncset.done $0x0  }
0xa6: {  	[sflag:s22] =	ssyncadd.s32 s4;
	_ =	sdelay $0x1  }
0xa7: {  	s23 =	simm.s32 $0x1B8B  }
0xa8: {  	_ =	swait.ge [sflag:s23], $0x1  }
0xa9: {  	[sflag:s23] =	ssyncset.done $0x0  }
0xaa: {  	s25 =	simm.s32 $0x1B8E;
	s24 =	sld [smem:$0x3FFE];
	[sflag:s23] =	ssyncadd.s32 $0xFFFFFFFF  }
0xab: {  	s26 =	simm.s32 $execute0_lowered;
	[smem:$0x3FD2] =	sst s25  }
0xac: {  	s5 =	sshll.u32 s26, $0x1;
	_ =	strace $0x8000004C;
	[dreg:$0x1] =	wrdreg $0xFFFFFFFF  }
0xad: {  	s28 =	simm.s32 $_size_execute0_lowered;
	s3 =	sadd.s32 s3, s5;
	[dreg:$0x0] =	wrdreg $0x0  }
0xae: {  	s5 =	sshll.u32 s28, $0x1;
	[dreg:$0x2] =	wrdreg s3  }
0xaf: {  	[dreg:$0x3] =	wrdreg s5  }
0xb0: {  	[dreg:$0x4] =	wrdreg $0xC0  }
0xb1: {  	_ =	task [dreg:s7], $0x5FFFF  }
0xb2: {  	[dreg:$0x1] =	wrdreg $0xFFFFFFFF  }
0xb3: {  	[dreg:$0x0] =	wrdreg $0x60  }
0xb4: {  	[dreg:$0x2] =	wrdreg s24  }
0xb5: {  	[dreg:$0x3] =	wrdreg s16  }
0xb6: {  	[dreg:$0x4] =	wrdreg $0x118000  }
0xb7: {  	[dreg:$0x5] =	wrdreg $0x9  }
0xb8: {  	_ =	task.clear_ibuf [dreg:s7], $0x6FFFF;
	_ =	strace $0x9000004C  }
0xb9: {  	s29 =	simm.s32 $0x9;
	_ =	strace $0x8000004E  }
0xba: {  	_ =	swait.ge [sflag:s29], $0x1  }
0xbb: {  	[sflag:s29] =	ssyncadd.s32 $0xFFFFFFFF  }
0xbc: {  	_ =	strace $0x9000004E  }
0xbd: {  	_ =	sfence  }
0xbe: {  	s30 =	sld [smem:$0x0];
	_ =	sdelay $0x2  }
0xbf: {  	s31 =	sshll.u32 s1, $0xD;
	s1 =	sshrl.u32 s1, $0x2  }
0xc0: {  	s3 =	sand.u32 $0x4000, s31;
	s1 =	sadd.s32 s1, s30  }
0xc1: {  	s0 =	sor.u32 s3, s0;
	s1 =	sshll.u32 s1, $0x11  }
0xc2: {  	s0 =	sor.u32 s1, s0  }
0xc3: {  	s0 =	sadd.s32 $0x8F2B, s0  }
0xc4: {  	[sflag:s0] =	ssyncadd.remote.s32 $0x1  }
0xc5: {  	_ =	sfence.sel $0xFFFF  }
0xc6: {  	[dreg:$0x0] =	wrdreg $0xFFFFFFFF;
	(pc) =	sbr.abs _section_cstart, $3  }
0xc7: {  	[dreg:$0x1] =	wrdreg $0xFFFFFFFF  }
0xc8: {  	_ =	task.clear_ibuf [dreg:s7], $0x2FFFF;
	_ =	strace $0x9FFFFFFF  }
0xc9: {  	(tm) =	ssettm $0x7FFFFFFF  }
tec
execute0_lowered:
.L_overlay_start_1:
0x0: {  	(tag) =	ssettag $0x1  }
0x1: {  	s0 =	rddreg [dreg:$0x0]  }
0x2: {  	s1 =	srdreg.scid;
	s10 =	rddreg [dreg:$0x1]  }
0x3: {  	s6 =	stileid.u32;
	s2 =	rddreg [dreg:$0x2]  }
0x4: {  	s19 =	simm.s32 $0x3;
	s21 =	simm.s32 $0x80;
	s22 =	simm.s32 $0x7800  }
0x5: {  	s23 =	simm.s32 $0xB800;
	s24 =	simm.s32 $0x1;
	s25 =	simm.s32 $0x2  }
0x6: {  	s1 =	sand.u32 $0x1, s1;
	s3 =	sshll.u32 s6, $0x1;
	s5 =	smul.u32 $0x28000, s6  }
0x7: {  	s28 =	simm.s32 $0x7700;
	s12 =	smul.u32 $0xA000, s6;
	s4 =	sor.u32 s1, s3  }
0x8: {  	s3 =	simm.s32 $0x0;
	s26 =	ssub.s32 $0x2, s1;
	s1 =	smul.u32 $0xA0000, s1  }
0x9: {  	s29 =	simm.s32 $0x7780;
	s11 =	smul.u32 $0x500, s4;
	[smem:$0x7FF] =	sst s3  }
0xa: {  	s4 =	sadd.s32 $0x25200, s0;
	s7 =	sshrl.u32 s26, $0x1;
	s5 =	sshrl.u32 s5, $0x2  }
0xb: {  	s14 =	sadd.s32 $0x2000, s12;
	s15 =	sadd.s32 $0x4000, s12;
	s16 =	sadd.s32 $0x6000, s12  }
0xc: {  	s18 =	sadd.s32 $0x8000, s12;
	_ =	strace $0x8000004D;
	s17 =	ssub.s32 s26, s7  }
0xd: {  	s5 =	sadd.s32 s5, s2;
	s6 =	sadd.s32 s14, s2;
	s7 =	sadd.s32 s15, s2  }
0xe: {  	s8 =	sadd.s32 s16, s2;
	s9 =	sadd.s32 s18, s2;
	s12 =	sadd.s32 s12, s1  }
0xf: {  	s14 =	sadd.s32 s1, s14;
	s30 =	sadd.s32 s1, s15;
	s31 =	sadd.s32 s1, s16  }
0x10: {  	s1 =	sadd.s32 s1, s18;
	s18 =	simm.s32 $0xF800;
	s26 =	simm.s32 $0x2780  }
0x11: {  	s13 =	sadd.s32 s11, s0;
	s0 =	sadd.s32 $0x9A600, s0;
	s10 =	sadd.s32 s10, s11  }
0x12: {  	s12 =	sshrl.u32 s12, $0x3;
	s14 =	sshrl.u32 s14, $0x3;
	s15 =	sshrl.u32 s31, $0x3  }
0x13: {  	s1 =	sshrl.u32 s1, $0x3;
	s17 =	smax.u32 s17, $0x1;
	s11 =	sadd.s32 $0x1B200, s13  }
0x14: {  	s12 =	sadd.s32 s0, s12;
	s13 =	sadd.s32 s0, s14;
	s14 =	sshrl.u32 s30, $0x3  }
0x15: {  	v0 =	vimm.f32 $0.0e+00;
	v1 =	vimm.s32 $0x0;
	s15 =	sadd.s32 s0, s15;
	s16 =	sadd.s32 s0, s1;
	s14 =	sadd.s32 s0, s14  }
.LBB2_1:
0x16: {  	s1 =	simm.s32 $0x0;
	s0 =	simm.s32 $0x200  }
.LBB2_2:
0x17: {  	p0 =	sne.s32 s0, $0x7E00;
	[tilespmem:s1+$0xF870] =	vst v0  }
0x18: {  	[tilespmem:s1+$0xF800] =	vst v0  }
0x19: {  	[tilespmem:s1+$0xF810] =	vst v0  }
.Ltmp0:
0x1a: {  	[tilespmem:s1+$0xF820] =	vst v0;
	(pc) =	sbr.rel @p0 .LBB2_2-.Ltmp0, $4  }
0x1b: {  	[tilespmem:s1+$0xF830] =	vst v0  }
0x1c: {  	[tilespmem:s1+$0xF840] =	vst v0  }
0x1d: {  	[tilespmem:s1+$0xF850] =	vst v0  }
0x1e: {  	[tilespmem:s1+$0xF860] =	vst v0;
	s1 =	sshra.s32 s0, $0x2;
	s0 =	sadd.s32 $0x200, s0  }
0x1f: {  	[tilespmem:s1+$0xF870] =	vst v0  }
0x20: {  	[tilespmem:s1+$0xF800] =	vst v0  }
0x21: {  	[tilespmem:s1+$0xF810] =	vst v0  }
0x22: {  	[tilespmem:s1+$0xF820] =	vst v0  }
0x23: {  	[tilespmem:s1+$0xF830] =	vst v0  }
0x24: {  	[tilespmem:s1+$0xF840] =	vst v0  }
0x25: {  	[tilespmem:s1+$0xF850] =	vst v0  }
0x26: {  	[tilespmem:s1+$0xF860] =	vst v0  }
0x27: {  	[spmem:s5] =	stream.linear.scatter [tilespmem:s18], [sflag:$0x3], $0x2000, $0x38;
	[tilespmem:$0x1B800] =	vst v63  }
0x28: {  	_ =	swait.ge [sflag:s19], $0x2000  }
0x29: {  	[sflag:s19] =	ssyncset.done $0x0  }
0x2a: {  	[sflag:s19] =	ssyncadd.s32 $0xFFFFE000  }
0x2b: {  	[spmem:s6] =	stream.linear.scatter [tilespmem:s18], [sflag:$0x3], $0x2000, $0x38;
	[tilespmem:$0x1B800] =	vst v63  }
0x2c: {  	_ =	swait.ge [sflag:s19], $0x2000  }
0x2d: {  	[sflag:s19] =	ssyncset.done $0x0  }
0x2e: {  	[sflag:s19] =	ssyncadd.s32 $0xFFFFE000  }
0x2f: {  	[spmem:s7] =	stream.linear.scatter [tilespmem:s18], [sflag:$0x3], $0x2000, $0x38;
	[tilespmem:$0x1B800] =	vst v63  }
0x30: {  	_ =	swait.ge [sflag:s19], $0x2000  }
0x31: {  	[sflag:s19] =	ssyncset.done $0x0  }
0x32: {  	[sflag:s19] =	ssyncadd.s32 $0xFFFFE000  }
0x33: {  	[spmem:s8] =	stream.linear.scatter [tilespmem:s18], [sflag:$0x3], $0x2000, $0x38;
	[tilespmem:$0x1B800] =	vst v63  }
0x34: {  	_ =	swait.ge [sflag:s19], $0x2000  }
0x35: {  	[sflag:s19] =	ssyncset.done $0x0  }
0x36: {  	[sflag:s19] =	ssyncadd.s32 $0xFFFFE000  }
0x37: {  	[spmem:s9] =	stream.linear.scatter [tilespmem:s18], [sflag:$0x3], $0x2000, $0x38;
	[tilespmem:$0x1B800] =	vst v63  }
0x38: {  	_ =	swait.ge [sflag:s19], $0x2000  }
0x39: {  	[sflag:s19] =	ssyncset.done $0x0  }
0x3a: {  	[sflag:s19] =	ssyncadd.s32 $0xFFFFE000  }
0x3b: {  	s0 =	simm.s32 $0x0;
	[bflag:$0x0] =	sbarrier.arrive $0xFFFF  }
0x3c: {  	[tilespmem:s0], [sflag:$0x3] =	stream.linear.gather [hbm4b:s10+s0], $0x2800, $0x38;
	[tilespmem:$0x1B800] =	vst v63  }
0x3d: {  	_ =	swait.ge [sflag:s19], $0x2800  }
0x3e: {  	[sflag:s19] =	ssyncset.done $0x0  }
0x3f: {  	s20 =	simm.s32 $0x2800;
	[sflag:s19] =	ssyncadd.s32 $0xFFFFD800  }
0x40: {  	[tilespmem:s20], [sflag:$0x3] =	stream.linear.gather [hbm4b:s11+s0], $0x2800, $0x38;
	[tilespmem:$0x1B800] =	vst v63  }
0x41: {  	_ =	swait.ge [sflag:s19], $0x2800  }
0x42: {  	[sflag:s19] =	ssyncset.done $0x0  }
0x43: {  	s30 =	simm.s32 $0x0;
	[sflag:s19] =	ssyncadd.s32 $0xFFFFD800  }
0x44: {  	v2 =	vld [tilespmem:s30+$0x2800];
	_ =	sdelay $0x4  }
0x45: {  	v3 =	vand.u32 $0x1, v2;
	v2 =	vld [tilespmem:s30+$0x0];
	_ =	sdelay $0x2  }
0x46: {  	s1 =	simm.s32 $0x10;
	s31 =	simm.s32 $0x0;
	s0 =	simm.s32 $0x80;
	vm0 =	veq.s32 v3, $0x1  }
.LBB2_4:
0x47: {  	p0 =	sne.s32 s0, $0x9FC0;
	v3 =	vld [tilespmem:s1+$0x2800];
	v4 =	vsel vm0, $0x2710, v1  }
0x48: {  	v2 =	vadd.s32 v2, v4  }
.Ltmp1:
0x49: {  	[tilespmem:s31+$0x0] =	vst v2;
	s31 =	smov.u32 s1;
	(pc) =	sbr.rel @p0 .LBB2_4-.Ltmp1, $3  }
0x4a: {  	v2 =	vld [tilespmem:s31+$0x0];
	_ =	sdelay $0x1  }
0x4b: {  	v3 =	vand.u32 $0x1, v3  }
0x4c: {  	s1 =	sshra.s32 s0, $0x2;
	s0 =	sadd.s32 $0x40, s0;
	vm0 =	veq.s32 v3, $0x1  }
0x4d: {  	v3 =	vld [tilespmem:s1+$0x2800];
	v4 =	vsel vm0, $0x2710, v1  }
0x4e: {  	v2 =	vadd.s32 v2, v4  }
0x4f: {  	[tilespmem:s31+$0x0] =	vst v2  }
0x50: {  	v2 =	vld [tilespmem:s1+$0x0];
	_ =	sdelay $0x1  }
0x51: {  	v3 =	vand.u32 $0x1, v3  }
0x52: {  	vm15 =	veq.s32 v3, $0x1  }
0x53: {  	v3 =	vsel vm15, $0x2710, v1  }
0x54: {  	v2 =	vadd.s32 v2, v3  }
0x55: {  	[tilespmem:s1+$0x0] =	vst v2  }
0x56: {  	v3 =	vld [tilespmem:s30+$0x2870]  }
0x57: {  	v6 =	vld [tilespmem:s30+$0x2800]  }
0x58: {  	v7 =	vld [tilespmem:s30+$0x2810]  }
0x59: {  	v5 =	vld [tilespmem:s30+$0x2820]  }
0x5a: {  	v4 =	vld [tilespmem:s30+$0x2830]  }
0x5b: {  	v2 =	vld [tilespmem:s30+$0x2840];
	v8 =	vshra.s32 v3, $0x1  }
0x5c: {  	v3 =	vld [tilespmem:s30+$0x2850];
	v6 =	vshra.s32 v6, $0x1;
	[tilespmem:s30+$0x5070] =	vst v8  }
0x5d: {  	s31 =	simm.s32 $0x80;
	s1 =	simm.s32 $0x400;
	v7 =	vshra.s32 v7, $0x1;
	[tilespmem:s30+$0x5000] =	vst v6;
	v6 =	vld [tilespmem:s30+$0x2860]  }
.LBB2_6:
0x5e: {  	p0 =	sne.s32 s1, $0x9E00;
	v8 =	vld [tilespmem:s31+$0x2870];
	[tilespmem:s30+$0x5010] =	vst v7;
	v5 =	vshra.s32 v5, $0x1  }
0x5f: {  	v7 =	vld [tilespmem:s31+$0x2800];
	[tilespmem:s30+$0x5020] =	vst v5;
	v4 =	vshra.s32 v4, $0x1  }
0x60: {  	v9 =	vld [tilespmem:s31+$0x2810];
	[tilespmem:s30+$0x5030] =	vst v4;
	v2 =	vshra.s32 v2, $0x1  }
.Ltmp2:
0x61: {  	v5 =	vld [tilespmem:s31+$0x2820];
	[tilespmem:s30+$0x5040] =	vst v2;
	v2 =	vshra.s32 v3, $0x1;
	(pc) =	sbr.rel @p0 .LBB2_6-.Ltmp2, $4  }
0x62: {  	v4 =	vld [tilespmem:s31+$0x2830];
	[tilespmem:s30+$0x5050] =	vst v2;
	v3 =	vshra.s32 v6, $0x1  }
0x63: {  	v2 =	vld [tilespmem:s31+$0x2840];
	v6 =	vshra.s32 v8, $0x1;
	[tilespmem:s30+$0x5060] =	vst v3;
	s30 =	smov.u32 s31  }
0x64: {  	v7 =	vshra.s32 v7, $0x1;
	v3 =	vld [tilespmem:s30+$0x2850];
	[tilespmem:s30+$0x5070] =	vst v6  }
0x65: {  	s31 =	sshra.s32 s1, $0x2;
	s1 =	sadd.s32 $0x200, s1;
	[tilespmem:s30+$0x5000] =	vst v7;
	v7 =	vshra.s32 v9, $0x1;
	v6 =	vld [tilespmem:s30+$0x2860]  }
0x66: {  	v8 =	vld [tilespmem:s31+$0x2870];
	[tilespmem:s30+$0x5010] =	vst v7;
	v5 =	vshra.s32 v5, $0x1  }
0x67: {  	v7 =	vld [tilespmem:s31+$0x2800];
	[tilespmem:s30+$0x5020] =	vst v5;
	v4 =	vshra.s32 v4, $0x1  }
0x68: {  	v5 =	vld [tilespmem:s31+$0x2810];
	[tilespmem:s30+$0x5030] =	vst v4;
	v2 =	vshra.s32 v2, $0x1  }
0x69: {  	v4 =	vld [tilespmem:s31+$0x2820];
	[tilespmem:s30+$0x5040] =	vst v2;
	v2 =	vshra.s32 v3, $0x1  }
0x6a: {  	v3 =	vld [tilespmem:s31+$0x2830];
	[tilespmem:s30+$0x5050] =	vst v2;
	v2 =	vshra.s32 v6, $0x1  }
0x6b: {  	v61 =	vld [tilespmem:s31+$0x2840];
	[tilespmem:s30+$0x5060] =	vst v2;
	v2 =	vshra.s32 v8, $0x1  }
0x6c: {  	v62 =	vld [tilespmem:s31+$0x2850];
	v7 =	vshra.s32 v7, $0x1;
	[tilespmem:s31+$0x5070] =	vst v2  }
0x6d: {  	v63 =	vld [tilespmem:s31+$0x2860];
	[tilespmem:s31+$0x5000] =	vst v7;
	v2 =	vshra.s32 v5, $0x1  }
0x6e: {  	[tilespmem:s31+$0x5010] =	vst v2;
	v2 =	vshra.s32 v4, $0x1  }
0x6f: {  	[tilespmem:s31+$0x5020] =	vst v2;
	v2 =	vshra.s32 v3, $0x1  }
0x70: {  	[tilespmem:s31+$0x5030] =	vst v2;
	v2 =	vshra.s32 v61, $0x1  }
0x71: {  	[tilespmem:s31+$0x5040] =	vst v2;
	v2 =	vshra.s32 v62, $0x1  }
0x72: {  	[tilespmem:s31+$0x5050] =	vst v2;
	v2 =	vshra.s32 v63, $0x1  }
0x73: {  	s0 =	simm.s32 $0x0;
	[tilespmem:s31+$0x5060] =	vst v2  }
0x74: {  	[tilespmem:s22], [sflag:$0x1] =	stream.indirect.gather [hbm4b:s4+s21], $0x80, s0, s21, $0xb8;
	[tilespmem:$0x1B800] =	vst v63  }
0x75: {  	s31 =	simm.s32 $0x80  }
0x76: {  	[tilespmem:s23], [sflag:$0x2] =	stream.indirect.gather [hbm4b:s4+s21], $0x80, s31, s21, $0xb8;
	[tilespmem:$0x1B800] =	vst v63  }
0x77: {  	_ =	swait.ge [sflag:s24], $0x4000  }
0x78: {  	[sflag:s24] =	ssyncset.done $0x0  }
0x79: {  	s1 =	simm.s32 $0x5000;
	[sflag:s24] =	ssyncadd.s32 $0xFFFFC000  }
0x7a: {  	[spmem:s2] =	stream.indirect.scatter.add.f32 [tilespmem:s22], [sflag:$0x3], $0x80, s1, s21, $0xb8;
	[tilespmem:$0x1B800] =	vst v63  }
0x7b: {  	_ =	swait.ge [sflag:s19], $0x4000  }
0x7c: {  	[sflag:s19] =	ssyncset.done $0x0  }
0x7d: {  	s20 =	simm.s32 $0x100;
	[sflag:s19] =	ssyncadd.s32 $0xFFFFC000  }
0x7e: {  	[tilespmem:s22], [sflag:$0x1] =	stream.indirect.gather [hbm4b:s4+s21], $0x80, s20, s21, $0xb8;
	[tilespmem:$0x1B800] =	vst v63  }
0x7f: {  	_ =	swait.ge [sflag:s25], $0x4000  }
0x80: {  	[sflag:s25] =	ssyncset.done $0x0  }
0x81: {  	s31 =	simm.s32 $0x5080;
	[sflag:s25] =	ssyncadd.s32 $0xFFFFC000  }
0x82: {  	[spmem:s2] =	stream.indirect.scatter.add.f32 [tilespmem:s23], [sflag:$0x3], $0x80, s31, s21, $0xb8;
	[tilespmem:$0x1B800] =	vst v63  }
0x83: {  	_ =	swait.ge [sflag:s19], $0x4000  }
0x84: {  	s30 =	simm.s32 $0x100;
	s0 =	simm.s32 $0x800;
	[sflag:s19] =	ssyncset.done $0x0  }
.LBB2_8:
0x85: {  	s1 =	sadd.s32 $0x80, s30  }
0x86: {  	[sflag:s19] =	ssyncadd.s32 $0xFFFFC000;
	s31 =	smov.u32 s0;
	s20 =	sadd.s32 $0x400, s0  }
0x87: {  	[tilespmem:s23], [sflag:$0x2] =	stream.indirect.gather [hbm4b:s4+s21], $0x80, s1, s21, $0xb8;
	[tilespmem:$0x1B800] =	vst v63  }
0x88: {  	p0 =	sne.s32 s0, $0x9800;
	_ =	swait.ge [sflag:s24], $0x4000  }
0x89: {  	[sflag:s24] =	ssyncset.done $0x0  }
0x8a: {  	s0 =	sadd.s32 $0x5000, s30;
	[sflag:s24] =	ssyncadd.s32 $0xFFFFC000  }
0x8b: {  	[spmem:s2] =	stream.indirect.scatter.add.f32 [tilespmem:s22], [sflag:$0x3], $0x80, s0, s21, $0xb8;
	[tilespmem:$0x1B800] =	vst v63  }
0x8c: {  	_ =	swait.ge [sflag:s19], $0x4000  }
0x8d: {  	[sflag:s19] =	ssyncset.done $0x0  }
0x8e: {  	s0 =	sadd.s32 $0x100, s30;
	[sflag:s19] =	ssyncadd.s32 $0xFFFFC000  }
0x8f: {  	[tilespmem:s22], [sflag:$0x1] =	stream.indirect.gather [hbm4b:s4+s21], $0x80, s0, s21, $0xb8;
	[tilespmem:$0x1B800] =	vst v63  }
0x90: {  	_ =	swait.ge [sflag:s25], $0x4000  }
.Ltmp3:
0x91: {  	[sflag:s25] =	ssyncset.done $0x0;
	(pc) =	sbr.rel @p0 .LBB2_8-.Ltmp3, $4  }
0x92: {  	s0 =	sadd.s32 $0x5080, s30;
	[sflag:s25] =	ssyncadd.s32 $0xFFFFC000  }
0x93: {  	[spmem:s2] =	stream.indirect.scatter.add.f32 [tilespmem:s23], [sflag:$0x3], $0x80, s0, s21, $0xb8;
	[tilespmem:$0x1B800] =	vst v63  }
0x94: {  	_ =	swait.ge [sflag:s19], $0x4000  }
0x95: {  	s30 =	sshra.s32 s31, $0x2;
	s0 =	smov.u32 s20;
	[sflag:s19] =	ssyncset.done $0x0  }
0x96: {  	s0 =	sadd.s32 $0x80, s30;
	[sflag:s19] =	ssyncadd.s32 $0xFFFFC000  }
0x97: {  	[tilespmem:s23], [sflag:$0x2] =	stream.indirect.gather [hbm4b:s4+s21], $0x80, s0, s21, $0xb8;
	[tilespmem:$0x1B800] =	vst v63  }
0x98: {  	_ =	swait.ge [sflag:s24], $0x4000  }
0x99: {  	[sflag:s24] =	ssyncset.done $0x0  }
0x9a: {  	s31 =	sadd.s32 $0x5000, s30;
	[sflag:s24] =	ssyncadd.s32 $0xFFFFC000  }
0x9b: {  	[spmem:s2] =	stream.indirect.scatter.add.f32 [tilespmem:s22], [sflag:$0x3], $0x80, s31, s21, $0xb8;
	[tilespmem:$0x1B800] =	vst v63  }
0x9c: {  	_ =	swait.ge [sflag:s19], $0x4000  }
0x9d: {  	[sflag:s19] =	ssyncset.done $0x0  }
0x9e: {  	s1 =	sadd.s32 $0x100, s30;
	[sflag:s19] =	ssyncadd.s32 $0xFFFFC000  }
0x9f: {  	[tilespmem:s22], [sflag:$0x1] =	stream.indirect.gather [hbm4b:s4+s21], $0x80, s1, s21, $0xb8;
	[tilespmem:$0x1B800] =	vst v63  }
0xa0: {  	_ =	swait.ge [sflag:s25], $0x4000  }
0xa1: {  	[sflag:s25] =	ssyncset.done $0x0  }
0xa2: {  	s20 =	sadd.s32 $0x5080, s30;
	[sflag:s25] =	ssyncadd.s32 $0xFFFFC000  }
0xa3: {  	[spmem:s2] =	stream.indirect.scatter.add.f32 [tilespmem:s23], [sflag:$0x3], $0x80, s20, s21, $0xb8;
	[tilespmem:$0x1B800] =	vst v63  }
0xa4: {  	_ =	swait.ge [sflag:s19], $0x4000  }
0xa5: {  	[sflag:s19] =	ssyncset.done $0x0  }
0xa6: {  	[sflag:s19] =	ssyncadd.s32 $0xFFFFC000  }
0xa7: {  	[tilespmem:s23], [sflag:$0x2] =	stream.indirect.gather [hbm4b:s4+s21], $0x80, s26, s21, $0xb8;
	[tilespmem:$0x1B800] =	vst v63  }
0xa8: {  	_ =	swait.ge [sflag:s24], $0x4000  }
0xa9: {  	[sflag:s24] =	ssyncset.done $0x0  }
0xaa: {  	[sflag:s24] =	ssyncadd.s32 $0xFFFFC000  }
0xab: {  	[spmem:s2] =	stream.indirect.scatter.add.f32 [tilespmem:s22], [sflag:$0x3], $0x80, s28, s21, $0xb8;
	[tilespmem:$0x1B800] =	vst v63  }
0xac: {  	_ =	swait.ge [sflag:s19], $0x4000  }
0xad: {  	[sflag:s19] =	ssyncset.done $0x0  }
0xae: {  	[sflag:s19] =	ssyncadd.s32 $0xFFFFC000  }
0xaf: {  	_ =	swait.ge [sflag:s25], $0x4000  }
0xb0: {  	[sflag:s25] =	ssyncset.done $0x0  }
0xb1: {  	[sflag:s25] =	ssyncadd.s32 $0xFFFFC000  }
0xb2: {  	[spmem:s2] =	stream.indirect.scatter.add.f32 [tilespmem:s23], [sflag:$0x3], $0x80, s29, s21, $0xb8;
	[tilespmem:$0x1B800] =	vst v63  }
0xb3: {  	_ =	swait.ge [sflag:s19], $0x4000  }
0xb4: {  	s30 =	stileid.u32;
	[sflag:s19] =	ssyncset.done $0x0  }
0xb5: {  	s0 =	sshll.u32 s30, $0x6;
	[sflag:s19] =	ssyncadd.s32 $0xFFFFC000  }
0xb6: {  	s0 =	sor.u32 $0x1C03, s0;
	s1 =	sshrl.u32 s5, $0x3;
	[bflag:$0x0] =	sbarrier.arrive $0xFFFF  }
0xb7: {  	[hbm:s12], [sflag:s0] =	dma.local [spmem:s1], $0x400  }
0xb8: {  	_ =	swait.ge [sflag:s19], $0x400  }
0xb9: {  	[sflag:s19] =	ssyncset.done $0x0  }
0xba: {  	s31 =	sshrl.u32 s6, $0x3;
	[sflag:s19] =	ssyncadd.s32 $0xFFFFFC00  }
0xbb: {  	[hbm:s13], [sflag:s0] =	dma.local [spmem:s31], $0x400  }
0xbc: {  	_ =	swait.ge [sflag:s19], $0x400  }
0xbd: {  	[sflag:s19] =	ssyncset.done $0x0  }
0xbe: {  	s20 =	sshrl.u32 s7, $0x3;
	[sflag:s19] =	ssyncadd.s32 $0xFFFFFC00  }
0xbf: {  	[hbm:s14], [sflag:s0] =	dma.local [spmem:s20], $0x400  }
0xc0: {  	_ =	swait.ge [sflag:s19], $0x400  }
0xc1: {  	[sflag:s19] =	ssyncset.done $0x0  }
0xc2: {  	s30 =	sshrl.u32 s8, $0x3;
	[sflag:s19] =	ssyncadd.s32 $0xFFFFFC00  }
0xc3: {  	[hbm:s15], [sflag:s0] =	dma.local [spmem:s30], $0x400  }
0xc4: {  	s3 =	sadd.s32 $0x1, s3;
	_ =	swait.ge [sflag:s19], $0x400  }
0xc5: {  	p0 =	sne.s32 s3, s17;
	[sflag:s19] =	ssyncset.done $0x0  }
.Ltmp4:
0xc6: {  	s31 =	sshrl.u32 s9, $0x3;
	[sflag:s19] =	ssyncadd.s32 $0xFFFFFC00;
	(pc) =	sbr.rel @p0 .LBB2_1-.Ltmp4, $4  }
0xc7: {  	[hbm:s16], [sflag:s0] =	dma.local [spmem:s31], $0x400  }
0xc8: {  	_ =	swait.ge [sflag:s19], $0x400  }
0xc9: {  	[sflag:s19] =	ssyncset.done $0x0  }
0xca: {  	[sflag:s19] =	ssyncadd.s32 $0xFFFFFC00  }
0xcb: {  	_ =	sfence.sel $0x180000  }
0xcc: {  	[bflag:$0x0] =	sbarrier.arrive $0xFFFF  }
0xcd: {  	_ =	strace $0x9000004D  }
0xce: {  	s0 =	stileid.u32;
	[bflag:$0x2] =	sbarrier.arrive $0xFFFF  }
0xcf: {  	p0 =	sne.s32 s0, $0x0;
	s0 =	rddreg [dreg:$0x3]  }
0xd0: {  	s0 =	sadd.s32 @!p0 $0x100000, s0  }
0xd1: {  	[sflag:s0] =	ssyncadd.tile.s32 @!p0 $0x1;
	_ =	shalt  }
.Lfunc_end2:
_tile_overlayer_lowered:
.L_overlay_start_2:
0xd2: {  	(tag) =	ssettag $0x2  }
0xd3: {  	s0 =	rddreg [dreg:$0x0];
	s2 =	stileid.u32  }
0xd4: {  	s1 =	rddreg [dreg:$0x1];
	p0 =	sne.s32 s2, $0x0  }
0xd5: {  	s3 =	rddreg [dreg:$0x2];
	[bflag:$0x3] =	sbarrier.arrive $0xFFFF;
	s2 =	simm.s32 @!p0 $0x1C03  }
0xd6: {  	[timem:s3], [sflag:s2] =	dma.local @!p0 [hbm:s0], s1  }
0xd7: {  	s0 =	simm.s32 @!p0 $0x3  }
0xd8: {  	_ =	swait.ge @!p0 [sflag:s0], s1  }
0xd9: {  	s1 =	ssub.s32 @!p0 $0x0, s1;
	[sflag:s0] =	ssyncset.done @!p0 $0x0  }
0xda: {  	[sflag:s0] =	ssyncadd.s32 @!p0 s1  }
0xdb: {  	[bflag:$0x3] =	sbarrier.arrive $0xFFFF  }
0xdc: {  	_ =	shalt  }

// kernel: kernel.22.cloned.1.call-start
scs
__scs_entry_jumppad:
0x0: {  	(pc) =	sbr.rel $0x88, $3  }
0x1: {  	(tag) =	ssettag $0x0;
	lr =	simm.s32 $0x1  }
0x2: {  	[smem:$0x3F8C] =	sst lr;
	_ =	strace $0xD0000000  }
0x3: {  	_ = 	snop  }
0x4: {  	_ = 	snop  }
0x5: {  	_ = 	snop  }
0x6: {  	_ = 	snop  }
0x7: {  	_ = 	snop  }
__scs_overlays_trampoline_lowered:
0x8: {  	[smem:$0x3F9B] =	sst s0  }
0x9: {  	[smem:$0x3F9C] =	sst s1  }
0xa: {  	[smem:$0x3F9D] =	sst s2  }
0xb: {  	[smem:$0x3F9E] =	sst s3  }
0xc: {  	[smem:$0x3F9F] =	sst s4  }
0xd: {  	[smem:$0x3FA0] =	sst s5  }
0xe: {  	[smem:$0x3FA1] =	sst s6  }
0xf: {  	[smem:$0x3FA2] =	sst s7  }
0x10: {  	[smem:$0x3FA3] =	sst s8  }
0x11: {  	[smem:$0x3FA4] =	sst s9;
	s0 =	simm.s32 @!p0 $0x0  }
0x12: {  	s1 =	sld [smem:$0x3F8A];
	s0 =	simm.s32 @p0 $0x1  }
0x13: {  	[smem:$0x3FA5] =	sst s0;
	s0 =	simm.s32 @!p1 $0x0  }
0x14: {  	s2 =	sld [smem:$0x3F89];
	s0 =	simm.s32 @p1 $0x1  }
0x15: {  	[smem:$0x3FA6] =	sst s0;
	s0 =	simm.s32 @!p2 $0x0  }
0x16: {  	s3 =	sld [smem:$0x3FDB];
	s0 =	simm.s32 @p2 $0x1  }
0x17: {  	s4 =	simm.s32 $0x1BF5;
	[smem:$0x3FA8] =	sst s0  }
0x18: {  	s0 =	sld [smem:$0x3F8B];
	_ =	swait.ge [sflag:s4], $0x0  }
0x19: {  	s7 =	sld [smem:$0x3F8C]  }
0x1a: {  	s8 =	sadd.s32 $0xFFFFE003, lr  }
0x1b: {  	s9 =	sadd.s32 $0xFFFFFEF7, lr;
	s5 =	simm.s32 $0xFFFFFFFF;
	p2 =	slt.u32 s8, $0xFFFFF086  }
0x1c: {  	p1 =	slt.u32 s9, $0xF7A;
	s5 =	simm.s32 @!p2 $0x0  }
0x1d: {  	s5 =	simm.s32 @p1 $0x1;
	p0 =	seq.s32 s7, s2  }
0x1e: {  	s7 =	smul.u32 @!p0 $0xF7A, s2;
	p2 =	seq.s32 @!p0 s5, $0x0  }
0x1f: {  	s9 =	smul.u32 $0xF7A, s1;
	s8 =	simm.s32 @!p0 $0x1BF5;
	p2 =	por !p2, p0  }
0x20: {  	[sflag:s8] =	ssyncset.s32 @!p0 $0xFFFFF086;
	s6 =	sadd.s32 @!p0 s3, s7;
	s7 =	simm.s32 @!p0 $0x108  }
0x21: {  	s3 =	sadd.s32 s3, s9;
	s6 =	sadd.s32 @!p0 $0x88, s6;
	s7 =	simm.s32 @p2 $0x1082  }
0x22: {  	[simem:s7], [sflag:s8] =	dma.local @!p0 [hbm:s6], $0xF7A  }
0x23: {  	s9 =	sor.u32 $0xD0000000, s2;
	s6 =	simm.s32 $0x108;
	_ =	swait.ge @!p0 [sflag:s8], $0x0  }
0x24: {  	s3 =	sadd.s32 $0x88, s3;
	s6 =	simm.s32 @!p1 $0x1082;
	[sflag:s4] =	ssyncset.s32 $0xFFFFF086  }
0x25: {  	[simem:s6], [sflag:s4] =	dma.local [hbm:s3], $0xF7A  }
0x26: {  	[smem:$0x3F8C] =	sst s1;
	(tag) =	ssettag s2;
	_ =	strace s9  }
0x27: {  	s1 =	sld [smem:$0x3F9C]  }
0x28: {  	s2 =	sld [smem:$0x3F9D]  }
0x29: {  	s4 =	sld [smem:$0x3F9F]  }
0x2a: {  	p0 =	seq.s32 s5, $0x0;
	s5 =	sld [smem:$0x3FA0]  }
0x2b: {  	s6 =	sld [smem:$0x3FA1]  }
0x2c: {  	s7 =	sld [smem:$0x3FA2]  }
0x2d: {  	s3 =	simm.s32 $0x108;
	s8 =	sld [smem:$0x3FA3]  }
0x2e: {  	s3 =	simm.s32 @!p0 $0x1082;
	s9 =	sld [smem:$0x3FA4]  }
0x2f: {  	lr =	sadd.s32 s0, s3;
	s0 =	sld [smem:$0x3F9B]  }
0x30: {  	s3 =	sld [smem:$0x3F9E]  }
0x31: {  	[smem:$0x3FA7] =	sst s10  }
0x32: {  	s10 =	sld [smem:$0x3FA5];
	_ =	sdelay $0x3  }
0x33: {  	p0 =	seq.s32 s10, $0x1;
	s10 =	sld [smem:$0x3FA7];
	_ =	sdelay $0x3  }
0x34: {  	[smem:$0x3FA7] =	sst s10  }
0x35: {  	s10 =	sld [smem:$0x3FA6];
	_ =	sdelay $0x3  }
0x36: {  	p1 =	seq.s32 s10, $0x1;
	s10 =	sld [smem:$0x3FA7];
	_ =	sdelay $0x3  }
0x37: {  	[smem:$0x3FA7] =	sst s10  }
0x38: {  	s10 =	sld [smem:$0x3FA8]  }
0x39: {  	_ = 	snop;
	(pc) =	sbr.ind lr, $3  }
0x3a: {  	_ = 	snop  }
0x3b: {  	_ = 	snop  }
0x3c: {  	p2 =	seq.s32 s10, $0x1;
	s10 =	sld [smem:$0x3FA7]  }
0x3d: {  	_ =	shalt  }
0x3e: {  	_ =	shalt  }
0x3f: {  	_ =	shalt  }
0x40: {  	_ =	shalt  }
0x41: {  	_ =	shalt  }
0x42: {  	_ =	shalt  }
0x43: {  	_ =	shalt  }
0x44: {  	_ =	shalt  }
0x45: {  	_ =	shalt  }
0x46: {  	_ =	shalt  }
0x47: {  	_ =	shalt  }
0x48: {  	_ =	shalt  }
0x49: {  	_ =	shalt  }
0x4a: {  	_ =	shalt  }
0x4b: {  	_ =	shalt  }
0x4c: {  	_ =	shalt  }
0x4d: {  	_ =	shalt  }
0x4e: {  	_ =	shalt  }
0x4f: {  	_ =	shalt  }
0x50: {  	_ =	shalt  }
0x51: {  	_ =	shalt  }
0x52: {  	_ =	shalt  }
0x53: {  	_ =	shalt  }
0x54: {  	_ =	shalt  }
0x55: {  	_ =	shalt  }
0x56: {  	_ =	shalt  }
0x57: {  	_ =	shalt  }
0x58: {  	_ =	shalt  }
0x59: {  	_ =	shalt  }
0x5a: {  	_ =	shalt  }
0x5b: {  	_ =	shalt  }
0x5c: {  	_ =	shalt  }
0x5d: {  	_ =	shalt  }
0x5e: {  	_ =	shalt  }
0x5f: {  	_ =	shalt  }
0x60: {  	_ =	shalt  }
0x61: {  	_ =	shalt  }
0x62: {  	_ =	shalt  }
0x63: {  	_ =	shalt  }
0x64: {  	_ =	shalt  }
0x65: {  	_ =	shalt  }
0x66: {  	_ =	shalt  }
0x67: {  	_ =	shalt  }
0x68: {  	_ =	shalt  }
0x69: {  	_ =	shalt  }
0x6a: {  	_ =	shalt  }
0x6b: {  	_ =	shalt  }
0x6c: {  	_ =	shalt  }
0x6d: {  	_ =	shalt  }
0x6e: {  	_ =	shalt  }
0x6f: {  	_ =	shalt  }
0x70: {  	_ =	shalt  }
0x71: {  	_ =	shalt  }
0x72: {  	_ =	shalt  }
0x73: {  	_ =	shalt  }
0x74: {  	_ =	shalt  }
0x75: {  	_ =	shalt  }
0x76: {  	_ =	shalt  }
0x77: {  	_ =	shalt  }
0x78: {  	_ =	shalt  }
0x79: {  	_ =	shalt  }
0x7a: {  	_ =	shalt  }
0x7b: {  	_ =	shalt  }
0x7c: {  	_ =	shalt  }
0x7d: {  	_ =	shalt  }
0x7e: {  	_ =	shalt  }
0x7f: {  	_ =	shalt  }
0x80: {  	_ =	shalt  }
0x81: {  	_ =	shalt  }
0x82: {  	_ =	shalt  }
0x83: {  	_ =	shalt  }
0x84: {  	_ =	shalt  }
0x85: {  	_ =	shalt  }
0x86: {  	_ =	shalt  }
0x87: {  	_ =	shalt  }
.Lfunc_end0:
.L_simem_size_0:
called_computation.3_lowered:
.L_overlay_start_0:
0x88: {  	s2 =	sld [smem:$0x3FD9]  }
0x89: {  	s3 =	sld [smem:$0x3FFE];
	_ =	sdelay $0x1  }
0x8a: {  	s1 =	srdreg.scid  }
0x8b: {  	s0 =	sand.u32 $0x1, s1  }
0x8c: {  	s14 =	sshll.u32 s0, $0xA;
	s2 =	sadd.s32 s3, s2  }
0x8d: {  	s2 =	sadd.s32 s2, s14  }
0x8e: {  	[smem:$0x3FB3] =	sst s2  }
0x8f: {  	_ = 	snop  }
0x90: {  	s2 =	sld [smem:$0x3FD0];
	_ =	sdelay $0x2  }
0x91: {  	s15 =	simm.s32 $0xA;
	s4 =	simm.s32 $0x10  }
0x92: {  	[smem:s4], [sflag:s15] =	dma.local [hbm:s2], $0x1  }
0x93: {  	_ =	swait.eq [sflag:s15], $0x1  }
0x94: {  	[sflag:s15] =	ssyncset.done $0x0  }
0x95: {  	[sflag:s15] =	ssyncadd.s32 $0xFFFFFFFF  }
0x96: {  	s16 =	sld [smem:$0x10];
	(tm) =	ssettm $0x1  }
0x97: {  	s17 =	sld [smem:$0x3FFB];
	_ =	sdelay $0x3  }
0x98: {  	_ =	strace s17  }
0x99: {  	s3 =	sld [smem:$0x3FFC];
	_ =	sdelay $0x3  }
0x9a: {  	_ =	strace s3  }
0x9b: {  	s3 =	sld [smem:$0x3FFD];
	_ =	sdelay $0x3  }
0x9c: {  	_ =	strace s3  }
0x9d: {  	_ =	strace $0x8FFFFFFF  }
0x9e: {  	s18 =	sld [smem:$0x3FDB];
	_ =	sdelay $0x1  }
0x9f: {  	s19 =	simm.s32 $_scs_section_size  }
0xa0: {  	s5 =	simm.s32 $_size__tile_overlayer_lowered;
	s6 =	simm.s32 $_tile_overlayer_lowered  }
0xa1: {  	s22 =	simm.s32 $0x1BFF;
	s21 =	sshll.u32 s6, $0x1;
	s3 =	sadd.s32 s19, s18  }
0xa2: {  	s7 =	simm.s32 $0x0;
	s20 =	sshll.u32 s5, $0x1;
	s5 =	sadd.s32 s21, s3  }
0xa3: {  	[timem:s7], [sflag:s22] =	dma.local [hbm:s5], s20  }
0xa4: {  	_ =	swait.ge [sflag:s22], s20  }
0xa5: {  	s4 =	ssub.s32 $0x0, s20;
	[sflag:s22] =	ssyncset.done $0x0  }
0xa6: {  	[sflag:s22] =	ssyncadd.s32 s4;
	_ =	sdelay $0x1  }
0xa7: {  	s23 =	simm.s32 $0x1B8B  }
0xa8: {  	_ =	swait.ge [sflag:s23], $0x1  }
0xa9: {  	[sflag:s23] =	ssyncset.done $0x0  }
0xaa: {  	s25 =	simm.s32 $0x1B8E;
	s24 =	sld [smem:$0x3FFE];
	[sflag:s23] =	ssyncadd.s32 $0xFFFFFFFF  }
0xab: {  	s26 =	simm.s32 $execute0_lowered;
	[smem:$0x3FD2] =	sst s25  }
0xac: {  	s5 =	sshll.u32 s26, $0x1;
	_ =	strace $0x8000004F;
	[dreg:$0x1] =	wrdreg $0xFFFFFFFF  }
0xad: {  	s28 =	simm.s32 $_size_execute0_lowered;
	s3 =	sadd.s32 s3, s5;
	[dreg:$0x0] =	wrdreg $0x0  }
0xae: {  	s5 =	sshll.u32 s28, $0x1;
	[dreg:$0x2] =	wrdreg s3  }
0xaf: {  	[dreg:$0x3] =	wrdreg s5  }
0xb0: {  	[dreg:$0x4] =	wrdreg $0xC0  }
0xb1: {  	_ =	task [dreg:s7], $0x5FFFF  }
0xb2: {  	[dreg:$0x1] =	wrdreg $0xFFFFFFFF  }
0xb3: {  	[dreg:$0x0] =	wrdreg $0x60  }
0xb4: {  	[dreg:$0x2] =	wrdreg s24  }
0xb5: {  	[dreg:$0x3] =	wrdreg s16  }
0xb6: {  	[dreg:$0x4] =	wrdreg $0x118000  }
0xb7: {  	[dreg:$0x5] =	wrdreg $0x9  }
0xb8: {  	_ =	task.clear_ibuf [dreg:s7], $0x6FFFF;
	_ =	strace $0x9000004F  }
0xb9: {  	s29 =	simm.s32 $0x9;
	_ =	strace $0x80000051  }
0xba: {  	_ =	swait.ge [sflag:s29], $0x1  }
0xbb: {  	[sflag:s29] =	ssyncadd.s32 $0xFFFFFFFF  }
0xbc: {  	_ =	strace $0x90000051  }
0xbd: {  	_ =	sfence  }
0xbe: {  	s30 =	sld [smem:$0x0];
	_ =	sdelay $0x2  }
0xbf: {  	s31 =	sshll.u32 s1, $0xD;
	s1 =	sshrl.u32 s1, $0x2  }
0xc0: {  	s3 =	sand.u32 $0x4000, s31;
	s1 =	sadd.s32 s1, s30  }
0xc1: {  	s0 =	sor.u32 s3, s0;
	s1 =	sshll.u32 s1, $0x11  }
0xc2: {  	s0 =	sor.u32 s1, s0  }
0xc3: {  	s0 =	sadd.s32 $0x8F2B, s0  }
0xc4: {  	[sflag:s0] =	ssyncadd.remote.s32 $0x1  }
0xc5: {  	_ =	sfence.sel $0xFFFF  }
0xc6: {  	[dreg:$0x0] =	wrdreg $0xFFFFFFFF;
	(pc) =	sbr.abs _section_cstart, $3  }
0xc7: {  	[dreg:$0x1] =	wrdreg $0xFFFFFFFF  }
0xc8: {  	_ =	task.clear_ibuf [dreg:s7], $0x2FFFF;
	_ =	strace $0x9FFFFFFF  }
0xc9: {  	(tm) =	ssettm $0x7FFFFFFF  }
tec
execute0_lowered:
.L_overlay_start_1:
0x0: {  	(tag) =	ssettag $0x1  }
0x1: {  	s0 =	rddreg [dreg:$0x0]  }
0x2: {  	s1 =	rddreg [dreg:$0x1];
	s3 =	srdreg.scid  }
0x3: {  	s6 =	stileid.u32;
	s2 =	rddreg [dreg:$0x2]  }
0x4: {  	s19 =	simm.s32 $0x3;
	s21 =	simm.s32 $0x80;
	s22 =	simm.s32 $0x7800  }
0x5: {  	s28 =	simm.s32 $0x7700;
	s29 =	simm.s32 $0x7780;
	s5 =	smul.u32 $0x28000, s6  }
0x6: {  	s7 =	sand.u32 $0x1, s3;
	s4 =	sshll.u32 s6, $0x1;
	s11 =	smul.u32 $0xA000, s6  }
0x7: {  	s3 =	simm.s32 $0x0;
	s4 =	sor.u32 s7, s4;
	s16 =	smul.u32 $0xA0000, s7  }
0x8: {  	[smem:$0x7FF] =	sst s3;
	s23 =	ssub.s32 $0x2, s7;
	s10 =	smul.u32 $0x500, s4  }
0x9: {  	_ =	strace $0x80000050;
	s4 =	sadd.s32 $0x161800, s0;
	s8 =	sshrl.u32 s23, $0x1  }
0xa: {  	s5 =	sshrl.u32 s5, $0x2;
	s13 =	sadd.s32 $0x2000, s11;
	s14 =	sadd.s32 $0x4000, s11  }
0xb: {  	s15 =	sadd.s32 $0x6000, s11;
	s18 =	sadd.s32 $0x8000, s11;
	s17 =	ssub.s32 s23, s8  }
0xc: {  	s5 =	sadd.s32 s5, s2;
	s6 =	sadd.s32 s13, s2;
	s7 =	sadd.s32 s14, s2  }
0xd: {  	s8 =	sadd.s32 s15, s2;
	s9 =	sadd.s32 s18, s2;
	s11 =	sadd.s32 s11, s16  }
0xe: {  	s13 =	sadd.s32 s16, s13;
	s25 =	sadd.s32 s16, s14;
	s26 =	sadd.s32 s16, s15  }
0xf: {  	s30 =	sadd.s32 s16, s18;
	s23 =	simm.s32 $0xB800;
	s12 =	sadd.s32 s10, s0  }
0x10: {  	s0 =	sadd.s32 $0xC1800, s0;
	s10 =	sadd.s32 s1, s10;
	s24 =	sshrl.u32 s11, $0x3  }
0x11: {  	s13 =	sshrl.u32 s13, $0x3;
	s1 =	sshrl.u32 s25, $0x3;
	s31 =	sshrl.u32 s26, $0x3  }
0x12: {  	s18 =	sshrl.u32 s30, $0x3;
	s17 =	smax.u32 s17, $0x1;
	s25 =	simm.s32 $0x2  }
0x13: {  	s26 =	simm.s32 $0x2780;
	s11 =	sadd.s32 $0x1B200, s12;
	s12 =	sadd.s32 s0, s24  }
0x14: {  	s13 =	sadd.s32 s0, s13;
	s14 =	sadd.s32 s0, s1;
	s15 =	sadd.s32 s0, s31  }
0x15: {  	v0 =	vimm.f32 $0.0e+00;
	v1 =	vimm.s32 $0x0;
	s16 =	sadd.s32 s0, s18;
	s18 =	simm.s32 $0xF800;
	s24 =	simm.s32 $0x1  }
.LBB2_1:
0x16: {  	s1 =	simm.s32 $0x0;
	s0 =	simm.s32 $0x200  }
.LBB2_2:
0x17: {  	p0 =	sne.s32 s0, $0x7E00;
	[tilespmem:s1+$0xF870] =	vst v0  }
0x18: {  	[tilespmem:s1+$0xF800] =	vst v0  }
0x19: {  	[tilespmem:s1+$0xF810] =	vst v0  }
.Ltmp0:
0x1a: {  	[tilespmem:s1+$0xF820] =	vst v0;
	(pc) =	sbr.rel @p0 .LBB2_2-.Ltmp0, $4  }
0x1b: {  	[tilespmem:s1+$0xF830] =	vst v0  }
0x1c: {  	[tilespmem:s1+$0xF840] =	vst v0  }
0x1d: {  	[tilespmem:s1+$0xF850] =	vst v0  }
0x1e: {  	[tilespmem:s1+$0xF860] =	vst v0;
	s1 =	sshra.s32 s0, $0x2;
	s0 =	sadd.s32 $0x200, s0  }
0x1f: {  	[tilespmem:s1+$0xF870] =	vst v0  }
0x20: {  	[tilespmem:s1+$0xF800] =	vst v0  }
0x21: {  	[tilespmem:s1+$0xF810] =	vst v0  }
0x22: {  	[tilespmem:s1+$0xF820] =	vst v0  }
0x23: {  	[tilespmem:s1+$0xF830] =	vst v0  }
0x24: {  	[tilespmem:s1+$0xF840] =	vst v0  }
0x25: {  	[tilespmem:s1+$0xF850] =	vst v0  }
0x26: {  	[tilespmem:s1+$0xF860] =	vst v0  }
0x27: {  	[spmem:s5] =	stream.linear.scatter [tilespmem:s18], [sflag:$0x3], $0x2000, $0x38;
	[tilespmem:$0x1B800] =	vst v63  }
0x28: {  	_ =	swait.ge [sflag:s19], $0x2000  }
0x29: {  	[sflag:s19] =	ssyncset.done $0x0  }
0x2a: {  	[sflag:s19] =	ssyncadd.s32 $0xFFFFE000  }
0x2b: {  	[spmem:s6] =	stream.linear.scatter [tilespmem:s18], [sflag:$0x3], $0x2000, $0x38;
	[tilespmem:$0x1B800] =	vst v63  }
0x2c: {  	_ =	swait.ge [sflag:s19], $0x2000  }
0x2d: {  	[sflag:s19] =	ssyncset.done $0x0  }
0x2e: {  	[sflag:s19] =	ssyncadd.s32 $0xFFFFE000  }
0x2f: {  	[spmem:s7] =	stream.linear.scatter [tilespmem:s18], [sflag:$0x3], $0x2000, $0x38;
	[tilespmem:$0x1B800] =	vst v63  }
0x30: {  	_ =	swait.ge [sflag:s19], $0x2000  }
0x31: {  	[sflag:s19] =	ssyncset.done $0x0  }
0x32: {  	[sflag:s19] =	ssyncadd.s32 $0xFFFFE000  }
0x33: {  	[spmem:s8] =	stream.linear.scatter [tilespmem:s18], [sflag:$0x3], $0x2000, $0x38;
	[tilespmem:$0x1B800] =	vst v63  }
0x34: {  	_ =	swait.ge [sflag:s19], $0x2000  }
0x35: {  	[sflag:s19] =	ssyncset.done $0x0  }
0x36: {  	[sflag:s19] =	ssyncadd.s32 $0xFFFFE000  }
0x37: {  	[spmem:s9] =	stream.linear.scatter [tilespmem:s18], [sflag:$0x3], $0x2000, $0x38;
	[tilespmem:$0x1B800] =	vst v63  }
0x38: {  	_ =	swait.ge [sflag:s19], $0x2000  }
0x39: {  	[sflag:s19] =	ssyncset.done $0x0  }
0x3a: {  	[sflag:s19] =	ssyncadd.s32 $0xFFFFE000  }
0x3b: {  	s0 =	simm.s32 $0x0;
	[bflag:$0x0] =	sbarrier.arrive $0xFFFF  }
0x3c: {  	[tilespmem:s0], [sflag:$0x3] =	stream.linear.gather [hbm4b:s10+s0], $0x2800, $0x38;
	[tilespmem:$0x1B800] =	vst v63  }
0x3d: {  	_ =	swait.ge [sflag:s19], $0x2800  }
0x3e: {  	[sflag:s19] =	ssyncset.done $0x0  }
0x3f: {  	s20 =	simm.s32 $0x2800;
	[sflag:s19] =	ssyncadd.s32 $0xFFFFD800  }
0x40: {  	[tilespmem:s20], [sflag:$0x3] =	stream.linear.gather [hbm4b:s11+s0], $0x2800, $0x38;
	[tilespmem:$0x1B800] =	vst v63  }
0x41: {  	_ =	swait.ge [sflag:s19], $0x2800  }
0x42: {  	[sflag:s19] =	ssyncset.done $0x0  }
0x43: {  	s30 =	simm.s32 $0x0;
	[sflag:s19] =	ssyncadd.s32 $0xFFFFD800  }
0x44: {  	v2 =	vld [tilespmem:s30+$0x2800];
	_ =	sdelay $0x4  }
0x45: {  	v3 =	vand.u32 $0x1, v2;
	v2 =	vld [tilespmem:s30+$0x0];
	_ =	sdelay $0x2  }
0x46: {  	s1 =	simm.s32 $0x10;
	s31 =	simm.s32 $0x0;
	s0 =	simm.s32 $0x80;
	vm0 =	veq.s32 v3, $0x1  }
.LBB2_4:
0x47: {  	p0 =	sne.s32 s0, $0x9FC0;
	v3 =	vld [tilespmem:s1+$0x2800];
	v4 =	vsel vm0, $0x2710, v1  }
0x48: {  	v2 =	vadd.s32 v2, v4  }
.Ltmp1:
0x49: {  	[tilespmem:s31+$0x0] =	vst v2;
	s31 =	smov.u32 s1;
	(pc) =	sbr.rel @p0 .LBB2_4-.Ltmp1, $3  }
0x4a: {  	v2 =	vld [tilespmem:s31+$0x0];
	_ =	sdelay $0x1  }
0x4b: {  	v3 =	vand.u32 $0x1, v3  }
0x4c: {  	s1 =	sshra.s32 s0, $0x2;
	s0 =	sadd.s32 $0x40, s0;
	vm0 =	veq.s32 v3, $0x1  }
0x4d: {  	v3 =	vld [tilespmem:s1+$0x2800];
	v4 =	vsel vm0, $0x2710, v1  }
0x4e: {  	v2 =	vadd.s32 v2, v4  }
0x4f: {  	[tilespmem:s31+$0x0] =	vst v2  }
0x50: {  	v2 =	vld [tilespmem:s1+$0x0];
	_ =	sdelay $0x1  }
0x51: {  	v3 =	vand.u32 $0x1, v3  }
0x52: {  	vm15 =	veq.s32 v3, $0x1  }
0x53: {  	v3 =	vsel vm15, $0x2710, v1  }
0x54: {  	v2 =	vadd.s32 v2, v3  }
0x55: {  	[tilespmem:s1+$0x0] =	vst v2  }
0x56: {  	v3 =	vld [tilespmem:s30+$0x2870]  }
0x57: {  	v6 =	vld [tilespmem:s30+$0x2800]  }
0x58: {  	v7 =	vld [tilespmem:s30+$0x2810]  }
0x59: {  	v5 =	vld [tilespmem:s30+$0x2820]  }
0x5a: {  	v4 =	vld [tilespmem:s30+$0x2830]  }
0x5b: {  	v2 =	vld [tilespmem:s30+$0x2840];
	v8 =	vshra.s32 v3, $0x1  }
0x5c: {  	v3 =	vld [tilespmem:s30+$0x2850];
	v6 =	vshra.s32 v6, $0x1;
	[tilespmem:s30+$0x5070] =	vst v8  }
0x5d: {  	s31 =	simm.s32 $0x80;
	s1 =	simm.s32 $0x400;
	v7 =	vshra.s32 v7, $0x1;
	[tilespmem:s30+$0x5000] =	vst v6;
	v6 =	vld [tilespmem:s30+$0x2860]  }
.LBB2_6:
0x5e: {  	p0 =	sne.s32 s1, $0x9E00;
	v8 =	vld [tilespmem:s31+$0x2870];
	[tilespmem:s30+$0x5010] =	vst v7;
	v5 =	vshra.s32 v5, $0x1  }
0x5f: {  	v7 =	vld [tilespmem:s31+$0x2800];
	[tilespmem:s30+$0x5020] =	vst v5;
	v4 =	vshra.s32 v4, $0x1  }
0x60: {  	v9 =	vld [tilespmem:s31+$0x2810];
	[tilespmem:s30+$0x5030] =	vst v4;
	v2 =	vshra.s32 v2, $0x1  }
.Ltmp2:
0x61: {  	v5 =	vld [tilespmem:s31+$0x2820];
	[tilespmem:s30+$0x5040] =	vst v2;
	v2 =	vshra.s32 v3, $0x1;
	(pc) =	sbr.rel @p0 .LBB2_6-.Ltmp2, $4  }
0x62: {  	v4 =	vld [tilespmem:s31+$0x2830];
	[tilespmem:s30+$0x5050] =	vst v2;
	v3 =	vshra.s32 v6, $0x1  }
0x63: {  	v2 =	vld [tilespmem:s31+$0x2840];
	v6 =	vshra.s32 v8, $0x1;
	[tilespmem:s30+$0x5060] =	vst v3;
	s30 =	smov.u32 s31  }
0x64: {  	v7 =	vshra.s32 v7, $0x1;
	v3 =	vld [tilespmem:s30+$0x2850];
	[tilespmem:s30+$0x5070] =	vst v6  }
0x65: {  	s31 =	sshra.s32 s1, $0x2;
	s1 =	sadd.s32 $0x200, s1;
	[tilespmem:s30+$0x5000] =	vst v7;
	v7 =	vshra.s32 v9, $0x1;
	v6 =	vld [tilespmem:s30+$0x2860]  }
0x66: {  	v8 =	vld [tilespmem:s31+$0x2870];
	[tilespmem:s30+$0x5010] =	vst v7;
	v5 =	vshra.s32 v5, $0x1  }
0x67: {  	v7 =	vld [tilespmem:s31+$0x2800];
	[tilespmem:s30+$0x5020] =	vst v5;
	v4 =	vshra.s32 v4, $0x1  }
0x68: {  	v5 =	vld [tilespmem:s31+$0x2810];
	[tilespmem:s30+$0x5030] =	vst v4;
	v2 =	vshra.s32 v2, $0x1  }
0x69: {  	v4 =	vld [tilespmem:s31+$0x2820];
	[tilespmem:s30+$0x5040] =	vst v2;
	v2 =	vshra.s32 v3, $0x1  }
0x6a: {  	v3 =	vld [tilespmem:s31+$0x2830];
	[tilespmem:s30+$0x5050] =	vst v2;
	v2 =	vshra.s32 v6, $0x1  }
0x6b: {  	v61 =	vld [tilespmem:s31+$0x2840];
	[tilespmem:s30+$0x5060] =	vst v2;
	v2 =	vshra.s32 v8, $0x1  }
0x6c: {  	v62 =	vld [tilespmem:s31+$0x2850];
	v7 =	vshra.s32 v7, $0x1;
	[tilespmem:s31+$0x5070] =	vst v2  }
0x6d: {  	v63 =	vld [tilespmem:s31+$0x2860];
	[tilespmem:s31+$0x5000] =	vst v7;
	v2 =	vshra.s32 v5, $0x1  }
0x6e: {  	[tilespmem:s31+$0x5010] =	vst v2;
	v2 =	vshra.s32 v4, $0x1  }
0x6f: {  	[tilespmem:s31+$0x5020] =	vst v2;
	v2 =	vshra.s32 v3, $0x1  }
0x70: {  	[tilespmem:s31+$0x5030] =	vst v2;
	v2 =	vshra.s32 v61, $0x1  }
0x71: {  	[tilespmem:s31+$0x5040] =	vst v2;
	v2 =	vshra.s32 v62, $0x1  }
0x72: {  	[tilespmem:s31+$0x5050] =	vst v2;
	v2 =	vshra.s32 v63, $0x1  }
0x73: {  	s0 =	simm.s32 $0x0;
	[tilespmem:s31+$0x5060] =	vst v2  }
0x74: {  	[tilespmem:s22], [sflag:$0x1] =	stream.indirect.gather [hbm4b:s4+s21], $0x80, s0, s21, $0xb8;
	[tilespmem:$0x1B800] =	vst v63  }
0x75: {  	s31 =	simm.s32 $0x80  }
0x76: {  	[tilespmem:s23], [sflag:$0x2] =	stream.indirect.gather [hbm4b:s4+s21], $0x80, s31, s21, $0xb8;
	[tilespmem:$0x1B800] =	vst v63  }
0x77: {  	_ =	swait.ge [sflag:s24], $0x4000  }
0x78: {  	[sflag:s24] =	ssyncset.done $0x0  }
0x79: {  	s1 =	simm.s32 $0x5000;
	[sflag:s24] =	ssyncadd.s32 $0xFFFFC000  }
0x7a: {  	[spmem:s2] =	stream.indirect.scatter.add.f32 [tilespmem:s22], [sflag:$0x3], $0x80, s1, s21, $0xb8;
	[tilespmem:$0x1B800] =	vst v63  }
0x7b: {  	_ =	swait.ge [sflag:s19], $0x4000  }
0x7c: {  	[sflag:s19] =	ssyncset.done $0x0  }
0x7d: {  	s20 =	simm.s32 $0x100;
	[sflag:s19] =	ssyncadd.s32 $0xFFFFC000  }
0x7e: {  	[tilespmem:s22], [sflag:$0x1] =	stream.indirect.gather [hbm4b:s4+s21], $0x80, s20, s21, $0xb8;
	[tilespmem:$0x1B800] =	vst v63  }
0x7f: {  	_ =	swait.ge [sflag:s25], $0x4000  }
0x80: {  	[sflag:s25] =	ssyncset.done $0x0  }
0x81: {  	s31 =	simm.s32 $0x5080;
	[sflag:s25] =	ssyncadd.s32 $0xFFFFC000  }
0x82: {  	[spmem:s2] =	stream.indirect.scatter.add.f32 [tilespmem:s23], [sflag:$0x3], $0x80, s31, s21, $0xb8;
	[tilespmem:$0x1B800] =	vst v63  }
0x83: {  	_ =	swait.ge [sflag:s19], $0x4000  }
0x84: {  	s30 =	simm.s32 $0x100;
	s0 =	simm.s32 $0x800;
	[sflag:s19] =	ssyncset.done $0x0  }
.LBB2_8:
0x85: {  	s1 =	sadd.s32 $0x80, s30  }
0x86: {  	[sflag:s19] =	ssyncadd.s32 $0xFFFFC000;
	s31 =	smov.u32 s0;
	s20 =	sadd.s32 $0x400, s0  }
0x87: {  	[tilespmem:s23], [sflag:$0x2] =	stream.indirect.gather [hbm4b:s4+s21], $0x80, s1, s21, $0xb8;
	[tilespmem:$0x1B800] =	vst v63  }
0x88: {  	p0 =	sne.s32 s0, $0x9800;
	_ =	swait.ge [sflag:s24], $0x4000  }
0x89: {  	[sflag:s24] =	ssyncset.done $0x0  }
0x8a: {  	s0 =	sadd.s32 $0x5000, s30;
	[sflag:s24] =	ssyncadd.s32 $0xFFFFC000  }
0x8b: {  	[spmem:s2] =	stream.indirect.scatter.add.f32 [tilespmem:s22], [sflag:$0x3], $0x80, s0, s21, $0xb8;
	[tilespmem:$0x1B800] =	vst v63  }
0x8c: {  	_ =	swait.ge [sflag:s19], $0x4000  }
0x8d: {  	[sflag:s19] =	ssyncset.done $0x0  }
0x8e: {  	s0 =	sadd.s32 $0x100, s30;
	[sflag:s19] =	ssyncadd.s32 $0xFFFFC000  }
0x8f: {  	[tilespmem:s22], [sflag:$0x1] =	stream.indirect.gather [hbm4b:s4+s21], $0x80, s0, s21, $0xb8;
	[tilespmem:$0x1B800] =	vst v63  }
0x90: {  	_ =	swait.ge [sflag:s25], $0x4000  }
.Ltmp3:
0x91: {  	[sflag:s25] =	ssyncset.done $0x0;
	(pc) =	sbr.rel @p0 .LBB2_8-.Ltmp3, $4  }
0x92: {  	s0 =	sadd.s32 $0x5080, s30;
	[sflag:s25] =	ssyncadd.s32 $0xFFFFC000  }
0x93: {  	[spmem:s2] =	stream.indirect.scatter.add.f32 [tilespmem:s23], [sflag:$0x3], $0x80, s0, s21, $0xb8;
	[tilespmem:$0x1B800] =	vst v63  }
0x94: {  	_ =	swait.ge [sflag:s19], $0x4000  }
0x95: {  	s30 =	sshra.s32 s31, $0x2;
	s0 =	smov.u32 s20;
	[sflag:s19] =	ssyncset.done $0x0  }
0x96: {  	s0 =	sadd.s32 $0x80, s30;
	[sflag:s19] =	ssyncadd.s32 $0xFFFFC000  }
0x97: {  	[tilespmem:s23], [sflag:$0x2] =	stream.indirect.gather [hbm4b:s4+s21], $0x80, s0, s21, $0xb8;
	[tilespmem:$0x1B800] =	vst v63  }
0x98: {  	_ =	swait.ge [sflag:s24], $0x4000  }
0x99: {  	[sflag:s24] =	ssyncset.done $0x0  }
0x9a: {  	s31 =	sadd.s32 $0x5000, s30;
	[sflag:s24] =	ssyncadd.s32 $0xFFFFC000  }
0x9b: {  	[spmem:s2] =	stream.indirect.scatter.add.f32 [tilespmem:s22], [sflag:$0x3], $0x80, s31, s21, $0xb8;
	[tilespmem:$0x1B800] =	vst v63  }
0x9c: {  	_ =	swait.ge [sflag:s19], $0x4000  }
0x9d: {  	[sflag:s19] =	ssyncset.done $0x0  }
0x9e: {  	s1 =	sadd.s32 $0x100, s30;
	[sflag:s19] =	ssyncadd.s32 $0xFFFFC000  }
0x9f: {  	[tilespmem:s22], [sflag:$0x1] =	stream.indirect.gather [hbm4b:s4+s21], $0x80, s1, s21, $0xb8;
	[tilespmem:$0x1B800] =	vst v63  }
0xa0: {  	_ =	swait.ge [sflag:s25], $0x4000  }
0xa1: {  	[sflag:s25] =	ssyncset.done $0x0  }
0xa2: {  	s20 =	sadd.s32 $0x5080, s30;
	[sflag:s25] =	ssyncadd.s32 $0xFFFFC000  }
0xa3: {  	[spmem:s2] =	stream.indirect.scatter.add.f32 [tilespmem:s23], [sflag:$0x3], $0x80, s20, s21, $0xb8;
	[tilespmem:$0x1B800] =	vst v63  }
0xa4: {  	_ =	swait.ge [sflag:s19], $0x4000  }
0xa5: {  	[sflag:s19] =	ssyncset.done $0x0  }
0xa6: {  	[sflag:s19] =	ssyncadd.s32 $0xFFFFC000  }
0xa7: {  	[tilespmem:s23], [sflag:$0x2] =	stream.indirect.gather [hbm4b:s4+s21], $0x80, s26, s21, $0xb8;
	[tilespmem:$0x1B800] =	vst v63  }
0xa8: {  	_ =	swait.ge [sflag:s24], $0x4000  }
0xa9: {  	[sflag:s24] =	ssyncset.done $0x0  }
0xaa: {  	[sflag:s24] =	ssyncadd.s32 $0xFFFFC000  }
0xab: {  	[spmem:s2] =	stream.indirect.scatter.add.f32 [tilespmem:s22], [sflag:$0x3], $0x80, s28, s21, $0xb8;
	[tilespmem:$0x1B800] =	vst v63  }
0xac: {  	_ =	swait.ge [sflag:s19], $0x4000  }
0xad: {  	[sflag:s19] =	ssyncset.done $0x0  }
0xae: {  	[sflag:s19] =	ssyncadd.s32 $0xFFFFC000  }
0xaf: {  	_ =	swait.ge [sflag:s25], $0x4000  }
0xb0: {  	[sflag:s25] =	ssyncset.done $0x0  }
0xb1: {  	[sflag:s25] =	ssyncadd.s32 $0xFFFFC000  }
0xb2: {  	[spmem:s2] =	stream.indirect.scatter.add.f32 [tilespmem:s23], [sflag:$0x3], $0x80, s29, s21, $0xb8;
	[tilespmem:$0x1B800] =	vst v63  }
0xb3: {  	_ =	swait.ge [sflag:s19], $0x4000  }
0xb4: {  	s30 =	stileid.u32;
	[sflag:s19] =	ssyncset.done $0x0  }
0xb5: {  	s0 =	sshll.u32 s30, $0x6;
	[sflag:s19] =	ssyncadd.s32 $0xFFFFC000  }
0xb6: {  	s0 =	sor.u32 $0x1C03, s0;
	s1 =	sshrl.u32 s5, $0x3;
	[bflag:$0x0] =	sbarrier.arrive $0xFFFF  }
0xb7: {  	[hbm:s12], [sflag:s0] =	dma.local [spmem:s1], $0x400  }
0xb8: {  	_ =	swait.ge [sflag:s19], $0x400  }
0xb9: {  	[sflag:s19] =	ssyncset.done $0x0  }
0xba: {  	s31 =	sshrl.u32 s6, $0x3;
	[sflag:s19] =	ssyncadd.s32 $0xFFFFFC00  }
0xbb: {  	[hbm:s13], [sflag:s0] =	dma.local [spmem:s31], $0x400  }
0xbc: {  	_ =	swait.ge [sflag:s19], $0x400  }
0xbd: {  	[sflag:s19] =	ssyncset.done $0x0  }
0xbe: {  	s20 =	sshrl.u32 s7, $0x3;
	[sflag:s19] =	ssyncadd.s32 $0xFFFFFC00  }
0xbf: {  	[hbm:s14], [sflag:s0] =	dma.local [spmem:s20], $0x400  }
0xc0: {  	_ =	swait.ge [sflag:s19], $0x400  }
0xc1: {  	[sflag:s19] =	ssyncset.done $0x0  }
0xc2: {  	s30 =	sshrl.u32 s8, $0x3;
	[sflag:s19] =	ssyncadd.s32 $0xFFFFFC00  }
0xc3: {  	[hbm:s15], [sflag:s0] =	dma.local [spmem:s30], $0x400  }
0xc4: {  	s3 =	sadd.s32 $0x1, s3;
	_ =	swait.ge [sflag:s19], $0x400  }
0xc5: {  	p0 =	sne.s32 s3, s17;
	[sflag:s19] =	ssyncset.done $0x0  }
.Ltmp4:
0xc6: {  	s31 =	sshrl.u32 s9, $0x3;
	[sflag:s19] =	ssyncadd.s32 $0xFFFFFC00;
	(pc) =	sbr.rel @p0 .LBB2_1-.Ltmp4, $4  }
0xc7: {  	[hbm:s16], [sflag:s0] =	dma.local [spmem:s31], $0x400  }
0xc8: {  	_ =	swait.ge [sflag:s19], $0x400  }
0xc9: {  	[sflag:s19] =	ssyncset.done $0x0  }
0xca: {  	[sflag:s19] =	ssyncadd.s32 $0xFFFFFC00  }
0xcb: {  	_ =	sfence.sel $0x180000  }
0xcc: {  	[bflag:$0x0] =	sbarrier.arrive $0xFFFF  }
0xcd: {  	_ =	strace $0x90000050  }
0xce: {  	s0 =	stileid.u32;
	[bflag:$0x2] =	sbarrier.arrive $0xFFFF  }
0xcf: {  	p0 =	sne.s32 s0, $0x0;
	s0 =	rddreg [dreg:$0x3]  }
0xd0: {  	s0 =	sadd.s32 @!p0 $0x100000, s0  }
0xd1: {  	[sflag:s0] =	ssyncadd.tile.s32 @!p0 $0x1;
	_ =	shalt  }
.Lfunc_end2:
_tile_overlayer_lowered:
.L_overlay_start_2:
0xd2: {  	(tag) =	ssettag $0x2  }
0xd3: {  	s0 =	rddreg [dreg:$0x0];
	s2 =	stileid.u32  }
0xd4: {  	s1 =	rddreg [dreg:$0x1];
	p0 =	sne.s32 s2, $0x0  }
0xd5: {  	s3 =	rddreg [dreg:$0x2];
	[bflag:$0x3] =	sbarrier.arrive $0xFFFF;
	s2 =	simm.s32 @!p0 $0x1C03  }
0xd6: {  	[timem:s3], [sflag:s2] =	dma.local @!p0 [hbm:s0], s1  }
0xd7: {  	s0 =	simm.s32 @!p0 $0x3  }
0xd8: {  	_ =	swait.ge @!p0 [sflag:s0], s1  }
0xd9: {  	s1 =	ssub.s32 @!p0 $0x0, s1;
	[sflag:s0] =	ssyncset.done @!p0 $0x0  }
0xda: {  	[sflag:s0] =	ssyncadd.s32 @!p0 s1  }
0xdb: {  	[bflag:$0x3] =	sbarrier.arrive $0xFFFF  }
0xdc: {  	_ =	shalt  }

// kernel: kernel.25.cloned.1.call-start
scs
__scs_entry_jumppad:
0x0: {  	(pc) =	sbr.rel $0x88, $3  }
0x1: {  	(tag) =	ssettag $0x0;
	lr =	simm.s32 $0x1  }
0x2: {  	[smem:$0x3F8C] =	sst lr;
	_ =	strace $0xD0000000  }
0x3: {  	_ = 	snop  }
0x4: {  	_ = 	snop  }
0x5: {  	_ = 	snop  }
0x6: {  	_ = 	snop  }
0x7: {  	_ = 	snop  }
__scs_overlays_trampoline_lowered:
0x8: {  	[smem:$0x3F9B] =	sst s0  }
0x9: {  	[smem:$0x3F9C] =	sst s1  }
0xa: {  	[smem:$0x3F9D] =	sst s2  }
0xb: {  	[smem:$0x3F9E] =	sst s3  }
0xc: {  	[smem:$0x3F9F] =	sst s4  }
0xd: {  	[smem:$0x3FA0] =	sst s5  }
0xe: {  	[smem:$0x3FA1] =	sst s6  }
0xf: {  	[smem:$0x3FA2] =	sst s7  }
0x10: {  	[smem:$0x3FA3] =	sst s8  }
0x11: {  	[smem:$0x3FA4] =	sst s9;
	s0 =	simm.s32 @!p0 $0x0  }
0x12: {  	s1 =	sld [smem:$0x3F8A];
	s0 =	simm.s32 @p0 $0x1  }
0x13: {  	[smem:$0x3FA5] =	sst s0;
	s0 =	simm.s32 @!p1 $0x0  }
0x14: {  	s2 =	sld [smem:$0x3F89];
	s0 =	simm.s32 @p1 $0x1  }
0x15: {  	[smem:$0x3FA6] =	sst s0;
	s0 =	simm.s32 @!p2 $0x0  }
0x16: {  	s3 =	sld [smem:$0x3FDB];
	s0 =	simm.s32 @p2 $0x1  }
0x17: {  	s4 =	simm.s32 $0x1BF5;
	[smem:$0x3FA8] =	sst s0  }
0x18: {  	s0 =	sld [smem:$0x3F8B];
	_ =	swait.ge [sflag:s4], $0x0  }
0x19: {  	s7 =	sld [smem:$0x3F8C]  }
0x1a: {  	s8 =	sadd.s32 $0xFFFFE003, lr  }
0x1b: {  	s9 =	sadd.s32 $0xFFFFFEF7, lr;
	s5 =	simm.s32 $0xFFFFFFFF;
	p2 =	slt.u32 s8, $0xFFFFF086  }
0x1c: {  	p1 =	slt.u32 s9, $0xF7A;
	s5 =	simm.s32 @!p2 $0x0  }
0x1d: {  	s5 =	simm.s32 @p1 $0x1;
	p0 =	seq.s32 s7, s2  }
0x1e: {  	s7 =	smul.u32 @!p0 $0xF7A, s2;
	p2 =	seq.s32 @!p0 s5, $0x0  }
0x1f: {  	s9 =	smul.u32 $0xF7A, s1;
	s8 =	simm.s32 @!p0 $0x1BF5;
	p2 =	por !p2, p0  }
0x20: {  	[sflag:s8] =	ssyncset.s32 @!p0 $0xFFFFF086;
	s6 =	sadd.s32 @!p0 s3, s7;
	s7 =	simm.s32 @!p0 $0x108  }
0x21: {  	s3 =	sadd.s32 s3, s9;
	s6 =	sadd.s32 @!p0 $0x88, s6;
	s7 =	simm.s32 @p2 $0x1082  }
0x22: {  	[simem:s7], [sflag:s8] =	dma.local @!p0 [hbm:s6], $0xF7A  }
0x23: {  	s9 =	sor.u32 $0xD0000000, s2;
	s6 =	simm.s32 $0x108;
	_ =	swait.ge @!p0 [sflag:s8], $0x0  }
0x24: {  	s3 =	sadd.s32 $0x88, s3;
	s6 =	simm.s32 @!p1 $0x1082;
	[sflag:s4] =	ssyncset.s32 $0xFFFFF086  }
0x25: {  	[simem:s6], [sflag:s4] =	dma.local [hbm:s3], $0xF7A  }
0x26: {  	[smem:$0x3F8C] =	sst s1;
	(tag) =	ssettag s2;
	_ =	strace s9  }
0x27: {  	s1 =	sld [smem:$0x3F9C]  }
0x28: {  	s2 =	sld [smem:$0x3F9D]  }
0x29: {  	s4 =	sld [smem:$0x3F9F]  }
0x2a: {  	p0 =	seq.s32 s5, $0x0;
	s5 =	sld [smem:$0x3FA0]  }
0x2b: {  	s6 =	sld [smem:$0x3FA1]  }
0x2c: {  	s7 =	sld [smem:$0x3FA2]  }
0x2d: {  	s3 =	simm.s32 $0x108;
	s8 =	sld [smem:$0x3FA3]  }
0x2e: {  	s3 =	simm.s32 @!p0 $0x1082;
	s9 =	sld [smem:$0x3FA4]  }
0x2f: {  	lr =	sadd.s32 s0, s3;
	s0 =	sld [smem:$0x3F9B]  }
0x30: {  	s3 =	sld [smem:$0x3F9E]  }
0x31: {  	[smem:$0x3FA7] =	sst s10  }
0x32: {  	s10 =	sld [smem:$0x3FA5];
	_ =	sdelay $0x3  }
0x33: {  	p0 =	seq.s32 s10, $0x1;
	s10 =	sld [smem:$0x3FA7];
	_ =	sdelay $0x3  }
0x34: {  	[smem:$0x3FA7] =	sst s10  }
0x35: {  	s10 =	sld [smem:$0x3FA6];
	_ =	sdelay $0x3  }
0x36: {  	p1 =	seq.s32 s10, $0x1;
	s10 =	sld [smem:$0x3FA7];
	_ =	sdelay $0x3  }
0x37: {  	[smem:$0x3FA7] =	sst s10  }
0x38: {  	s10 =	sld [smem:$0x3FA8]  }
0x39: {  	_ = 	snop;
	(pc) =	sbr.ind lr, $3  }
0x3a: {  	_ = 	snop  }
0x3b: {  	_ = 	snop  }
0x3c: {  	p2 =	seq.s32 s10, $0x1;
	s10 =	sld [smem:$0x3FA7]  }
0x3d: {  	_ =	shalt  }
0x3e: {  	_ =	shalt  }
0x3f: {  	_ =	shalt  }
0x40: {  	_ =	shalt  }
0x41: {  	_ =	shalt  }
0x42: {  	_ =	shalt  }
0x43: {  	_ =	shalt  }
0x44: {  	_ =	shalt  }
0x45: {  	_ =	shalt  }
0x46: {  	_ =	shalt  }
0x47: {  	_ =	shalt  }
0x48: {  	_ =	shalt  }
0x49: {  	_ =	shalt  }
0x4a: {  	_ =	shalt  }
0x4b: {  	_ =	shalt  }
0x4c: {  	_ =	shalt  }
0x4d: {  	_ =	shalt  }
0x4e: {  	_ =	shalt  }
0x4f: {  	_ =	shalt  }
0x50: {  	_ =	shalt  }
0x51: {  	_ =	shalt  }
0x52: {  	_ =	shalt  }
0x53: {  	_ =	shalt  }
0x54: {  	_ =	shalt  }
0x55: {  	_ =	shalt  }
0x56: {  	_ =	shalt  }
0x57: {  	_ =	shalt  }
0x58: {  	_ =	shalt  }
0x59: {  	_ =	shalt  }
0x5a: {  	_ =	shalt  }
0x5b: {  	_ =	shalt  }
0x5c: {  	_ =	shalt  }
0x5d: {  	_ =	shalt  }
0x5e: {  	_ =	shalt  }
0x5f: {  	_ =	shalt  }
0x60: {  	_ =	shalt  }
0x61: {  	_ =	shalt  }
0x62: {  	_ =	shalt  }
0x63: {  	_ =	shalt  }
0x64: {  	_ =	shalt  }
0x65: {  	_ =	shalt  }
0x66: {  	_ =	shalt  }
0x67: {  	_ =	shalt  }
0x68: {  	_ =	shalt  }
0x69: {  	_ =	shalt  }
0x6a: {  	_ =	shalt  }
0x6b: {  	_ =	shalt  }
0x6c: {  	_ =	shalt  }
0x6d: {  	_ =	shalt  }
0x6e: {  	_ =	shalt  }
0x6f: {  	_ =	shalt  }
0x70: {  	_ =	shalt  }
0x71: {  	_ =	shalt  }
0x72: {  	_ =	shalt  }
0x73: {  	_ =	shalt  }
0x74: {  	_ =	shalt  }
0x75: {  	_ =	shalt  }
0x76: {  	_ =	shalt  }
0x77: {  	_ =	shalt  }
0x78: {  	_ =	shalt  }
0x79: {  	_ =	shalt  }
0x7a: {  	_ =	shalt  }
0x7b: {  	_ =	shalt  }
0x7c: {  	_ =	shalt  }
0x7d: {  	_ =	shalt  }
0x7e: {  	_ =	shalt  }
0x7f: {  	_ =	shalt  }
0x80: {  	_ =	shalt  }
0x81: {  	_ =	shalt  }
0x82: {  	_ =	shalt  }
0x83: {  	_ =	shalt  }
0x84: {  	_ =	shalt  }
0x85: {  	_ =	shalt  }
0x86: {  	_ =	shalt  }
0x87: {  	_ =	shalt  }
.Lfunc_end0:
.L_simem_size_0:
called_computation.4_lowered:
.L_overlay_start_0:
0x88: {  	s2 =	sld [smem:$0x3FD9]  }
0x89: {  	s3 =	sld [smem:$0x3FFE];
	_ =	sdelay $0x1  }
0x8a: {  	s1 =	srdreg.scid  }
0x8b: {  	s0 =	sand.u32 $0x1, s1  }
0x8c: {  	s14 =	sshll.u32 s0, $0xA;
	s2 =	sadd.s32 s3, s2  }
0x8d: {  	s2 =	sadd.s32 s2, s14  }
0x8e: {  	[smem:$0x3FB3] =	sst s2  }
0x8f: {  	_ = 	snop  }
0x90: {  	s2 =	sld [smem:$0x3FD0];
	_ =	sdelay $0x2  }
0x91: {  	s15 =	simm.s32 $0xA;
	s4 =	simm.s32 $0x10  }
0x92: {  	[smem:s4], [sflag:s15] =	dma.local [hbm:s2], $0x1  }
0x93: {  	_ =	swait.eq [sflag:s15], $0x1  }
0x94: {  	[sflag:s15] =	ssyncset.done $0x0  }
0x95: {  	s16 =	sld [smem:$0x11];
	[sflag:s15] =	ssyncadd.s32 $0xFFFFFFFF  }
0x96: {  	s17 =	sld [smem:$0x12];
	(tm) =	ssettm $0x1  }
0x97: {  	s18 =	sld [smem:$0x3FFB];
	_ =	sdelay $0x3  }
0x98: {  	_ =	strace s18  }
0x99: {  	s4 =	sld [smem:$0x3FFC];
	_ =	sdelay $0x3  }
0x9a: {  	_ =	strace s4  }
0x9b: {  	s4 =	sld [smem:$0x3FFD];
	_ =	sdelay $0x3  }
0x9c: {  	_ =	strace s4  }
0x9d: {  	_ =	strace $0x8FFFFFFF  }
0x9e: {  	s19 =	sld [smem:$0x3FDB];
	_ =	sdelay $0x1  }
0x9f: {  	s5 =	simm.s32 $_scs_section_size  }
0xa0: {  	s6 =	simm.s32 $_size__tile_overlayer_lowered;
	s7 =	simm.s32 $_tile_overlayer_lowered  }
0xa1: {  	s22 =	simm.s32 $0x1BFF;
	s21 =	sshll.u32 s7, $0x1;
	s4 =	sadd.s32 s5, s19  }
0xa2: {  	s8 =	simm.s32 $0x0;
	s20 =	sshll.u32 s6, $0x1;
	s6 =	sadd.s32 s21, s4  }
0xa3: {  	[timem:s8], [sflag:s22] =	dma.local [hbm:s6], s20  }
0xa4: {  	_ =	swait.ge [sflag:s22], s20  }
0xa5: {  	s5 =	ssub.s32 $0x0, s20;
	[sflag:s22] =	ssyncset.done $0x0  }
0xa6: {  	[sflag:s22] =	ssyncadd.s32 s5;
	_ =	sdelay $0x1  }
0xa7: {  	s23 =	simm.s32 $0x1B8B  }
0xa8: {  	_ =	swait.ge [sflag:s23], $0x1  }
0xa9: {  	[sflag:s23] =	ssyncset.done $0x0  }
0xaa: {  	s25 =	simm.s32 $0x1B8E;
	s24 =	sld [smem:$0x3FFE];
	[sflag:s23] =	ssyncadd.s32 $0xFFFFFFFF  }
0xab: {  	s26 =	simm.s32 $execute0_lowered;
	[smem:$0x3FD2] =	sst s25  }
0xac: {  	s6 =	sshll.u32 s26, $0x1;
	_ =	strace $0x80000052;
	[dreg:$0x1] =	wrdreg $0xFFFFFFFF  }
0xad: {  	s28 =	simm.s32 $_size_execute0_lowered;
	s4 =	sadd.s32 s4, s6;
	[dreg:$0x0] =	wrdreg $0x0  }
0xae: {  	s6 =	sshll.u32 s28, $0x1;
	[dreg:$0x2] =	wrdreg s4  }
0xaf: {  	[dreg:$0x3] =	wrdreg s6  }
0xb0: {  	[dreg:$0x4] =	wrdreg $0xC0  }
0xb1: {  	_ =	task [dreg:s8], $0x5FFFF  }
0xb2: {  	[dreg:$0x1] =	wrdreg $0xFFFFFFFF  }
0xb3: {  	[dreg:$0x0] =	wrdreg $0x60  }
0xb4: {  	[dreg:$0x2] =	wrdreg s24  }
0xb5: {  	[dreg:$0x3] =	wrdreg s16  }
0xb6: {  	[dreg:$0x4] =	wrdreg s17  }
0xb7: {  	[dreg:$0x5] =	wrdreg $0x9  }
0xb8: {  	_ =	task.clear_ibuf [dreg:s8], $0x6FFFF;
	_ =	strace $0x90000052  }
0xb9: {  	s29 =	simm.s32 $0x9;
	_ =	strace $0x80000054  }
0xba: {  	_ =	swait.ge [sflag:s29], $0x1  }
0xbb: {  	[sflag:s29] =	ssyncadd.s32 $0xFFFFFFFF  }
0xbc: {  	_ =	strace $0x90000054  }
0xbd: {  	_ =	sfence  }
0xbe: {  	s30 =	sld [smem:$0x0];
	_ =	sdelay $0x2  }
0xbf: {  	s31 =	sshll.u32 s1, $0xD;
	s1 =	sshrl.u32 s1, $0x2  }
0xc0: {  	s3 =	sand.u32 $0x4000, s31;
	s1 =	sadd.s32 s1, s30  }
0xc1: {  	s0 =	sor.u32 s3, s0;
	s1 =	sshll.u32 s1, $0x11  }
0xc2: {  	s0 =	sor.u32 s1, s0  }
0xc3: {  	s0 =	sadd.s32 $0x8F2B, s0  }
0xc4: {  	[sflag:s0] =	ssyncadd.remote.s32 $0x1  }
0xc5: {  	_ =	sfence.sel $0xFFFF  }
0xc6: {  	[dreg:$0x0] =	wrdreg $0xFFFFFFFF;
	(pc) =	sbr.abs _section_cstart, $3  }
0xc7: {  	[dreg:$0x1] =	wrdreg $0xFFFFFFFF  }
0xc8: {  	_ =	task.clear_ibuf [dreg:s8], $0x2FFFF;
	_ =	strace $0x9FFFFFFF  }
0xc9: {  	(tm) =	ssettm $0x7FFFFFFF  }
tec
execute0_lowered:
.L_overlay_start_1:
0x0: {  	(tag) =	ssettag $0x1  }
0x1: {  	s4 =	rddreg [dreg:$0x0]  }
0x2: {  	s5 =	rddreg [dreg:$0x1]  }
0x3: {  	s6 =	rddreg [dreg:$0x2]  }
0x4: {  	s0 =	rddreg [dreg:$0x3];
	s2 =	simm.s32 $0x0  }
0x5: {  	s3 =	srdreg.scid;
	s1 =	stileid.u32;
	s11 =	simm.s32 $0x1000  }
0x6: {  	s12 =	simm.s32 $0x5000;
	s13 =	simm.s32 $0x9000;
	s14 =	simm.s32 $0xD000  }
0x7: {  	s15 =	simm.s32 $0x1;
	s16 =	simm.s32 $0x11000;
	s17 =	simm.s32 $0x2  }
0x8: {  	s18 =	simm.s32 $0x15000;
	s19 =	simm.s32 $0x0;
	[smem:$0x7FF] =	sst s2  }
0x9: {  	s7 =	sand.u32 $0x1, s3;
	s8 =	sshll.u32 s1, $0x1;
	s3 =	sadd.s32 $0x2200, s4  }
0xa: {  	_ =	strace $0x80000053;
	s8 =	sor.u32 s7, s8;
	s7 =	ssub.s32 $0x2, s7  }
0xb: {  	s9 =	sshll.u32 s8, $0xF;
	s10 =	sshrl.u32 s7, $0x1;
	s8 =	sshll.u32 s8, $0x8  }
0xc: {  	s9 =	sadd.s32 s9, s4;
	s7 =	ssub.s32 s7, s10;
	s4 =	sadd.s32 s5, s8  }
0xd: {  	s5 =	sadd.s32 s6, s8;
	s8 =	simm.s32 $0x3;
	s10 =	simm.s32 $0x80  }
0xe: {  	s6 =	sadd.s32 $0xE8A00, s9;
	s7 =	smax.u32 s7, $0x1;
	s9 =	simm.s32 $0x800  }
.LBB2_1:
0xf: {  	[tilespmem:s2], [sflag:$0x3] =	stream.linear.gather [hbm4b:s4+s2], $0x800, $0x38;
	[tilespmem:$0x19000] =	vst v63  }
0x10: {  	_ =	swait.ge [sflag:s8], $0x800  }
0x11: {  	[sflag:s8] =	ssyncset.done $0x0  }
0x12: {  	[sflag:s8] =	ssyncadd.s32 $0xFFFFF800  }
0x13: {  	[tilespmem:s9], [sflag:$0x3] =	stream.linear.gather [hbm4b:s5+s2], $0x800, $0x38;
	[tilespmem:$0x19000] =	vst v63  }
0x14: {  	_ =	swait.ge [sflag:s8], $0x800  }
0x15: {  	[sflag:s8] =	ssyncset.done $0x0  }
0x16: {  	[sflag:s8] =	ssyncadd.s32 $0xFFFFF800  }
0x17: {  	[tilespmem:s11], [sflag:$0x1] =	stream.indirect.gather [hbm4b:s3+s10], $0x80, s2, s10, $0xb8;
	[tilespmem:$0x19000] =	vst v63  }
0x18: {  	s21 =	simm.s32 $0x0  }
0x19: {  	[tilespmem:s12], [sflag:$0x1] =	stream.indirect.gather [hbm4b:s3+s10], $0x80, s9, s10, $0xb8;
	[tilespmem:$0x19000] =	vst v63  }
.LBB2_2:
0x1a: {  	s22 =	sshll.u32 s21, $0x8  }
0x1b: {  	s20 =	sor.u32 $0x80, s22  }
0x1c: {  	[tilespmem:s13], [sflag:$0x2] =	stream.indirect.gather [hbm4b:s3+s10], $0x80, s20, s10, $0xb8;
	[tilespmem:$0x19000] =	vst v63  }
0x1d: {  	s23 =	sadd.s32 $0x880, s22  }
0x1e: {  	[tilespmem:s14], [sflag:$0x2] =	stream.indirect.gather [hbm4b:s3+s10], $0x80, s23, s10, $0xb8;
	[tilespmem:$0x19000] =	vst v63  }
0x1f: {  	_ =	swait.ge [sflag:s15], $0x4000  }
0x20: {  	[sflag:s15] =	ssyncset.done $0x0  }
0x21: {  	[sflag:s15] =	ssyncadd.s32 $0xFFFFC000  }
0x22: {  	_ =	swait.ge [sflag:s15], $0x4000  }
0x23: {  	[sflag:s15] =	ssyncset.done $0x0  }
0x24: {  	s23 =	simm.s32 $0x0;
	[sflag:s15] =	ssyncadd.s32 $0xFFFFC000  }
0x25: {  	v0 =	vld [tilespmem:s23+$0x11B0]  }
0x26: {  	v1 =	vld [tilespmem:s23+$0x51B0]  }
0x27: {  	v2 =	vld [tilespmem:s23+$0x1000]  }
0x28: {  	v3 =	vld [tilespmem:s23+$0x5000]  }
0x29: {  	v4 =	vld [tilespmem:s23+$0x1010]  }
0x2a: {  	v5 =	vld [tilespmem:s23+$0x5010]  }
0x2b: {  	v6 =	vld [tilespmem:s23+$0x1020]  }
0x2c: {  	v7 =	vld [tilespmem:s23+$0x1030]  }
0x2d: {  	v0 =	vmul.f32 v1, v0;
	v1 =	vld [tilespmem:s23+$0x5020]  }
0x2e: {  	v2 =	vmul.f32 v3, v2;
	v3 =	vld [tilespmem:s23+$0x1080]  }
0x2f: {  	[tilespmem:s23+$0x111B0] =	vst v0;
	v0 =	vld [tilespmem:s23+$0x5030]  }
0x30: {  	[tilespmem:s23+$0x11000] =	vst v2;
	v2 =	vmul.f32 v5, v4;
	v4 =	vld [tilespmem:s23+$0x5080]  }
0x31: {  	v5 =	vld [tilespmem:s23+$0x5090]  }
0x32: {  	[tilespmem:s23+$0x11010] =	vst v2;
	v2 =	vld [tilespmem:s23+$0x1090];
	v1 =	vmul.f32 v1, v6  }
0x33: {  	v6 =	vld [tilespmem:s23+$0x50A0]  }
0x34: {  	[tilespmem:s23+$0x11020] =	vst v1;
	v0 =	vmul.f32 v0, v7;
	v1 =	vld [tilespmem:s23+$0x10A0]  }
0x35: {  	v7 =	vld [tilespmem:s23+$0x5130]  }
0x36: {  	[tilespmem:s23+$0x11030] =	vst v0;
	v0 =	vmul.f32 v4, v3;
	v3 =	vld [tilespmem:s23+$0x10B0]  }
0x37: {  	v4 =	vld [tilespmem:s23+$0x50B0]  }
0x38: {  	[tilespmem:s23+$0x11080] =	vst v0;
	v0 =	vmul.f32 v5, v2;
	v2 =	vld [tilespmem:s23+$0x1100]  }
0x39: {  	v5 =	vld [tilespmem:s23+$0x5100]  }
0x3a: {  	[tilespmem:s23+$0x11090] =	vst v0;
	v0 =	vmul.f32 v6, v1;
	v1 =	vld [tilespmem:s23+$0x1110]  }
0x3b: {  	v6 =	vld [tilespmem:s23+$0x5110]  }
0x3c: {  	[tilespmem:s23+$0x110A0] =	vst v0;
	v0 =	vmul.f32 v4, v3;
	v3 =	vld [tilespmem:s23+$0x1120]  }
0x3d: {  	v4 =	vld [tilespmem:s23+$0x5120]  }
0x3e: {  	[tilespmem:s23+$0x110B0] =	vst v0;
	v0 =	vmul.f32 v5, v2;
	v5 =	vld [tilespmem:s23+$0x1130]  }
0x3f: {  	v8 =	vld [tilespmem:s23+$0x5180]  }
0x40: {  	[tilespmem:s23+$0x11100] =	vst v0;
	v0 =	vmul.f32 v6, v1;
	v6 =	vld [tilespmem:s23+$0x1180]  }
0x41: {  	v2 =	vld [tilespmem:s23+$0x1190]  }
0x42: {  	[tilespmem:s23+$0x11110] =	vst v0;
	v0 =	vmul.f32 v4, v3;
	v3 =	vld [tilespmem:s23+$0x5190]  }
0x43: {  	v4 =	vld [tilespmem:s23+$0x51A0];
	v5 =	vmul.f32 v7, v5  }
0x44: {  	s25 =	simm.s32 $0x200;
	[tilespmem:s23+$0x11120] =	vst v0;
	v0 =	vld [tilespmem:s23+$0x11A0]  }
0x45: {  	s24 =	simm.s32 $0x1000;
	v1 =	vld [tilespmem:s25+$0x11B0];
	[tilespmem:s23+$0x11130] =	vst v5;
	v5 =	vmul.f32 v8, v6  }
.LBB2_3:
0x46: {  	p0 =	sne.s32 s24, $0xF800;
	v6 =	vld [tilespmem:s25+$0x51B0]  }
0x47: {  	v7 =	vld [tilespmem:s25+$0x1000];
	[tilespmem:s23+$0x11180] =	vst v5;
	v2 =	vmul.f32 v3, v2  }
0x48: {  	v3 =	vld [tilespmem:s25+$0x5000]  }
0x49: {  	v5 =	vld [tilespmem:s25+$0x1010];
	[tilespmem:s23+$0x11190] =	vst v2;
	v0 =	vmul.f32 v4, v0  }
0x4a: {  	v2 =	vld [tilespmem:s25+$0x5010]  }
0x4b: {  	v4 =	vld [tilespmem:s25+$0x1020];
	v1 =	vmul.f32 v6, v1;
	[tilespmem:s23+$0x111A0] =	vst v0;
	s23 =	smov.u32 s25  }
0x4c: {  	v0 =	vld [tilespmem:s23+$0x5020]  }
0x4d: {  	v3 =	vmul.f32 v3, v7;
	v6 =	vld [tilespmem:s23+$0x1030];
	[tilespmem:s23+$0x111B0] =	vst v1  }
0x4e: {  	v1 =	vld [tilespmem:s23+$0x5030]  }
0x4f: {  	[tilespmem:s23+$0x11000] =	vst v3;
	v2 =	vmul.f32 v2, v5;
	v3 =	vld [tilespmem:s23+$0x1080]  }
0x50: {  	v5 =	vld [tilespmem:s23+$0x5080]  }
0x51: {  	[tilespmem:s23+$0x11010] =	vst v2;
	v0 =	vmul.f32 v0, v4;
	v2 =	vld [tilespmem:s23+$0x1090]  }
0x52: {  	v4 =	vld [tilespmem:s23+$0x5090]  }
0x53: {  	[tilespmem:s23+$0x11020] =	vst v0;
	v0 =	vmul.f32 v1, v6;
	v1 =	vld [tilespmem:s23+$0x10A0]  }
0x54: {  	v6 =	vld [tilespmem:s23+$0x50A0]  }
0x55: {  	[tilespmem:s23+$0x11030] =	vst v0;
	v0 =	vmul.f32 v5, v3;
	v3 =	vld [tilespmem:s23+$0x10B0]  }
0x56: {  	v5 =	vld [tilespmem:s23+$0x50B0]  }
0x57: {  	[tilespmem:s23+$0x11080] =	vst v0;
	v0 =	vmul.f32 v4, v2;
	v2 =	vld [tilespmem:s23+$0x1100]  }
0x58: {  	v4 =	vld [tilespmem:s23+$0x5100]  }
0x59: {  	[tilespmem:s23+$0x11090] =	vst v0;
	v0 =	vmul.f32 v6, v1;
	v1 =	vld [tilespmem:s23+$0x1110]  }
0x5a: {  	v6 =	vld [tilespmem:s23+$0x5110]  }
0x5b: {  	[tilespmem:s23+$0x110A0] =	vst v0;
	v0 =	vmul.f32 v5, v3;
	v3 =	vld [tilespmem:s23+$0x1120]  }
0x5c: {  	v5 =	vld [tilespmem:s23+$0x5120]  }
0x5d: {  	[tilespmem:s23+$0x110B0] =	vst v0;
	v0 =	vmul.f32 v4, v2;
	v4 =	vld [tilespmem:s23+$0x1130]  }
0x5e: {  	v7 =	vld [tilespmem:s23+$0x5130]  }
0x5f: {  	[tilespmem:s23+$0x11100] =	vst v0;
	v0 =	vmul.f32 v6, v1;
	v6 =	vld [tilespmem:s23+$0x1180]  }
0x60: {  	v8 =	vld [tilespmem:s23+$0x5180]  }
.Ltmp0:
0x61: {  	[tilespmem:s23+$0x11110] =	vst v0;
	v0 =	vmul.f32 v5, v3;
	v2 =	vld [tilespmem:s23+$0x1190];
	(pc) =	sbr.rel @p0 .LBB2_3-.Ltmp0, $4  }
0x62: {  	v3 =	vld [tilespmem:s23+$0x5190]  }
0x63: {  	[tilespmem:s23+$0x11120] =	vst v0;
	v5 =	vmul.f32 v7, v4;
	v0 =	vld [tilespmem:s23+$0x11A0]  }
0x64: {  	s25 =	sshra.s32 s24, $0x2;
	v4 =	vld [tilespmem:s23+$0x51A0]  }
0x65: {  	s24 =	sadd.s32 $0x800, s24;
	v1 =	vld [tilespmem:s25+$0x11B0];
	[tilespmem:s23+$0x11130] =	vst v5;
	v5 =	vmul.f32 v8, v6  }
0x66: {  	v6 =	vld [tilespmem:s25+$0x51B0]  }
0x67: {  	v7 =	vld [tilespmem:s25+$0x1000];
	[tilespmem:s23+$0x11180] =	vst v5;
	v2 =	vmul.f32 v3, v2  }
0x68: {  	v3 =	vld [tilespmem:s25+$0x5000]  }
0x69: {  	v5 =	vld [tilespmem:s25+$0x1010];
	[tilespmem:s23+$0x11190] =	vst v2;
	v0 =	vmul.f32 v4, v0  }
0x6a: {  	v2 =	vld [tilespmem:s25+$0x5010]  }
0x6b: {  	v4 =	vld [tilespmem:s25+$0x1020];
	[tilespmem:s23+$0x111A0] =	vst v0  }
0x6c: {  	v0 =	vmul.f32 v6, v1;
	v1 =	vld [tilespmem:s25+$0x5020]  }
0x6d: {  	v6 =	vld [tilespmem:s25+$0x1030]  }
0x6e: {  	v3 =	vmul.f32 v3, v7;
	[tilespmem:s25+$0x111B0] =	vst v0;
	v0 =	vld [tilespmem:s25+$0x5030]  }
0x6f: {  	v7 =	vld [tilespmem:s25+$0x51A0]  }
0x70: {  	[tilespmem:s25+$0x11000] =	vst v3;
	v2 =	vmul.f32 v2, v5;
	v3 =	vld [tilespmem:s25+$0x1080]  }
0x71: {  	v5 =	vld [tilespmem:s25+$0x5080]  }
0x72: {  	[tilespmem:s25+$0x11010] =	vst v2;
	v2 =	vld [tilespmem:s25+$0x1090]  }
0x73: {  	v1 =	vmul.f32 v1, v4;
	v4 =	vld [tilespmem:s25+$0x5090]  }
0x74: {  	v0 =	vmul.f32 v0, v6;
	v6 =	vld [tilespmem:s25+$0x50A0]  }
0x75: {  	[tilespmem:s25+$0x11020] =	vst v1;
	v1 =	vld [tilespmem:s25+$0x10A0]  }
0x76: {  	[tilespmem:s25+$0x11030] =	vst v0;
	v0 =	vmul.f32 v5, v3;
	v3 =	vld [tilespmem:s25+$0x10B0]  }
0x77: {  	v5 =	vld [tilespmem:s25+$0x50B0]  }
0x78: {  	[tilespmem:s25+$0x11080] =	vst v0;
	v0 =	vmul.f32 v4, v2;
	v2 =	vld [tilespmem:s25+$0x1100]  }
0x79: {  	v4 =	vld [tilespmem:s25+$0x5100]  }
0x7a: {  	[tilespmem:s25+$0x11090] =	vst v0;
	v0 =	vmul.f32 v6, v1;
	v1 =	vld [tilespmem:s25+$0x1110]  }
0x7b: {  	v6 =	vld [tilespmem:s25+$0x5110]  }
0x7c: {  	[tilespmem:s25+$0x110A0] =	vst v0;
	v0 =	vmul.f32 v5, v3;
	v3 =	vld [tilespmem:s25+$0x1120]  }
0x7d: {  	v5 =	vld [tilespmem:s25+$0x5120]  }
0x7e: {  	[tilespmem:s25+$0x110B0] =	vst v0;
	v0 =	vmul.f32 v4, v2;
	v2 =	vld [tilespmem:s25+$0x1130]  }
0x7f: {  	v4 =	vld [tilespmem:s25+$0x5130]  }
0x80: {  	[tilespmem:s25+$0x11100] =	vst v0;
	v0 =	vmul.f32 v6, v1;
	v1 =	vld [tilespmem:s25+$0x1180]  }
0x81: {  	v6 =	vld [tilespmem:s25+$0x5180]  }
0x82: {  	[tilespmem:s25+$0x11110] =	vst v0;
	v0 =	vmul.f32 v5, v3;
	v3 =	vld [tilespmem:s25+$0x1190]  }
0x83: {  	v5 =	vld [tilespmem:s25+$0x5190]  }
0x84: {  	[tilespmem:s25+$0x11120] =	vst v0;
	v0 =	vld [tilespmem:s25+$0x11A0];
	_ =	sdelay $0x1  }
0x85: {  	v2 =	vmul.f32 v4, v2  }
0x86: {  	v1 =	vmul.f32 v6, v1  }
0x87: {  	[tilespmem:s25+$0x11130] =	vst v2;
	v2 =	vmul.f32 v5, v3  }
0x88: {  	[tilespmem:s25+$0x11180] =	vst v1;
	v0 =	vmul.f32 v7, v0  }
0x89: {  	s31 =	sshll.u32 s21, $0xC;
	[tilespmem:s25+$0x11190] =	vst v2  }
0x8a: {  	s23 =	sadd.s32 s31, s6;
	[tilespmem:s25+$0x111A0] =	vst v0  }
0x8b: {  	[hbm4b:s23+s2] =	stream.linear.scatter [tilespmem:s16], [sflag:$0x3], $0x4000, $0x38;
	[tilespmem:$0x19000] =	vst v63  }
0x8c: {  	p0 =	seq.s32 s21, $0x7;
	_ =	swait.ge [sflag:s8], $0x4000  }
0x8d: {  	s24 =	simm.s32 @!p0 $0x80;
	[sflag:s8] =	ssyncset.done $0x0  }
0x8e: {  	s25 =	simm.s32 @!p0 $0x1000;
	s23 =	sadd.s32 @!p0 $0x100, s22;
	[sflag:s8] =	ssyncadd.s32 $0xFFFFC000  }
0x8f: {  	[tilespmem:s25], [sflag:$0x1] =	stream.indirect.gather @!p0 [hbm4b:s3+s24], $0x80, s23, s24, $0xb8;
	[tilespmem:$0x19000] =	vst v63  }
0x90: {  	s22 =	sadd.s32 @!p0 $0x900, s22;
	s23 =	simm.s32 @!p0 $0x5000  }
0x91: {  	[tilespmem:s23], [sflag:$0x1] =	stream.indirect.gather @!p0 [hbm4b:s3+s24], $0x80, s22, s24, $0xb8;
	[tilespmem:$0x19000] =	vst v63  }
0x92: {  	_ =	swait.ge [sflag:s17], $0x4000  }
0x93: {  	[sflag:s17] =	ssyncset.done $0x0  }
0x94: {  	[sflag:s17] =	ssyncadd.s32 $0xFFFFC000  }
0x95: {  	_ =	swait.ge [sflag:s17], $0x4000  }
0x96: {  	[sflag:s17] =	ssyncset.done $0x0  }
0x97: {  	s22 =	simm.s32 $0x0;
	[sflag:s17] =	ssyncadd.s32 $0xFFFFC000  }
0x98: {  	v0 =	vld [tilespmem:s22+$0x91B0]  }
0x99: {  	v1 =	vld [tilespmem:s22+$0xD1B0]  }
0x9a: {  	v2 =	vld [tilespmem:s22+$0x9000]  }
0x9b: {  	v3 =	vld [tilespmem:s22+$0xD000]  }
0x9c: {  	v4 =	vld [tilespmem:s22+$0x9010]  }
0x9d: {  	v5 =	vld [tilespmem:s22+$0xD010]  }
0x9e: {  	v6 =	vld [tilespmem:s22+$0x9020]  }
0x9f: {  	v7 =	vld [tilespmem:s22+$0x9030]  }
0xa0: {  	v0 =	vmul.f32 v1, v0;
	v1 =	vld [tilespmem:s22+$0xD020]  }
0xa1: {  	v2 =	vmul.f32 v3, v2;
	v3 =	vld [tilespmem:s22+$0x9080]  }
0xa2: {  	[tilespmem:s22+$0x151B0] =	vst v0;
	v0 =	vld [tilespmem:s22+$0xD030]  }
0xa3: {  	[tilespmem:s22+$0x15000] =	vst v2;
	v2 =	vmul.f32 v5, v4;
	v4 =	vld [tilespmem:s22+$0xD080]  }
0xa4: {  	v5 =	vld [tilespmem:s22+$0xD090]  }
0xa5: {  	[tilespmem:s22+$0x15010] =	vst v2;
	v2 =	vld [tilespmem:s22+$0x9090];
	v1 =	vmul.f32 v1, v6  }
0xa6: {  	v6 =	vld [tilespmem:s22+$0xD0A0]  }
0xa7: {  	[tilespmem:s22+$0x15020] =	vst v1;
	v0 =	vmul.f32 v0, v7;
	v1 =	vld [tilespmem:s22+$0x90A0]  }
0xa8: {  	v7 =	vld [tilespmem:s22+$0xD130]  }
0xa9: {  	[tilespmem:s22+$0x15030] =	vst v0;
	v0 =	vmul.f32 v4, v3;
	v3 =	vld [tilespmem:s22+$0x90B0]  }
0xaa: {  	v4 =	vld [tilespmem:s22+$0xD0B0]  }
0xab: {  	[tilespmem:s22+$0x15080] =	vst v0;
	v0 =	vmul.f32 v5, v2;
	v2 =	vld [tilespmem:s22+$0x9100]  }
0xac: {  	v5 =	vld [tilespmem:s22+$0xD100]  }
0xad: {  	[tilespmem:s22+$0x15090] =	vst v0;
	v0 =	vmul.f32 v6, v1;
	v1 =	vld [tilespmem:s22+$0x9110]  }
0xae: {  	v6 =	vld [tilespmem:s22+$0xD110]  }
0xaf: {  	[tilespmem:s22+$0x150A0] =	vst v0;
	v0 =	vmul.f32 v4, v3;
	v3 =	vld [tilespmem:s22+$0x9120]  }
0xb0: {  	v4 =	vld [tilespmem:s22+$0xD120]  }
0xb1: {  	[tilespmem:s22+$0x150B0] =	vst v0;
	v0 =	vmul.f32 v5, v2;
	v5 =	vld [tilespmem:s22+$0x9130]  }
0xb2: {  	v8 =	vld [tilespmem:s22+$0xD180]  }
0xb3: {  	[tilespmem:s22+$0x15100] =	vst v0;
	v0 =	vmul.f32 v6, v1;
	v6 =	vld [tilespmem:s22+$0x9180]  }
0xb4: {  	v2 =	vld [tilespmem:s22+$0x9190]  }
0xb5: {  	[tilespmem:s22+$0x15110] =	vst v0;
	v0 =	vmul.f32 v4, v3;
	v3 =	vld [tilespmem:s22+$0xD190]  }
0xb6: {  	v4 =	vld [tilespmem:s22+$0xD1A0];
	v5 =	vmul.f32 v7, v5  }
0xb7: {  	s24 =	simm.s32 $0x200;
	[tilespmem:s22+$0x15120] =	vst v0;
	v0 =	vld [tilespmem:s22+$0x91A0]  }
0xb8: {  	s21 =	sadd.s32 $0x1, s21;
	s23 =	simm.s32 $0x1000;
	v1 =	vld [tilespmem:s24+$0x91B0];
	[tilespmem:s22+$0x15130] =	vst v5;
	v5 =	vmul.f32 v8, v6  }
.LBB2_5:
0xb9: {  	p0 =	sne.s32 s23, $0xF800;
	v6 =	vld [tilespmem:s24+$0xD1B0]  }
0xba: {  	v7 =	vld [tilespmem:s24+$0x9000];
	[tilespmem:s22+$0x15180] =	vst v5;
	v2 =	vmul.f32 v3, v2  }
0xbb: {  	v3 =	vld [tilespmem:s24+$0xD000]  }
0xbc: {  	v5 =	vld [tilespmem:s24+$0x9010];
	[tilespmem:s22+$0x15190] =	vst v2;
	v0 =	vmul.f32 v4, v0  }
0xbd: {  	v2 =	vld [tilespmem:s24+$0xD010]  }
0xbe: {  	v4 =	vld [tilespmem:s24+$0x9020];
	v1 =	vmul.f32 v6, v1;
	[tilespmem:s22+$0x151A0] =	vst v0;
	s22 =	smov.u32 s24  }
0xbf: {  	v0 =	vld [tilespmem:s22+$0xD020]  }
0xc0: {  	v3 =	vmul.f32 v3, v7;
	v6 =	vld [tilespmem:s22+$0x9030];
	[tilespmem:s22+$0x151B0] =	vst v1  }
0xc1: {  	v1 =	vld [tilespmem:s22+$0xD030]  }
0xc2: {  	[tilespmem:s22+$0x15000] =	vst v3;
	v2 =	vmul.f32 v2, v5;
	v3 =	vld [tilespmem:s22+$0x9080]  }
0xc3: {  	v5 =	vld [tilespmem:s22+$0xD080]  }
0xc4: {  	[tilespmem:s22+$0x15010] =	vst v2;
	v0 =	vmul.f32 v0, v4;
	v2 =	vld [tilespmem:s22+$0x9090]  }
0xc5: {  	v4 =	vld [tilespmem:s22+$0xD090]  }
0xc6: {  	[tilespmem:s22+$0x15020] =	vst v0;
	v0 =	vmul.f32 v1, v6;
	v1 =	vld [tilespmem:s22+$0x90A0]  }
0xc7: {  	v6 =	vld [tilespmem:s22+$0xD0A0]  }
0xc8: {  	[tilespmem:s22+$0x15030] =	vst v0;
	v0 =	vmul.f32 v5, v3;
	v3 =	vld [tilespmem:s22+$0x90B0]  }
0xc9: {  	v5 =	vld [tilespmem:s22+$0xD0B0]  }
0xca: {  	[tilespmem:s22+$0x15080] =	vst v0;
	v0 =	vmul.f32 v4, v2;
	v2 =	vld [tilespmem:s22+$0x9100]  }
0xcb: {  	v4 =	vld [tilespmem:s22+$0xD100]  }
0xcc: {  	[tilespmem:s22+$0x15090] =	vst v0;
	v0 =	vmul.f32 v6, v1;
	v1 =	vld [tilespmem:s22+$0x9110]  }
0xcd: {  	v6 =	vld [tilespmem:s22+$0xD110]  }
0xce: {  	[tilespmem:s22+$0x150A0] =	vst v0;
	v0 =	vmul.f32 v5, v3;
	v3 =	vld [tilespmem:s22+$0x9120]  }
0xcf: {  	v5 =	vld [tilespmem:s22+$0xD120]  }
0xd0: {  	[tilespmem:s22+$0x150B0] =	vst v0;
	v0 =	vmul.f32 v4, v2;
	v4 =	vld [tilespmem:s22+$0x9130]  }
0xd1: {  	v7 =	vld [tilespmem:s22+$0xD130]  }
0xd2: {  	[tilespmem:s22+$0x15100] =	vst v0;
	v0 =	vmul.f32 v6, v1;
	v6 =	vld [tilespmem:s22+$0x9180]  }
0xd3: {  	v8 =	vld [tilespmem:s22+$0xD180]  }
.Ltmp1:
0xd4: {  	[tilespmem:s22+$0x15110] =	vst v0;
	v0 =	vmul.f32 v5, v3;
	v2 =	vld [tilespmem:s22+$0x9190];
	(pc) =	sbr.rel @p0 .LBB2_5-.Ltmp1, $4  }
0xd5: {  	v3 =	vld [tilespmem:s22+$0xD190]  }
0xd6: {  	[tilespmem:s22+$0x15120] =	vst v0;
	v5 =	vmul.f32 v7, v4;
	v0 =	vld [tilespmem:s22+$0x91A0]  }
0xd7: {  	s24 =	sshra.s32 s23, $0x2;
	v4 =	vld [tilespmem:s22+$0xD1A0]  }
0xd8: {  	s23 =	sadd.s32 $0x800, s23;
	v1 =	vld [tilespmem:s24+$0x91B0];
	[tilespmem:s22+$0x15130] =	vst v5;
	v5 =	vmul.f32 v8, v6  }
0xd9: {  	v6 =	vld [tilespmem:s24+$0xD1B0]  }
0xda: {  	v7 =	vld [tilespmem:s24+$0x9000];
	[tilespmem:s22+$0x15180] =	vst v5;
	v2 =	vmul.f32 v3, v2  }
0xdb: {  	v28 =	vld [tilespmem:s24+$0xD000]  }
0xdc: {  	v5 =	vld [tilespmem:s24+$0x9010];
	[tilespmem:s22+$0x15190] =	vst v2;
	v0 =	vmul.f32 v4, v0  }
0xdd: {  	v2 =	vld [tilespmem:s24+$0xD010]  }
0xde: {  	v29 =	vld [tilespmem:s24+$0x9020];
	[tilespmem:s22+$0x151A0] =	vst v0  }
0xdf: {  	v31 =	vld [tilespmem:s24+$0xD020]  }
0xe0: {  	v32 =	vld [tilespmem:s24+$0x9030]  }
0xe1: {  	v33 =	vld [tilespmem:s24+$0xD030]  }
0xe2: {  	v34 =	vld [tilespmem:s24+$0x9080]  }
0xe3: {  	v35 =	vld [tilespmem:s24+$0xD080]  }
0xe4: {  	v36 =	vld [tilespmem:s24+$0x9090]  }
0xe5: {  	v37 =	vld [tilespmem:s24+$0xD090]  }
0xe6: {  	v38 =	vld [tilespmem:s24+$0x90A0]  }
0xe7: {  	v39 =	vld [tilespmem:s24+$0xD0A0]  }
0xe8: {  	v41 =	vld [tilespmem:s24+$0x90B0]  }
0xe9: {  	v42 =	vld [tilespmem:s24+$0xD0B0]  }
0xea: {  	v44 =	vld [tilespmem:s24+$0x9100]  }
0xeb: {  	v45 =	vld [tilespmem:s24+$0xD100]  }
0xec: {  	v47 =	vld [tilespmem:s24+$0x9110]  }
0xed: {  	v30 =	vmul.f32 v6, v1;
	v48 =	vld [tilespmem:s24+$0xD110]  }
0xee: {  	v50 =	vld [tilespmem:s24+$0x9120];
	v3 =	vmul.f32 v28, v7  }
0xef: {  	v51 =	vld [tilespmem:s24+$0xD120];
	[tilespmem:s24+$0x151B0] =	vst v30;
	v2 =	vmul.f32 v2, v5  }
0xf0: {  	v53 =	vld [tilespmem:s24+$0x9130];
	[tilespmem:s24+$0x15000] =	vst v3;
	v1 =	vmul.f32 v31, v29  }
0xf1: {  	v54 =	vld [tilespmem:s24+$0xD130];
	[tilespmem:s24+$0x15010] =	vst v2;
	v0 =	vmul.f32 v33, v32  }
0xf2: {  	v56 =	vld [tilespmem:s24+$0x9180];
	v40 =	vmul.f32 v35, v34;
	[tilespmem:s24+$0x15020] =	vst v1  }
0xf3: {  	v57 =	vld [tilespmem:s24+$0xD180];
	v43 =	vmul.f32 v37, v36;
	[tilespmem:s24+$0x15030] =	vst v0  }
0xf4: {  	v59 =	vld [tilespmem:s24+$0x9190];
	v46 =	vmul.f32 v39, v38;
	[tilespmem:s24+$0x15080] =	vst v40  }
0xf5: {  	v60 =	vld [tilespmem:s24+$0xD190];
	v49 =	vmul.f32 v42, v41;
	[tilespmem:s24+$0x15090] =	vst v43  }
0xf6: {  	v61 =	vld [tilespmem:s24+$0x91A0];
	v52 =	vmul.f32 v45, v44;
	[tilespmem:s24+$0x150A0] =	vst v46  }
0xf7: {  	v62 =	vld [tilespmem:s24+$0xD1A0];
	v55 =	vmul.f32 v48, v47;
	[tilespmem:s24+$0x150B0] =	vst v49  }
0xf8: {  	v58 =	vmul.f32 v51, v50;
	[tilespmem:s24+$0x15100] =	vst v52  }
0xf9: {  	v2 =	vmul.f32 v54, v53;
	[tilespmem:s24+$0x15110] =	vst v55  }
0xfa: {  	v63 =	vmul.f32 v60, v59;
	[tilespmem:s24+$0x15120] =	vst v58  }
0xfb: {  	v1 =	vmul.f32 v57, v56;
	[tilespmem:s24+$0x15130] =	vst v2  }
0xfc: {  	v0 =	vmul.f32 v62, v61;
	[tilespmem:s24+$0x15190] =	vst v63  }
0xfd: {  	s20 =	sshll.u32 s20, $0x4;
	p0 =	sne.s32 s21, $0x8;
	[tilespmem:s24+$0x15180] =	vst v1  }
.Ltmp2:
0xfe: {  	s20 =	sadd.s32 s20, s6;
	[tilespmem:s24+$0x151A0] =	vst v0;
	(pc) =	sbr.rel @p0 .LBB2_2-.Ltmp2, $4  }
0xff: {  	[hbm4b:s20+s2] =	stream.linear.scatter [tilespmem:s18], [sflag:$0x3], $0x4000, $0x38;
	[tilespmem:$0x19000] =	vst v63  }
0x100: {  	_ =	swait.ge [sflag:s8], $0x4000  }
0x101: {  	[sflag:s8] =	ssyncset.done $0x0  }
0x102: {  	[sflag:s8] =	ssyncadd.s32 $0xFFFFC000  }
0x103: {  	s19 =	sadd.s32 $0x1, s19  }
0x104: {  	p0 =	sne.s32 s19, s7  }
.Ltmp3:
0x105: {  	_ = 	snop;
	(pc) =	sbr.rel @p0 .LBB2_1-.Ltmp3, $1  }
0x106: {  	_ =	sdelay $0x3  }
0x107: {  	_ =	sfence.sel $0x180000  }
0x108: {  	[bflag:$0x0] =	sbarrier.arrive $0xFFFF  }
0x109: {  	p0 =	sne.s32 s1, $0x0;
	_ =	strace $0x90000053  }
0x10a: {  	s0 =	sadd.s32 @!p0 $0x100000, s0;
	[bflag:$0x2] =	sbarrier.arrive $0xFFFF  }
0x10b: {  	[sflag:s0] =	ssyncadd.tile.s32 @!p0 $0x1;
	_ =	shalt  }
.Lfunc_end2:
_tile_overlayer_lowered:
.L_overlay_start_2:
0x10c: {  	(tag) =	ssettag $0x2  }
0x10d: {  	s0 =	rddreg [dreg:$0x0];
	s2 =	stileid.u32  }
0x10e: {  	s1 =	rddreg [dreg:$0x1];
	p0 =	sne.s32 s2, $0x0  }
0x10f: {  	s3 =	rddreg [dreg:$0x2];
	[bflag:$0x3] =	sbarrier.arrive $0xFFFF;
	s2 =	simm.s32 @!p0 $0x1C03  }
0x110: {  	[timem:s3], [sflag:s2] =	dma.local @!p0 [hbm:s0], s1  }
0x111: {  	s0 =	simm.s32 @!p0 $0x3  }
0x112: {  	_ =	swait.ge @!p0 [sflag:s0], s1  }
0x113: {  	s1 =	ssub.s32 @!p0 $0x0, s1;
	[sflag:s0] =	ssyncset.done @!p0 $0x0  }
0x114: {  	[sflag:s0] =	ssyncadd.s32 @!p0 s1  }
0x115: {  	[bflag:$0x3] =	sbarrier.arrive $0xFFFF  }
0x116: {  	_ =	shalt  }

</sc_bundles>
